<compile_context>
chip_gen: v7x
topology: tpu7x:2x2x1
jax: 0.10.2.dev20260603
libtpu: 0.0.44.dev20260713+nightly
codegen_flags: <defaults>
</compile_context>

<pallas_src>
import jax
import jax.numpy as jnp
from jax import lax
from jax.experimental import pallas as pl
from jax.experimental.pallas import tpu as pltpu
from jax.experimental.pallas import tpu_sc as plsc

L = 16
NB = 64
HW_ROWS = 512
HW_COLS = 512
CHUNK_ROWS = 64
N_CHUNKS = HW_ROWS // CHUNK_ROWS
WPC = CHUNK_ROWS // 4
IMGS_PER_TILE = 2


def _sc_body(value_hbm, ptab_hbm, out_hbm,
             vbuf0, vbuf1, o_r0, o_g0, o_b0, o_r1, o_g1, o_b1,
             t_rg_lo, t_rg_hi, t_b_lo, t_b_hi, red,
             si0, si1, so0, so1):
    nc = 2
    wid = lax.axis_index("s") * nc + lax.axis_index("c")
    pltpu.sync_copy(ptab_hbm.at[0], t_rg_lo)
    pltpu.sync_copy(ptab_hbm.at[1], t_rg_hi)
    pltpu.sync_copy(ptab_hbm.at[2], t_b_lo)
    pltpu.sync_copy(ptab_hbm.at[3], t_b_hi)
    iota = lax.iota(jnp.int32, L)
    outw = out_hbm.bitcast(jnp.int32)

    def _all_reduce(vec, op):
        for k in (1, 2, 4, 8):
            red[pl.ds(0, L)] = vec
            partner = plsc.load_gather(red, [jnp.bitwise_xor(iota, k)])
            vec = op(vec, partner)
        return vec

    def _scan_buf(buf, mn, mx):
        @plsc.parallel_loop(0, CHUNK_ROWS, unroll=2,
                            carry=(mn, mn, mn, mn, mx, mx, mx, mx))
        def accs(r, acc):
            m0, m1, m2, m3, x0, x1, x2, x3 = acc
            ms, xs = [m0, m1, m2, m3], [x0, x1, x2, x3]
            for q in range(HW_COLS // L):
                v = buf[r, pl.ds(q * L, L)]
                ms[q % 4] = jnp.minimum(ms[q % 4], v)
                xs[q % 4] = jnp.maximum(xs[q % 4], v)
            return (*ms, *xs)

        m0, m1, m2, m3, x0, x1, x2, x3 = accs
        mn = jnp.minimum(jnp.minimum(m0, m1), jnp.minimum(m2, m3))
        mx = jnp.maximum(jnp.maximum(x0, x1), jnp.maximum(x2, x3))
        return mn, mx

    def _compute_chunk(buf, st_r, st_g, st_b, sb, nb):
        @plsc.parallel_loop(0, WPC * (HW_COLS // L), unroll=4)
        def _(t):
            r4 = t >> 5
            col0 = (t & 31) << 4
            idxs = []
            for s in range(4):
                v = buf[r4 * 4 + s, pl.ds(col0, L)]
                idxs.append((v * sb + nb).astype(jnp.int32))
            p01 = (plsc.load_gather(t_rg_lo, [idxs[0]])
                   | plsc.load_gather(t_rg_hi, [idxs[1]]))
            p23 = (plsc.load_gather(t_rg_lo, [idxs[2]])
                   | plsc.load_gather(t_rg_hi, [idxs[3]]))
            b01 = (plsc.load_gather(t_b_lo, [idxs[0]])
                   | plsc.load_gather(t_b_hi, [idxs[1]]))
            b23 = (plsc.load_gather(t_b_lo, [idxs[2]])
                   | plsc.load_gather(t_b_hi, [idxs[3]]))
            st_r[r4, pl.ds(col0, L)] = (p01 & 0xFFFF) | (p23 << 16)
            st_g[r4, pl.ds(col0, L)] = (
                lax.shift_right_logical(p01, 16)
                | (p23 & jnp.int32(-65536)))
            st_b[r4, pl.ds(col0, L)] = b01 | (b23 << 16)

    for img in range(IMGS_PER_TILE):
        i = wid * IMGS_PER_TILE + img

        def src(c):
            return value_hbm.at[i, 0, pl.ds(c * CHUNK_ROWS, CHUNK_ROWS)]

        def dsts(c):
            w0 = c * WPC
            return (outw.at[i, pl.ds(w0, WPC)],
                    outw.at[64 + i, pl.ds(w0, WPC)],
                    outw.at[128 + i, pl.ds(w0, WPC)])

        pltpu.async_copy(src(0), vbuf0, si0)

        def pass_a(k, carry):
            mn, mx = carry
            c0 = 2 * k
            pltpu.make_async_copy(src(c0), vbuf0, si0).wait()
            pltpu.async_copy(src(c0 + 1), vbuf1, si1)
            mn, mx = _scan_buf(vbuf0, mn, mx)
            pltpu.make_async_copy(src(c0 + 1), vbuf1, si1).wait()

            @pl.when(k < N_CHUNKS // 2 - 1)
            def _():
                pltpu.async_copy(src(c0 + 2), vbuf0, si0)

            return _scan_buf(vbuf1, mn, mx)

        big = jnp.full((L,), jnp.inf, jnp.float32)
        mn, mx = lax.fori_loop(0, N_CHUNKS // 2, pass_a, (big, -big))
        mnb = _all_reduce(mn, jnp.minimum)
        mxb = _all_reduce(mx, jnp.maximum)
        sb = 255.0 / jnp.maximum(mxb - mnb, 1e-5)
        nb = -(mnb * sb)

        pltpu.async_copy(src(0), vbuf0, si0)

        def pass_b(k, z):
            for half in range(2):
                c = 2 * k + half
                buf, sin = (vbuf0, si0) if half == 0 else (vbuf1, si1)
                nbuf, nsin = (vbuf1, si1) if half == 0 else (vbuf0, si0)
                stg = (o_r0, o_g0, o_b0) if half == 0 else (o_r1, o_g1, o_b1)
                sout = so0 if half == 0 else so1
                pltpu.make_async_copy(src(c), buf, sin).wait()

                @pl.when(c < N_CHUNKS - 1)
                def _():
                    pltpu.async_copy(src(c + 1), nbuf, nsin)

                @pl.when(k > 0)
                def _():
                    for sref, dref in zip(stg, dsts(c)):
                        pltpu.make_async_copy(sref, dref, sout).wait()

                _compute_chunk(buf, *stg, sb, nb)
                for sref, dref in zip(stg, dsts(c)):
                    pltpu.async_copy(sref, dref, sout)
            return z

        lax.fori_loop(0, N_CHUNKS // 2, pass_b, 0)
        for half in range(2):
            c = N_CHUNKS - 2 + half
            stg = (o_r0, o_g0, o_b0) if half == 0 else (o_r1, o_g1, o_b1)
            sout = so0 if half == 0 else so1
            for sref, dref in zip(stg, dsts(c)):
                pltpu.make_async_copy(sref, dref, sout).wait()


@jax.jit
def _colormap_sc(value, ptab):
    f = pl.kernel(
        _sc_body,
        out_type=jax.ShapeDtypeStruct((3 * NB, HW_ROWS, HW_COLS), jnp.uint8),
        mesh=plsc.VectorSubcoreMesh(core_axis_name="c", subcore_axis_name="s"),
        compiler_params=pltpu.CompilerParams(needs_layout_passes=False),
        scratch_types=[
            pltpu.VMEM((CHUNK_ROWS, HW_COLS), jnp.float32),
            pltpu.VMEM((CHUNK_ROWS, HW_COLS), jnp.float32),
            pltpu.VMEM((WPC, HW_COLS), jnp.int32),
            pltpu.VMEM((WPC, HW_COLS), jnp.int32),
            pltpu.VMEM((WPC, HW_COLS), jnp.int32),
            pltpu.VMEM((WPC, HW_COLS), jnp.int32),
            pltpu.VMEM((WPC, HW_COLS), jnp.int32),
            pltpu.VMEM((WPC, HW_COLS), jnp.int32),
            pltpu.VMEM((256,), jnp.int32),
            pltpu.VMEM((256,), jnp.int32),
            pltpu.VMEM((256,), jnp.int32),
            pltpu.VMEM((256,), jnp.int32),
            pltpu.VMEM((L,), jnp.float32),
            pltpu.SemaphoreType.DMA,
            pltpu.SemaphoreType.DMA,
            pltpu.SemaphoreType.DMA,
            pltpu.SemaphoreType.DMA,
        ],
    )
    return f(value, ptab).reshape(NB, 3, HW_ROWS, HW_COLS)


def kernel(value, cmap):
    c32 = cmap.astype(jnp.int32)
    r, g, b = c32[:, 0], c32[:, 1], c32[:, 2]
    ptab = jnp.stack([
        r | (g << 16),
        (r << 8) | (g << 24),
        b,
        b << 8,
    ])
    return _colormap_sc(value, ptab)

# --- scband reference (transcript-rebuilt; emitter-appended) ---
"""Pipeline reference for scband-color-map-52037823758666 (READ-ONLY COPY).

The authoritative reference and input builder live on the scoring server;
editing this copy changes nothing except your own understanding.
"""

import jax, jax.numpy as jnp
import numpy as np


def setup_inputs(seed: int = 0) -> dict:
    key = jax.random.key(seed)
    k1, k2 = jax.random.split(key)
    value = jax.random.normal(k1, (64, 1, 512, 512), dtype=jnp.float32)
    # stand-in for the matplotlib 'jet' colormap buffer: 256 RGB entries in [0,1],
    # converted to uint8 exactly like (255 * cmap).byte() in the torch module
    cmap_float = jax.random.uniform(k2, (256, 3), dtype=jnp.float32)
    cmap = (255.0 * cmap_float).astype(jnp.uint8)
    return {"value": value, "cmap": cmap}


def reference(value, cmap):
    b, c, h, w = value.shape
    assert c == 1, 'ColorMap expects second dimension of size 1L'
    # normalize_floats=True path: per-(b,c) min/max over spatial dims
    flat = value.reshape(b, c, h * w)
    cmin = jnp.min(flat, axis=2, keepdims=True)[..., None]  # [b, c, 1, 1]
    cmax = jnp.max(flat, axis=2, keepdims=True)[..., None]  # [b, c, 1, 1]
    normalized = (value - cmin) / jnp.maximum(cmax - cmin, jnp.ones_like(value) * 1e-05)
    idx = (normalized * 255.0).astype(jnp.int32)
    # index_select(cmap, dim=0, index=idx.view(-1))
    z = jnp.take(cmap, idx.reshape(-1), axis=0)  # [b*h*w, 3] uint8
    # z.transpose(0,1).contiguous().view(b, 3, h, w)
    return jnp.transpose(z, (1, 0)).reshape(b, 3, h, w)

if __name__ == "__main__":
    import jax
    _d = setup_inputs()
    print(jax.jit(kernel)(*tuple(_d.values())))

</pallas_src>

<mosaic_0001>
#map = affine_map<(d0, d1) -> (0, 0, 0, 0)>
#map1 = affine_map<(d0, d1) -> (0, 0)>
#map2 = affine_map<(d0, d1) -> (0, 0, 0)>
module attributes {stable_mosaic.version = 14 : i64} {
  func.func @_sc_body(%arg0: i32, %arg1: i32, %arg2: memref<64x1x512x512xf32, #tpu.memory_space<hbm>>, %arg3: memref<4x256xi32, #tpu.memory_space<hbm>>, %arg4: memref<192x512x512xi8, #tpu.memory_space<hbm>>, %arg5: memref<64x512xf32, #tpu.memory_space<vmem>>, %arg6: memref<64x512xf32, #tpu.memory_space<vmem>>, %arg7: memref<16x512xi32, #tpu.memory_space<vmem>>, %arg8: memref<16x512xi32, #tpu.memory_space<vmem>>, %arg9: memref<16x512xi32, #tpu.memory_space<vmem>>, %arg10: memref<16x512xi32, #tpu.memory_space<vmem>>, %arg11: memref<16x512xi32, #tpu.memory_space<vmem>>, %arg12: memref<16x512xi32, #tpu.memory_space<vmem>>, %arg13: memref<256xi32, #tpu.memory_space<vmem>>, %arg14: memref<256xi32, #tpu.memory_space<vmem>>, %arg15: memref<256xi32, #tpu.memory_space<vmem>>, %arg16: memref<256xi32, #tpu.memory_space<vmem>>, %arg17: memref<16xf32, #tpu.memory_space<vmem>>, %arg18: memref<!tpu.dma_semaphore, #tpu.memory_space<semaphore_mem>>, %arg19: memref<!tpu.dma_semaphore, #tpu.memory_space<semaphore_mem>>, %arg20: memref<!tpu.dma_semaphore, #tpu.memory_space<semaphore_mem>>, %arg21: memref<!tpu.dma_semaphore, #tpu.memory_space<semaphore_mem>>) attributes {dimension_semantics = [#tpu.dimension_semantics<core_parallel>, #tpu.dimension_semantics<subcore_parallel>], iteration_bounds = array<i64: 2, 16>, scalar_prefetch = 0 : i64, scratch_operands = 17 : i64, tpu.core_type = #tpu.core_type<sc_vector_subcore>, window_params = [{transform_indices = #map}, {transform_indices = #map1}, {transform_indices = #map2}]} {
    %mul3A = arith.constant 2 : i32
    %mul3A_0 = arith.muli %arg1, %mul3A : i32
    %add3A = arith.addi %mul3A_0, %arg0 : i32
    %run_scoped3A = arith.constant 0 : i32
    "tpu.region"() ({
      %run_scoped3A_340 = tpu.sem_alloc : memref<!tpu.dma_semaphore, #tpu.memory_space<semaphore_mem>>
      %dma_start3A_341 = arith.constant 0 : i32
      %dma_start3A_342 = tpu.memref_slice %arg3[%run_scoped3A, %dma_start3A_341] : memref<4x256xi32, #tpu.memory_space<hbm>> -> memref<1x256xi32, #tpu.memory_space<hbm>>
      %dma_start3A_343 = tpu.memref_squeeze %dma_start3A_342 : memref<1x256xi32, #tpu.memory_space<hbm>> -> memref<256xi32, #tpu.memory_space<hbm>>
      %dma_start3A_344 = arith.constant 0 : i32
      %dma_start3A_345 = tpu.memref_slice %arg3[%run_scoped3A, %dma_start3A_344] : memref<4x256xi32, #tpu.memory_space<hbm>> -> memref<1x256xi32, #tpu.memory_space<hbm>>
      %dma_start3A_346 = tpu.memref_squeeze %dma_start3A_345 : memref<1x256xi32, #tpu.memory_space<hbm>> -> memref<256xi32, #tpu.memory_space<hbm>>
      tpu.enqueue_dma source(%dma_start3A_346 : memref<256xi32, #tpu.memory_space<hbm>>) target(%arg13 : memref<256xi32, #tpu.memory_space<vmem>>) target_semaphore(%run_scoped3A_340 : memref<!tpu.dma_semaphore, #tpu.memory_space<semaphore_mem>>)
      %dma_wait3A_347 = arith.constant 0 : i32
      %dma_wait3A_348 = tpu.memref_slice %arg3[%run_scoped3A, %dma_wait3A_347] : memref<4x256xi32, #tpu.memory_space<hbm>> -> memref<1x256xi32, #tpu.memory_space<hbm>>
      %dma_wait3A_349 = tpu.memref_squeeze %dma_wait3A_348 : memref<1x256xi32, #tpu.memory_space<hbm>> -> memref<256xi32, #tpu.memory_space<hbm>>
      %dma_wait3A_350 = arith.constant 0 : i32
      %dma_wait3A_351 = tpu.memref_slice %arg3[%run_scoped3A, %dma_wait3A_350] : memref<4x256xi32, #tpu.memory_space<hbm>> -> memref<1x256xi32, #tpu.memory_space<hbm>>
      %dma_wait3A_352 = tpu.memref_squeeze %dma_wait3A_351 : memref<1x256xi32, #tpu.memory_space<hbm>> -> memref<256xi32, #tpu.memory_space<hbm>>
      tpu.wait_dma2 semaphore(%run_scoped3A_340 : memref<!tpu.dma_semaphore, #tpu.memory_space<semaphore_mem>>) src(%dma_wait3A_352 : memref<256xi32, #tpu.memory_space<hbm>>) dst(%arg13 : memref<256xi32, #tpu.memory_space<vmem>>)
      tpu.yield
    }) : () -> ()
    %run_scoped3A_1 = arith.constant 1 : i32
    "tpu.region"() ({
      %run_scoped3A_340 = tpu.sem_alloc : memref<!tpu.dma_semaphore, #tpu.memory_space<semaphore_mem>>
      %dma_start3A_341 = arith.constant 0 : i32
      %dma_start3A_342 = tpu.memref_slice %arg3[%run_scoped3A_1, %dma_start3A_341] : memref<4x256xi32, #tpu.memory_space<hbm>> -> memref<1x256xi32, #tpu.memory_space<hbm>>
      %dma_start3A_343 = tpu.memref_squeeze %dma_start3A_342 : memref<1x256xi32, #tpu.memory_space<hbm>> -> memref<256xi32, #tpu.memory_space<hbm>>
      %dma_start3A_344 = arith.constant 0 : i32
      %dma_start3A_345 = tpu.memref_slice %arg3[%run_scoped3A_1, %dma_start3A_344] : memref<4x256xi32, #tpu.memory_space<hbm>> -> memref<1x256xi32, #tpu.memory_space<hbm>>
      %dma_start3A_346 = tpu.memref_squeeze %dma_start3A_345 : memref<1x256xi32, #tpu.memory_space<hbm>> -> memref<256xi32, #tpu.memory_space<hbm>>
      tpu.enqueue_dma source(%dma_start3A_346 : memref<256xi32, #tpu.memory_space<hbm>>) target(%arg14 : memref<256xi32, #tpu.memory_space<vmem>>) target_semaphore(%run_scoped3A_340 : memref<!tpu.dma_semaphore, #tpu.memory_space<semaphore_mem>>)
      %dma_wait3A_347 = arith.constant 0 : i32
      %dma_wait3A_348 = tpu.memref_slice %arg3[%run_scoped3A_1, %dma_wait3A_347] : memref<4x256xi32, #tpu.memory_space<hbm>> -> memref<1x256xi32, #tpu.memory_space<hbm>>
      %dma_wait3A_349 = tpu.memref_squeeze %dma_wait3A_348 : memref<1x256xi32, #tpu.memory_space<hbm>> -> memref<256xi32, #tpu.memory_space<hbm>>
      %dma_wait3A_350 = arith.constant 0 : i32
      %dma_wait3A_351 = tpu.memref_slice %arg3[%run_scoped3A_1, %dma_wait3A_350] : memref<4x256xi32, #tpu.memory_space<hbm>> -> memref<1x256xi32, #tpu.memory_space<hbm>>
      %dma_wait3A_352 = tpu.memref_squeeze %dma_wait3A_351 : memref<1x256xi32, #tpu.memory_space<hbm>> -> memref<256xi32, #tpu.memory_space<hbm>>
      tpu.wait_dma2 semaphore(%run_scoped3A_340 : memref<!tpu.dma_semaphore, #tpu.memory_space<semaphore_mem>>) src(%dma_wait3A_352 : memref<256xi32, #tpu.memory_space<hbm>>) dst(%arg14 : memref<256xi32, #tpu.memory_space<vmem>>)
      tpu.yield
    }) : () -> ()
    %run_scoped3A_2 = arith.constant 2 : i32
    "tpu.region"() ({
      %run_scoped3A_340 = tpu.sem_alloc : memref<!tpu.dma_semaphore, #tpu.memory_space<semaphore_mem>>
      %dma_start3A_341 = arith.constant 0 : i32
      %dma_start3A_342 = tpu.memref_slice %arg3[%run_scoped3A_2, %dma_start3A_341] : memref<4x256xi32, #tpu.memory_space<hbm>> -> memref<1x256xi32, #tpu.memory_space<hbm>>
      %dma_start3A_343 = tpu.memref_squeeze %dma_start3A_342 : memref<1x256xi32, #tpu.memory_space<hbm>> -> memref<256xi32, #tpu.memory_space<hbm>>
      %dma_start3A_344 = arith.constant 0 : i32
      %dma_start3A_345 = tpu.memref_slice %arg3[%run_scoped3A_2, %dma_start3A_344] : memref<4x256xi32, #tpu.memory_space<hbm>> -> memref<1x256xi32, #tpu.memory_space<hbm>>
      %dma_start3A_346 = tpu.memref_squeeze %dma_start3A_345 : memref<1x256xi32, #tpu.memory_space<hbm>> -> memref<256xi32, #tpu.memory_space<hbm>>
      tpu.enqueue_dma source(%dma_start3A_346 : memref<256xi32, #tpu.memory_space<hbm>>) target(%arg15 : memref<256xi32, #tpu.memory_space<vmem>>) target_semaphore(%run_scoped3A_340 : memref<!tpu.dma_semaphore, #tpu.memory_space<semaphore_mem>>)
      %dma_wait3A_347 = arith.constant 0 : i32
      %dma_wait3A_348 = tpu.memref_slice %arg3[%run_scoped3A_2, %dma_wait3A_347] : memref<4x256xi32, #tpu.memory_space<hbm>> -> memref<1x256xi32, #tpu.memory_space<hbm>>
      %dma_wait3A_349 = tpu.memref_squeeze %dma_wait3A_348 : memref<1x256xi32, #tpu.memory_space<hbm>> -> memref<256xi32, #tpu.memory_space<hbm>>
      %dma_wait3A_350 = arith.constant 0 : i32
      %dma_wait3A_351 = tpu.memref_slice %arg3[%run_scoped3A_2, %dma_wait3A_350] : memref<4x256xi32, #tpu.memory_space<hbm>> -> memref<1x256xi32, #tpu.memory_space<hbm>>
      %dma_wait3A_352 = tpu.memref_squeeze %dma_wait3A_351 : memref<1x256xi32, #tpu.memory_space<hbm>> -> memref<256xi32, #tpu.memory_space<hbm>>
      tpu.wait_dma2 semaphore(%run_scoped3A_340 : memref<!tpu.dma_semaphore, #tpu.memory_space<semaphore_mem>>) src(%dma_wait3A_352 : memref<256xi32, #tpu.memory_space<hbm>>) dst(%arg15 : memref<256xi32, #tpu.memory_space<vmem>>)
      tpu.yield
    }) : () -> ()
    %run_scoped3A_3 = arith.constant 3 : i32
    "tpu.region"() ({
      %run_scoped3A_340 = tpu.sem_alloc : memref<!tpu.dma_semaphore, #tpu.memory_space<semaphore_mem>>
      %dma_start3A_341 = arith.constant 0 : i32
      %dma_start3A_342 = tpu.memref_slice %arg3[%run_scoped3A_3, %dma_start3A_341] : memref<4x256xi32, #tpu.memory_space<hbm>> -> memref<1x256xi32, #tpu.memory_space<hbm>>
      %dma_start3A_343 = tpu.memref_squeeze %dma_start3A_342 : memref<1x256xi32, #tpu.memory_space<hbm>> -> memref<256xi32, #tpu.memory_space<hbm>>
      %dma_start3A_344 = arith.constant 0 : i32
      %dma_start3A_345 = tpu.memref_slice %arg3[%run_scoped3A_3, %dma_start3A_344] : memref<4x256xi32, #tpu.memory_space<hbm>> -> memref<1x256xi32, #tpu.memory_space<hbm>>
      %dma_start3A_346 = tpu.memref_squeeze %dma_start3A_345 : memref<1x256xi32, #tpu.memory_space<hbm>> -> memref<256xi32, #tpu.memory_space<hbm>>
      tpu.enqueue_dma source(%dma_start3A_346 : memref<256xi32, #tpu.memory_space<hbm>>) target(%arg16 : memref<256xi32, #tpu.memory_space<vmem>>) target_semaphore(%run_scoped3A_340 : memref<!tpu.dma_semaphore, #tpu.memory_space<semaphore_mem>>)
      %dma_wait3A_347 = arith.constant 0 : i32
      %dma_wait3A_348 = tpu.memref_slice %arg3[%run_scoped3A_3, %dma_wait3A_347] : memref<4x256xi32, #tpu.memory_space<hbm>> -> memref<1x256xi32, #tpu.memory_space<hbm>>
      %dma_wait3A_349 = tpu.memref_squeeze %dma_wait3A_348 : memref<1x256xi32, #tpu.memory_space<hbm>> -> memref<256xi32, #tpu.memory_space<hbm>>
      %dma_wait3A_350 = arith.constant 0 : i32
      %dma_wait3A_351 = tpu.memref_slice %arg3[%run_scoped3A_3, %dma_wait3A_350] : memref<4x256xi32, #tpu.memory_space<hbm>> -> memref<1x256xi32, #tpu.memory_space<hbm>>
      %dma_wait3A_352 = tpu.memref_squeeze %dma_wait3A_351 : memref<1x256xi32, #tpu.memory_space<hbm>> -> memref<256xi32, #tpu.memory_space<hbm>>
      tpu.wait_dma2 semaphore(%run_scoped3A_340 : memref<!tpu.dma_semaphore, #tpu.memory_space<semaphore_mem>>) src(%dma_wait3A_352 : memref<256xi32, #tpu.memory_space<hbm>>) dst(%arg16 : memref<256xi32, #tpu.memory_space<vmem>>)
      tpu.yield
    }) : () -> ()
    %iota3A = tpu.iota {dimensions = array<i32: 0>} : vector<16xi32>
    %mul3A_4 = arith.constant 2 : i32
    %mul3A_5 = arith.muli %add3A, %mul3A_4 : i32
    %add3A_6 = arith.constant 0 : i32
    %add3A_7 = arith.addi %mul3A_5, %add3A_6 : i32
    %dma_start3A = arith.constant 0 : i32
    %dma_start3A_8 = arith.constant 0 : i32
    %dma_start3A_9 = arith.constant 0 : i32
    %dma_start3A_10 = tpu.memref_slice %arg2[%add3A_7, %dma_start3A, %dma_start3A_8, %dma_start3A_9] : memref<64x1x512x512xf32, #tpu.memory_space<hbm>> -> memref<1x1x64x512xf32, #tpu.memory_space<hbm>>
    %dma_start3A_11 = tpu.memref_squeeze %dma_start3A_10 : memref<1x1x64x512xf32, #tpu.memory_space<hbm>> -> memref<64x512xf32, #tpu.memory_space<hbm>>
    %dma_start3A_12 = arith.constant 0 : i32
    %dma_start3A_13 = arith.constant 0 : i32
    %dma_start3A_14 = tpu.memref_slice %arg2[%add3A_7, %dma_start3A, %dma_start3A_12, %dma_start3A_13] : memref<64x1x512x512xf32, #tpu.memory_space<hbm>> -> memref<1x1x64x512xf32, #tpu.memory_space<hbm>>
    %dma_start3A_15 = tpu.memref_squeeze %dma_start3A_14 : memref<1x1x64x512xf32, #tpu.memory_space<hbm>> -> memref<64x512xf32, #tpu.memory_space<hbm>>
    tpu.enqueue_dma source(%dma_start3A_15 : memref<64x512xf32, #tpu.memory_space<hbm>>) target(%arg5 : memref<64x512xf32, #tpu.memory_space<vmem>>) target_semaphore(%arg18 : memref<!tpu.dma_semaphore, #tpu.memory_space<semaphore_mem>>)
    %broadcast_in_dim3A = arith.constant 0x7F800000 : f32
    %broadcast_in_dim3A_16 = vector.broadcast %broadcast_in_dim3A : f32 to vector<16xf32>
    %neg3A = arith.constant 0.000000e+00 : f32
    %neg3A_17 = vector.broadcast %neg3A : f32 to vector<16xf32>
    %neg3A_18 = arith.subf %neg3A_17, %broadcast_in_dim3A_16 : vector<16xf32>
    %scan3A = arith.constant 0 : i32
    %scan3A_19 = arith.constant 4 : i32
    %scan3A_20 = arith.addi %scan3A, %scan3A_19 : i32
    %scan3A_21 = arith.constant 1 : i32
    %scan3A_22:2 = scf.for %scan3A_340 = %scan3A to %scan3A_20 step %scan3A_21 iter_args(%scan3A_341 = %broadcast_in_dim3A_16, %scan3A_342 = %neg3A_18) -> (vector<16xf32>, vector<16xf32>)  : i32 {
      %mul3A_343 = arith.constant 2 : i32
      %mul3A_344 = arith.muli %mul3A_343, %scan3A_340 : i32
      %mul3A_345 = arith.constant 64 : i32
      %mul3A_346 = arith.muli %mul3A_344, %mul3A_345 : i32
      %dma_wait3A_347 = arith.constant 0 : i32
      %dma_wait3A_348 = arith.constant 0 : i32
      %dma_wait3A_349 = tpu.memref_slice %arg2[%add3A_7, %dma_wait3A_347, %mul3A_346, %dma_wait3A_348] : memref<64x1x512x512xf32, #tpu.memory_space<hbm>> -> memref<1x1x64x512xf32, #tpu.memory_space<hbm>>
      %dma_wait3A_350 = tpu.memref_squeeze %dma_wait3A_349 : memref<1x1x64x512xf32, #tpu.memory_space<hbm>> -> memref<64x512xf32, #tpu.memory_space<hbm>>
      %dma_wait3A_351 = arith.constant 0 : i32
      %dma_wait3A_352 = tpu.memref_slice %arg2[%add3A_7, %dma_wait3A_347, %mul3A_346, %dma_wait3A_351] : memref<64x1x512x512xf32, #tpu.memory_space<hbm>> -> memref<1x1x64x512xf32, #tpu.memory_space<hbm>>
      %dma_wait3A_353 = tpu.memref_squeeze %dma_wait3A_352 : memref<1x1x64x512xf32, #tpu.memory_space<hbm>> -> memref<64x512xf32, #tpu.memory_space<hbm>>
      tpu.wait_dma2 semaphore(%arg18 : memref<!tpu.dma_semaphore, #tpu.memory_space<semaphore_mem>>) src(%dma_wait3A_353 : memref<64x512xf32, #tpu.memory_space<hbm>>) dst(%arg5 : memref<64x512xf32, #tpu.memory_space<vmem>>)
      %add3A_354 = arith.constant 1 : i32
      %add3A_355 = arith.addi %mul3A_344, %add3A_354 : i32
      %mul3A_356 = arith.constant 64 : i32
      %mul3A_357 = arith.muli %add3A_355, %mul3A_356 : i32
      %dma_start3A_358 = arith.constant 0 : i32
      %dma_start3A_359 = arith.constant 0 : i32
      %dma_start3A_360 = tpu.memref_slice %arg2[%add3A_7, %dma_start3A_358, %mul3A_357, %dma_start3A_359] : memref<64x1x512x512xf32, #tpu.memory_space<hbm>> -> memref<1x1x64x512xf32, #tpu.memory_space<hbm>>
      %dma_start3A_361 = tpu.memref_squeeze %dma_start3A_360 : memref<1x1x64x512xf32, #tpu.memory_space<hbm>> -> memref<64x512xf32, #tpu.memory_space<hbm>>
      %dma_start3A_362 = arith.constant 0 : i32
      %dma_start3A_363 = tpu.memref_slice %arg2[%add3A_7, %dma_start3A_358, %mul3A_357, %dma_start3A_362] : memref<64x1x512x512xf32, #tpu.memory_space<hbm>> -> memref<1x1x64x512xf32, #tpu.memory_space<hbm>>
      %dma_start3A_364 = tpu.memref_squeeze %dma_start3A_363 : memref<1x1x64x512xf32, #tpu.memory_space<hbm>> -> memref<64x512xf32, #tpu.memory_space<hbm>>
      tpu.enqueue_dma source(%dma_start3A_364 : memref<64x512xf32, #tpu.memory_space<hbm>>) target(%arg6 : memref<64x512xf32, #tpu.memory_space<vmem>>) target_semaphore(%arg19 : memref<!tpu.dma_semaphore, #tpu.memory_space<semaphore_mem>>)
      %parallel_loop3A = arith.constant 0 : i32
      %parallel_loop3A_365 = arith.constant 64 : i32
      %parallel_loop3A_366 = arith.constant 1 : i32
      %parallel_loop3A_367:8 = scf.for %parallel_loop3A_397 = %parallel_loop3A to %parallel_loop3A_365 step %parallel_loop3A_366 iter_args(%parallel_loop3A_398 = %scan3A_341, %parallel_loop3A_399 = %scan3A_341, %parallel_loop3A_400 = %scan3A_341, %parallel_loop3A_401 = %scan3A_341, %parallel_loop3A_402 = %scan3A_342, %parallel_loop3A_403 = %scan3A_342, %parallel_loop3A_404 = %scan3A_342, %parallel_loop3A_405 = %scan3A_342) -> (vector<16xf32>, vector<16xf32>, vector<16xf32>, vector<16xf32>, vector<16xf32>, vector<16xf32>, vector<16xf32>, vector<16xf32>)  : i32 {
        %parallel_loop3A_406 = arith.index_cast %parallel_loop3A_397 : i32 to index
        %parallel_loop3A_407 = arith.constant 0 : index
        %parallel_loop3A_408 = tpu.vector_load %arg5[%parallel_loop3A_406, %parallel_loop3A_407] {strides = array<i32>} : memref<64x512xf32, #tpu.memory_space<vmem>>, vector<16xf32>,
        %parallel_loop3A_409 = arith.minimumf %parallel_loop3A_398, %parallel_loop3A_408 : vector<16xf32>
        %parallel_loop3A_410 = arith.maximumf %parallel_loop3A_402, %parallel_loop3A_408 : vector<16xf32>
        %parallel_loop3A_411 = arith.index_cast %parallel_loop3A_397 : i32 to index
        %parallel_loop3A_412 = arith.constant 16 : index
        %parallel_loop3A_413 = tpu.vector_load %arg5[%parallel_loop3A_411, %parallel_loop3A_412] {strides = array<i32>} : memref<64x512xf32, #tpu.memory_space<vmem>>, vector<16xf32>,
        %parallel_loop3A_414 = arith.minimumf %parallel_loop3A_399, %parallel_loop3A_413 : vector<16xf32>
        %parallel_loop3A_415 = arith.maximumf %parallel_loop3A_403, %parallel_loop3A_413 : vector<16xf32>
        %parallel_loop3A_416 = arith.index_cast %parallel_loop3A_397 : i32 to index
        %parallel_loop3A_417 = arith.constant 32 : index
        %parallel_loop3A_418 = tpu.vector_load %arg5[%parallel_loop3A_416, %parallel_loop3A_417] {strides = array<i32>} : memref<64x512xf32, #tpu.memory_space<vmem>>, vector<16xf32>,
        %parallel_loop3A_419 = arith.minimumf %parallel_loop3A_400, %parallel_loop3A_418 : vector<16xf32>
        %parallel_loop3A_420 = arith.maximumf %parallel_loop3A_404, %parallel_loop3A_418 : vector<16xf32>
        %parallel_loop3A_421 = arith.index_cast %parallel_loop3A_397 : i32 to index
        %parallel_loop3A_422 = arith.constant 48 : index
        %parallel_loop3A_423 = tpu.vector_load %arg5[%parallel_loop3A_421, %parallel_loop3A_422] {strides = array<i32>} : memref<64x512xf32, #tpu.memory_space<vmem>>, vector<16xf32>,
        %parallel_loop3A_424 = arith.minimumf %parallel_loop3A_401, %parallel_loop3A_423 : vector<16xf32>
        %parallel_loop3A_425 = arith.maximumf %parallel_loop3A_405, %parallel_loop3A_423 : vector<16xf32>
        %parallel_loop3A_426 = arith.index_cast %parallel_loop3A_397 : i32 to index
        %parallel_loop3A_427 = arith.constant 64 : index
        %parallel_loop3A_428 = tpu.vector_load %arg5[%parallel_loop3A_426, %parallel_loop3A_427] {strides = array<i32>} : memref<64x512xf32, #tpu.memory_space<vmem>>, vector<16xf32>,
        %parallel_loop3A_429 = arith.minimumf %parallel_loop3A_409, %parallel_loop3A_428 : vector<16xf32>
        %parallel_loop3A_430 = arith.maximumf %parallel_loop3A_410, %parallel_loop3A_428 : vector<16xf32>
        %parallel_loop3A_431 = arith.index_cast %parallel_loop3A_397 : i32 to index
        %parallel_loop3A_432 = arith.constant 80 : index
        %parallel_loop3A_433 = tpu.vector_load %arg5[%parallel_loop3A_431, %parallel_loop3A_432] {strides = array<i32>} : memref<64x512xf32, #tpu.memory_space<vmem>>, vector<16xf32>,
        %parallel_loop3A_434 = arith.minimumf %parallel_loop3A_414, %parallel_loop3A_433 : vector<16xf32>
        %parallel_loop3A_435 = arith.maximumf %parallel_loop3A_415, %parallel_loop3A_433 : vector<16xf32>
        %parallel_loop3A_436 = arith.index_cast %parallel_loop3A_397 : i32 to index
        %parallel_loop3A_437 = arith.constant 96 : index
        %parallel_loop3A_438 = tpu.vector_load %arg5[%parallel_loop3A_436, %parallel_loop3A_437] {strides = array<i32>} : memref<64x512xf32, #tpu.memory_space<vmem>>, vector<16xf32>,
        %parallel_loop3A_439 = arith.minimumf %parallel_loop3A_419, %parallel_loop3A_438 : vector<16xf32>
        %parallel_loop3A_440 = arith.maximumf %parallel_loop3A_420, %parallel_loop3A_438 : vector<16xf32>
        %parallel_loop3A_441 = arith.index_cast %parallel_loop3A_397 : i32 to index
        %parallel_loop3A_442 = arith.constant 112 : index
        %parallel_loop3A_443 = tpu.vector_load %arg5[%parallel_loop3A_441, %parallel_loop3A_442] {strides = array<i32>} : memref<64x512xf32, #tpu.memory_space<vmem>>, vector<16xf32>,
        %parallel_loop3A_444 = arith.minimumf %parallel_loop3A_424, %parallel_loop3A_443 : vector<16xf32>
        %parallel_loop3A_445 = arith.maximumf %parallel_loop3A_425, %parallel_loop3A_443 : vector<16xf32>
        %parallel_loop3A_446 = arith.index_cast %parallel_loop3A_397 : i32 to index
        %parallel_loop3A_447 = arith.constant 128 : index
        %parallel_loop3A_448 = tpu.vector_load %arg5[%parallel_loop3A_446, %parallel_loop3A_447] {strides = array<i32>} : memref<64x512xf32, #tpu.memory_space<vmem>>, vector<16xf32>,
        %parallel_loop3A_449 = arith.minimumf %parallel_loop3A_429, %parallel_loop3A_448 : vector<16xf32>
        %parallel_loop3A_450 = arith.maximumf %parallel_loop3A_430, %parallel_loop3A_448 : vector<16xf32>
        %parallel_loop3A_451 = arith.index_cast %parallel_loop3A_397 : i32 to index
        %parallel_loop3A_452 = arith.constant 144 : index
        %parallel_loop3A_453 = tpu.vector_load %arg5[%parallel_loop3A_451, %parallel_loop3A_452] {strides = array<i32>} : memref<64x512xf32, #tpu.memory_space<vmem>>, vector<16xf32>,
        %parallel_loop3A_454 = arith.minimumf %parallel_loop3A_434, %parallel_loop3A_453 : vector<16xf32>
        %parallel_loop3A_455 = arith.maximumf %parallel_loop3A_435, %parallel_loop3A_453 : vector<16xf32>
        %parallel_loop3A_456 = arith.index_cast %parallel_loop3A_397 : i32 to index
        %parallel_loop3A_457 = arith.constant 160 : index
        %parallel_loop3A_458 = tpu.vector_load %arg5[%parallel_loop3A_456, %parallel_loop3A_457] {strides = array<i32>} : memref<64x512xf32, #tpu.memory_space<vmem>>, vector<16xf32>,
        %parallel_loop3A_459 = arith.minimumf %parallel_loop3A_439, %parallel_loop3A_458 : vector<16xf32>
        %parallel_loop3A_460 = arith.maximumf %parallel_loop3A_440, %parallel_loop3A_458 : vector<16xf32>
        %parallel_loop3A_461 = arith.index_cast %parallel_loop3A_397 : i32 to index
        %parallel_loop3A_462 = arith.constant 176 : index
        %parallel_loop3A_463 = tpu.vector_load %arg5[%parallel_loop3A_461, %parallel_loop3A_462] {strides = array<i32>} : memref<64x512xf32, #tpu.memory_space<vmem>>, vector<16xf32>,
        %parallel_loop3A_464 = arith.minimumf %parallel_loop3A_444, %parallel_loop3A_463 : vector<16xf32>
        %parallel_loop3A_465 = arith.maximumf %parallel_loop3A_445, %parallel_loop3A_463 : vector<16xf32>
        %parallel_loop3A_466 = arith.index_cast %parallel_loop3A_397 : i32 to index
        %parallel_loop3A_467 = arith.constant 192 : index
        %parallel_loop3A_468 = tpu.vector_load %arg5[%parallel_loop3A_466, %parallel_loop3A_467] {strides = array<i32>} : memref<64x512xf32, #tpu.memory_space<vmem>>, vector<16xf32>,
        %parallel_loop3A_469 = arith.minimumf %parallel_loop3A_449, %parallel_loop3A_468 : vector<16xf32>
        %parallel_loop3A_470 = arith.maximumf %parallel_loop3A_450, %parallel_loop3A_468 : vector<16xf32>
        %parallel_loop3A_471 = arith.index_cast %parallel_loop3A_397 : i32 to index
        %parallel_loop3A_472 = arith.constant 208 : index
        %parallel_loop3A_473 = tpu.vector_load %arg5[%parallel_loop3A_471, %parallel_loop3A_472] {strides = array<i32>} : memref<64x512xf32, #tpu.memory_space<vmem>>, vector<16xf32>,
        %parallel_loop3A_474 = arith.minimumf %parallel_loop3A_454, %parallel_loop3A_473 : vector<16xf32>
        %parallel_loop3A_475 = arith.maximumf %parallel_loop3A_455, %parallel_loop3A_473 : vector<16xf32>
        %parallel_loop3A_476 = arith.index_cast %parallel_loop3A_397 : i32 to index
        %parallel_loop3A_477 = arith.constant 224 : index
        %parallel_loop3A_478 = tpu.vector_load %arg5[%parallel_loop3A_476, %parallel_loop3A_477] {strides = array<i32>} : memref<64x512xf32, #tpu.memory_space<vmem>>, vector<16xf32>,
        %parallel_loop3A_479 = arith.minimumf %parallel_loop3A_459, %parallel_loop3A_478 : vector<16xf32>
        %parallel_loop3A_480 = arith.maximumf %parallel_loop3A_460, %parallel_loop3A_478 : vector<16xf32>
        %parallel_loop3A_481 = arith.index_cast %parallel_loop3A_397 : i32 to index
        %parallel_loop3A_482 = arith.constant 240 : index
        %parallel_loop3A_483 = tpu.vector_load %arg5[%parallel_loop3A_481, %parallel_loop3A_482] {strides = array<i32>} : memref<64x512xf32, #tpu.memory_space<vmem>>, vector<16xf32>,
        %parallel_loop3A_484 = arith.minimumf %parallel_loop3A_464, %parallel_loop3A_483 : vector<16xf32>
        %parallel_loop3A_485 = arith.maximumf %parallel_loop3A_465, %parallel_loop3A_483 : vector<16xf32>
        %parallel_loop3A_486 = arith.index_cast %parallel_loop3A_397 : i32 to index
        %parallel_loop3A_487 = arith.constant 256 : index
        %parallel_loop3A_488 = tpu.vector_load %arg5[%parallel_loop3A_486, %parallel_loop3A_487] {strides = array<i32>} : memref<64x512xf32, #tpu.memory_space<vmem>>, vector<16xf32>,
        %parallel_loop3A_489 = arith.minimumf %parallel_loop3A_469, %parallel_loop3A_488 : vector<16xf32>
        %parallel_loop3A_490 = arith.maximumf %parallel_loop3A_470, %parallel_loop3A_488 : vector<16xf32>
        %parallel_loop3A_491 = arith.index_cast %parallel_loop3A_397 : i32 to index
        %parallel_loop3A_492 = arith.constant 272 : index
        %parallel_loop3A_493 = tpu.vector_load %arg5[%parallel_loop3A_491, %parallel_loop3A_492] {strides = array<i32>} : memref<64x512xf32, #tpu.memory_space<vmem>>, vector<16xf32>,
        %parallel_loop3A_494 = arith.minimumf %parallel_loop3A_474, %parallel_loop3A_493 : vector<16xf32>
        %parallel_loop3A_495 = arith.maximumf %parallel_loop3A_475, %parallel_loop3A_493 : vector<16xf32>
        %parallel_loop3A_496 = arith.index_cast %parallel_loop3A_397 : i32 to index
        %parallel_loop3A_497 = arith.constant 288 : index
        %parallel_loop3A_498 = tpu.vector_load %arg5[%parallel_loop3A_496, %parallel_loop3A_497] {strides = array<i32>} : memref<64x512xf32, #tpu.memory_space<vmem>>, vector<16xf32>,
        %parallel_loop3A_499 = arith.minimumf %parallel_loop3A_479, %parallel_loop3A_498 : vector<16xf32>
        %parallel_loop3A_500 = arith.maximumf %parallel_loop3A_480, %parallel_loop3A_498 : vector<16xf32>
        %parallel_loop3A_501 = arith.index_cast %parallel_loop3A_397 : i32 to index
        %parallel_loop3A_502 = arith.constant 304 : index
        %parallel_loop3A_503 = tpu.vector_load %arg5[%parallel_loop3A_501, %parallel_loop3A_502] {strides = array<i32>} : memref<64x512xf32, #tpu.memory_space<vmem>>, vector<16xf32>,
        %parallel_loop3A_504 = arith.minimumf %parallel_loop3A_484, %parallel_loop3A_503 : vector<16xf32>
        %parallel_loop3A_505 = arith.maximumf %parallel_loop3A_485, %parallel_loop3A_503 : vector<16xf32>
        %parallel_loop3A_506 = arith.index_cast %parallel_loop3A_397 : i32 to index
        %parallel_loop3A_507 = arith.constant 320 : index
        %parallel_loop3A_508 = tpu.vector_load %arg5[%parallel_loop3A_506, %parallel_loop3A_507] {strides = array<i32>} : memref<64x512xf32, #tpu.memory_space<vmem>>, vector<16xf32>,
        %parallel_loop3A_509 = arith.minimumf %parallel_loop3A_489, %parallel_loop3A_508 : vector<16xf32>
        %parallel_loop3A_510 = arith.maximumf %parallel_loop3A_490, %parallel_loop3A_508 : vector<16xf32>
        %parallel_loop3A_511 = arith.index_cast %parallel_loop3A_397 : i32 to index
        %parallel_loop3A_512 = arith.constant 336 : index
        %parallel_loop3A_513 = tpu.vector_load %arg5[%parallel_loop3A_511, %parallel_loop3A_512] {strides = array<i32>} : memref<64x512xf32, #tpu.memory_space<vmem>>, vector<16xf32>,
        %parallel_loop3A_514 = arith.minimumf %parallel_loop3A_494, %parallel_loop3A_513 : vector<16xf32>
        %parallel_loop3A_515 = arith.maximumf %parallel_loop3A_495, %parallel_loop3A_513 : vector<16xf32>
        %parallel_loop3A_516 = arith.index_cast %parallel_loop3A_397 : i32 to index
        %parallel_loop3A_517 = arith.constant 352 : index
        %parallel_loop3A_518 = tpu.vector_load %arg5[%parallel_loop3A_516, %parallel_loop3A_517] {strides = array<i32>} : memref<64x512xf32, #tpu.memory_space<vmem>>, vector<16xf32>,
        %parallel_loop3A_519 = arith.minimumf %parallel_loop3A_499, %parallel_loop3A_518 : vector<16xf32>
        %parallel_loop3A_520 = arith.maximumf %parallel_loop3A_500, %parallel_loop3A_518 : vector<16xf32>
        %parallel_loop3A_521 = arith.index_cast %parallel_loop3A_397 : i32 to index
        %parallel_loop3A_522 = arith.constant 368 : index
        %parallel_loop3A_523 = tpu.vector_load %arg5[%parallel_loop3A_521, %parallel_loop3A_522] {strides = array<i32>} : memref<64x512xf32, #tpu.memory_space<vmem>>, vector<16xf32>,
        %parallel_loop3A_524 = arith.minimumf %parallel_loop3A_504, %parallel_loop3A_523 : vector<16xf32>
        %parallel_loop3A_525 = arith.maximumf %parallel_loop3A_505, %parallel_loop3A_523 : vector<16xf32>
        %parallel_loop3A_526 = arith.index_cast %parallel_loop3A_397 : i32 to index
        %parallel_loop3A_527 = arith.constant 384 : index
        %parallel_loop3A_528 = tpu.vector_load %arg5[%parallel_loop3A_526, %parallel_loop3A_527] {strides = array<i32>} : memref<64x512xf32, #tpu.memory_space<vmem>>, vector<16xf32>,
        %parallel_loop3A_529 = arith.minimumf %parallel_loop3A_509, %parallel_loop3A_528 : vector<16xf32>
        %parallel_loop3A_530 = arith.maximumf %parallel_loop3A_510, %parallel_loop3A_528 : vector<16xf32>
        %parallel_loop3A_531 = arith.index_cast %parallel_loop3A_397 : i32 to index
        %parallel_loop3A_532 = arith.constant 400 : index
        %parallel_loop3A_533 = tpu.vector_load %arg5[%parallel_loop3A_531, %parallel_loop3A_532] {strides = array<i32>} : memref<64x512xf32, #tpu.memory_space<vmem>>, vector<16xf32>,
        %parallel_loop3A_534 = arith.minimumf %parallel_loop3A_514, %parallel_loop3A_533 : vector<16xf32>
        %parallel_loop3A_535 = arith.maximumf %parallel_loop3A_515, %parallel_loop3A_533 : vector<16xf32>
        %parallel_loop3A_536 = arith.index_cast %parallel_loop3A_397 : i32 to index
        %parallel_loop3A_537 = arith.constant 416 : index
        %parallel_loop3A_538 = tpu.vector_load %arg5[%parallel_loop3A_536, %parallel_loop3A_537] {strides = array<i32>} : memref<64x512xf32, #tpu.memory_space<vmem>>, vector<16xf32>,
        %parallel_loop3A_539 = arith.minimumf %parallel_loop3A_519, %parallel_loop3A_538 : vector<16xf32>
        %parallel_loop3A_540 = arith.maximumf %parallel_loop3A_520, %parallel_loop3A_538 : vector<16xf32>
        %parallel_loop3A_541 = arith.index_cast %parallel_loop3A_397 : i32 to index
        %parallel_loop3A_542 = arith.constant 432 : index
        %parallel_loop3A_543 = tpu.vector_load %arg5[%parallel_loop3A_541, %parallel_loop3A_542] {strides = array<i32>} : memref<64x512xf32, #tpu.memory_space<vmem>>, vector<16xf32>,
        %parallel_loop3A_544 = arith.minimumf %parallel_loop3A_524, %parallel_loop3A_543 : vector<16xf32>
        %parallel_loop3A_545 = arith.maximumf %parallel_loop3A_525, %parallel_loop3A_543 : vector<16xf32>
        %parallel_loop3A_546 = arith.index_cast %parallel_loop3A_397 : i32 to index
        %parallel_loop3A_547 = arith.constant 448 : index
        %parallel_loop3A_548 = tpu.vector_load %arg5[%parallel_loop3A_546, %parallel_loop3A_547] {strides = array<i32>} : memref<64x512xf32, #tpu.memory_space<vmem>>, vector<16xf32>,
        %parallel_loop3A_549 = arith.minimumf %parallel_loop3A_529, %parallel_loop3A_548 : vector<16xf32>
        %parallel_loop3A_550 = arith.maximumf %parallel_loop3A_530, %parallel_loop3A_548 : vector<16xf32>
        %parallel_loop3A_551 = arith.index_cast %parallel_loop3A_397 : i32 to index
        %parallel_loop3A_552 = arith.constant 464 : index
        %parallel_loop3A_553 = tpu.vector_load %arg5[%parallel_loop3A_551, %parallel_loop3A_552] {strides = array<i32>} : memref<64x512xf32, #tpu.memory_space<vmem>>, vector<16xf32>,
        %parallel_loop3A_554 = arith.minimumf %parallel_loop3A_534, %parallel_loop3A_553 : vector<16xf32>
        %parallel_loop3A_555 = arith.maximumf %parallel_loop3A_535, %parallel_loop3A_553 : vector<16xf32>
        %parallel_loop3A_556 = arith.index_cast %parallel_loop3A_397 : i32 to index
        %parallel_loop3A_557 = arith.constant 480 : index
        %parallel_loop3A_558 = tpu.vector_load %arg5[%parallel_loop3A_556, %parallel_loop3A_557] {strides = array<i32>} : memref<64x512xf32, #tpu.memory_space<vmem>>, vector<16xf32>,
        %parallel_loop3A_559 = arith.minimumf %parallel_loop3A_539, %parallel_loop3A_558 : vector<16xf32>
        %parallel_loop3A_560 = arith.maximumf %parallel_loop3A_540, %parallel_loop3A_558 : vector<16xf32>
        %parallel_loop3A_561 = arith.index_cast %parallel_loop3A_397 : i32 to index
        %parallel_loop3A_562 = arith.constant 496 : index
        %parallel_loop3A_563 = tpu.vector_load %arg5[%parallel_loop3A_561, %parallel_loop3A_562] {strides = array<i32>} : memref<64x512xf32, #tpu.memory_space<vmem>>, vector<16xf32>,
        %parallel_loop3A_564 = arith.minimumf %parallel_loop3A_544, %parallel_loop3A_563 : vector<16xf32>
        %parallel_loop3A_565 = arith.maximumf %parallel_loop3A_545, %parallel_loop3A_563 : vector<16xf32>
        scf.yield %parallel_loop3A_549, %parallel_loop3A_554, %parallel_loop3A_559, %parallel_loop3A_564, %parallel_loop3A_550, %parallel_loop3A_555, %parallel_loop3A_560, %parallel_loop3A_565 : vector<16xf32>, vector<16xf32>, vector<16xf32>, vector<16xf32>, vector<16xf32>, vector<16xf32>, vector<16xf32>, vector<16xf32>
      } {sc.loop_unroll_factor = 2 : i64, sc.parallel_access}
      %min3A_368 = arith.minimumf %parallel_loop3A_367#0, %parallel_loop3A_367#1 : vector<16xf32>
      %min3A_369 = arith.minimumf %parallel_loop3A_367#2, %parallel_loop3A_367#3 : vector<16xf32>
      %min3A_370 = arith.minimumf %min3A_368, %min3A_369 : vector<16xf32>
      %max3A_371 = arith.maximumf %parallel_loop3A_367#4, %parallel_loop3A_367#5 : vector<16xf32>
      %max3A_372 = arith.maximumf %parallel_loop3A_367#6, %parallel_loop3A_367#7 : vector<16xf32>
      %max3A_373 = arith.maximumf %max3A_371, %max3A_372 : vector<16xf32>
      %add3A_374 = arith.constant 1 : i32
      %add3A_375 = arith.addi %mul3A_344, %add3A_374 : i32
      %mul3A_376 = arith.constant 64 : i32
      %mul3A_377 = arith.muli %add3A_375, %mul3A_376 : i32
      %dma_wait3A_378 = arith.constant 0 : i32
      %dma_wait3A_379 = arith.constant 0 : i32
      %dma_wait3A_380 = tpu.memref_slice %arg2[%add3A_7, %dma_wait3A_378, %mul3A_377, %dma_wait3A_379] : memref<64x1x512x512xf32, #tpu.memory_space<hbm>> -> memref<1x1x64x512xf32, #tpu.memory_space<hbm>>
      %dma_wait3A_381 = tpu.memref_squeeze %dma_wait3A_380 : memref<1x1x64x512xf32, #tpu.memory_space<hbm>> -> memref<64x512xf32, #tpu.memory_space<hbm>>
      %dma_wait3A_382 = arith.constant 0 : i32
      %dma_wait3A_383 = tpu.memref_slice %arg2[%add3A_7, %dma_wait3A_378, %mul3A_377, %dma_wait3A_382] : memref<64x1x512x512xf32, #tpu.memory_space<hbm>> -> memref<1x1x64x512xf32, #tpu.memory_space<hbm>>
      %dma_wait3A_384 = tpu.memref_squeeze %dma_wait3A_383 : memref<1x1x64x512xf32, #tpu.memory_space<hbm>> -> memref<64x512xf32, #tpu.memory_space<hbm>>
      tpu.wait_dma2 semaphore(%arg19 : memref<!tpu.dma_semaphore, #tpu.memory_space<semaphore_mem>>) src(%dma_wait3A_384 : memref<64x512xf32, #tpu.memory_space<hbm>>) dst(%arg6 : memref<64x512xf32, #tpu.memory_space<vmem>>)
      %lt3A = arith.constant 3 : i32
      %lt3A_385 = arith.cmpi slt, %scan3A_340, %lt3A : i32
      %convert_element_type3A = arith.extui %lt3A_385 : i1 to i32
      %cond3A = arith.constant 0 : i32
      %cond3A_386 = arith.cmpi ne, %convert_element_type3A, %cond3A : i32
      scf.if %cond3A_386 {
        %add3A_397 = arith.constant 2 : i32
        %add3A_398 = arith.addi %mul3A_344, %add3A_397 : i32
        %mul3A_399 = arith.constant 64 : i32
        %mul3A_400 = arith.muli %add3A_398, %mul3A_399 : i32
        %dma_start3A_401 = arith.constant 0 : i32
        %dma_start3A_402 = arith.constant 0 : i32
        %dma_start3A_403 = tpu.memref_slice %arg2[%add3A_7, %dma_start3A_401, %mul3A_400, %dma_start3A_402] : memref<64x1x512x512xf32, #tpu.memory_space<hbm>> -> memref<1x1x64x512xf32, #tpu.memory_space<hbm>>
        %dma_start3A_404 = tpu.memref_squeeze %dma_start3A_403 : memref<1x1x64x512xf32, #tpu.memory_space<hbm>> -> memref<64x512xf32, #tpu.memory_space<hbm>>
        %dma_start3A_405 = arith.constant 0 : i32
        %dma_start3A_406 = tpu.memref_slice %arg2[%add3A_7, %dma_start3A_401, %mul3A_400, %dma_start3A_405] : memref<64x1x512x512xf32, #tpu.memory_space<hbm>> -> memref<1x1x64x512xf32, #tpu.memory_space<hbm>>
        %dma_start3A_407 = tpu.memref_squeeze %dma_start3A_406 : memref<1x1x64x512xf32, #tpu.memory_space<hbm>> -> memref<64x512xf32, #tpu.memory_space<hbm>>
        tpu.enqueue_dma source(%dma_start3A_407 : memref<64x512xf32, #tpu.memory_space<hbm>>) target(%arg5 : memref<64x512xf32, #tpu.memory_space<vmem>>) target_semaphore(%arg18 : memref<!tpu.dma_semaphore, #tpu.memory_space<semaphore_mem>>)
      } else {
      }
      %parallel_loop3A_387 = arith.constant 0 : i32
      %parallel_loop3A_388 = arith.constant 64 : i32
      %parallel_loop3A_389 = arith.constant 1 : i32
      %parallel_loop3A_390:8 = scf.for %parallel_loop3A_397 = %parallel_loop3A_387 to %parallel_loop3A_388 step %parallel_loop3A_389 iter_args(%parallel_loop3A_398 = %min3A_370, %parallel_loop3A_399 = %min3A_370, %parallel_loop3A_400 = %min3A_370, %parallel_loop3A_401 = %min3A_370, %parallel_loop3A_402 = %max3A_373, %parallel_loop3A_403 = %max3A_373, %parallel_loop3A_404 = %max3A_373, %parallel_loop3A_405 = %max3A_373) -> (vector<16xf32>, vector<16xf32>, vector<16xf32>, vector<16xf32>, vector<16xf32>, vector<16xf32>, vector<16xf32>, vector<16xf32>)  : i32 {
        %parallel_loop3A_406 = arith.index_cast %parallel_loop3A_397 : i32 to index
        %parallel_loop3A_407 = arith.constant 0 : index
        %parallel_loop3A_408 = tpu.vector_load %arg6[%parallel_loop3A_406, %parallel_loop3A_407] {strides = array<i32>} : memref<64x512xf32, #tpu.memory_space<vmem>>, vector<16xf32>,
        %parallel_loop3A_409 = arith.minimumf %parallel_loop3A_398, %parallel_loop3A_408 : vector<16xf32>
        %parallel_loop3A_410 = arith.maximumf %parallel_loop3A_402, %parallel_loop3A_408 : vector<16xf32>
        %parallel_loop3A_411 = arith.index_cast %parallel_loop3A_397 : i32 to index
        %parallel_loop3A_412 = arith.constant 16 : index
        %parallel_loop3A_413 = tpu.vector_load %arg6[%parallel_loop3A_411, %parallel_loop3A_412] {strides = array<i32>} : memref<64x512xf32, #tpu.memory_space<vmem>>, vector<16xf32>,
        %parallel_loop3A_414 = arith.minimumf %parallel_loop3A_399, %parallel_loop3A_413 : vector<16xf32>
        %parallel_loop3A_415 = arith.maximumf %parallel_loop3A_403, %parallel_loop3A_413 : vector<16xf32>
        %parallel_loop3A_416 = arith.index_cast %parallel_loop3A_397 : i32 to index
        %parallel_loop3A_417 = arith.constant 32 : index
        %parallel_loop3A_418 = tpu.vector_load %arg6[%parallel_loop3A_416, %parallel_loop3A_417] {strides = array<i32>} : memref<64x512xf32, #tpu.memory_space<vmem>>, vector<16xf32>,
        %parallel_loop3A_419 = arith.minimumf %parallel_loop3A_400, %parallel_loop3A_418 : vector<16xf32>
        %parallel_loop3A_420 = arith.maximumf %parallel_loop3A_404, %parallel_loop3A_418 : vector<16xf32>
        %parallel_loop3A_421 = arith.index_cast %parallel_loop3A_397 : i32 to index
        %parallel_loop3A_422 = arith.constant 48 : index
        %parallel_loop3A_423 = tpu.vector_load %arg6[%parallel_loop3A_421, %parallel_loop3A_422] {strides = array<i32>} : memref<64x512xf32, #tpu.memory_space<vmem>>, vector<16xf32>,
        %parallel_loop3A_424 = arith.minimumf %parallel_loop3A_401, %parallel_loop3A_423 : vector<16xf32>
        %parallel_loop3A_425 = arith.maximumf %parallel_loop3A_405, %parallel_loop3A_423 : vector<16xf32>
        %parallel_loop3A_426 = arith.index_cast %parallel_loop3A_397 : i32 to index
        %parallel_loop3A_427 = arith.constant 64 : index
        %parallel_loop3A_428 = tpu.vector_load %arg6[%parallel_loop3A_426, %parallel_loop3A_427] {strides = array<i32>} : memref<64x512xf32, #tpu.memory_space<vmem>>, vector<16xf32>,
        %parallel_loop3A_429 = arith.minimumf %parallel_loop3A_409, %parallel_loop3A_428 : vector<16xf32>
        %parallel_loop3A_430 = arith.maximumf %parallel_loop3A_410, %parallel_loop3A_428 : vector<16xf32>
        %parallel_loop3A_431 = arith.index_cast %parallel_loop3A_397 : i32 to index
        %parallel_loop3A_432 = arith.constant 80 : index
        %parallel_loop3A_433 = tpu.vector_load %arg6[%parallel_loop3A_431, %parallel_loop3A_432] {strides = array<i32>} : memref<64x512xf32, #tpu.memory_space<vmem>>, vector<16xf32>,
        %parallel_loop3A_434 = arith.minimumf %parallel_loop3A_414, %parallel_loop3A_433 : vector<16xf32>
        %parallel_loop3A_435 = arith.maximumf %parallel_loop3A_415, %parallel_loop3A_433 : vector<16xf32>
        %parallel_loop3A_436 = arith.index_cast %parallel_loop3A_397 : i32 to index
        %parallel_loop3A_437 = arith.constant 96 : index
        %parallel_loop3A_438 = tpu.vector_load %arg6[%parallel_loop3A_436, %parallel_loop3A_437] {strides = array<i32>} : memref<64x512xf32, #tpu.memory_space<vmem>>, vector<16xf32>,
        %parallel_loop3A_439 = arith.minimumf %parallel_loop3A_419, %parallel_loop3A_438 : vector<16xf32>
        %parallel_loop3A_440 = arith.maximumf %parallel_loop3A_420, %parallel_loop3A_438 : vector<16xf32>
        %parallel_loop3A_441 = arith.index_cast %parallel_loop3A_397 : i32 to index
        %parallel_loop3A_442 = arith.constant 112 : index
        %parallel_loop3A_443 = tpu.vector_load %arg6[%parallel_loop3A_441, %parallel_loop3A_442] {strides = array<i32>} : memref<64x512xf32, #tpu.memory_space<vmem>>, vector<16xf32>,
        %parallel_loop3A_444 = arith.minimumf %parallel_loop3A_424, %parallel_loop3A_443 : vector<16xf32>
        %parallel_loop3A_445 = arith.maximumf %parallel_loop3A_425, %parallel_loop3A_443 : vector<16xf32>
        %parallel_loop3A_446 = arith.index_cast %parallel_loop3A_397 : i32 to index
        %parallel_loop3A_447 = arith.constant 128 : index
        %parallel_loop3A_448 = tpu.vector_load %arg6[%parallel_loop3A_446, %parallel_loop3A_447] {strides = array<i32>} : memref<64x512xf32, #tpu.memory_space<vmem>>, vector<16xf32>,
        %parallel_loop3A_449 = arith.minimumf %parallel_loop3A_429, %parallel_loop3A_448 : vector<16xf32>
        %parallel_loop3A_450 = arith.maximumf %parallel_loop3A_430, %parallel_loop3A_448 : vector<16xf32>
        %parallel_loop3A_451 = arith.index_cast %parallel_loop3A_397 : i32 to index
        %parallel_loop3A_452 = arith.constant 144 : index
        %parallel_loop3A_453 = tpu.vector_load %arg6[%parallel_loop3A_451, %parallel_loop3A_452] {strides = array<i32>} : memref<64x512xf32, #tpu.memory_space<vmem>>, vector<16xf32>,
        %parallel_loop3A_454 = arith.minimumf %parallel_loop3A_434, %parallel_loop3A_453 : vector<16xf32>
        %parallel_loop3A_455 = arith.maximumf %parallel_loop3A_435, %parallel_loop3A_453 : vector<16xf32>
        %parallel_loop3A_456 = arith.index_cast %parallel_loop3A_397 : i32 to index
        %parallel_loop3A_457 = arith.constant 160 : index
        %parallel_loop3A_458 = tpu.vector_load %arg6[%parallel_loop3A_456, %parallel_loop3A_457] {strides = array<i32>} : memref<64x512xf32, #tpu.memory_space<vmem>>, vector<16xf32>,
        %parallel_loop3A_459 = arith.minimumf %parallel_loop3A_439, %parallel_loop3A_458 : vector<16xf32>
        %parallel_loop3A_460 = arith.maximumf %parallel_loop3A_440, %parallel_loop3A_458 : vector<16xf32>
        %parallel_loop3A_461 = arith.index_cast %parallel_loop3A_397 : i32 to index
        %parallel_loop3A_462 = arith.constant 176 : index
        %parallel_loop3A_463 = tpu.vector_load %arg6[%parallel_loop3A_461, %parallel_loop3A_462] {strides = array<i32>} : memref<64x512xf32, #tpu.memory_space<vmem>>, vector<16xf32>,
        %parallel_loop3A_464 = arith.minimumf %parallel_loop3A_444, %parallel_loop3A_463 : vector<16xf32>
        %parallel_loop3A_465 = arith.maximumf %parallel_loop3A_445, %parallel_loop3A_463 : vector<16xf32>
        %parallel_loop3A_466 = arith.index_cast %parallel_loop3A_397 : i32 to index
        %parallel_loop3A_467 = arith.constant 192 : index
        %parallel_loop3A_468 = tpu.vector_load %arg6[%parallel_loop3A_466, %parallel_loop3A_467] {strides = array<i32>} : memref<64x512xf32, #tpu.memory_space<vmem>>, vector<16xf32>,
        %parallel_loop3A_469 = arith.minimumf %parallel_loop3A_449, %parallel_loop3A_468 : vector<16xf32>
        %parallel_loop3A_470 = arith.maximumf %parallel_loop3A_450, %parallel_loop3A_468 : vector<16xf32>
        %parallel_loop3A_471 = arith.index_cast %parallel_loop3A_397 : i32 to index
        %parallel_loop3A_472 = arith.constant 208 : index
        %parallel_loop3A_473 = tpu.vector_load %arg6[%parallel_loop3A_471, %parallel_loop3A_472] {strides = array<i32>} : memref<64x512xf32, #tpu.memory_space<vmem>>, vector<16xf32>,
        %parallel_loop3A_474 = arith.minimumf %parallel_loop3A_454, %parallel_loop3A_473 : vector<16xf32>
        %parallel_loop3A_475 = arith.maximumf %parallel_loop3A_455, %parallel_loop3A_473 : vector<16xf32>
        %parallel_loop3A_476 = arith.index_cast %parallel_loop3A_397 : i32 to index
        %parallel_loop3A_477 = arith.constant 224 : index
        %parallel_loop3A_478 = tpu.vector_load %arg6[%parallel_loop3A_476, %parallel_loop3A_477] {strides = array<i32>} : memref<64x512xf32, #tpu.memory_space<vmem>>, vector<16xf32>,
        %parallel_loop3A_479 = arith.minimumf %parallel_loop3A_459, %parallel_loop3A_478 : vector<16xf32>
        %parallel_loop3A_480 = arith.maximumf %parallel_loop3A_460, %parallel_loop3A_478 : vector<16xf32>
        %parallel_loop3A_481 = arith.index_cast %parallel_loop3A_397 : i32 to index
        %parallel_loop3A_482 = arith.constant 240 : index
        %parallel_loop3A_483 = tpu.vector_load %arg6[%parallel_loop3A_481, %parallel_loop3A_482] {strides = array<i32>} : memref<64x512xf32, #tpu.memory_space<vmem>>, vector<16xf32>,
        %parallel_loop3A_484 = arith.minimumf %parallel_loop3A_464, %parallel_loop3A_483 : vector<16xf32>
        %parallel_loop3A_485 = arith.maximumf %parallel_loop3A_465, %parallel_loop3A_483 : vector<16xf32>
        %parallel_loop3A_486 = arith.index_cast %parallel_loop3A_397 : i32 to index
        %parallel_loop3A_487 = arith.constant 256 : index
        %parallel_loop3A_488 = tpu.vector_load %arg6[%parallel_loop3A_486, %parallel_loop3A_487] {strides = array<i32>} : memref<64x512xf32, #tpu.memory_space<vmem>>, vector<16xf32>,
        %parallel_loop3A_489 = arith.minimumf %parallel_loop3A_469, %parallel_loop3A_488 : vector<16xf32>
        %parallel_loop3A_490 = arith.maximumf %parallel_loop3A_470, %parallel_loop3A_488 : vector<16xf32>
        %parallel_loop3A_491 = arith.index_cast %parallel_loop3A_397 : i32 to index
        %parallel_loop3A_492 = arith.constant 272 : index
        %parallel_loop3A_493 = tpu.vector_load %arg6[%parallel_loop3A_491, %parallel_loop3A_492] {strides = array<i32>} : memref<64x512xf32, #tpu.memory_space<vmem>>, vector<16xf32>,
        %parallel_loop3A_494 = arith.minimumf %parallel_loop3A_474, %parallel_loop3A_493 : vector<16xf32>
        %parallel_loop3A_495 = arith.maximumf %parallel_loop3A_475, %parallel_loop3A_493 : vector<16xf32>
        %parallel_loop3A_496 = arith.index_cast %parallel_loop3A_397 : i32 to index
        %parallel_loop3A_497 = arith.constant 288 : index
        %parallel_loop3A_498 = tpu.vector_load %arg6[%parallel_loop3A_496, %parallel_loop3A_497] {strides = array<i32>} : memref<64x512xf32, #tpu.memory_space<vmem>>, vector<16xf32>,
        %parallel_loop3A_499 = arith.minimumf %parallel_loop3A_479, %parallel_loop3A_498 : vector<16xf32>
        %parallel_loop3A_500 = arith.maximumf %parallel_loop3A_480, %parallel_loop3A_498 : vector<16xf32>
        %parallel_loop3A_501 = arith.index_cast %parallel_loop3A_397 : i32 to index
        %parallel_loop3A_502 = arith.constant 304 : index
        %parallel_loop3A_503 = tpu.vector_load %arg6[%parallel_loop3A_501, %parallel_loop3A_502] {strides = array<i32>} : memref<64x512xf32, #tpu.memory_space<vmem>>, vector<16xf32>,
        %parallel_loop3A_504 = arith.minimumf %parallel_loop3A_484, %parallel_loop3A_503 : vector<16xf32>
        %parallel_loop3A_505 = arith.maximumf %parallel_loop3A_485, %parallel_loop3A_503 : vector<16xf32>
        %parallel_loop3A_506 = arith.index_cast %parallel_loop3A_397 : i32 to index
        %parallel_loop3A_507 = arith.constant 320 : index
        %parallel_loop3A_508 = tpu.vector_load %arg6[%parallel_loop3A_506, %parallel_loop3A_507] {strides = array<i32>} : memref<64x512xf32, #tpu.memory_space<vmem>>, vector<16xf32>,
        %parallel_loop3A_509 = arith.minimumf %parallel_loop3A_489, %parallel_loop3A_508 : vector<16xf32>
        %parallel_loop3A_510 = arith.maximumf %parallel_loop3A_490, %parallel_loop3A_508 : vector<16xf32>
        %parallel_loop3A_511 = arith.index_cast %parallel_loop3A_397 : i32 to index
        %parallel_loop3A_512 = arith.constant 336 : index
        %parallel_loop3A_513 = tpu.vector_load %arg6[%parallel_loop3A_511, %parallel_loop3A_512] {strides = array<i32>} : memref<64x512xf32, #tpu.memory_space<vmem>>, vector<16xf32>,
        %parallel_loop3A_514 = arith.minimumf %parallel_loop3A_494, %parallel_loop3A_513 : vector<16xf32>
        %parallel_loop3A_515 = arith.maximumf %parallel_loop3A_495, %parallel_loop3A_513 : vector<16xf32>
        %parallel_loop3A_516 = arith.index_cast %parallel_loop3A_397 : i32 to index
        %parallel_loop3A_517 = arith.constant 352 : index
        %parallel_loop3A_518 = tpu.vector_load %arg6[%parallel_loop3A_516, %parallel_loop3A_517] {strides = array<i32>} : memref<64x512xf32, #tpu.memory_space<vmem>>, vector<16xf32>,
        %parallel_loop3A_519 = arith.minimumf %parallel_loop3A_499, %parallel_loop3A_518 : vector<16xf32>
        %parallel_loop3A_520 = arith.maximumf %parallel_loop3A_500, %parallel_loop3A_518 : vector<16xf32>
        %parallel_loop3A_521 = arith.index_cast %parallel_loop3A_397 : i32 to index
        %parallel_loop3A_522 = arith.constant 368 : index
        %parallel_loop3A_523 = tpu.vector_load %arg6[%parallel_loop3A_521, %parallel_loop3A_522] {strides = array<i32>} : memref<64x512xf32, #tpu.memory_space<vmem>>, vector<16xf32>,
        %parallel_loop3A_524 = arith.minimumf %parallel_loop3A_504, %parallel_loop3A_523 : vector<16xf32>
        %parallel_loop3A_525 = arith.maximumf %parallel_loop3A_505, %parallel_loop3A_523 : vector<16xf32>
        %parallel_loop3A_526 = arith.index_cast %parallel_loop3A_397 : i32 to index
        %parallel_loop3A_527 = arith.constant 384 : index
        %parallel_loop3A_528 = tpu.vector_load %arg6[%parallel_loop3A_526, %parallel_loop3A_527] {strides = array<i32>} : memref<64x512xf32, #tpu.memory_space<vmem>>, vector<16xf32>,
        %parallel_loop3A_529 = arith.minimumf %parallel_loop3A_509, %parallel_loop3A_528 : vector<16xf32>
        %parallel_loop3A_530 = arith.maximumf %parallel_loop3A_510, %parallel_loop3A_528 : vector<16xf32>
        %parallel_loop3A_531 = arith.index_cast %parallel_loop3A_397 : i32 to index
        %parallel_loop3A_532 = arith.constant 400 : index
        %parallel_loop3A_533 = tpu.vector_load %arg6[%parallel_loop3A_531, %parallel_loop3A_532] {strides = array<i32>} : memref<64x512xf32, #tpu.memory_space<vmem>>, vector<16xf32>,
        %parallel_loop3A_534 = arith.minimumf %parallel_loop3A_514, %parallel_loop3A_533 : vector<16xf32>
        %parallel_loop3A_535 = arith.maximumf %parallel_loop3A_515, %parallel_loop3A_533 : vector<16xf32>
        %parallel_loop3A_536 = arith.index_cast %parallel_loop3A_397 : i32 to index
        %parallel_loop3A_537 = arith.constant 416 : index
        %parallel_loop3A_538 = tpu.vector_load %arg6[%parallel_loop3A_536, %parallel_loop3A_537] {strides = array<i32>} : memref<64x512xf32, #tpu.memory_space<vmem>>, vector<16xf32>,
        %parallel_loop3A_539 = arith.minimumf %parallel_loop3A_519, %parallel_loop3A_538 : vector<16xf32>
        %parallel_loop3A_540 = arith.maximumf %parallel_loop3A_520, %parallel_loop3A_538 : vector<16xf32>
        %parallel_loop3A_541 = arith.index_cast %parallel_loop3A_397 : i32 to index
        %parallel_loop3A_542 = arith.constant 432 : index
        %parallel_loop3A_543 = tpu.vector_load %arg6[%parallel_loop3A_541, %parallel_loop3A_542] {strides = array<i32>} : memref<64x512xf32, #tpu.memory_space<vmem>>, vector<16xf32>,
        %parallel_loop3A_544 = arith.minimumf %parallel_loop3A_524, %parallel_loop3A_543 : vector<16xf32>
        %parallel_loop3A_545 = arith.maximumf %parallel_loop3A_525, %parallel_loop3A_543 : vector<16xf32>
        %parallel_loop3A_546 = arith.index_cast %parallel_loop3A_397 : i32 to index
        %parallel_loop3A_547 = arith.constant 448 : index
        %parallel_loop3A_548 = tpu.vector_load %arg6[%parallel_loop3A_546, %parallel_loop3A_547] {strides = array<i32>} : memref<64x512xf32, #tpu.memory_space<vmem>>, vector<16xf32>,
        %parallel_loop3A_549 = arith.minimumf %parallel_loop3A_529, %parallel_loop3A_548 : vector<16xf32>
        %parallel_loop3A_550 = arith.maximumf %parallel_loop3A_530, %parallel_loop3A_548 : vector<16xf32>
        %parallel_loop3A_551 = arith.index_cast %parallel_loop3A_397 : i32 to index
        %parallel_loop3A_552 = arith.constant 464 : index
        %parallel_loop3A_553 = tpu.vector_load %arg6[%parallel_loop3A_551, %parallel_loop3A_552] {strides = array<i32>} : memref<64x512xf32, #tpu.memory_space<vmem>>, vector<16xf32>,
        %parallel_loop3A_554 = arith.minimumf %parallel_loop3A_534, %parallel_loop3A_553 : vector<16xf32>
        %parallel_loop3A_555 = arith.maximumf %parallel_loop3A_535, %parallel_loop3A_553 : vector<16xf32>
        %parallel_loop3A_556 = arith.index_cast %parallel_loop3A_397 : i32 to index
        %parallel_loop3A_557 = arith.constant 480 : index
        %parallel_loop3A_558 = tpu.vector_load %arg6[%parallel_loop3A_556, %parallel_loop3A_557] {strides = array<i32>} : memref<64x512xf32, #tpu.memory_space<vmem>>, vector<16xf32>,
        %parallel_loop3A_559 = arith.minimumf %parallel_loop3A_539, %parallel_loop3A_558 : vector<16xf32>
        %parallel_loop3A_560 = arith.maximumf %parallel_loop3A_540, %parallel_loop3A_558 : vector<16xf32>
        %parallel_loop3A_561 = arith.index_cast %parallel_loop3A_397 : i32 to index
        %parallel_loop3A_562 = arith.constant 496 : index
        %parallel_loop3A_563 = tpu.vector_load %arg6[%parallel_loop3A_561, %parallel_loop3A_562] {strides = array<i32>} : memref<64x512xf32, #tpu.memory_space<vmem>>, vector<16xf32>,
        %parallel_loop3A_564 = arith.minimumf %parallel_loop3A_544, %parallel_loop3A_563 : vector<16xf32>
        %parallel_loop3A_565 = arith.maximumf %parallel_loop3A_545, %parallel_loop3A_563 : vector<16xf32>
        scf.yield %parallel_loop3A_549, %parallel_loop3A_554, %parallel_loop3A_559, %parallel_loop3A_564, %parallel_loop3A_550, %parallel_loop3A_555, %parallel_loop3A_560, %parallel_loop3A_565 : vector<16xf32>, vector<16xf32>, vector<16xf32>, vector<16xf32>, vector<16xf32>, vector<16xf32>, vector<16xf32>, vector<16xf32>
      } {sc.loop_unroll_factor = 2 : i64, sc.parallel_access}
      %min3A_391 = arith.minimumf %parallel_loop3A_390#0, %parallel_loop3A_390#1 : vector<16xf32>
      %min3A_392 = arith.minimumf %parallel_loop3A_390#2, %parallel_loop3A_390#3 : vector<16xf32>
      %min3A_393 = arith.minimumf %min3A_391, %min3A_392 : vector<16xf32>
      %max3A_394 = arith.maximumf %parallel_loop3A_390#4, %parallel_loop3A_390#5 : vector<16xf32>
      %max3A_395 = arith.maximumf %parallel_loop3A_390#6, %parallel_loop3A_390#7 : vector<16xf32>
      %max3A_396 = arith.maximumf %max3A_394, %max3A_395 : vector<16xf32>
      scf.yield %min3A_393, %max3A_396 : vector<16xf32>, vector<16xf32>
    }
    %scan3A_23 = arith.constant 4 : i32
    %swap3A = arith.constant 0 : index
    %swap3A_24 = tpu.vector_load %arg17[%swap3A] {strides = array<i32>} : memref<16xf32, #tpu.memory_space<vmem>>, vector<16xf32>,
    tpu.vector_store %arg17[%swap3A], %scan3A_22#0 {strides = array<i32>} : memref<16xf32, #tpu.memory_space<vmem>>, vector<16xf32>,
    %xor3A = arith.constant 1 : i32
    %xor3A_25 = vector.broadcast %xor3A : i32 to vector<16xi32>
    %xor3A_26 = arith.xori %iota3A, %xor3A_25 : vector<16xi32>
    %gather3A = tpu.vector_load_idx %arg17[%xor3A_26] : memref<16xf32, #tpu.memory_space<vmem>>[vector<16xi32>], vector<16xf32>,
    %min3A = arith.minimumf %scan3A_22#0, %gather3A : vector<16xf32>
    %swap3A_27 = arith.constant 0 : index
    %swap3A_28 = tpu.vector_load %arg17[%swap3A_27] {strides = array<i32>} : memref<16xf32, #tpu.memory_space<vmem>>, vector<16xf32>,
    tpu.vector_store %arg17[%swap3A_27], %min3A {strides = array<i32>} : memref<16xf32, #tpu.memory_space<vmem>>, vector<16xf32>,
    %xor3A_29 = arith.constant 2 : i32
    %xor3A_30 = vector.broadcast %xor3A_29 : i32 to vector<16xi32>
    %xor3A_31 = arith.xori %iota3A, %xor3A_30 : vector<16xi32>
    %gather3A_32 = tpu.vector_load_idx %arg17[%xor3A_31] : memref<16xf32, #tpu.memory_space<vmem>>[vector<16xi32>], vector<16xf32>,
    %min3A_33 = arith.minimumf %min3A, %gather3A_32 : vector<16xf32>
    %swap3A_34 = arith.constant 0 : index
    %swap3A_35 = tpu.vector_load %arg17[%swap3A_34] {strides = array<i32>} : memref<16xf32, #tpu.memory_space<vmem>>, vector<16xf32>,
    tpu.vector_store %arg17[%swap3A_34], %min3A_33 {strides = array<i32>} : memref<16xf32, #tpu.memory_space<vmem>>, vector<16xf32>,
    %xor3A_36 = arith.constant 4 : i32
    %xor3A_37 = vector.broadcast %xor3A_36 : i32 to vector<16xi32>
    %xor3A_38 = arith.xori %iota3A, %xor3A_37 : vector<16xi32>
    %gather3A_39 = tpu.vector_load_idx %arg17[%xor3A_38] : memref<16xf32, #tpu.memory_space<vmem>>[vector<16xi32>], vector<16xf32>,
    %min3A_40 = arith.minimumf %min3A_33, %gather3A_39 : vector<16xf32>
    %swap3A_41 = arith.constant 0 : index
    %swap3A_42 = tpu.vector_load %arg17[%swap3A_41] {strides = array<i32>} : memref<16xf32, #tpu.memory_space<vmem>>, vector<16xf32>,
    tpu.vector_store %arg17[%swap3A_41], %min3A_40 {strides = array<i32>} : memref<16xf32, #tpu.memory_space<vmem>>, vector<16xf32>,
    %xor3A_43 = arith.constant 8 : i32
    %xor3A_44 = vector.broadcast %xor3A_43 : i32 to vector<16xi32>
    %xor3A_45 = arith.xori %iota3A, %xor3A_44 : vector<16xi32>
    %gather3A_46 = tpu.vector_load_idx %arg17[%xor3A_45] : memref<16xf32, #tpu.memory_space<vmem>>[vector<16xi32>], vector<16xf32>,
    %min3A_47 = arith.minimumf %min3A_40, %gather3A_46 : vector<16xf32>
    %swap3A_48 = arith.constant 0 : index
    %swap3A_49 = tpu.vector_load %arg17[%swap3A_48] {strides = array<i32>} : memref<16xf32, #tpu.memory_space<vmem>>, vector<16xf32>,
    tpu.vector_store %arg17[%swap3A_48], %scan3A_22#1 {strides = array<i32>} : memref<16xf32, #tpu.memory_space<vmem>>, vector<16xf32>,
    %xor3A_50 = arith.constant 1 : i32
    %xor3A_51 = vector.broadcast %xor3A_50 : i32 to vector<16xi32>
    %xor3A_52 = arith.xori %iota3A, %xor3A_51 : vector<16xi32>
    %gather3A_53 = tpu.vector_load_idx %arg17[%xor3A_52] : memref<16xf32, #tpu.memory_space<vmem>>[vector<16xi32>], vector<16xf32>,
    %max3A = arith.maximumf %scan3A_22#1, %gather3A_53 : vector<16xf32>
    %swap3A_54 = arith.constant 0 : index
    %swap3A_55 = tpu.vector_load %arg17[%swap3A_54] {strides = array<i32>} : memref<16xf32, #tpu.memory_space<vmem>>, vector<16xf32>,
    tpu.vector_store %arg17[%swap3A_54], %max3A {strides = array<i32>} : memref<16xf32, #tpu.memory_space<vmem>>, vector<16xf32>,
    %xor3A_56 = arith.constant 2 : i32
    %xor3A_57 = vector.broadcast %xor3A_56 : i32 to vector<16xi32>
    %xor3A_58 = arith.xori %iota3A, %xor3A_57 : vector<16xi32>
    %gather3A_59 = tpu.vector_load_idx %arg17[%xor3A_58] : memref<16xf32, #tpu.memory_space<vmem>>[vector<16xi32>], vector<16xf32>,
    %max3A_60 = arith.maximumf %max3A, %gather3A_59 : vector<16xf32>
    %swap3A_61 = arith.constant 0 : index
    %swap3A_62 = tpu.vector_load %arg17[%swap3A_61] {strides = array<i32>} : memref<16xf32, #tpu.memory_space<vmem>>, vector<16xf32>,
    tpu.vector_store %arg17[%swap3A_61], %max3A_60 {strides = array<i32>} : memref<16xf32, #tpu.memory_space<vmem>>, vector<16xf32>,
    %xor3A_63 = arith.constant 4 : i32
    %xor3A_64 = vector.broadcast %xor3A_63 : i32 to vector<16xi32>
    %xor3A_65 = arith.xori %iota3A, %xor3A_64 : vector<16xi32>
    %gather3A_66 = tpu.vector_load_idx %arg17[%xor3A_65] : memref<16xf32, #tpu.memory_space<vmem>>[vector<16xi32>], vector<16xf32>,
    %max3A_67 = arith.maximumf %max3A_60, %gather3A_66 : vector<16xf32>
    %swap3A_68 = arith.constant 0 : index
    %swap3A_69 = tpu.vector_load %arg17[%swap3A_68] {strides = array<i32>} : memref<16xf32, #tpu.memory_space<vmem>>, vector<16xf32>,
    tpu.vector_store %arg17[%swap3A_68], %max3A_67 {strides = array<i32>} : memref<16xf32, #tpu.memory_space<vmem>>, vector<16xf32>,
    %xor3A_70 = arith.constant 8 : i32
    %xor3A_71 = vector.broadcast %xor3A_70 : i32 to vector<16xi32>
    %xor3A_72 = arith.xori %iota3A, %xor3A_71 : vector<16xi32>
    %gather3A_73 = tpu.vector_load_idx %arg17[%xor3A_72] : memref<16xf32, #tpu.memory_space<vmem>>[vector<16xi32>], vector<16xf32>,
    %max3A_74 = arith.maximumf %max3A_67, %gather3A_73 : vector<16xf32>
    %sub3A = arith.subf %max3A_74, %min3A_47 : vector<16xf32>
    %max3A_75 = arith.constant 9.99999974E-6 : f32
    %max3A_76 = vector.broadcast %max3A_75 : f32 to vector<16xf32>
    %max3A_77 = arith.maximumf %sub3A, %max3A_76 : vector<16xf32>
    %div3A = arith.constant 2.550000e+02 : f32
    %div3A_78 = vector.broadcast %div3A : f32 to vector<16xf32>
    %div3A_79 = arith.divf %div3A_78, %max3A_77 : vector<16xf32>
    %mul3A_80 = arith.mulf %min3A_47, %div3A_79 : vector<16xf32>
    %neg3A_81 = arith.constant 0.000000e+00 : f32
    %neg3A_82 = vector.broadcast %neg3A_81 : f32 to vector<16xf32>
    %neg3A_83 = arith.subf %neg3A_82, %mul3A_80 : vector<16xf32>
    %dma_start3A_84 = arith.constant 0 : i32
    %dma_start3A_85 = arith.constant 0 : i32
    %dma_start3A_86 = arith.constant 0 : i32
    %dma_start3A_87 = tpu.memref_slice %arg2[%add3A_7, %dma_start3A_84, %dma_start3A_85, %dma_start3A_86] : memref<64x1x512x512xf32, #tpu.memory_space<hbm>> -> memref<1x1x64x512xf32, #tpu.memory_space<hbm>>
    %dma_start3A_88 = tpu.memref_squeeze %dma_start3A_87 : memref<1x1x64x512xf32, #tpu.memory_space<hbm>> -> memref<64x512xf32, #tpu.memory_space<hbm>>
    %dma_start3A_89 = arith.constant 0 : i32
    %dma_start3A_90 = arith.constant 0 : i32
    %dma_start3A_91 = tpu.memref_slice %arg2[%add3A_7, %dma_start3A_84, %dma_start3A_89, %dma_start3A_90] : memref<64x1x512x512xf32, #tpu.memory_space<hbm>> -> memref<1x1x64x512xf32, #tpu.memory_space<hbm>>
    %dma_start3A_92 = tpu.memref_squeeze %dma_start3A_91 : memref<1x1x64x512xf32, #tpu.memory_space<hbm>> -> memref<64x512xf32, #tpu.memory_space<hbm>>
    tpu.enqueue_dma source(%dma_start3A_92 : memref<64x512xf32, #tpu.memory_space<hbm>>) target(%arg5 : memref<64x512xf32, #tpu.memory_space<vmem>>) target_semaphore(%arg18 : memref<!tpu.dma_semaphore, #tpu.memory_space<semaphore_mem>>)
    %scan3A_93 = arith.constant 0 : i32
    %scan3A_94 = arith.constant 0 : i32
    %scan3A_95 = arith.constant 4 : i32
    %scan3A_96 = arith.addi %scan3A_94, %scan3A_95 : i32
    %scan3A_97 = arith.constant 1 : i32
    scf.for %scan3A_340 = %scan3A_94 to %scan3A_96 step %scan3A_97  : i32 {
      %mul3A_341 = arith.constant 2 : i32
      %mul3A_342 = arith.muli %mul3A_341, %scan3A_340 : i32
      %add3A_343 = arith.constant 0 : i32
      %add3A_344 = arith.addi %mul3A_342, %add3A_343 : i32
      %mul3A_345 = arith.constant 64 : i32
      %mul3A_346 = arith.muli %add3A_344, %mul3A_345 : i32
      %dma_wait3A_347 = arith.constant 0 : i32
      %dma_wait3A_348 = arith.constant 0 : i32
      %dma_wait3A_349 = tpu.memref_slice %arg2[%add3A_7, %dma_wait3A_347, %mul3A_346, %dma_wait3A_348] : memref<64x1x512x512xf32, #tpu.memory_space<hbm>> -> memref<1x1x64x512xf32, #tpu.memory_space<hbm>>
      %dma_wait3A_350 = tpu.memref_squeeze %dma_wait3A_349 : memref<1x1x64x512xf32, #tpu.memory_space<hbm>> -> memref<64x512xf32, #tpu.memory_space<hbm>>
      %dma_wait3A_351 = arith.constant 0 : i32
      %dma_wait3A_352 = tpu.memref_slice %arg2[%add3A_7, %dma_wait3A_347, %mul3A_346, %dma_wait3A_351] : memref<64x1x512x512xf32, #tpu.memory_space<hbm>> -> memref<1x1x64x512xf32, #tpu.memory_space<hbm>>
      %dma_wait3A_353 = tpu.memref_squeeze %dma_wait3A_352 : memref<1x1x64x512xf32, #tpu.memory_space<hbm>> -> memref<64x512xf32, #tpu.memory_space<hbm>>
      tpu.wait_dma2 semaphore(%arg18 : memref<!tpu.dma_semaphore, #tpu.memory_space<semaphore_mem>>) src(%dma_wait3A_353 : memref<64x512xf32, #tpu.memory_space<hbm>>) dst(%arg5 : memref<64x512xf32, #tpu.memory_space<vmem>>)
      %lt3A = arith.constant 7 : i32
      %lt3A_354 = arith.cmpi slt, %add3A_344, %lt3A : i32
      %convert_element_type3A = arith.extui %lt3A_354 : i1 to i32
      %cond3A = arith.constant 0 : i32
      %cond3A_355 = arith.cmpi ne, %convert_element_type3A, %cond3A : i32
      scf.if %cond3A_355 {
        %add3A_448 = arith.constant 1 : i32
        %add3A_449 = arith.addi %add3A_344, %add3A_448 : i32
        %mul3A_450 = arith.constant 64 : i32
        %mul3A_451 = arith.muli %add3A_449, %mul3A_450 : i32
        %dma_start3A_452 = arith.constant 0 : i32
        %dma_start3A_453 = arith.constant 0 : i32
        %dma_start3A_454 = tpu.memref_slice %arg2[%add3A_7, %dma_start3A_452, %mul3A_451, %dma_start3A_453] : memref<64x1x512x512xf32, #tpu.memory_space<hbm>> -> memref<1x1x64x512xf32, #tpu.memory_space<hbm>>
        %dma_start3A_455 = tpu.memref_squeeze %dma_start3A_454 : memref<1x1x64x512xf32, #tpu.memory_space<hbm>> -> memref<64x512xf32, #tpu.memory_space<hbm>>
        %dma_start3A_456 = arith.constant 0 : i32
        %dma_start3A_457 = tpu.memref_slice %arg2[%add3A_7, %dma_start3A_452, %mul3A_451, %dma_start3A_456] : memref<64x1x512x512xf32, #tpu.memory_space<hbm>> -> memref<1x1x64x512xf32, #tpu.memory_space<hbm>>
        %dma_start3A_458 = tpu.memref_squeeze %dma_start3A_457 : memref<1x1x64x512xf32, #tpu.memory_space<hbm>> -> memref<64x512xf32, #tpu.memory_space<hbm>>
        tpu.enqueue_dma source(%dma_start3A_458 : memref<64x512xf32, #tpu.memory_space<hbm>>) target(%arg6 : memref<64x512xf32, #tpu.memory_space<vmem>>) target_semaphore(%arg19 : memref<!tpu.dma_semaphore, #tpu.memory_space<semaphore_mem>>)
      } else {
      }
      %gt3A = arith.constant 0 : i32
      %gt3A_356 = arith.cmpi sgt, %scan3A_340, %gt3A : i32
      %convert_element_type3A_357 = arith.extui %gt3A_356 : i1 to i32
      %cond3A_358 = arith.constant 0 : i32
      %cond3A_359 = arith.cmpi ne, %convert_element_type3A_357, %cond3A_358 : i32
      scf.if %cond3A_359 {
        %mul3A_448 = arith.constant 16 : i32
        %mul3A_449 = arith.muli %add3A_344, %mul3A_448 : i32
        %add3A_450 = arith.constant 64 : i32
        %add3A_451 = arith.addi %add3A_450, %add3A_7 : i32
        %add3A_452 = arith.constant 128 : i32
        %add3A_453 = arith.addi %add3A_452, %add3A_7 : i32
        %dma_wait3A_454 = tpu.memref_bitcast %arg4 : memref<192x512x512xi8, #tpu.memory_space<hbm>> -> memref<192x128x512xi32, #tpu.memory_space<hbm>>
        %dma_wait3A_455 = arith.constant 0 : i32
        %dma_wait3A_456 = tpu.memref_slice %dma_wait3A_454[%add3A_7, %mul3A_449, %dma_wait3A_455] : memref<192x128x512xi32, #tpu.memory_space<hbm>> -> memref<1x16x512xi32, #tpu.memory_space<hbm>>
        %dma_wait3A_457 = tpu.memref_squeeze %dma_wait3A_456 : memref<1x16x512xi32, #tpu.memory_space<hbm>> -> memref<16x512xi32, #tpu.memory_space<hbm>>
        %dma_wait3A_458 = tpu.memref_bitcast %arg4 : memref<192x512x512xi8, #tpu.memory_space<hbm>> -> memref<192x128x512xi32, #tpu.memory_space<hbm>>
        %dma_wait3A_459 = arith.constant 0 : i32
        %dma_wait3A_460 = tpu.memref_slice %dma_wait3A_458[%add3A_7, %mul3A_449, %dma_wait3A_459] : memref<192x128x512xi32, #tpu.memory_space<hbm>> -> memref<1x16x512xi32, #tpu.memory_space<hbm>>
        %dma_wait3A_461 = tpu.memref_squeeze %dma_wait3A_460 : memref<1x16x512xi32, #tpu.memory_space<hbm>> -> memref<16x512xi32, #tpu.memory_space<hbm>>
        tpu.wait_dma2 semaphore(%arg20 : memref<!tpu.dma_semaphore, #tpu.memory_space<semaphore_mem>>) src(%arg7 : memref<16x512xi32, #tpu.memory_space<vmem>>) dst(%dma_wait3A_461 : memref<16x512xi32, #tpu.memory_space<hbm>>)
        %dma_wait3A_462 = tpu.memref_bitcast %arg4 : memref<192x512x512xi8, #tpu.memory_space<hbm>> -> memref<192x128x512xi32, #tpu.memory_space<hbm>>
        %dma_wait3A_463 = arith.constant 0 : i32
        %dma_wait3A_464 = tpu.memref_slice %dma_wait3A_462[%add3A_451, %mul3A_449, %dma_wait3A_463] : memref<192x128x512xi32, #tpu.memory_space<hbm>> -> memref<1x16x512xi32, #tpu.memory_space<hbm>>
        %dma_wait3A_465 = tpu.memref_squeeze %dma_wait3A_464 : memref<1x16x512xi32, #tpu.memory_space<hbm>> -> memref<16x512xi32, #tpu.memory_space<hbm>>
        %dma_wait3A_466 = tpu.memref_bitcast %arg4 : memref<192x512x512xi8, #tpu.memory_space<hbm>> -> memref<192x128x512xi32, #tpu.memory_space<hbm>>
        %dma_wait3A_467 = arith.constant 0 : i32
        %dma_wait3A_468 = tpu.memref_slice %dma_wait3A_466[%add3A_451, %mul3A_449, %dma_wait3A_467] : memref<192x128x512xi32, #tpu.memory_space<hbm>> -> memref<1x16x512xi32, #tpu.memory_space<hbm>>
        %dma_wait3A_469 = tpu.memref_squeeze %dma_wait3A_468 : memref<1x16x512xi32, #tpu.memory_space<hbm>> -> memref<16x512xi32, #tpu.memory_space<hbm>>
        tpu.wait_dma2 semaphore(%arg20 : memref<!tpu.dma_semaphore, #tpu.memory_space<semaphore_mem>>) src(%arg8 : memref<16x512xi32, #tpu.memory_space<vmem>>) dst(%dma_wait3A_469 : memref<16x512xi32, #tpu.memory_space<hbm>>)
        %dma_wait3A_470 = tpu.memref_bitcast %arg4 : memref<192x512x512xi8, #tpu.memory_space<hbm>> -> memref<192x128x512xi32, #tpu.memory_space<hbm>>
        %dma_wait3A_471 = arith.constant 0 : i32
        %dma_wait3A_472 = tpu.memref_slice %dma_wait3A_470[%add3A_453, %mul3A_449, %dma_wait3A_471] : memref<192x128x512xi32, #tpu.memory_space<hbm>> -> memref<1x16x512xi32, #tpu.memory_space<hbm>>
        %dma_wait3A_473 = tpu.memref_squeeze %dma_wait3A_472 : memref<1x16x512xi32, #tpu.memory_space<hbm>> -> memref<16x512xi32, #tpu.memory_space<hbm>>
        %dma_wait3A_474 = tpu.memref_bitcast %arg4 : memref<192x512x512xi8, #tpu.memory_space<hbm>> -> memref<192x128x512xi32, #tpu.memory_space<hbm>>
        %dma_wait3A_475 = arith.constant 0 : i32
        %dma_wait3A_476 = tpu.memref_slice %dma_wait3A_474[%add3A_453, %mul3A_449, %dma_wait3A_475] : memref<192x128x512xi32, #tpu.memory_space<hbm>> -> memref<1x16x512xi32, #tpu.memory_space<hbm>>
        %dma_wait3A_477 = tpu.memref_squeeze %dma_wait3A_476 : memref<1x16x512xi32, #tpu.memory_space<hbm>> -> memref<16x512xi32, #tpu.memory_space<hbm>>
        tpu.wait_dma2 semaphore(%arg20 : memref<!tpu.dma_semaphore, #tpu.memory_space<semaphore_mem>>) src(%arg9 : memref<16x512xi32, #tpu.memory_space<vmem>>) dst(%dma_wait3A_477 : memref<16x512xi32, #tpu.memory_space<hbm>>)
      } else {
      }
      %parallel_loop3A = arith.constant 0 : i32
      %parallel_loop3A_360 = arith.constant 512 : i32
      %parallel_loop3A_361 = arith.constant 1 : i32
      scf.for %parallel_loop3A_448 = %parallel_loop3A to %parallel_loop3A_360 step %parallel_loop3A_361  : i32 {
        %parallel_loop3A_449 = arith.constant 5 : i32
        %parallel_loop3A_450 = arith.shrsi %parallel_loop3A_448, %parallel_loop3A_449 : i32
        %parallel_loop3A_451 = arith.constant 31 : i32
        %parallel_loop3A_452 = arith.andi %parallel_loop3A_448, %parallel_loop3A_451 : i32
        %parallel_loop3A_453 = arith.constant 4 : i32
        %parallel_loop3A_454 = arith.shli %parallel_loop3A_452, %parallel_loop3A_453 : i32
        %parallel_loop3A_455 = arith.constant 4 : i32
        %parallel_loop3A_456 = arith.muli %parallel_loop3A_450, %parallel_loop3A_455 : i32
        %parallel_loop3A_457 = arith.constant 0 : i32
        %parallel_loop3A_458 = arith.addi %parallel_loop3A_456, %parallel_loop3A_457 : i32
        %parallel_loop3A_459 = arith.index_cast %parallel_loop3A_458 : i32 to index
        %parallel_loop3A_460 = arith.index_cast %parallel_loop3A_454 : i32 to index
        %parallel_loop3A_461 = tpu.vector_load %arg5[%parallel_loop3A_459, %parallel_loop3A_460] {strides = array<i32>} : memref<64x512xf32, #tpu.memory_space<vmem>>, vector<16xf32>,
        %parallel_loop3A_462 = arith.mulf %parallel_loop3A_461, %div3A_79 : vector<16xf32>
        %parallel_loop3A_463 = arith.addf %parallel_loop3A_462, %neg3A_83 : vector<16xf32>
        %parallel_loop3A_464 = arith.fptosi %parallel_loop3A_463 : vector<16xf32> to vector<16xi32>
        %parallel_loop3A_465 = arith.constant 4 : i32
        %parallel_loop3A_466 = arith.muli %parallel_loop3A_450, %parallel_loop3A_465 : i32
        %parallel_loop3A_467 = arith.constant 1 : i32
        %parallel_loop3A_468 = arith.addi %parallel_loop3A_466, %parallel_loop3A_467 : i32
        %parallel_loop3A_469 = arith.index_cast %parallel_loop3A_468 : i32 to index
        %parallel_loop3A_470 = arith.index_cast %parallel_loop3A_454 : i32 to index
        %parallel_loop3A_471 = tpu.vector_load %arg5[%parallel_loop3A_469, %parallel_loop3A_470] {strides = array<i32>} : memref<64x512xf32, #tpu.memory_space<vmem>>, vector<16xf32>,
        %parallel_loop3A_472 = arith.mulf %parallel_loop3A_471, %div3A_79 : vector<16xf32>
        %parallel_loop3A_473 = arith.addf %parallel_loop3A_472, %neg3A_83 : vector<16xf32>
        %parallel_loop3A_474 = arith.fptosi %parallel_loop3A_473 : vector<16xf32> to vector<16xi32>
        %parallel_loop3A_475 = arith.constant 4 : i32
        %parallel_loop3A_476 = arith.muli %parallel_loop3A_450, %parallel_loop3A_475 : i32
        %parallel_loop3A_477 = arith.constant 2 : i32
        %parallel_loop3A_478 = arith.addi %parallel_loop3A_476, %parallel_loop3A_477 : i32
        %parallel_loop3A_479 = arith.index_cast %parallel_loop3A_478 : i32 to index
        %parallel_loop3A_480 = arith.index_cast %parallel_loop3A_454 : i32 to index
        %parallel_loop3A_481 = tpu.vector_load %arg5[%parallel_loop3A_479, %parallel_loop3A_480] {strides = array<i32>} : memref<64x512xf32, #tpu.memory_space<vmem>>, vector<16xf32>,
        %parallel_loop3A_482 = arith.mulf %parallel_loop3A_481, %div3A_79 : vector<16xf32>
        %parallel_loop3A_483 = arith.addf %parallel_loop3A_482, %neg3A_83 : vector<16xf32>
        %parallel_loop3A_484 = arith.fptosi %parallel_loop3A_483 : vector<16xf32> to vector<16xi32>
        %parallel_loop3A_485 = arith.constant 4 : i32
        %parallel_loop3A_486 = arith.muli %parallel_loop3A_450, %parallel_loop3A_485 : i32
        %parallel_loop3A_487 = arith.constant 3 : i32
        %parallel_loop3A_488 = arith.addi %parallel_loop3A_486, %parallel_loop3A_487 : i32
        %parallel_loop3A_489 = arith.index_cast %parallel_loop3A_488 : i32 to index
        %parallel_loop3A_490 = arith.index_cast %parallel_loop3A_454 : i32 to index
        %parallel_loop3A_491 = tpu.vector_load %arg5[%parallel_loop3A_489, %parallel_loop3A_490] {strides = array<i32>} : memref<64x512xf32, #tpu.memory_space<vmem>>, vector<16xf32>,
        %parallel_loop3A_492 = arith.mulf %parallel_loop3A_491, %div3A_79 : vector<16xf32>
        %parallel_loop3A_493 = arith.addf %parallel_loop3A_492, %neg3A_83 : vector<16xf32>
        %parallel_loop3A_494 = arith.fptosi %parallel_loop3A_493 : vector<16xf32> to vector<16xi32>
        %parallel_loop3A_495 = tpu.vector_load_idx %arg13[%parallel_loop3A_464] : memref<256xi32, #tpu.memory_space<vmem>>[vector<16xi32>], vector<16xi32>,
        %parallel_loop3A_496 = tpu.vector_load_idx %arg14[%parallel_loop3A_474] : memref<256xi32, #tpu.memory_space<vmem>>[vector<16xi32>], vector<16xi32>,
        %parallel_loop3A_497 = arith.ori %parallel_loop3A_495, %parallel_loop3A_496 : vector<16xi32>
        %parallel_loop3A_498 = tpu.vector_load_idx %arg13[%parallel_loop3A_484] : memref<256xi32, #tpu.memory_space<vmem>>[vector<16xi32>], vector<16xi32>,
        %parallel_loop3A_499 = tpu.vector_load_idx %arg14[%parallel_loop3A_494] : memref<256xi32, #tpu.memory_space<vmem>>[vector<16xi32>], vector<16xi32>,
        %parallel_loop3A_500 = arith.ori %parallel_loop3A_498, %parallel_loop3A_499 : vector<16xi32>
        %parallel_loop3A_501 = tpu.vector_load_idx %arg15[%parallel_loop3A_464] : memref<256xi32, #tpu.memory_space<vmem>>[vector<16xi32>], vector<16xi32>,
        %parallel_loop3A_502 = tpu.vector_load_idx %arg16[%parallel_loop3A_474] : memref<256xi32, #tpu.memory_space<vmem>>[vector<16xi32>], vector<16xi32>,
        %parallel_loop3A_503 = arith.ori %parallel_loop3A_501, %parallel_loop3A_502 : vector<16xi32>
        %parallel_loop3A_504 = tpu.vector_load_idx %arg15[%parallel_loop3A_484] : memref<256xi32, #tpu.memory_space<vmem>>[vector<16xi32>], vector<16xi32>,
        %parallel_loop3A_505 = tpu.vector_load_idx %arg16[%parallel_loop3A_494] : memref<256xi32, #tpu.memory_space<vmem>>[vector<16xi32>], vector<16xi32>,
        %parallel_loop3A_506 = arith.ori %parallel_loop3A_504, %parallel_loop3A_505 : vector<16xi32>
        %parallel_loop3A_507 = arith.constant 65535 : i32
        %parallel_loop3A_508 = vector.broadcast %parallel_loop3A_507 : i32 to vector<16xi32>
        %parallel_loop3A_509 = arith.andi %parallel_loop3A_497, %parallel_loop3A_508 : vector<16xi32>
        %parallel_loop3A_510 = arith.constant 16 : i32
        %parallel_loop3A_511 = vector.broadcast %parallel_loop3A_510 : i32 to vector<16xi32>
        %parallel_loop3A_512 = arith.shli %parallel_loop3A_500, %parallel_loop3A_511 : vector<16xi32>
        %parallel_loop3A_513 = arith.ori %parallel_loop3A_509, %parallel_loop3A_512 : vector<16xi32>
        %parallel_loop3A_514 = arith.index_cast %parallel_loop3A_450 : i32 to index
        %parallel_loop3A_515 = arith.index_cast %parallel_loop3A_454 : i32 to index
        %parallel_loop3A_516 = tpu.vector_load %arg7[%parallel_loop3A_514, %parallel_loop3A_515] {strides = array<i32>} : memref<16x512xi32, #tpu.memory_space<vmem>>, vector<16xi32>,
        tpu.vector_store %arg7[%parallel_loop3A_514, %parallel_loop3A_515], %parallel_loop3A_513 {strides = array<i32>} : memref<16x512xi32, #tpu.memory_space<vmem>>, vector<16xi32>,
        %parallel_loop3A_517 = arith.constant 16 : i32
        %parallel_loop3A_518 = vector.broadcast %parallel_loop3A_517 : i32 to vector<16xi32>
        %parallel_loop3A_519 = arith.shrui %parallel_loop3A_497, %parallel_loop3A_518 : vector<16xi32>
        %parallel_loop3A_520 = arith.constant -65536 : i32
        %parallel_loop3A_521 = vector.broadcast %parallel_loop3A_520 : i32 to vector<16xi32>
        %parallel_loop3A_522 = arith.andi %parallel_loop3A_500, %parallel_loop3A_521 : vector<16xi32>
        %parallel_loop3A_523 = arith.ori %parallel_loop3A_519, %parallel_loop3A_522 : vector<16xi32>
        %parallel_loop3A_524 = arith.index_cast %parallel_loop3A_450 : i32 to index
        %parallel_loop3A_525 = arith.index_cast %parallel_loop3A_454 : i32 to index
        %parallel_loop3A_526 = tpu.vector_load %arg8[%parallel_loop3A_524, %parallel_loop3A_525] {strides = array<i32>} : memref<16x512xi32, #tpu.memory_space<vmem>>, vector<16xi32>,
        tpu.vector_store %arg8[%parallel_loop3A_524, %parallel_loop3A_525], %parallel_loop3A_523 {strides = array<i32>} : memref<16x512xi32, #tpu.memory_space<vmem>>, vector<16xi32>,
        %parallel_loop3A_527 = arith.constant 16 : i32
        %parallel_loop3A_528 = vector.broadcast %parallel_loop3A_527 : i32 to vector<16xi32>
        %parallel_loop3A_529 = arith.shli %parallel_loop3A_506, %parallel_loop3A_528 : vector<16xi32>
        %parallel_loop3A_530 = arith.ori %parallel_loop3A_503, %parallel_loop3A_529 : vector<16xi32>
        %parallel_loop3A_531 = arith.index_cast %parallel_loop3A_450 : i32 to index
        %parallel_loop3A_532 = arith.index_cast %parallel_loop3A_454 : i32 to index
        %parallel_loop3A_533 = tpu.vector_load %arg9[%parallel_loop3A_531, %parallel_loop3A_532] {strides = array<i32>} : memref<16x512xi32, #tpu.memory_space<vmem>>, vector<16xi32>,
        tpu.vector_store %arg9[%parallel_loop3A_531, %parallel_loop3A_532], %parallel_loop3A_530 {strides = array<i32>} : memref<16x512xi32, #tpu.memory_space<vmem>>, vector<16xi32>,
      } {sc.loop_unroll_factor = 4 : i64, sc.parallel_access}
      %mul3A_362 = arith.constant 16 : i32
      %mul3A_363 = arith.muli %add3A_344, %mul3A_362 : i32
      %add3A_364 = arith.constant 64 : i32
      %add3A_365 = arith.addi %add3A_364, %add3A_7 : i32
      %add3A_366 = arith.constant 128 : i32
      %add3A_367 = arith.addi %add3A_366, %add3A_7 : i32
      %dma_start3A_368 = tpu.memref_bitcast %arg4 : memref<192x512x512xi8, #tpu.memory_space<hbm>> -> memref<192x128x512xi32, #tpu.memory_space<hbm>>
      %dma_start3A_369 = arith.constant 0 : i32
      %dma_start3A_370 = tpu.memref_slice %dma_start3A_368[%add3A_7, %mul3A_363, %dma_start3A_369] : memref<192x128x512xi32, #tpu.memory_space<hbm>> -> memref<1x16x512xi32, #tpu.memory_space<hbm>>
      %dma_start3A_371 = tpu.memref_squeeze %dma_start3A_370 : memref<1x16x512xi32, #tpu.memory_space<hbm>> -> memref<16x512xi32, #tpu.memory_space<hbm>>
      %dma_start3A_372 = tpu.memref_bitcast %arg4 : memref<192x512x512xi8, #tpu.memory_space<hbm>> -> memref<192x128x512xi32, #tpu.memory_space<hbm>>
      %dma_start3A_373 = arith.constant 0 : i32
      %dma_start3A_374 = tpu.memref_slice %dma_start3A_372[%add3A_7, %mul3A_363, %dma_start3A_373] : memref<192x128x512xi32, #tpu.memory_space<hbm>> -> memref<1x16x512xi32, #tpu.memory_space<hbm>>
      %dma_start3A_375 = tpu.memref_squeeze %dma_start3A_374 : memref<1x16x512xi32, #tpu.memory_space<hbm>> -> memref<16x512xi32, #tpu.memory_space<hbm>>
      tpu.enqueue_dma source(%arg7 : memref<16x512xi32, #tpu.memory_space<vmem>>) target(%dma_start3A_375 : memref<16x512xi32, #tpu.memory_space<hbm>>) target_semaphore(%arg20 : memref<!tpu.dma_semaphore, #tpu.memory_space<semaphore_mem>>)
      %dma_start3A_376 = tpu.memref_bitcast %arg4 : memref<192x512x512xi8, #tpu.memory_space<hbm>> -> memref<192x128x512xi32, #tpu.memory_space<hbm>>
      %dma_start3A_377 = arith.constant 0 : i32
      %dma_start3A_378 = tpu.memref_slice %dma_start3A_376[%add3A_365, %mul3A_363, %dma_start3A_377] : memref<192x128x512xi32, #tpu.memory_space<hbm>> -> memref<1x16x512xi32, #tpu.memory_space<hbm>>
      %dma_start3A_379 = tpu.memref_squeeze %dma_start3A_378 : memref<1x16x512xi32, #tpu.memory_space<hbm>> -> memref<16x512xi32, #tpu.memory_space<hbm>>
      %dma_start3A_380 = tpu.memref_bitcast %arg4 : memref<192x512x512xi8, #tpu.memory_space<hbm>> -> memref<192x128x512xi32, #tpu.memory_space<hbm>>
      %dma_start3A_381 = arith.constant 0 : i32
      %dma_start3A_382 = tpu.memref_slice %dma_start3A_380[%add3A_365, %mul3A_363, %dma_start3A_381] : memref<192x128x512xi32, #tpu.memory_space<hbm>> -> memref<1x16x512xi32, #tpu.memory_space<hbm>>
      %dma_start3A_383 = tpu.memref_squeeze %dma_start3A_382 : memref<1x16x512xi32, #tpu.memory_space<hbm>> -> memref<16x512xi32, #tpu.memory_space<hbm>>
      tpu.enqueue_dma source(%arg8 : memref<16x512xi32, #tpu.memory_space<vmem>>) target(%dma_start3A_383 : memref<16x512xi32, #tpu.memory_space<hbm>>) target_semaphore(%arg20 : memref<!tpu.dma_semaphore, #tpu.memory_space<semaphore_mem>>)
      %dma_start3A_384 = tpu.memref_bitcast %arg4 : memref<192x512x512xi8, #tpu.memory_space<hbm>> -> memref<192x128x512xi32, #tpu.memory_space<hbm>>
      %dma_start3A_385 = arith.constant 0 : i32
      %dma_start3A_386 = tpu.memref_slice %dma_start3A_384[%add3A_367, %mul3A_363, %dma_start3A_385] : memref<192x128x512xi32, #tpu.memory_space<hbm>> -> memref<1x16x512xi32, #tpu.memory_space<hbm>>
      %dma_start3A_387 = tpu.memref_squeeze %dma_start3A_386 : memref<1x16x512xi32, #tpu.memory_space<hbm>> -> memref<16x512xi32, #tpu.memory_space<hbm>>
      %dma_start3A_388 = tpu.memref_bitcast %arg4 : memref<192x512x512xi8, #tpu.memory_space<hbm>> -> memref<192x128x512xi32, #tpu.memory_space<hbm>>
      %dma_start3A_389 = arith.constant 0 : i32
      %dma_start3A_390 = tpu.memref_slice %dma_start3A_388[%add3A_367, %mul3A_363, %dma_start3A_389] : memref<192x128x512xi32, #tpu.memory_space<hbm>> -> memref<1x16x512xi32, #tpu.memory_space<hbm>>
      %dma_start3A_391 = tpu.memref_squeeze %dma_start3A_390 : memref<1x16x512xi32, #tpu.memory_space<hbm>> -> memref<16x512xi32, #tpu.memory_space<hbm>>
      tpu.enqueue_dma source(%arg9 : memref<16x512xi32, #tpu.memory_space<vmem>>) target(%dma_start3A_391 : memref<16x512xi32, #tpu.memory_space<hbm>>) target_semaphore(%arg20 : memref<!tpu.dma_semaphore, #tpu.memory_space<semaphore_mem>>)
      %mul3A_392 = arith.constant 2 : i32
      %mul3A_393 = arith.muli %mul3A_392, %scan3A_340 : i32
      %add3A_394 = arith.constant 1 : i32
      %add3A_395 = arith.addi %mul3A_393, %add3A_394 : i32
      %mul3A_396 = arith.constant 64 : i32
      %mul3A_397 = arith.muli %add3A_395, %mul3A_396 : i32
      %dma_wait3A_398 = arith.constant 0 : i32
      %dma_wait3A_399 = arith.constant 0 : i32
      %dma_wait3A_400 = tpu.memref_slice %arg2[%add3A_7, %dma_wait3A_398, %mul3A_397, %dma_wait3A_399] : memref<64x1x512x512xf32, #tpu.memory_space<hbm>> -> memref<1x1x64x512xf32, #tpu.memory_space<hbm>>
      %dma_wait3A_401 = tpu.memref_squeeze %dma_wait3A_400 : memref<1x1x64x512xf32, #tpu.memory_space<hbm>> -> memref<64x512xf32, #tpu.memory_space<hbm>>
      %dma_wait3A_402 = arith.constant 0 : i32
      %dma_wait3A_403 = tpu.memref_slice %arg2[%add3A_7, %dma_wait3A_398, %mul3A_397, %dma_wait3A_402] : memref<64x1x512x512xf32, #tpu.memory_space<hbm>> -> memref<1x1x64x512xf32, #tpu.memory_space<hbm>>
      %dma_wait3A_404 = tpu.memref_squeeze %dma_wait3A_403 : memref<1x1x64x512xf32, #tpu.memory_space<hbm>> -> memref<64x512xf32, #tpu.memory_space<hbm>>
      tpu.wait_dma2 semaphore(%arg19 : memref<!tpu.dma_semaphore, #tpu.memory_space<semaphore_mem>>) src(%dma_wait3A_404 : memref<64x512xf32, #tpu.memory_space<hbm>>) dst(%arg6 : memref<64x512xf32, #tpu.memory_space<vmem>>)
      %lt3A_405 = arith.constant 7 : i32
      %lt3A_406 = arith.cmpi slt, %add3A_395, %lt3A_405 : i32
      %convert_element_type3A_407 = arith.extui %lt3A_406 : i1 to i32
      %cond3A_408 = arith.constant 0 : i32
      %cond3A_409 = arith.cmpi ne, %convert_element_type3A_407, %cond3A_408 : i32
      scf.if %cond3A_409 {
        %add3A_448 = arith.constant 1 : i32
        %add3A_449 = arith.addi %add3A_395, %add3A_448 : i32
        %mul3A_450 = arith.constant 64 : i32
        %mul3A_451 = arith.muli %add3A_449, %mul3A_450 : i32
        %dma_start3A_452 = arith.constant 0 : i32
        %dma_start3A_453 = arith.constant 0 : i32
        %dma_start3A_454 = tpu.memref_slice %arg2[%add3A_7, %dma_start3A_452, %mul3A_451, %dma_start3A_453] : memref<64x1x512x512xf32, #tpu.memory_space<hbm>> -> memref<1x1x64x512xf32, #tpu.memory_space<hbm>>
        %dma_start3A_455 = tpu.memref_squeeze %dma_start3A_454 : memref<1x1x64x512xf32, #tpu.memory_space<hbm>> -> memref<64x512xf32, #tpu.memory_space<hbm>>
        %dma_start3A_456 = arith.constant 0 : i32
        %dma_start3A_457 = tpu.memref_slice %arg2[%add3A_7, %dma_start3A_452, %mul3A_451, %dma_start3A_456] : memref<64x1x512x512xf32, #tpu.memory_space<hbm>> -> memref<1x1x64x512xf32, #tpu.memory_space<hbm>>
        %dma_start3A_458 = tpu.memref_squeeze %dma_start3A_457 : memref<1x1x64x512xf32, #tpu.memory_space<hbm>> -> memref<64x512xf32, #tpu.memory_space<hbm>>
        tpu.enqueue_dma source(%dma_start3A_458 : memref<64x512xf32, #tpu.memory_space<hbm>>) target(%arg5 : memref<64x512xf32, #tpu.memory_space<vmem>>) target_semaphore(%arg18 : memref<!tpu.dma_semaphore, #tpu.memory_space<semaphore_mem>>)
      } else {
      }
      %gt3A_410 = arith.constant 0 : i32
      %gt3A_411 = arith.cmpi sgt, %scan3A_340, %gt3A_410 : i32
      %convert_element_type3A_412 = arith.extui %gt3A_411 : i1 to i32
      %cond3A_413 = arith.constant 0 : i32
      %cond3A_414 = arith.cmpi ne, %convert_element_type3A_412, %cond3A_413 : i32
      scf.if %cond3A_414 {
        %mul3A_448 = arith.constant 16 : i32
        %mul3A_449 = arith.muli %add3A_395, %mul3A_448 : i32
        %add3A_450 = arith.constant 64 : i32
        %add3A_451 = arith.addi %add3A_450, %add3A_7 : i32
        %add3A_452 = arith.constant 128 : i32
        %add3A_453 = arith.addi %add3A_452, %add3A_7 : i32
        %dma_wait3A_454 = tpu.memref_bitcast %arg4 : memref<192x512x512xi8, #tpu.memory_space<hbm>> -> memref<192x128x512xi32, #tpu.memory_space<hbm>>
        %dma_wait3A_455 = arith.constant 0 : i32
        %dma_wait3A_456 = tpu.memref_slice %dma_wait3A_454[%add3A_7, %mul3A_449, %dma_wait3A_455] : memref<192x128x512xi32, #tpu.memory_space<hbm>> -> memref<1x16x512xi32, #tpu.memory_space<hbm>>
        %dma_wait3A_457 = tpu.memref_squeeze %dma_wait3A_456 : memref<1x16x512xi32, #tpu.memory_space<hbm>> -> memref<16x512xi32, #tpu.memory_space<hbm>>
        %dma_wait3A_458 = tpu.memref_bitcast %arg4 : memref<192x512x512xi8, #tpu.memory_space<hbm>> -> memref<192x128x512xi32, #tpu.memory_space<hbm>>
        %dma_wait3A_459 = arith.constant 0 : i32
        %dma_wait3A_460 = tpu.memref_slice %dma_wait3A_458[%add3A_7, %mul3A_449, %dma_wait3A_459] : memref<192x128x512xi32, #tpu.memory_space<hbm>> -> memref<1x16x512xi32, #tpu.memory_space<hbm>>
        %dma_wait3A_461 = tpu.memref_squeeze %dma_wait3A_460 : memref<1x16x512xi32, #tpu.memory_space<hbm>> -> memref<16x512xi32, #tpu.memory_space<hbm>>
        tpu.wait_dma2 semaphore(%arg21 : memref<!tpu.dma_semaphore, #tpu.memory_space<semaphore_mem>>) src(%arg10 : memref<16x512xi32, #tpu.memory_space<vmem>>) dst(%dma_wait3A_461 : memref<16x512xi32, #tpu.memory_space<hbm>>)
        %dma_wait3A_462 = tpu.memref_bitcast %arg4 : memref<192x512x512xi8, #tpu.memory_space<hbm>> -> memref<192x128x512xi32, #tpu.memory_space<hbm>>
        %dma_wait3A_463 = arith.constant 0 : i32
        %dma_wait3A_464 = tpu.memref_slice %dma_wait3A_462[%add3A_451, %mul3A_449, %dma_wait3A_463] : memref<192x128x512xi32, #tpu.memory_space<hbm>> -> memref<1x16x512xi32, #tpu.memory_space<hbm>>
        %dma_wait3A_465 = tpu.memref_squeeze %dma_wait3A_464 : memref<1x16x512xi32, #tpu.memory_space<hbm>> -> memref<16x512xi32, #tpu.memory_space<hbm>>
        %dma_wait3A_466 = tpu.memref_bitcast %arg4 : memref<192x512x512xi8, #tpu.memory_space<hbm>> -> memref<192x128x512xi32, #tpu.memory_space<hbm>>
        %dma_wait3A_467 = arith.constant 0 : i32
        %dma_wait3A_468 = tpu.memref_slice %dma_wait3A_466[%add3A_451, %mul3A_449, %dma_wait3A_467] : memref<192x128x512xi32, #tpu.memory_space<hbm>> -> memref<1x16x512xi32, #tpu.memory_space<hbm>>
        %dma_wait3A_469 = tpu.memref_squeeze %dma_wait3A_468 : memref<1x16x512xi32, #tpu.memory_space<hbm>> -> memref<16x512xi32, #tpu.memory_space<hbm>>
        tpu.wait_dma2 semaphore(%arg21 : memref<!tpu.dma_semaphore, #tpu.memory_space<semaphore_mem>>) src(%arg11 : memref<16x512xi32, #tpu.memory_space<vmem>>) dst(%dma_wait3A_469 : memref<16x512xi32, #tpu.memory_space<hbm>>)
        %dma_wait3A_470 = tpu.memref_bitcast %arg4 : memref<192x512x512xi8, #tpu.memory_space<hbm>> -> memref<192x128x512xi32, #tpu.memory_space<hbm>>
        %dma_wait3A_471 = arith.constant 0 : i32
        %dma_wait3A_472 = tpu.memref_slice %dma_wait3A_470[%add3A_453, %mul3A_449, %dma_wait3A_471] : memref<192x128x512xi32, #tpu.memory_space<hbm>> -> memref<1x16x512xi32, #tpu.memory_space<hbm>>
        %dma_wait3A_473 = tpu.memref_squeeze %dma_wait3A_472 : memref<1x16x512xi32, #tpu.memory_space<hbm>> -> memref<16x512xi32, #tpu.memory_space<hbm>>
        %dma_wait3A_474 = tpu.memref_bitcast %arg4 : memref<192x512x512xi8, #tpu.memory_space<hbm>> -> memref<192x128x512xi32, #tpu.memory_space<hbm>>
        %dma_wait3A_475 = arith.constant 0 : i32
        %dma_wait3A_476 = tpu.memref_slice %dma_wait3A_474[%add3A_453, %mul3A_449, %dma_wait3A_475] : memref<192x128x512xi32, #tpu.memory_space<hbm>> -> memref<1x16x512xi32, #tpu.memory_space<hbm>>
        %dma_wait3A_477 = tpu.memref_squeeze %dma_wait3A_476 : memref<1x16x512xi32, #tpu.memory_space<hbm>> -> memref<16x512xi32, #tpu.memory_space<hbm>>
        tpu.wait_dma2 semaphore(%arg21 : memref<!tpu.dma_semaphore, #tpu.memory_space<semaphore_mem>>) src(%arg12 : memref<16x512xi32, #tpu.memory_space<vmem>>) dst(%dma_wait3A_477 : memref<16x512xi32, #tpu.memory_space<hbm>>)
      } else {
      }
      %parallel_loop3A_415 = arith.constant 0 : i32
      %parallel_loop3A_416 = arith.constant 512 : i32
      %parallel_loop3A_417 = arith.constant 1 : i32
      scf.for %parallel_loop3A_448 = %parallel_loop3A_415 to %parallel_loop3A_416 step %parallel_loop3A_417  : i32 {
        %parallel_loop3A_449 = arith.constant 5 : i32
        %parallel_loop3A_450 = arith.shrsi %parallel_loop3A_448, %parallel_loop3A_449 : i32
        %parallel_loop3A_451 = arith.constant 31 : i32
        %parallel_loop3A_452 = arith.andi %parallel_loop3A_448, %parallel_loop3A_451 : i32
        %parallel_loop3A_453 = arith.constant 4 : i32
        %parallel_loop3A_454 = arith.shli %parallel_loop3A_452, %parallel_loop3A_453 : i32
        %parallel_loop3A_455 = arith.constant 4 : i32
        %parallel_loop3A_456 = arith.muli %parallel_loop3A_450, %parallel_loop3A_455 : i32
        %parallel_loop3A_457 = arith.constant 0 : i32
        %parallel_loop3A_458 = arith.addi %parallel_loop3A_456, %parallel_loop3A_457 : i32
        %parallel_loop3A_459 = arith.index_cast %parallel_loop3A_458 : i32 to index
        %parallel_loop3A_460 = arith.index_cast %parallel_loop3A_454 : i32 to index
        %parallel_loop3A_461 = tpu.vector_load %arg6[%parallel_loop3A_459, %parallel_loop3A_460] {strides = array<i32>} : memref<64x512xf32, #tpu.memory_space<vmem>>, vector<16xf32>,
        %parallel_loop3A_462 = arith.mulf %parallel_loop3A_461, %div3A_79 : vector<16xf32>
        %parallel_loop3A_463 = arith.addf %parallel_loop3A_462, %neg3A_83 : vector<16xf32>
        %parallel_loop3A_464 = arith.fptosi %parallel_loop3A_463 : vector<16xf32> to vector<16xi32>
        %parallel_loop3A_465 = arith.constant 4 : i32
        %parallel_loop3A_466 = arith.muli %parallel_loop3A_450, %parallel_loop3A_465 : i32
        %parallel_loop3A_467 = arith.constant 1 : i32
        %parallel_loop3A_468 = arith.addi %parallel_loop3A_466, %parallel_loop3A_467 : i32
        %parallel_loop3A_469 = arith.index_cast %parallel_loop3A_468 : i32 to index
        %parallel_loop3A_470 = arith.index_cast %parallel_loop3A_454 : i32 to index
        %parallel_loop3A_471 = tpu.vector_load %arg6[%parallel_loop3A_469, %parallel_loop3A_470] {strides = array<i32>} : memref<64x512xf32, #tpu.memory_space<vmem>>, vector<16xf32>,
        %parallel_loop3A_472 = arith.mulf %parallel_loop3A_471, %div3A_79 : vector<16xf32>
        %parallel_loop3A_473 = arith.addf %parallel_loop3A_472, %neg3A_83 : vector<16xf32>
        %parallel_loop3A_474 = arith.fptosi %parallel_loop3A_473 : vector<16xf32> to vector<16xi32>
        %parallel_loop3A_475 = arith.constant 4 : i32
        %parallel_loop3A_476 = arith.muli %parallel_loop3A_450, %parallel_loop3A_475 : i32
        %parallel_loop3A_477 = arith.constant 2 : i32
        %parallel_loop3A_478 = arith.addi %parallel_loop3A_476, %parallel_loop3A_477 : i32
        %parallel_loop3A_479 = arith.index_cast %parallel_loop3A_478 : i32 to index
        %parallel_loop3A_480 = arith.index_cast %parallel_loop3A_454 : i32 to index
        %parallel_loop3A_481 = tpu.vector_load %arg6[%parallel_loop3A_479, %parallel_loop3A_480] {strides = array<i32>} : memref<64x512xf32, #tpu.memory_space<vmem>>, vector<16xf32>,
        %parallel_loop3A_482 = arith.mulf %parallel_loop3A_481, %div3A_79 : vector<16xf32>
        %parallel_loop3A_483 = arith.addf %parallel_loop3A_482, %neg3A_83 : vector<16xf32>
        %parallel_loop3A_484 = arith.fptosi %parallel_loop3A_483 : vector<16xf32> to vector<16xi32>
        %parallel_loop3A_485 = arith.constant 4 : i32
        %parallel_loop3A_486 = arith.muli %parallel_loop3A_450, %parallel_loop3A_485 : i32
        %parallel_loop3A_487 = arith.constant 3 : i32
        %parallel_loop3A_488 = arith.addi %parallel_loop3A_486, %parallel_loop3A_487 : i32
        %parallel_loop3A_489 = arith.index_cast %parallel_loop3A_488 : i32 to index
        %parallel_loop3A_490 = arith.index_cast %parallel_loop3A_454 : i32 to index
        %parallel_loop3A_491 = tpu.vector_load %arg6[%parallel_loop3A_489, %parallel_loop3A_490] {strides = array<i32>} : memref<64x512xf32, #tpu.memory_space<vmem>>, vector<16xf32>,
        %parallel_loop3A_492 = arith.mulf %parallel_loop3A_491, %div3A_79 : vector<16xf32>
        %parallel_loop3A_493 = arith.addf %parallel_loop3A_492, %neg3A_83 : vector<16xf32>
        %parallel_loop3A_494 = arith.fptosi %parallel_loop3A_493 : vector<16xf32> to vector<16xi32>
        %parallel_loop3A_495 = tpu.vector_load_idx %arg13[%parallel_loop3A_464] : memref<256xi32, #tpu.memory_space<vmem>>[vector<16xi32>], vector<16xi32>,
        %parallel_loop3A_496 = tpu.vector_load_idx %arg14[%parallel_loop3A_474] : memref<256xi32, #tpu.memory_space<vmem>>[vector<16xi32>], vector<16xi32>,
        %parallel_loop3A_497 = arith.ori %parallel_loop3A_495, %parallel_loop3A_496 : vector<16xi32>
        %parallel_loop3A_498 = tpu.vector_load_idx %arg13[%parallel_loop3A_484] : memref<256xi32, #tpu.memory_space<vmem>>[vector<16xi32>], vector<16xi32>,
        %parallel_loop3A_499 = tpu.vector_load_idx %arg14[%parallel_loop3A_494] : memref<256xi32, #tpu.memory_space<vmem>>[vector<16xi32>], vector<16xi32>,
        %parallel_loop3A_500 = arith.ori %parallel_loop3A_498, %parallel_loop3A_499 : vector<16xi32>
        %parallel_loop3A_501 = tpu.vector_load_idx %arg15[%parallel_loop3A_464] : memref<256xi32, #tpu.memory_space<vmem>>[vector<16xi32>], vector<16xi32>,
        %parallel_loop3A_502 = tpu.vector_load_idx %arg16[%parallel_loop3A_474] : memref<256xi32, #tpu.memory_space<vmem>>[vector<16xi32>], vector<16xi32>,
        %parallel_loop3A_503 = arith.ori %parallel_loop3A_501, %parallel_loop3A_502 : vector<16xi32>
        %parallel_loop3A_504 = tpu.vector_load_idx %arg15[%parallel_loop3A_484] : memref<256xi32, #tpu.memory_space<vmem>>[vector<16xi32>], vector<16xi32>,
        %parallel_loop3A_505 = tpu.vector_load_idx %arg16[%parallel_loop3A_494] : memref<256xi32, #tpu.memory_space<vmem>>[vector<16xi32>], vector<16xi32>,
        %parallel_loop3A_506 = arith.ori %parallel_loop3A_504, %parallel_loop3A_505 : vector<16xi32>
        %parallel_loop3A_507 = arith.constant 65535 : i32
        %parallel_loop3A_508 = vector.broadcast %parallel_loop3A_507 : i32 to vector<16xi32>
        %parallel_loop3A_509 = arith.andi %parallel_loop3A_497, %parallel_loop3A_508 : vector<16xi32>
        %parallel_loop3A_510 = arith.constant 16 : i32
        %parallel_loop3A_511 = vector.broadcast %parallel_loop3A_510 : i32 to vector<16xi32>
        %parallel_loop3A_512 = arith.shli %parallel_loop3A_500, %parallel_loop3A_511 : vector<16xi32>
        %parallel_loop3A_513 = arith.ori %parallel_loop3A_509, %parallel_loop3A_512 : vector<16xi32>
        %parallel_loop3A_514 = arith.index_cast %parallel_loop3A_450 : i32 to index
        %parallel_loop3A_515 = arith.index_cast %parallel_loop3A_454 : i32 to index
        %parallel_loop3A_516 = tpu.vector_load %arg10[%parallel_loop3A_514, %parallel_loop3A_515] {strides = array<i32>} : memref<16x512xi32, #tpu.memory_space<vmem>>, vector<16xi32>,
        tpu.vector_store %arg10[%parallel_loop3A_514, %parallel_loop3A_515], %parallel_loop3A_513 {strides = array<i32>} : memref<16x512xi32, #tpu.memory_space<vmem>>, vector<16xi32>,
        %parallel_loop3A_517 = arith.constant 16 : i32
        %parallel_loop3A_518 = vector.broadcast %parallel_loop3A_517 : i32 to vector<16xi32>
        %parallel_loop3A_519 = arith.shrui %parallel_loop3A_497, %parallel_loop3A_518 : vector<16xi32>
        %parallel_loop3A_520 = arith.constant -65536 : i32
        %parallel_loop3A_521 = vector.broadcast %parallel_loop3A_520 : i32 to vector<16xi32>
        %parallel_loop3A_522 = arith.andi %parallel_loop3A_500, %parallel_loop3A_521 : vector<16xi32>
        %parallel_loop3A_523 = arith.ori %parallel_loop3A_519, %parallel_loop3A_522 : vector<16xi32>
        %parallel_loop3A_524 = arith.index_cast %parallel_loop3A_450 : i32 to index
        %parallel_loop3A_525 = arith.index_cast %parallel_loop3A_454 : i32 to index
        %parallel_loop3A_526 = tpu.vector_load %arg11[%parallel_loop3A_524, %parallel_loop3A_525] {strides = array<i32>} : memref<16x512xi32, #tpu.memory_space<vmem>>, vector<16xi32>,
        tpu.vector_store %arg11[%parallel_loop3A_524, %parallel_loop3A_525], %parallel_loop3A_523 {strides = array<i32>} : memref<16x512xi32, #tpu.memory_space<vmem>>, vector<16xi32>,
        %parallel_loop3A_527 = arith.constant 16 : i32
        %parallel_loop3A_528 = vector.broadcast %parallel_loop3A_527 : i32 to vector<16xi32>
        %parallel_loop3A_529 = arith.shli %parallel_loop3A_506, %parallel_loop3A_528 : vector<16xi32>
        %parallel_loop3A_530 = arith.ori %parallel_loop3A_503, %parallel_loop3A_529 : vector<16xi32>
        %parallel_loop3A_531 = arith.index_cast %parallel_loop3A_450 : i32 to index
        %parallel_loop3A_532 = arith.index_cast %parallel_loop3A_454 : i32 to index
        %parallel_loop3A_533 = tpu.vector_load %arg12[%parallel_loop3A_531, %parallel_loop3A_532] {strides = array<i32>} : memref<16x512xi32, #tpu.memory_space<vmem>>, vector<16xi32>,
        tpu.vector_store %arg12[%parallel_loop3A_531, %parallel_loop3A_532], %parallel_loop3A_530 {strides = array<i32>} : memref<16x512xi32, #tpu.memory_space<vmem>>, vector<16xi32>,
      } {sc.loop_unroll_factor = 4 : i64, sc.parallel_access}
      %mul3A_418 = arith.constant 16 : i32
      %mul3A_419 = arith.muli %add3A_395, %mul3A_418 : i32
      %add3A_420 = arith.constant 64 : i32
      %add3A_421 = arith.addi %add3A_420, %add3A_7 : i32
      %add3A_422 = arith.constant 128 : i32
      %add3A_423 = arith.addi %add3A_422, %add3A_7 : i32
      %dma_start3A_424 = tpu.memref_bitcast %arg4 : memref<192x512x512xi8, #tpu.memory_space<hbm>> -> memref<192x128x512xi32, #tpu.memory_space<hbm>>
      %dma_start3A_425 = arith.constant 0 : i32
      %dma_start3A_426 = tpu.memref_slice %dma_start3A_424[%add3A_7, %mul3A_419, %dma_start3A_425] : memref<192x128x512xi32, #tpu.memory_space<hbm>> -> memref<1x16x512xi32, #tpu.memory_space<hbm>>
      %dma_start3A_427 = tpu.memref_squeeze %dma_start3A_426 : memref<1x16x512xi32, #tpu.memory_space<hbm>> -> memref<16x512xi32, #tpu.memory_space<hbm>>
      %dma_start3A_428 = tpu.memref_bitcast %arg4 : memref<192x512x512xi8, #tpu.memory_space<hbm>> -> memref<192x128x512xi32, #tpu.memory_space<hbm>>
      %dma_start3A_429 = arith.constant 0 : i32
      %dma_start3A_430 = tpu.memref_slice %dma_start3A_428[%add3A_7, %mul3A_419, %dma_start3A_429] : memref<192x128x512xi32, #tpu.memory_space<hbm>> -> memref<1x16x512xi32, #tpu.memory_space<hbm>>
      %dma_start3A_431 = tpu.memref_squeeze %dma_start3A_430 : memref<1x16x512xi32, #tpu.memory_space<hbm>> -> memref<16x512xi32, #tpu.memory_space<hbm>>
      tpu.enqueue_dma source(%arg10 : memref<16x512xi32, #tpu.memory_space<vmem>>) target(%dma_start3A_431 : memref<16x512xi32, #tpu.memory_space<hbm>>) target_semaphore(%arg21 : memref<!tpu.dma_semaphore, #tpu.memory_space<semaphore_mem>>)
      %dma_start3A_432 = tpu.memref_bitcast %arg4 : memref<192x512x512xi8, #tpu.memory_space<hbm>> -> memref<192x128x512xi32, #tpu.memory_space<hbm>>
      %dma_start3A_433 = arith.constant 0 : i32
      %dma_start3A_434 = tpu.memref_slice %dma_start3A_432[%add3A_421, %mul3A_419, %dma_start3A_433] : memref<192x128x512xi32, #tpu.memory_space<hbm>> -> memref<1x16x512xi32, #tpu.memory_space<hbm>>
      %dma_start3A_435 = tpu.memref_squeeze %dma_start3A_434 : memref<1x16x512xi32, #tpu.memory_space<hbm>> -> memref<16x512xi32, #tpu.memory_space<hbm>>
      %dma_start3A_436 = tpu.memref_bitcast %arg4 : memref<192x512x512xi8, #tpu.memory_space<hbm>> -> memref<192x128x512xi32, #tpu.memory_space<hbm>>
      %dma_start3A_437 = arith.constant 0 : i32
      %dma_start3A_438 = tpu.memref_slice %dma_start3A_436[%add3A_421, %mul3A_419, %dma_start3A_437] : memref<192x128x512xi32, #tpu.memory_space<hbm>> -> memref<1x16x512xi32, #tpu.memory_space<hbm>>
      %dma_start3A_439 = tpu.memref_squeeze %dma_start3A_438 : memref<1x16x512xi32, #tpu.memory_space<hbm>> -> memref<16x512xi32, #tpu.memory_space<hbm>>
      tpu.enqueue_dma source(%arg11 : memref<16x512xi32, #tpu.memory_space<vmem>>) target(%dma_start3A_439 : memref<16x512xi32, #tpu.memory_space<hbm>>) target_semaphore(%arg21 : memref<!tpu.dma_semaphore, #tpu.memory_space<semaphore_mem>>)
      %dma_start3A_440 = tpu.memref_bitcast %arg4 : memref<192x512x512xi8, #tpu.memory_space<hbm>> -> memref<192x128x512xi32, #tpu.memory_space<hbm>>
      %dma_start3A_441 = arith.constant 0 : i32
      %dma_start3A_442 = tpu.memref_slice %dma_start3A_440[%add3A_423, %mul3A_419, %dma_start3A_441] : memref<192x128x512xi32, #tpu.memory_space<hbm>> -> memref<1x16x512xi32, #tpu.memory_space<hbm>>
      %dma_start3A_443 = tpu.memref_squeeze %dma_start3A_442 : memref<1x16x512xi32, #tpu.memory_space<hbm>> -> memref<16x512xi32, #tpu.memory_space<hbm>>
      %dma_start3A_444 = tpu.memref_bitcast %arg4 : memref<192x512x512xi8, #tpu.memory_space<hbm>> -> memref<192x128x512xi32, #tpu.memory_space<hbm>>
      %dma_start3A_445 = arith.constant 0 : i32
      %dma_start3A_446 = tpu.memref_slice %dma_start3A_444[%add3A_423, %mul3A_419, %dma_start3A_445] : memref<192x128x512xi32, #tpu.memory_space<hbm>> -> memref<1x16x512xi32, #tpu.memory_space<hbm>>
      %dma_start3A_447 = tpu.memref_squeeze %dma_start3A_446 : memref<1x16x512xi32, #tpu.memory_space<hbm>> -> memref<16x512xi32, #tpu.memory_space<hbm>>
      tpu.enqueue_dma source(%arg12 : memref<16x512xi32, #tpu.memory_space<vmem>>) target(%dma_start3A_447 : memref<16x512xi32, #tpu.memory_space<hbm>>) target_semaphore(%arg21 : memref<!tpu.dma_semaphore, #tpu.memory_space<semaphore_mem>>)
    }
    %scan3A_98 = arith.constant 4 : i32
    %add3A_99 = arith.constant 64 : i32
    %add3A_100 = arith.addi %add3A_99, %add3A_7 : i32
    %add3A_101 = arith.constant 128 : i32
    %add3A_102 = arith.addi %add3A_101, %add3A_7 : i32
    %dma_wait3A = tpu.memref_bitcast %arg4 : memref<192x512x512xi8, #tpu.memory_space<hbm>> -> memref<192x128x512xi32, #tpu.memory_space<hbm>>
    %dma_wait3A_103 = arith.constant 96 : i32
    %dma_wait3A_104 = arith.constant 0 : i32
    %dma_wait3A_105 = tpu.memref_slice %dma_wait3A[%add3A_7, %dma_wait3A_103, %dma_wait3A_104] : memref<192x128x512xi32, #tpu.memory_space<hbm>> -> memref<1x16x512xi32, #tpu.memory_space<hbm>>
    %dma_wait3A_106 = tpu.memref_squeeze %dma_wait3A_105 : memref<1x16x512xi32, #tpu.memory_space<hbm>> -> memref<16x512xi32, #tpu.memory_space<hbm>>
    %dma_wait3A_107 = tpu.memref_bitcast %arg4 : memref<192x512x512xi8, #tpu.memory_space<hbm>> -> memref<192x128x512xi32, #tpu.memory_space<hbm>>
    %dma_wait3A_108 = arith.constant 96 : i32
    %dma_wait3A_109 = arith.constant 0 : i32
    %dma_wait3A_110 = tpu.memref_slice %dma_wait3A_107[%add3A_7, %dma_wait3A_108, %dma_wait3A_109] : memref<192x128x512xi32, #tpu.memory_space<hbm>> -> memref<1x16x512xi32, #tpu.memory_space<hbm>>
    %dma_wait3A_111 = tpu.memref_squeeze %dma_wait3A_110 : memref<1x16x512xi32, #tpu.memory_space<hbm>> -> memref<16x512xi32, #tpu.memory_space<hbm>>
    tpu.wait_dma2 semaphore(%arg20 : memref<!tpu.dma_semaphore, #tpu.memory_space<semaphore_mem>>) src(%arg7 : memref<16x512xi32, #tpu.memory_space<vmem>>) dst(%dma_wait3A_111 : memref<16x512xi32, #tpu.memory_space<hbm>>)
    %dma_wait3A_112 = tpu.memref_bitcast %arg4 : memref<192x512x512xi8, #tpu.memory_space<hbm>> -> memref<192x128x512xi32, #tpu.memory_space<hbm>>
    %dma_wait3A_113 = arith.constant 96 : i32
    %dma_wait3A_114 = arith.constant 0 : i32
    %dma_wait3A_115 = tpu.memref_slice %dma_wait3A_112[%add3A_100, %dma_wait3A_113, %dma_wait3A_114] : memref<192x128x512xi32, #tpu.memory_space<hbm>> -> memref<1x16x512xi32, #tpu.memory_space<hbm>>
    %dma_wait3A_116 = tpu.memref_squeeze %dma_wait3A_115 : memref<1x16x512xi32, #tpu.memory_space<hbm>> -> memref<16x512xi32, #tpu.memory_space<hbm>>
    %dma_wait3A_117 = tpu.memref_bitcast %arg4 : memref<192x512x512xi8, #tpu.memory_space<hbm>> -> memref<192x128x512xi32, #tpu.memory_space<hbm>>
    %dma_wait3A_118 = arith.constant 96 : i32
    %dma_wait3A_119 = arith.constant 0 : i32
    %dma_wait3A_120 = tpu.memref_slice %dma_wait3A_117[%add3A_100, %dma_wait3A_118, %dma_wait3A_119] : memref<192x128x512xi32, #tpu.memory_space<hbm>> -> memref<1x16x512xi32, #tpu.memory_space<hbm>>
    %dma_wait3A_121 = tpu.memref_squeeze %dma_wait3A_120 : memref<1x16x512xi32, #tpu.memory_space<hbm>> -> memref<16x512xi32, #tpu.memory_space<hbm>>
    tpu.wait_dma2 semaphore(%arg20 : memref<!tpu.dma_semaphore, #tpu.memory_space<semaphore_mem>>) src(%arg8 : memref<16x512xi32, #tpu.memory_space<vmem>>) dst(%dma_wait3A_121 : memref<16x512xi32, #tpu.memory_space<hbm>>)
    %dma_wait3A_122 = tpu.memref_bitcast %arg4 : memref<192x512x512xi8, #tpu.memory_space<hbm>> -> memref<192x128x512xi32, #tpu.memory_space<hbm>>
    %dma_wait3A_123 = arith.constant 96 : i32
    %dma_wait3A_124 = arith.constant 0 : i32
    %dma_wait3A_125 = tpu.memref_slice %dma_wait3A_122[%add3A_102, %dma_wait3A_123, %dma_wait3A_124] : memref<192x128x512xi32, #tpu.memory_space<hbm>> -> memref<1x16x512xi32, #tpu.memory_space<hbm>>
    %dma_wait3A_126 = tpu.memref_squeeze %dma_wait3A_125 : memref<1x16x512xi32, #tpu.memory_space<hbm>> -> memref<16x512xi32, #tpu.memory_space<hbm>>
    %dma_wait3A_127 = tpu.memref_bitcast %arg4 : memref<192x512x512xi8, #tpu.memory_space<hbm>> -> memref<192x128x512xi32, #tpu.memory_space<hbm>>
    %dma_wait3A_128 = arith.constant 96 : i32
    %dma_wait3A_129 = arith.constant 0 : i32
    %dma_wait3A_130 = tpu.memref_slice %dma_wait3A_127[%add3A_102, %dma_wait3A_128, %dma_wait3A_129] : memref<192x128x512xi32, #tpu.memory_space<hbm>> -> memref<1x16x512xi32, #tpu.memory_space<hbm>>
    %dma_wait3A_131 = tpu.memref_squeeze %dma_wait3A_130 : memref<1x16x512xi32, #tpu.memory_space<hbm>> -> memref<16x512xi32, #tpu.memory_space<hbm>>
    tpu.wait_dma2 semaphore(%arg20 : memref<!tpu.dma_semaphore, #tpu.memory_space<semaphore_mem>>) src(%arg9 : memref<16x512xi32, #tpu.memory_space<vmem>>) dst(%dma_wait3A_131 : memref<16x512xi32, #tpu.memory_space<hbm>>)
    %add3A_132 = arith.constant 64 : i32
    %add3A_133 = arith.addi %add3A_132, %add3A_7 : i32
    %add3A_134 = arith.constant 128 : i32
    %add3A_135 = arith.addi %add3A_134, %add3A_7 : i32
    %dma_wait3A_136 = tpu.memref_bitcast %arg4 : memref<192x512x512xi8, #tpu.memory_space<hbm>> -> memref<192x128x512xi32, #tpu.memory_space<hbm>>
    %dma_wait3A_137 = arith.constant 112 : i32
    %dma_wait3A_138 = arith.constant 0 : i32
    %dma_wait3A_139 = tpu.memref_slice %dma_wait3A_136[%add3A_7, %dma_wait3A_137, %dma_wait3A_138] : memref<192x128x512xi32, #tpu.memory_space<hbm>> -> memref<1x16x512xi32, #tpu.memory_space<hbm>>
    %dma_wait3A_140 = tpu.memref_squeeze %dma_wait3A_139 : memref<1x16x512xi32, #tpu.memory_space<hbm>> -> memref<16x512xi32, #tpu.memory_space<hbm>>
    %dma_wait3A_141 = tpu.memref_bitcast %arg4 : memref<192x512x512xi8, #tpu.memory_space<hbm>> -> memref<192x128x512xi32, #tpu.memory_space<hbm>>
    %dma_wait3A_142 = arith.constant 112 : i32
    %dma_wait3A_143 = arith.constant 0 : i32
    %dma_wait3A_144 = tpu.memref_slice %dma_wait3A_141[%add3A_7, %dma_wait3A_142, %dma_wait3A_143] : memref<192x128x512xi32, #tpu.memory_space<hbm>> -> memref<1x16x512xi32, #tpu.memory_space<hbm>>
    %dma_wait3A_145 = tpu.memref_squeeze %dma_wait3A_144 : memref<1x16x512xi32, #tpu.memory_space<hbm>> -> memref<16x512xi32, #tpu.memory_space<hbm>>
    tpu.wait_dma2 semaphore(%arg21 : memref<!tpu.dma_semaphore, #tpu.memory_space<semaphore_mem>>) src(%arg10 : memref<16x512xi32, #tpu.memory_space<vmem>>) dst(%dma_wait3A_145 : memref<16x512xi32, #tpu.memory_space<hbm>>)
    %dma_wait3A_146 = tpu.memref_bitcast %arg4 : memref<192x512x512xi8, #tpu.memory_space<hbm>> -> memref<192x128x512xi32, #tpu.memory_space<hbm>>
    %dma_wait3A_147 = arith.constant 112 : i32
    %dma_wait3A_148 = arith.constant 0 : i32
    %dma_wait3A_149 = tpu.memref_slice %dma_wait3A_146[%add3A_133, %dma_wait3A_147, %dma_wait3A_148] : memref<192x128x512xi32, #tpu.memory_space<hbm>> -> memref<1x16x512xi32, #tpu.memory_space<hbm>>
    %dma_wait3A_150 = tpu.memref_squeeze %dma_wait3A_149 : memref<1x16x512xi32, #tpu.memory_space<hbm>> -> memref<16x512xi32, #tpu.memory_space<hbm>>
    %dma_wait3A_151 = tpu.memref_bitcast %arg4 : memref<192x512x512xi8, #tpu.memory_space<hbm>> -> memref<192x128x512xi32, #tpu.memory_space<hbm>>
    %dma_wait3A_152 = arith.constant 112 : i32
    %dma_wait3A_153 = arith.constant 0 : i32
    %dma_wait3A_154 = tpu.memref_slice %dma_wait3A_151[%add3A_133, %dma_wait3A_152, %dma_wait3A_153] : memref<192x128x512xi32, #tpu.memory_space<hbm>> -> memref<1x16x512xi32, #tpu.memory_space<hbm>>
    %dma_wait3A_155 = tpu.memref_squeeze %dma_wait3A_154 : memref<1x16x512xi32, #tpu.memory_space<hbm>> -> memref<16x512xi32, #tpu.memory_space<hbm>>
    tpu.wait_dma2 semaphore(%arg21 : memref<!tpu.dma_semaphore, #tpu.memory_space<semaphore_mem>>) src(%arg11 : memref<16x512xi32, #tpu.memory_space<vmem>>) dst(%dma_wait3A_155 : memref<16x512xi32, #tpu.memory_space<hbm>>)
    %dma_wait3A_156 = tpu.memref_bitcast %arg4 : memref<192x512x512xi8, #tpu.memory_space<hbm>> -> memref<192x128x512xi32, #tpu.memory_space<hbm>>
    %dma_wait3A_157 = arith.constant 112 : i32
    %dma_wait3A_158 = arith.constant 0 : i32
    %dma_wait3A_159 = tpu.memref_slice %dma_wait3A_156[%add3A_135, %dma_wait3A_157, %dma_wait3A_158] : memref<192x128x512xi32, #tpu.memory_space<hbm>> -> memref<1x16x512xi32, #tpu.memory_space<hbm>>
    %dma_wait3A_160 = tpu.memref_squeeze %dma_wait3A_159 : memref<1x16x512xi32, #tpu.memory_space<hbm>> -> memref<16x512xi32, #tpu.memory_space<hbm>>
    %dma_wait3A_161 = tpu.memref_bitcast %arg4 : memref<192x512x512xi8, #tpu.memory_space<hbm>> -> memref<192x128x512xi32, #tpu.memory_space<hbm>>
    %dma_wait3A_162 = arith.constant 112 : i32
    %dma_wait3A_163 = arith.constant 0 : i32
    %dma_wait3A_164 = tpu.memref_slice %dma_wait3A_161[%add3A_135, %dma_wait3A_162, %dma_wait3A_163] : memref<192x128x512xi32, #tpu.memory_space<hbm>> -> memref<1x16x512xi32, #tpu.memory_space<hbm>>
    %dma_wait3A_165 = tpu.memref_squeeze %dma_wait3A_164 : memref<1x16x512xi32, #tpu.memory_space<hbm>> -> memref<16x512xi32, #tpu.memory_space<hbm>>
    tpu.wait_dma2 semaphore(%arg21 : memref<!tpu.dma_semaphore, #tpu.memory_space<semaphore_mem>>) src(%arg12 : memref<16x512xi32, #tpu.memory_space<vmem>>) dst(%dma_wait3A_165 : memref<16x512xi32, #tpu.memory_space<hbm>>)
    %mul3A_166 = arith.constant 2 : i32
    %mul3A_167 = arith.muli %add3A, %mul3A_166 : i32
    %add3A_168 = arith.constant 1 : i32
    %add3A_169 = arith.addi %mul3A_167, %add3A_168 : i32
    %dma_start3A_170 = arith.constant 0 : i32
    %dma_start3A_171 = arith.constant 0 : i32
    %dma_start3A_172 = arith.constant 0 : i32
    %dma_start3A_173 = tpu.memref_slice %arg2[%add3A_169, %dma_start3A_170, %dma_start3A_171, %dma_start3A_172] : memref<64x1x512x512xf32, #tpu.memory_space<hbm>> -> memref<1x1x64x512xf32, #tpu.memory_space<hbm>>
    %dma_start3A_174 = tpu.memref_squeeze %dma_start3A_173 : memref<1x1x64x512xf32, #tpu.memory_space<hbm>> -> memref<64x512xf32, #tpu.memory_space<hbm>>
    %dma_start3A_175 = arith.constant 0 : i32
    %dma_start3A_176 = arith.constant 0 : i32
    %dma_start3A_177 = tpu.memref_slice %arg2[%add3A_169, %dma_start3A_170, %dma_start3A_175, %dma_start3A_176] : memref<64x1x512x512xf32, #tpu.memory_space<hbm>> -> memref<1x1x64x512xf32, #tpu.memory_space<hbm>>
    %dma_start3A_178 = tpu.memref_squeeze %dma_start3A_177 : memref<1x1x64x512xf32, #tpu.memory_space<hbm>> -> memref<64x512xf32, #tpu.memory_space<hbm>>
    tpu.enqueue_dma source(%dma_start3A_178 : memref<64x512xf32, #tpu.memory_space<hbm>>) target(%arg5 : memref<64x512xf32, #tpu.memory_space<vmem>>) target_semaphore(%arg18 : memref<!tpu.dma_semaphore, #tpu.memory_space<semaphore_mem>>)
    %broadcast_in_dim3A_179 = arith.constant 0x7F800000 : f32
    %broadcast_in_dim3A_180 = vector.broadcast %broadcast_in_dim3A_179 : f32 to vector<16xf32>
    %neg3A_181 = arith.constant 0.000000e+00 : f32
    %neg3A_182 = vector.broadcast %neg3A_181 : f32 to vector<16xf32>
    %neg3A_183 = arith.subf %neg3A_182, %broadcast_in_dim3A_180 : vector<16xf32>
    %scan3A_184 = arith.constant 0 : i32
    %scan3A_185 = arith.constant 4 : i32
    %scan3A_186 = arith.addi %scan3A_184, %scan3A_185 : i32
    %scan3A_187 = arith.constant 1 : i32
    %scan3A_188:2 = scf.for %scan3A_340 = %scan3A_184 to %scan3A_186 step %scan3A_187 iter_args(%scan3A_341 = %broadcast_in_dim3A_180, %scan3A_342 = %neg3A_183) -> (vector<16xf32>, vector<16xf32>)  : i32 {
      %mul3A_343 = arith.constant 2 : i32
      %mul3A_344 = arith.muli %mul3A_343, %scan3A_340 : i32
      %mul3A_345 = arith.constant 64 : i32
      %mul3A_346 = arith.muli %mul3A_344, %mul3A_345 : i32
      %dma_wait3A_347 = arith.constant 0 : i32
      %dma_wait3A_348 = arith.constant 0 : i32
      %dma_wait3A_349 = tpu.memref_slice %arg2[%add3A_169, %dma_wait3A_347, %mul3A_346, %dma_wait3A_348] : memref<64x1x512x512xf32, #tpu.memory_space<hbm>> -> memref<1x1x64x512xf32, #tpu.memory_space<hbm>>
      %dma_wait3A_350 = tpu.memref_squeeze %dma_wait3A_349 : memref<1x1x64x512xf32, #tpu.memory_space<hbm>> -> memref<64x512xf32, #tpu.memory_space<hbm>>
      %dma_wait3A_351 = arith.constant 0 : i32
      %dma_wait3A_352 = tpu.memref_slice %arg2[%add3A_169, %dma_wait3A_347, %mul3A_346, %dma_wait3A_351] : memref<64x1x512x512xf32, #tpu.memory_space<hbm>> -> memref<1x1x64x512xf32, #tpu.memory_space<hbm>>
      %dma_wait3A_353 = tpu.memref_squeeze %dma_wait3A_352 : memref<1x1x64x512xf32, #tpu.memory_space<hbm>> -> memref<64x512xf32, #tpu.memory_space<hbm>>
      tpu.wait_dma2 semaphore(%arg18 : memref<!tpu.dma_semaphore, #tpu.memory_space<semaphore_mem>>) src(%dma_wait3A_353 : memref<64x512xf32, #tpu.memory_space<hbm>>) dst(%arg5 : memref<64x512xf32, #tpu.memory_space<vmem>>)
      %add3A_354 = arith.constant 1 : i32
      %add3A_355 = arith.addi %mul3A_344, %add3A_354 : i32
      %mul3A_356 = arith.constant 64 : i32
      %mul3A_357 = arith.muli %add3A_355, %mul3A_356 : i32
      %dma_start3A_358 = arith.constant 0 : i32
      %dma_start3A_359 = arith.constant 0 : i32
      %dma_start3A_360 = tpu.memref_slice %arg2[%add3A_169, %dma_start3A_358, %mul3A_357, %dma_start3A_359] : memref<64x1x512x512xf32, #tpu.memory_space<hbm>> -> memref<1x1x64x512xf32, #tpu.memory_space<hbm>>
      %dma_start3A_361 = tpu.memref_squeeze %dma_start3A_360 : memref<1x1x64x512xf32, #tpu.memory_space<hbm>> -> memref<64x512xf32, #tpu.memory_space<hbm>>
      %dma_start3A_362 = arith.constant 0 : i32
      %dma_start3A_363 = tpu.memref_slice %arg2[%add3A_169, %dma_start3A_358, %mul3A_357, %dma_start3A_362] : memref<64x1x512x512xf32, #tpu.memory_space<hbm>> -> memref<1x1x64x512xf32, #tpu.memory_space<hbm>>
      %dma_start3A_364 = tpu.memref_squeeze %dma_start3A_363 : memref<1x1x64x512xf32, #tpu.memory_space<hbm>> -> memref<64x512xf32, #tpu.memory_space<hbm>>
      tpu.enqueue_dma source(%dma_start3A_364 : memref<64x512xf32, #tpu.memory_space<hbm>>) target(%arg6 : memref<64x512xf32, #tpu.memory_space<vmem>>) target_semaphore(%arg19 : memref<!tpu.dma_semaphore, #tpu.memory_space<semaphore_mem>>)
      %parallel_loop3A = arith.constant 0 : i32
      %parallel_loop3A_365 = arith.constant 64 : i32
      %parallel_loop3A_366 = arith.constant 1 : i32
      %parallel_loop3A_367:8 = scf.for %parallel_loop3A_397 = %parallel_loop3A to %parallel_loop3A_365 step %parallel_loop3A_366 iter_args(%parallel_loop3A_398 = %scan3A_341, %parallel_loop3A_399 = %scan3A_341, %parallel_loop3A_400 = %scan3A_341, %parallel_loop3A_401 = %scan3A_341, %parallel_loop3A_402 = %scan3A_342, %parallel_loop3A_403 = %scan3A_342, %parallel_loop3A_404 = %scan3A_342, %parallel_loop3A_405 = %scan3A_342) -> (vector<16xf32>, vector<16xf32>, vector<16xf32>, vector<16xf32>, vector<16xf32>, vector<16xf32>, vector<16xf32>, vector<16xf32>)  : i32 {
        %parallel_loop3A_406 = arith.index_cast %parallel_loop3A_397 : i32 to index
        %parallel_loop3A_407 = arith.constant 0 : index
        %parallel_loop3A_408 = tpu.vector_load %arg5[%parallel_loop3A_406, %parallel_loop3A_407] {strides = array<i32>} : memref<64x512xf32, #tpu.memory_space<vmem>>, vector<16xf32>,
        %parallel_loop3A_409 = arith.minimumf %parallel_loop3A_398, %parallel_loop3A_408 : vector<16xf32>
        %parallel_loop3A_410 = arith.maximumf %parallel_loop3A_402, %parallel_loop3A_408 : vector<16xf32>
        %parallel_loop3A_411 = arith.index_cast %parallel_loop3A_397 : i32 to index
        %parallel_loop3A_412 = arith.constant 16 : index
        %parallel_loop3A_413 = tpu.vector_load %arg5[%parallel_loop3A_411, %parallel_loop3A_412] {strides = array<i32>} : memref<64x512xf32, #tpu.memory_space<vmem>>, vector<16xf32>,
        %parallel_loop3A_414 = arith.minimumf %parallel_loop3A_399, %parallel_loop3A_413 : vector<16xf32>
        %parallel_loop3A_415 = arith.maximumf %parallel_loop3A_403, %parallel_loop3A_413 : vector<16xf32>
        %parallel_loop3A_416 = arith.index_cast %parallel_loop3A_397 : i32 to index
        %parallel_loop3A_417 = arith.constant 32 : index
        %parallel_loop3A_418 = tpu.vector_load %arg5[%parallel_loop3A_416, %parallel_loop3A_417] {strides = array<i32>} : memref<64x512xf32, #tpu.memory_space<vmem>>, vector<16xf32>,
        %parallel_loop3A_419 = arith.minimumf %parallel_loop3A_400, %parallel_loop3A_418 : vector<16xf32>
        %parallel_loop3A_420 = arith.maximumf %parallel_loop3A_404, %parallel_loop3A_418 : vector<16xf32>
        %parallel_loop3A_421 = arith.index_cast %parallel_loop3A_397 : i32 to index
        %parallel_loop3A_422 = arith.constant 48 : index
        %parallel_loop3A_423 = tpu.vector_load %arg5[%parallel_loop3A_421, %parallel_loop3A_422] {strides = array<i32>} : memref<64x512xf32, #tpu.memory_space<vmem>>, vector<16xf32>,
        %parallel_loop3A_424 = arith.minimumf %parallel_loop3A_401, %parallel_loop3A_423 : vector<16xf32>
        %parallel_loop3A_425 = arith.maximumf %parallel_loop3A_405, %parallel_loop3A_423 : vector<16xf32>
        %parallel_loop3A_426 = arith.index_cast %parallel_loop3A_397 : i32 to index
        %parallel_loop3A_427 = arith.constant 64 : index
        %parallel_loop3A_428 = tpu.vector_load %arg5[%parallel_loop3A_426, %parallel_loop3A_427] {strides = array<i32>} : memref<64x512xf32, #tpu.memory_space<vmem>>, vector<16xf32>,
        %parallel_loop3A_429 = arith.minimumf %parallel_loop3A_409, %parallel_loop3A_428 : vector<16xf32>
        %parallel_loop3A_430 = arith.maximumf %parallel_loop3A_410, %parallel_loop3A_428 : vector<16xf32>
        %parallel_loop3A_431 = arith.index_cast %parallel_loop3A_397 : i32 to index
        %parallel_loop3A_432 = arith.constant 80 : index
        %parallel_loop3A_433 = tpu.vector_load %arg5[%parallel_loop3A_431, %parallel_loop3A_432] {strides = array<i32>} : memref<64x512xf32, #tpu.memory_space<vmem>>, vector<16xf32>,
        %parallel_loop3A_434 = arith.minimumf %parallel_loop3A_414, %parallel_loop3A_433 : vector<16xf32>
        %parallel_loop3A_435 = arith.maximumf %parallel_loop3A_415, %parallel_loop3A_433 : vector<16xf32>
        %parallel_loop3A_436 = arith.index_cast %parallel_loop3A_397 : i32 to index
        %parallel_loop3A_437 = arith.constant 96 : index
        %parallel_loop3A_438 = tpu.vector_load %arg5[%parallel_loop3A_436, %parallel_loop3A_437] {strides = array<i32>} : memref<64x512xf32, #tpu.memory_space<vmem>>, vector<16xf32>,
        %parallel_loop3A_439 = arith.minimumf %parallel_loop3A_419, %parallel_loop3A_438 : vector<16xf32>
        %parallel_loop3A_440 = arith.maximumf %parallel_loop3A_420, %parallel_loop3A_438 : vector<16xf32>
        %parallel_loop3A_441 = arith.index_cast %parallel_loop3A_397 : i32 to index
        %parallel_loop3A_442 = arith.constant 112 : index
        %parallel_loop3A_443 = tpu.vector_load %arg5[%parallel_loop3A_441, %parallel_loop3A_442] {strides = array<i32>} : memref<64x512xf32, #tpu.memory_space<vmem>>, vector<16xf32>,
        %parallel_loop3A_444 = arith.minimumf %parallel_loop3A_424, %parallel_loop3A_443 : vector<16xf32>
        %parallel_loop3A_445 = arith.maximumf %parallel_loop3A_425, %parallel_loop3A_443 : vector<16xf32>
        %parallel_loop3A_446 = arith.index_cast %parallel_loop3A_397 : i32 to index
        %parallel_loop3A_447 = arith.constant 128 : index
        %parallel_loop3A_448 = tpu.vector_load %arg5[%parallel_loop3A_446, %parallel_loop3A_447] {strides = array<i32>} : memref<64x512xf32, #tpu.memory_space<vmem>>, vector<16xf32>,
        %parallel_loop3A_449 = arith.minimumf %parallel_loop3A_429, %parallel_loop3A_448 : vector<16xf32>
        %parallel_loop3A_450 = arith.maximumf %parallel_loop3A_430, %parallel_loop3A_448 : vector<16xf32>
        %parallel_loop3A_451 = arith.index_cast %parallel_loop3A_397 : i32 to index
        %parallel_loop3A_452 = arith.constant 144 : index
        %parallel_loop3A_453 = tpu.vector_load %arg5[%parallel_loop3A_451, %parallel_loop3A_452] {strides = array<i32>} : memref<64x512xf32, #tpu.memory_space<vmem>>, vector<16xf32>,
        %parallel_loop3A_454 = arith.minimumf %parallel_loop3A_434, %parallel_loop3A_453 : vector<16xf32>
        %parallel_loop3A_455 = arith.maximumf %parallel_loop3A_435, %parallel_loop3A_453 : vector<16xf32>
        %parallel_loop3A_456 = arith.index_cast %parallel_loop3A_397 : i32 to index
        %parallel_loop3A_457 = arith.constant 160 : index
        %parallel_loop3A_458 = tpu.vector_load %arg5[%parallel_loop3A_456, %parallel_loop3A_457] {strides = array<i32>} : memref<64x512xf32, #tpu.memory_space<vmem>>, vector<16xf32>,
        %parallel_loop3A_459 = arith.minimumf %parallel_loop3A_439, %parallel_loop3A_458 : vector<16xf32>
        %parallel_loop3A_460 = arith.maximumf %parallel_loop3A_440, %parallel_loop3A_458 : vector<16xf32>
        %parallel_loop3A_461 = arith.index_cast %parallel_loop3A_397 : i32 to index
        %parallel_loop3A_462 = arith.constant 176 : index
        %parallel_loop3A_463 = tpu.vector_load %arg5[%parallel_loop3A_461, %parallel_loop3A_462] {strides = array<i32>} : memref<64x512xf32, #tpu.memory_space<vmem>>, vector<16xf32>,
        %parallel_loop3A_464 = arith.minimumf %parallel_loop3A_444, %parallel_loop3A_463 : vector<16xf32>
        %parallel_loop3A_465 = arith.maximumf %parallel_loop3A_445, %parallel_loop3A_463 : vector<16xf32>
        %parallel_loop3A_466 = arith.index_cast %parallel_loop3A_397 : i32 to index
        %parallel_loop3A_467 = arith.constant 192 : index
        %parallel_loop3A_468 = tpu.vector_load %arg5[%parallel_loop3A_466, %parallel_loop3A_467] {strides = array<i32>} : memref<64x512xf32, #tpu.memory_space<vmem>>, vector<16xf32>,
        %parallel_loop3A_469 = arith.minimumf %parallel_loop3A_449, %parallel_loop3A_468 : vector<16xf32>
        %parallel_loop3A_470 = arith.maximumf %parallel_loop3A_450, %parallel_loop3A_468 : vector<16xf32>
        %parallel_loop3A_471 = arith.index_cast %parallel_loop3A_397 : i32 to index
        %parallel_loop3A_472 = arith.constant 208 : index
        %parallel_loop3A_473 = tpu.vector_load %arg5[%parallel_loop3A_471, %parallel_loop3A_472] {strides = array<i32>} : memref<64x512xf32, #tpu.memory_space<vmem>>, vector<16xf32>,
        %parallel_loop3A_474 = arith.minimumf %parallel_loop3A_454, %parallel_loop3A_473 : vector<16xf32>
        %parallel_loop3A_475 = arith.maximumf %parallel_loop3A_455, %parallel_loop3A_473 : vector<16xf32>
        %parallel_loop3A_476 = arith.index_cast %parallel_loop3A_397 : i32 to index
        %parallel_loop3A_477 = arith.constant 224 : index
        %parallel_loop3A_478 = tpu.vector_load %arg5[%parallel_loop3A_476, %parallel_loop3A_477] {strides = array<i32>} : memref<64x512xf32, #tpu.memory_space<vmem>>, vector<16xf32>,
        %parallel_loop3A_479 = arith.minimumf %parallel_loop3A_459, %parallel_loop3A_478 : vector<16xf32>
        %parallel_loop3A_480 = arith.maximumf %parallel_loop3A_460, %parallel_loop3A_478 : vector<16xf32>
        %parallel_loop3A_481 = arith.index_cast %parallel_loop3A_397 : i32 to index
        %parallel_loop3A_482 = arith.constant 240 : index
        %parallel_loop3A_483 = tpu.vector_load %arg5[%parallel_loop3A_481, %parallel_loop3A_482] {strides = array<i32>} : memref<64x512xf32, #tpu.memory_space<vmem>>, vector<16xf32>,
        %parallel_loop3A_484 = arith.minimumf %parallel_loop3A_464, %parallel_loop3A_483 : vector<16xf32>
        %parallel_loop3A_485 = arith.maximumf %parallel_loop3A_465, %parallel_loop3A_483 : vector<16xf32>
        %parallel_loop3A_486 = arith.index_cast %parallel_loop3A_397 : i32 to index
        %parallel_loop3A_487 = arith.constant 256 : index
        %parallel_loop3A_488 = tpu.vector_load %arg5[%parallel_loop3A_486, %parallel_loop3A_487] {strides = array<i32>} : memref<64x512xf32, #tpu.memory_space<vmem>>, vector<16xf32>,
        %parallel_loop3A_489 = arith.minimumf %parallel_loop3A_469, %parallel_loop3A_488 : vector<16xf32>
        %parallel_loop3A_490 = arith.maximumf %parallel_loop3A_470, %parallel_loop3A_488 : vector<16xf32>
        %parallel_loop3A_491 = arith.index_cast %parallel_loop3A_397 : i32 to index
        %parallel_loop3A_492 = arith.constant 272 : index
        %parallel_loop3A_493 = tpu.vector_load %arg5[%parallel_loop3A_491, %parallel_loop3A_492] {strides = array<i32>} : memref<64x512xf32, #tpu.memory_space<vmem>>, vector<16xf32>,
        %parallel_loop3A_494 = arith.minimumf %parallel_loop3A_474, %parallel_loop3A_493 : vector<16xf32>
        %parallel_loop3A_495 = arith.maximumf %parallel_loop3A_475, %parallel_loop3A_493 : vector<16xf32>
        %parallel_loop3A_496 = arith.index_cast %parallel_loop3A_397 : i32 to index
        %parallel_loop3A_497 = arith.constant 288 : index
        %parallel_loop3A_498 = tpu.vector_load %arg5[%parallel_loop3A_496, %parallel_loop3A_497] {strides = array<i32>} : memref<64x512xf32, #tpu.memory_space<vmem>>, vector<16xf32>,
        %parallel_loop3A_499 = arith.minimumf %parallel_loop3A_479, %parallel_loop3A_498 : vector<16xf32>
        %parallel_loop3A_500 = arith.maximumf %parallel_loop3A_480, %parallel_loop3A_498 : vector<16xf32>
        %parallel_loop3A_501 = arith.index_cast %parallel_loop3A_397 : i32 to index
        %parallel_loop3A_502 = arith.constant 304 : index
        %parallel_loop3A_503 = tpu.vector_load %arg5[%parallel_loop3A_501, %parallel_loop3A_502] {strides = array<i32>} : memref<64x512xf32, #tpu.memory_space<vmem>>, vector<16xf32>,
        %parallel_loop3A_504 = arith.minimumf %parallel_loop3A_484, %parallel_loop3A_503 : vector<16xf32>
        %parallel_loop3A_505 = arith.maximumf %parallel_loop3A_485, %parallel_loop3A_503 : vector<16xf32>
        %parallel_loop3A_506 = arith.index_cast %parallel_loop3A_397 : i32 to index
        %parallel_loop3A_507 = arith.constant 320 : index
        %parallel_loop3A_508 = tpu.vector_load %arg5[%parallel_loop3A_506, %parallel_loop3A_507] {strides = array<i32>} : memref<64x512xf32, #tpu.memory_space<vmem>>, vector<16xf32>,
        %parallel_loop3A_509 = arith.minimumf %parallel_loop3A_489, %parallel_loop3A_508 : vector<16xf32>
        %parallel_loop3A_510 = arith.maximumf %parallel_loop3A_490, %parallel_loop3A_508 : vector<16xf32>
        %parallel_loop3A_511 = arith.index_cast %parallel_loop3A_397 : i32 to index
        %parallel_loop3A_512 = arith.constant 336 : index
        %parallel_loop3A_513 = tpu.vector_load %arg5[%parallel_loop3A_511, %parallel_loop3A_512] {strides = array<i32>} : memref<64x512xf32, #tpu.memory_space<vmem>>, vector<16xf32>,
        %parallel_loop3A_514 = arith.minimumf %parallel_loop3A_494, %parallel_loop3A_513 : vector<16xf32>
        %parallel_loop3A_515 = arith.maximumf %parallel_loop3A_495, %parallel_loop3A_513 : vector<16xf32>
        %parallel_loop3A_516 = arith.index_cast %parallel_loop3A_397 : i32 to index
        %parallel_loop3A_517 = arith.constant 352 : index
        %parallel_loop3A_518 = tpu.vector_load %arg5[%parallel_loop3A_516, %parallel_loop3A_517] {strides = array<i32>} : memref<64x512xf32, #tpu.memory_space<vmem>>, vector<16xf32>,
        %parallel_loop3A_519 = arith.minimumf %parallel_loop3A_499, %parallel_loop3A_518 : vector<16xf32>
        %parallel_loop3A_520 = arith.maximumf %parallel_loop3A_500, %parallel_loop3A_518 : vector<16xf32>
        %parallel_loop3A_521 = arith.index_cast %parallel_loop3A_397 : i32 to index
        %parallel_loop3A_522 = arith.constant 368 : index
        %parallel_loop3A_523 = tpu.vector_load %arg5[%parallel_loop3A_521, %parallel_loop3A_522] {strides = array<i32>} : memref<64x512xf32, #tpu.memory_space<vmem>>, vector<16xf32>,
        %parallel_loop3A_524 = arith.minimumf %parallel_loop3A_504, %parallel_loop3A_523 : vector<16xf32>
        %parallel_loop3A_525 = arith.maximumf %parallel_loop3A_505, %parallel_loop3A_523 : vector<16xf32>
        %parallel_loop3A_526 = arith.index_cast %parallel_loop3A_397 : i32 to index
        %parallel_loop3A_527 = arith.constant 384 : index
        %parallel_loop3A_528 = tpu.vector_load %arg5[%parallel_loop3A_526, %parallel_loop3A_527] {strides = array<i32>} : memref<64x512xf32, #tpu.memory_space<vmem>>, vector<16xf32>,
        %parallel_loop3A_529 = arith.minimumf %parallel_loop3A_509, %parallel_loop3A_528 : vector<16xf32>
        %parallel_loop3A_530 = arith.maximumf %parallel_loop3A_510, %parallel_loop3A_528 : vector<16xf32>
        %parallel_loop3A_531 = arith.index_cast %parallel_loop3A_397 : i32 to index
        %parallel_loop3A_532 = arith.constant 400 : index
        %parallel_loop3A_533 = tpu.vector_load %arg5[%parallel_loop3A_531, %parallel_loop3A_532] {strides = array<i32>} : memref<64x512xf32, #tpu.memory_space<vmem>>, vector<16xf32>,
        %parallel_loop3A_534 = arith.minimumf %parallel_loop3A_514, %parallel_loop3A_533 : vector<16xf32>
        %parallel_loop3A_535 = arith.maximumf %parallel_loop3A_515, %parallel_loop3A_533 : vector<16xf32>
        %parallel_loop3A_536 = arith.index_cast %parallel_loop3A_397 : i32 to index
        %parallel_loop3A_537 = arith.constant 416 : index
        %parallel_loop3A_538 = tpu.vector_load %arg5[%parallel_loop3A_536, %parallel_loop3A_537] {strides = array<i32>} : memref<64x512xf32, #tpu.memory_space<vmem>>, vector<16xf32>,
        %parallel_loop3A_539 = arith.minimumf %parallel_loop3A_519, %parallel_loop3A_538 : vector<16xf32>
        %parallel_loop3A_540 = arith.maximumf %parallel_loop3A_520, %parallel_loop3A_538 : vector<16xf32>
        %parallel_loop3A_541 = arith.index_cast %parallel_loop3A_397 : i32 to index
        %parallel_loop3A_542 = arith.constant 432 : index
        %parallel_loop3A_543 = tpu.vector_load %arg5[%parallel_loop3A_541, %parallel_loop3A_542] {strides = array<i32>} : memref<64x512xf32, #tpu.memory_space<vmem>>, vector<16xf32>,
        %parallel_loop3A_544 = arith.minimumf %parallel_loop3A_524, %parallel_loop3A_543 : vector<16xf32>
        %parallel_loop3A_545 = arith.maximumf %parallel_loop3A_525, %parallel_loop3A_543 : vector<16xf32>
        %parallel_loop3A_546 = arith.index_cast %parallel_loop3A_397 : i32 to index
        %parallel_loop3A_547 = arith.constant 448 : index
        %parallel_loop3A_548 = tpu.vector_load %arg5[%parallel_loop3A_546, %parallel_loop3A_547] {strides = array<i32>} : memref<64x512xf32, #tpu.memory_space<vmem>>, vector<16xf32>,
        %parallel_loop3A_549 = arith.minimumf %parallel_loop3A_529, %parallel_loop3A_548 : vector<16xf32>
        %parallel_loop3A_550 = arith.maximumf %parallel_loop3A_530, %parallel_loop3A_548 : vector<16xf32>
        %parallel_loop3A_551 = arith.index_cast %parallel_loop3A_397 : i32 to index
        %parallel_loop3A_552 = arith.constant 464 : index
        %parallel_loop3A_553 = tpu.vector_load %arg5[%parallel_loop3A_551, %parallel_loop3A_552] {strides = array<i32>} : memref<64x512xf32, #tpu.memory_space<vmem>>, vector<16xf32>,
        %parallel_loop3A_554 = arith.minimumf %parallel_loop3A_534, %parallel_loop3A_553 : vector<16xf32>
        %parallel_loop3A_555 = arith.maximumf %parallel_loop3A_535, %parallel_loop3A_553 : vector<16xf32>
        %parallel_loop3A_556 = arith.index_cast %parallel_loop3A_397 : i32 to index
        %parallel_loop3A_557 = arith.constant 480 : index
        %parallel_loop3A_558 = tpu.vector_load %arg5[%parallel_loop3A_556, %parallel_loop3A_557] {strides = array<i32>} : memref<64x512xf32, #tpu.memory_space<vmem>>, vector<16xf32>,
        %parallel_loop3A_559 = arith.minimumf %parallel_loop3A_539, %parallel_loop3A_558 : vector<16xf32>
        %parallel_loop3A_560 = arith.maximumf %parallel_loop3A_540, %parallel_loop3A_558 : vector<16xf32>
        %parallel_loop3A_561 = arith.index_cast %parallel_loop3A_397 : i32 to index
        %parallel_loop3A_562 = arith.constant 496 : index
        %parallel_loop3A_563 = tpu.vector_load %arg5[%parallel_loop3A_561, %parallel_loop3A_562] {strides = array<i32>} : memref<64x512xf32, #tpu.memory_space<vmem>>, vector<16xf32>,
        %parallel_loop3A_564 = arith.minimumf %parallel_loop3A_544, %parallel_loop3A_563 : vector<16xf32>
        %parallel_loop3A_565 = arith.maximumf %parallel_loop3A_545, %parallel_loop3A_563 : vector<16xf32>
        scf.yield %parallel_loop3A_549, %parallel_loop3A_554, %parallel_loop3A_559, %parallel_loop3A_564, %parallel_loop3A_550, %parallel_loop3A_555, %parallel_loop3A_560, %parallel_loop3A_565 : vector<16xf32>, vector<16xf32>, vector<16xf32>, vector<16xf32>, vector<16xf32>, vector<16xf32>, vector<16xf32>, vector<16xf32>
      } {sc.loop_unroll_factor = 2 : i64, sc.parallel_access}
      %min3A_368 = arith.minimumf %parallel_loop3A_367#0, %parallel_loop3A_367#1 : vector<16xf32>
      %min3A_369 = arith.minimumf %parallel_loop3A_367#2, %parallel_loop3A_367#3 : vector<16xf32>
      %min3A_370 = arith.minimumf %min3A_368, %min3A_369 : vector<16xf32>
      %max3A_371 = arith.maximumf %parallel_loop3A_367#4, %parallel_loop3A_367#5 : vector<16xf32>
      %max3A_372 = arith.maximumf %parallel_loop3A_367#6, %parallel_loop3A_367#7 : vector<16xf32>
      %max3A_373 = arith.maximumf %max3A_371, %max3A_372 : vector<16xf32>
      %add3A_374 = arith.constant 1 : i32
      %add3A_375 = arith.addi %mul3A_344, %add3A_374 : i32
      %mul3A_376 = arith.constant 64 : i32
      %mul3A_377 = arith.muli %add3A_375, %mul3A_376 : i32
      %dma_wait3A_378 = arith.constant 0 : i32
      %dma_wait3A_379 = arith.constant 0 : i32
      %dma_wait3A_380 = tpu.memref_slice %arg2[%add3A_169, %dma_wait3A_378, %mul3A_377, %dma_wait3A_379] : memref<64x1x512x512xf32, #tpu.memory_space<hbm>> -> memref<1x1x64x512xf32, #tpu.memory_space<hbm>>
      %dma_wait3A_381 = tpu.memref_squeeze %dma_wait3A_380 : memref<1x1x64x512xf32, #tpu.memory_space<hbm>> -> memref<64x512xf32, #tpu.memory_space<hbm>>
      %dma_wait3A_382 = arith.constant 0 : i32
      %dma_wait3A_383 = tpu.memref_slice %arg2[%add3A_169, %dma_wait3A_378, %mul3A_377, %dma_wait3A_382] : memref<64x1x512x512xf32, #tpu.memory_space<hbm>> -> memref<1x1x64x512xf32, #tpu.memory_space<hbm>>
      %dma_wait3A_384 = tpu.memref_squeeze %dma_wait3A_383 : memref<1x1x64x512xf32, #tpu.memory_space<hbm>> -> memref<64x512xf32, #tpu.memory_space<hbm>>
      tpu.wait_dma2 semaphore(%arg19 : memref<!tpu.dma_semaphore, #tpu.memory_space<semaphore_mem>>) src(%dma_wait3A_384 : memref<64x512xf32, #tpu.memory_space<hbm>>) dst(%arg6 : memref<64x512xf32, #tpu.memory_space<vmem>>)
      %lt3A = arith.constant 3 : i32
      %lt3A_385 = arith.cmpi slt, %scan3A_340, %lt3A : i32
      %convert_element_type3A = arith.extui %lt3A_385 : i1 to i32
      %cond3A = arith.constant 0 : i32
      %cond3A_386 = arith.cmpi ne, %convert_element_type3A, %cond3A : i32
      scf.if %cond3A_386 {
        %add3A_397 = arith.constant 2 : i32
        %add3A_398 = arith.addi %mul3A_344, %add3A_397 : i32
        %mul3A_399 = arith.constant 64 : i32
        %mul3A_400 = arith.muli %add3A_398, %mul3A_399 : i32
        %dma_start3A_401 = arith.constant 0 : i32
        %dma_start3A_402 = arith.constant 0 : i32
        %dma_start3A_403 = tpu.memref_slice %arg2[%add3A_169, %dma_start3A_401, %mul3A_400, %dma_start3A_402] : memref<64x1x512x512xf32, #tpu.memory_space<hbm>> -> memref<1x1x64x512xf32, #tpu.memory_space<hbm>>
        %dma_start3A_404 = tpu.memref_squeeze %dma_start3A_403 : memref<1x1x64x512xf32, #tpu.memory_space<hbm>> -> memref<64x512xf32, #tpu.memory_space<hbm>>
        %dma_start3A_405 = arith.constant 0 : i32
        %dma_start3A_406 = tpu.memref_slice %arg2[%add3A_169, %dma_start3A_401, %mul3A_400, %dma_start3A_405] : memref<64x1x512x512xf32, #tpu.memory_space<hbm>> -> memref<1x1x64x512xf32, #tpu.memory_space<hbm>>
        %dma_start3A_407 = tpu.memref_squeeze %dma_start3A_406 : memref<1x1x64x512xf32, #tpu.memory_space<hbm>> -> memref<64x512xf32, #tpu.memory_space<hbm>>
        tpu.enqueue_dma source(%dma_start3A_407 : memref<64x512xf32, #tpu.memory_space<hbm>>) target(%arg5 : memref<64x512xf32, #tpu.memory_space<vmem>>) target_semaphore(%arg18 : memref<!tpu.dma_semaphore, #tpu.memory_space<semaphore_mem>>)
      } else {
      }
      %parallel_loop3A_387 = arith.constant 0 : i32
      %parallel_loop3A_388 = arith.constant 64 : i32
      %parallel_loop3A_389 = arith.constant 1 : i32
      %parallel_loop3A_390:8 = scf.for %parallel_loop3A_397 = %parallel_loop3A_387 to %parallel_loop3A_388 step %parallel_loop3A_389 iter_args(%parallel_loop3A_398 = %min3A_370, %parallel_loop3A_399 = %min3A_370, %parallel_loop3A_400 = %min3A_370, %parallel_loop3A_401 = %min3A_370, %parallel_loop3A_402 = %max3A_373, %parallel_loop3A_403 = %max3A_373, %parallel_loop3A_404 = %max3A_373, %parallel_loop3A_405 = %max3A_373) -> (vector<16xf32>, vector<16xf32>, vector<16xf32>, vector<16xf32>, vector<16xf32>, vector<16xf32>, vector<16xf32>, vector<16xf32>)  : i32 {
        %parallel_loop3A_406 = arith.index_cast %parallel_loop3A_397 : i32 to index
        %parallel_loop3A_407 = arith.constant 0 : index
        %parallel_loop3A_408 = tpu.vector_load %arg6[%parallel_loop3A_406, %parallel_loop3A_407] {strides = array<i32>} : memref<64x512xf32, #tpu.memory_space<vmem>>, vector<16xf32>,
        %parallel_loop3A_409 = arith.minimumf %parallel_loop3A_398, %parallel_loop3A_408 : vector<16xf32>
        %parallel_loop3A_410 = arith.maximumf %parallel_loop3A_402, %parallel_loop3A_408 : vector<16xf32>
        %parallel_loop3A_411 = arith.index_cast %parallel_loop3A_397 : i32 to index
        %parallel_loop3A_412 = arith.constant 16 : index
        %parallel_loop3A_413 = tpu.vector_load %arg6[%parallel_loop3A_411, %parallel_loop3A_412] {strides = array<i32>} : memref<64x512xf32, #tpu.memory_space<vmem>>, vector<16xf32>,
        %parallel_loop3A_414 = arith.minimumf %parallel_loop3A_399, %parallel_loop3A_413 : vector<16xf32>
        %parallel_loop3A_415 = arith.maximumf %parallel_loop3A_403, %parallel_loop3A_413 : vector<16xf32>
        %parallel_loop3A_416 = arith.index_cast %parallel_loop3A_397 : i32 to index
        %parallel_loop3A_417 = arith.constant 32 : index
        %parallel_loop3A_418 = tpu.vector_load %arg6[%parallel_loop3A_416, %parallel_loop3A_417] {strides = array<i32>} : memref<64x512xf32, #tpu.memory_space<vmem>>, vector<16xf32>,
        %parallel_loop3A_419 = arith.minimumf %parallel_loop3A_400, %parallel_loop3A_418 : vector<16xf32>
        %parallel_loop3A_420 = arith.maximumf %parallel_loop3A_404, %parallel_loop3A_418 : vector<16xf32>
        %parallel_loop3A_421 = arith.index_cast %parallel_loop3A_397 : i32 to index
        %parallel_loop3A_422 = arith.constant 48 : index
        %parallel_loop3A_423 = tpu.vector_load %arg6[%parallel_loop3A_421, %parallel_loop3A_422] {strides = array<i32>} : memref<64x512xf32, #tpu.memory_space<vmem>>, vector<16xf32>,
        %parallel_loop3A_424 = arith.minimumf %parallel_loop3A_401, %parallel_loop3A_423 : vector<16xf32>
        %parallel_loop3A_425 = arith.maximumf %parallel_loop3A_405, %parallel_loop3A_423 : vector<16xf32>
        %parallel_loop3A_426 = arith.index_cast %parallel_loop3A_397 : i32 to index
        %parallel_loop3A_427 = arith.constant 64 : index
        %parallel_loop3A_428 = tpu.vector_load %arg6[%parallel_loop3A_426, %parallel_loop3A_427] {strides = array<i32>} : memref<64x512xf32, #tpu.memory_space<vmem>>, vector<16xf32>,
        %parallel_loop3A_429 = arith.minimumf %parallel_loop3A_409, %parallel_loop3A_428 : vector<16xf32>
        %parallel_loop3A_430 = arith.maximumf %parallel_loop3A_410, %parallel_loop3A_428 : vector<16xf32>
        %parallel_loop3A_431 = arith.index_cast %parallel_loop3A_397 : i32 to index
        %parallel_loop3A_432 = arith.constant 80 : index
        %parallel_loop3A_433 = tpu.vector_load %arg6[%parallel_loop3A_431, %parallel_loop3A_432] {strides = array<i32>} : memref<64x512xf32, #tpu.memory_space<vmem>>, vector<16xf32>,
        %parallel_loop3A_434 = arith.minimumf %parallel_loop3A_414, %parallel_loop3A_433 : vector<16xf32>
        %parallel_loop3A_435 = arith.maximumf %parallel_loop3A_415, %parallel_loop3A_433 : vector<16xf32>
        %parallel_loop3A_436 = arith.index_cast %parallel_loop3A_397 : i32 to index
        %parallel_loop3A_437 = arith.constant 96 : index
        %parallel_loop3A_438 = tpu.vector_load %arg6[%parallel_loop3A_436, %parallel_loop3A_437] {strides = array<i32>} : memref<64x512xf32, #tpu.memory_space<vmem>>, vector<16xf32>,
        %parallel_loop3A_439 = arith.minimumf %parallel_loop3A_419, %parallel_loop3A_438 : vector<16xf32>
        %parallel_loop3A_440 = arith.maximumf %parallel_loop3A_420, %parallel_loop3A_438 : vector<16xf32>
        %parallel_loop3A_441 = arith.index_cast %parallel_loop3A_397 : i32 to index
        %parallel_loop3A_442 = arith.constant 112 : index
        %parallel_loop3A_443 = tpu.vector_load %arg6[%parallel_loop3A_441, %parallel_loop3A_442] {strides = array<i32>} : memref<64x512xf32, #tpu.memory_space<vmem>>, vector<16xf32>,
        %parallel_loop3A_444 = arith.minimumf %parallel_loop3A_424, %parallel_loop3A_443 : vector<16xf32>
        %parallel_loop3A_445 = arith.maximumf %parallel_loop3A_425, %parallel_loop3A_443 : vector<16xf32>
        %parallel_loop3A_446 = arith.index_cast %parallel_loop3A_397 : i32 to index
        %parallel_loop3A_447 = arith.constant 128 : index
        %parallel_loop3A_448 = tpu.vector_load %arg6[%parallel_loop3A_446, %parallel_loop3A_447] {strides = array<i32>} : memref<64x512xf32, #tpu.memory_space<vmem>>, vector<16xf32>,
        %parallel_loop3A_449 = arith.minimumf %parallel_loop3A_429, %parallel_loop3A_448 : vector<16xf32>
        %parallel_loop3A_450 = arith.maximumf %parallel_loop3A_430, %parallel_loop3A_448 : vector<16xf32>
        %parallel_loop3A_451 = arith.index_cast %parallel_loop3A_397 : i32 to index
        %parallel_loop3A_452 = arith.constant 144 : index
        %parallel_loop3A_453 = tpu.vector_load %arg6[%parallel_loop3A_451, %parallel_loop3A_452] {strides = array<i32>} : memref<64x512xf32, #tpu.memory_space<vmem>>, vector<16xf32>,
        %parallel_loop3A_454 = arith.minimumf %parallel_loop3A_434, %parallel_loop3A_453 : vector<16xf32>
        %parallel_loop3A_455 = arith.maximumf %parallel_loop3A_435, %parallel_loop3A_453 : vector<16xf32>
        %parallel_loop3A_456 = arith.index_cast %parallel_loop3A_397 : i32 to index
        %parallel_loop3A_457 = arith.constant 160 : index
        %parallel_loop3A_458 = tpu.vector_load %arg6[%parallel_loop3A_456, %parallel_loop3A_457] {strides = array<i32>} : memref<64x512xf32, #tpu.memory_space<vmem>>, vector<16xf32>,
        %parallel_loop3A_459 = arith.minimumf %parallel_loop3A_439, %parallel_loop3A_458 : vector<16xf32>
        %parallel_loop3A_460 = arith.maximumf %parallel_loop3A_440, %parallel_loop3A_458 : vector<16xf32>
        %parallel_loop3A_461 = arith.index_cast %parallel_loop3A_397 : i32 to index
        %parallel_loop3A_462 = arith.constant 176 : index
        %parallel_loop3A_463 = tpu.vector_load %arg6[%parallel_loop3A_461, %parallel_loop3A_462] {strides = array<i32>} : memref<64x512xf32, #tpu.memory_space<vmem>>, vector<16xf32>,
        %parallel_loop3A_464 = arith.minimumf %parallel_loop3A_444, %parallel_loop3A_463 : vector<16xf32>
        %parallel_loop3A_465 = arith.maximumf %parallel_loop3A_445, %parallel_loop3A_463 : vector<16xf32>
        %parallel_loop3A_466 = arith.index_cast %parallel_loop3A_397 : i32 to index
        %parallel_loop3A_467 = arith.constant 192 : index
        %parallel_loop3A_468 = tpu.vector_load %arg6[%parallel_loop3A_466, %parallel_loop3A_467] {strides = array<i32>} : memref<64x512xf32, #tpu.memory_space<vmem>>, vector<16xf32>,
        %parallel_loop3A_469 = arith.minimumf %parallel_loop3A_449, %parallel_loop3A_468 : vector<16xf32>
        %parallel_loop3A_470 = arith.maximumf %parallel_loop3A_450, %parallel_loop3A_468 : vector<16xf32>
        %parallel_loop3A_471 = arith.index_cast %parallel_loop3A_397 : i32 to index
        %parallel_loop3A_472 = arith.constant 208 : index
        %parallel_loop3A_473 = tpu.vector_load %arg6[%parallel_loop3A_471, %parallel_loop3A_472] {strides = array<i32>} : memref<64x512xf32, #tpu.memory_space<vmem>>, vector<16xf32>,
        %parallel_loop3A_474 = arith.minimumf %parallel_loop3A_454, %parallel_loop3A_473 : vector<16xf32>
        %parallel_loop3A_475 = arith.maximumf %parallel_loop3A_455, %parallel_loop3A_473 : vector<16xf32>
        %parallel_loop3A_476 = arith.index_cast %parallel_loop3A_397 : i32 to index
        %parallel_loop3A_477 = arith.constant 224 : index
        %parallel_loop3A_478 = tpu.vector_load %arg6[%parallel_loop3A_476, %parallel_loop3A_477] {strides = array<i32>} : memref<64x512xf32, #tpu.memory_space<vmem>>, vector<16xf32>,
        %parallel_loop3A_479 = arith.minimumf %parallel_loop3A_459, %parallel_loop3A_478 : vector<16xf32>
        %parallel_loop3A_480 = arith.maximumf %parallel_loop3A_460, %parallel_loop3A_478 : vector<16xf32>
        %parallel_loop3A_481 = arith.index_cast %parallel_loop3A_397 : i32 to index
        %parallel_loop3A_482 = arith.constant 240 : index
        %parallel_loop3A_483 = tpu.vector_load %arg6[%parallel_loop3A_481, %parallel_loop3A_482] {strides = array<i32>} : memref<64x512xf32, #tpu.memory_space<vmem>>, vector<16xf32>,
        %parallel_loop3A_484 = arith.minimumf %parallel_loop3A_464, %parallel_loop3A_483 : vector<16xf32>
        %parallel_loop3A_485 = arith.maximumf %parallel_loop3A_465, %parallel_loop3A_483 : vector<16xf32>
        %parallel_loop3A_486 = arith.index_cast %parallel_loop3A_397 : i32 to index
        %parallel_loop3A_487 = arith.constant 256 : index
        %parallel_loop3A_488 = tpu.vector_load %arg6[%parallel_loop3A_486, %parallel_loop3A_487] {strides = array<i32>} : memref<64x512xf32, #tpu.memory_space<vmem>>, vector<16xf32>,
        %parallel_loop3A_489 = arith.minimumf %parallel_loop3A_469, %parallel_loop3A_488 : vector<16xf32>
        %parallel_loop3A_490 = arith.maximumf %parallel_loop3A_470, %parallel_loop3A_488 : vector<16xf32>
        %parallel_loop3A_491 = arith.index_cast %parallel_loop3A_397 : i32 to index
        %parallel_loop3A_492 = arith.constant 272 : index
        %parallel_loop3A_493 = tpu.vector_load %arg6[%parallel_loop3A_491, %parallel_loop3A_492] {strides = array<i32>} : memref<64x512xf32, #tpu.memory_space<vmem>>, vector<16xf32>,
        %parallel_loop3A_494 = arith.minimumf %parallel_loop3A_474, %parallel_loop3A_493 : vector<16xf32>
        %parallel_loop3A_495 = arith.maximumf %parallel_loop3A_475, %parallel_loop3A_493 : vector<16xf32>
        %parallel_loop3A_496 = arith.index_cast %parallel_loop3A_397 : i32 to index
        %parallel_loop3A_497 = arith.constant 288 : index
        %parallel_loop3A_498 = tpu.vector_load %arg6[%parallel_loop3A_496, %parallel_loop3A_497] {strides = array<i32>} : memref<64x512xf32, #tpu.memory_space<vmem>>, vector<16xf32>,
        %parallel_loop3A_499 = arith.minimumf %parallel_loop3A_479, %parallel_loop3A_498 : vector<16xf32>
        %parallel_loop3A_500 = arith.maximumf %parallel_loop3A_480, %parallel_loop3A_498 : vector<16xf32>
        %parallel_loop3A_501 = arith.index_cast %parallel_loop3A_397 : i32 to index
        %parallel_loop3A_502 = arith.constant 304 : index
        %parallel_loop3A_503 = tpu.vector_load %arg6[%parallel_loop3A_501, %parallel_loop3A_502] {strides = array<i32>} : memref<64x512xf32, #tpu.memory_space<vmem>>, vector<16xf32>,
        %parallel_loop3A_504 = arith.minimumf %parallel_loop3A_484, %parallel_loop3A_503 : vector<16xf32>
        %parallel_loop3A_505 = arith.maximumf %parallel_loop3A_485, %parallel_loop3A_503 : vector<16xf32>
        %parallel_loop3A_506 = arith.index_cast %parallel_loop3A_397 : i32 to index
        %parallel_loop3A_507 = arith.constant 320 : index
        %parallel_loop3A_508 = tpu.vector_load %arg6[%parallel_loop3A_506, %parallel_loop3A_507] {strides = array<i32>} : memref<64x512xf32, #tpu.memory_space<vmem>>, vector<16xf32>,
        %parallel_loop3A_509 = arith.minimumf %parallel_loop3A_489, %parallel_loop3A_508 : vector<16xf32>
        %parallel_loop3A_510 = arith.maximumf %parallel_loop3A_490, %parallel_loop3A_508 : vector<16xf32>
        %parallel_loop3A_511 = arith.index_cast %parallel_loop3A_397 : i32 to index
        %parallel_loop3A_512 = arith.constant 336 : index
        %parallel_loop3A_513 = tpu.vector_load %arg6[%parallel_loop3A_511, %parallel_loop3A_512] {strides = array<i32>} : memref<64x512xf32, #tpu.memory_space<vmem>>, vector<16xf32>,
        %parallel_loop3A_514 = arith.minimumf %parallel_loop3A_494, %parallel_loop3A_513 : vector<16xf32>
        %parallel_loop3A_515 = arith.maximumf %parallel_loop3A_495, %parallel_loop3A_513 : vector<16xf32>
        %parallel_loop3A_516 = arith.index_cast %parallel_loop3A_397 : i32 to index
        %parallel_loop3A_517 = arith.constant 352 : index
        %parallel_loop3A_518 = tpu.vector_load %arg6[%parallel_loop3A_516, %parallel_loop3A_517] {strides = array<i32>} : memref<64x512xf32, #tpu.memory_space<vmem>>, vector<16xf32>,
        %parallel_loop3A_519 = arith.minimumf %parallel_loop3A_499, %parallel_loop3A_518 : vector<16xf32>
        %parallel_loop3A_520 = arith.maximumf %parallel_loop3A_500, %parallel_loop3A_518 : vector<16xf32>
        %parallel_loop3A_521 = arith.index_cast %parallel_loop3A_397 : i32 to index
        %parallel_loop3A_522 = arith.constant 368 : index
        %parallel_loop3A_523 = tpu.vector_load %arg6[%parallel_loop3A_521, %parallel_loop3A_522] {strides = array<i32>} : memref<64x512xf32, #tpu.memory_space<vmem>>, vector<16xf32>,
        %parallel_loop3A_524 = arith.minimumf %parallel_loop3A_504, %parallel_loop3A_523 : vector<16xf32>
        %parallel_loop3A_525 = arith.maximumf %parallel_loop3A_505, %parallel_loop3A_523 : vector<16xf32>
        %parallel_loop3A_526 = arith.index_cast %parallel_loop3A_397 : i32 to index
        %parallel_loop3A_527 = arith.constant 384 : index
        %parallel_loop3A_528 = tpu.vector_load %arg6[%parallel_loop3A_526, %parallel_loop3A_527] {strides = array<i32>} : memref<64x512xf32, #tpu.memory_space<vmem>>, vector<16xf32>,
        %parallel_loop3A_529 = arith.minimumf %parallel_loop3A_509, %parallel_loop3A_528 : vector<16xf32>
        %parallel_loop3A_530 = arith.maximumf %parallel_loop3A_510, %parallel_loop3A_528 : vector<16xf32>
        %parallel_loop3A_531 = arith.index_cast %parallel_loop3A_397 : i32 to index
        %parallel_loop3A_532 = arith.constant 400 : index
        %parallel_loop3A_533 = tpu.vector_load %arg6[%parallel_loop3A_531, %parallel_loop3A_532] {strides = array<i32>} : memref<64x512xf32, #tpu.memory_space<vmem>>, vector<16xf32>,
        %parallel_loop3A_534 = arith.minimumf %parallel_loop3A_514, %parallel_loop3A_533 : vector<16xf32>
        %parallel_loop3A_535 = arith.maximumf %parallel_loop3A_515, %parallel_loop3A_533 : vector<16xf32>
        %parallel_loop3A_536 = arith.index_cast %parallel_loop3A_397 : i32 to index
        %parallel_loop3A_537 = arith.constant 416 : index
        %parallel_loop3A_538 = tpu.vector_load %arg6[%parallel_loop3A_536, %parallel_loop3A_537] {strides = array<i32>} : memref<64x512xf32, #tpu.memory_space<vmem>>, vector<16xf32>,
        %parallel_loop3A_539 = arith.minimumf %parallel_loop3A_519, %parallel_loop3A_538 : vector<16xf32>
        %parallel_loop3A_540 = arith.maximumf %parallel_loop3A_520, %parallel_loop3A_538 : vector<16xf32>
        %parallel_loop3A_541 = arith.index_cast %parallel_loop3A_397 : i32 to index
        %parallel_loop3A_542 = arith.constant 432 : index
        %parallel_loop3A_543 = tpu.vector_load %arg6[%parallel_loop3A_541, %parallel_loop3A_542] {strides = array<i32>} : memref<64x512xf32, #tpu.memory_space<vmem>>, vector<16xf32>,
        %parallel_loop3A_544 = arith.minimumf %parallel_loop3A_524, %parallel_loop3A_543 : vector<16xf32>
        %parallel_loop3A_545 = arith.maximumf %parallel_loop3A_525, %parallel_loop3A_543 : vector<16xf32>
        %parallel_loop3A_546 = arith.index_cast %parallel_loop3A_397 : i32 to index
        %parallel_loop3A_547 = arith.constant 448 : index
        %parallel_loop3A_548 = tpu.vector_load %arg6[%parallel_loop3A_546, %parallel_loop3A_547] {strides = array<i32>} : memref<64x512xf32, #tpu.memory_space<vmem>>, vector<16xf32>,
        %parallel_loop3A_549 = arith.minimumf %parallel_loop3A_529, %parallel_loop3A_548 : vector<16xf32>
        %parallel_loop3A_550 = arith.maximumf %parallel_loop3A_530, %parallel_loop3A_548 : vector<16xf32>
        %parallel_loop3A_551 = arith.index_cast %parallel_loop3A_397 : i32 to index
        %parallel_loop3A_552 = arith.constant 464 : index
        %parallel_loop3A_553 = tpu.vector_load %arg6[%parallel_loop3A_551, %parallel_loop3A_552] {strides = array<i32>} : memref<64x512xf32, #tpu.memory_space<vmem>>, vector<16xf32>,
        %parallel_loop3A_554 = arith.minimumf %parallel_loop3A_534, %parallel_loop3A_553 : vector<16xf32>
        %parallel_loop3A_555 = arith.maximumf %parallel_loop3A_535, %parallel_loop3A_553 : vector<16xf32>
        %parallel_loop3A_556 = arith.index_cast %parallel_loop3A_397 : i32 to index
        %parallel_loop3A_557 = arith.constant 480 : index
        %parallel_loop3A_558 = tpu.vector_load %arg6[%parallel_loop3A_556, %parallel_loop3A_557] {strides = array<i32>} : memref<64x512xf32, #tpu.memory_space<vmem>>, vector<16xf32>,
        %parallel_loop3A_559 = arith.minimumf %parallel_loop3A_539, %parallel_loop3A_558 : vector<16xf32>
        %parallel_loop3A_560 = arith.maximumf %parallel_loop3A_540, %parallel_loop3A_558 : vector<16xf32>
        %parallel_loop3A_561 = arith.index_cast %parallel_loop3A_397 : i32 to index
        %parallel_loop3A_562 = arith.constant 496 : index
        %parallel_loop3A_563 = tpu.vector_load %arg6[%parallel_loop3A_561, %parallel_loop3A_562] {strides = array<i32>} : memref<64x512xf32, #tpu.memory_space<vmem>>, vector<16xf32>,
        %parallel_loop3A_564 = arith.minimumf %parallel_loop3A_544, %parallel_loop3A_563 : vector<16xf32>
        %parallel_loop3A_565 = arith.maximumf %parallel_loop3A_545, %parallel_loop3A_563 : vector<16xf32>
        scf.yield %parallel_loop3A_549, %parallel_loop3A_554, %parallel_loop3A_559, %parallel_loop3A_564, %parallel_loop3A_550, %parallel_loop3A_555, %parallel_loop3A_560, %parallel_loop3A_565 : vector<16xf32>, vector<16xf32>, vector<16xf32>, vector<16xf32>, vector<16xf32>, vector<16xf32>, vector<16xf32>, vector<16xf32>
      } {sc.loop_unroll_factor = 2 : i64, sc.parallel_access}
      %min3A_391 = arith.minimumf %parallel_loop3A_390#0, %parallel_loop3A_390#1 : vector<16xf32>
      %min3A_392 = arith.minimumf %parallel_loop3A_390#2, %parallel_loop3A_390#3 : vector<16xf32>
      %min3A_393 = arith.minimumf %min3A_391, %min3A_392 : vector<16xf32>
      %max3A_394 = arith.maximumf %parallel_loop3A_390#4, %parallel_loop3A_390#5 : vector<16xf32>
      %max3A_395 = arith.maximumf %parallel_loop3A_390#6, %parallel_loop3A_390#7 : vector<16xf32>
      %max3A_396 = arith.maximumf %max3A_394, %max3A_395 : vector<16xf32>
      scf.yield %min3A_393, %max3A_396 : vector<16xf32>, vector<16xf32>
    }
    %scan3A_189 = arith.constant 4 : i32
    %swap3A_190 = arith.constant 0 : index
    %swap3A_191 = tpu.vector_load %arg17[%swap3A_190] {strides = array<i32>} : memref<16xf32, #tpu.memory_space<vmem>>, vector<16xf32>,
    tpu.vector_store %arg17[%swap3A_190], %scan3A_188#0 {strides = array<i32>} : memref<16xf32, #tpu.memory_space<vmem>>, vector<16xf32>,
    %xor3A_192 = arith.constant 1 : i32
    %xor3A_193 = vector.broadcast %xor3A_192 : i32 to vector<16xi32>
    %xor3A_194 = arith.xori %iota3A, %xor3A_193 : vector<16xi32>
    %gather3A_195 = tpu.vector_load_idx %arg17[%xor3A_194] : memref<16xf32, #tpu.memory_space<vmem>>[vector<16xi32>], vector<16xf32>,
    %min3A_196 = arith.minimumf %scan3A_188#0, %gather3A_195 : vector<16xf32>
    %swap3A_197 = arith.constant 0 : index
    %swap3A_198 = tpu.vector_load %arg17[%swap3A_197] {strides = array<i32>} : memref<16xf32, #tpu.memory_space<vmem>>, vector<16xf32>,
    tpu.vector_store %arg17[%swap3A_197], %min3A_196 {strides = array<i32>} : memref<16xf32, #tpu.memory_space<vmem>>, vector<16xf32>,
    %xor3A_199 = arith.constant 2 : i32
    %xor3A_200 = vector.broadcast %xor3A_199 : i32 to vector<16xi32>
    %xor3A_201 = arith.xori %iota3A, %xor3A_200 : vector<16xi32>
    %gather3A_202 = tpu.vector_load_idx %arg17[%xor3A_201] : memref<16xf32, #tpu.memory_space<vmem>>[vector<16xi32>], vector<16xf32>,
    %min3A_203 = arith.minimumf %min3A_196, %gather3A_202 : vector<16xf32>
    %swap3A_204 = arith.constant 0 : index
    %swap3A_205 = tpu.vector_load %arg17[%swap3A_204] {strides = array<i32>} : memref<16xf32, #tpu.memory_space<vmem>>, vector<16xf32>,
    tpu.vector_store %arg17[%swap3A_204], %min3A_203 {strides = array<i32>} : memref<16xf32, #tpu.memory_space<vmem>>, vector<16xf32>,
    %xor3A_206 = arith.constant 4 : i32
    %xor3A_207 = vector.broadcast %xor3A_206 : i32 to vector<16xi32>
    %xor3A_208 = arith.xori %iota3A, %xor3A_207 : vector<16xi32>
    %gather3A_209 = tpu.vector_load_idx %arg17[%xor3A_208] : memref<16xf32, #tpu.memory_space<vmem>>[vector<16xi32>], vector<16xf32>,
    %min3A_210 = arith.minimumf %min3A_203, %gather3A_209 : vector<16xf32>
    %swap3A_211 = arith.constant 0 : index
    %swap3A_212 = tpu.vector_load %arg17[%swap3A_211] {strides = array<i32>} : memref<16xf32, #tpu.memory_space<vmem>>, vector<16xf32>,
    tpu.vector_store %arg17[%swap3A_211], %min3A_210 {strides = array<i32>} : memref<16xf32, #tpu.memory_space<vmem>>, vector<16xf32>,
    %xor3A_213 = arith.constant 8 : i32
    %xor3A_214 = vector.broadcast %xor3A_213 : i32 to vector<16xi32>
    %xor3A_215 = arith.xori %iota3A, %xor3A_214 : vector<16xi32>
    %gather3A_216 = tpu.vector_load_idx %arg17[%xor3A_215] : memref<16xf32, #tpu.memory_space<vmem>>[vector<16xi32>], vector<16xf32>,
    %min3A_217 = arith.minimumf %min3A_210, %gather3A_216 : vector<16xf32>
    %swap3A_218 = arith.constant 0 : index
    %swap3A_219 = tpu.vector_load %arg17[%swap3A_218] {strides = array<i32>} : memref<16xf32, #tpu.memory_space<vmem>>, vector<16xf32>,
    tpu.vector_store %arg17[%swap3A_218], %scan3A_188#1 {strides = array<i32>} : memref<16xf32, #tpu.memory_space<vmem>>, vector<16xf32>,
    %xor3A_220 = arith.constant 1 : i32
    %xor3A_221 = vector.broadcast %xor3A_220 : i32 to vector<16xi32>
    %xor3A_222 = arith.xori %iota3A, %xor3A_221 : vector<16xi32>
    %gather3A_223 = tpu.vector_load_idx %arg17[%xor3A_222] : memref<16xf32, #tpu.memory_space<vmem>>[vector<16xi32>], vector<16xf32>,
    %max3A_224 = arith.maximumf %scan3A_188#1, %gather3A_223 : vector<16xf32>
    %swap3A_225 = arith.constant 0 : index
    %swap3A_226 = tpu.vector_load %arg17[%swap3A_225] {strides = array<i32>} : memref<16xf32, #tpu.memory_space<vmem>>, vector<16xf32>,
    tpu.vector_store %arg17[%swap3A_225], %max3A_224 {strides = array<i32>} : memref<16xf32, #tpu.memory_space<vmem>>, vector<16xf32>,
    %xor3A_227 = arith.constant 2 : i32
    %xor3A_228 = vector.broadcast %xor3A_227 : i32 to vector<16xi32>
    %xor3A_229 = arith.xori %iota3A, %xor3A_228 : vector<16xi32>
    %gather3A_230 = tpu.vector_load_idx %arg17[%xor3A_229] : memref<16xf32, #tpu.memory_space<vmem>>[vector<16xi32>], vector<16xf32>,
    %max3A_231 = arith.maximumf %max3A_224, %gather3A_230 : vector<16xf32>
    %swap3A_232 = arith.constant 0 : index
    %swap3A_233 = tpu.vector_load %arg17[%swap3A_232] {strides = array<i32>} : memref<16xf32, #tpu.memory_space<vmem>>, vector<16xf32>,
    tpu.vector_store %arg17[%swap3A_232], %max3A_231 {strides = array<i32>} : memref<16xf32, #tpu.memory_space<vmem>>, vector<16xf32>,
    %xor3A_234 = arith.constant 4 : i32
    %xor3A_235 = vector.broadcast %xor3A_234 : i32 to vector<16xi32>
    %xor3A_236 = arith.xori %iota3A, %xor3A_235 : vector<16xi32>
    %gather3A_237 = tpu.vector_load_idx %arg17[%xor3A_236] : memref<16xf32, #tpu.memory_space<vmem>>[vector<16xi32>], vector<16xf32>,
    %max3A_238 = arith.maximumf %max3A_231, %gather3A_237 : vector<16xf32>
    %swap3A_239 = arith.constant 0 : index
    %swap3A_240 = tpu.vector_load %arg17[%swap3A_239] {strides = array<i32>} : memref<16xf32, #tpu.memory_space<vmem>>, vector<16xf32>,
    tpu.vector_store %arg17[%swap3A_239], %max3A_238 {strides = array<i32>} : memref<16xf32, #tpu.memory_space<vmem>>, vector<16xf32>,
    %xor3A_241 = arith.constant 8 : i32
    %xor3A_242 = vector.broadcast %xor3A_241 : i32 to vector<16xi32>
    %xor3A_243 = arith.xori %iota3A, %xor3A_242 : vector<16xi32>
    %gather3A_244 = tpu.vector_load_idx %arg17[%xor3A_243] : memref<16xf32, #tpu.memory_space<vmem>>[vector<16xi32>], vector<16xf32>,
    %max3A_245 = arith.maximumf %max3A_238, %gather3A_244 : vector<16xf32>
    %sub3A_246 = arith.subf %max3A_245, %min3A_217 : vector<16xf32>
    %max3A_247 = arith.constant 9.99999974E-6 : f32
    %max3A_248 = vector.broadcast %max3A_247 : f32 to vector<16xf32>
    %max3A_249 = arith.maximumf %sub3A_246, %max3A_248 : vector<16xf32>
    %div3A_250 = arith.constant 2.550000e+02 : f32
    %div3A_251 = vector.broadcast %div3A_250 : f32 to vector<16xf32>
    %div3A_252 = arith.divf %div3A_251, %max3A_249 : vector<16xf32>
    %mul3A_253 = arith.mulf %min3A_217, %div3A_252 : vector<16xf32>
    %neg3A_254 = arith.constant 0.000000e+00 : f32
    %neg3A_255 = vector.broadcast %neg3A_254 : f32 to vector<16xf32>
    %neg3A_256 = arith.subf %neg3A_255, %mul3A_253 : vector<16xf32>
    %dma_start3A_257 = arith.constant 0 : i32
    %dma_start3A_258 = arith.constant 0 : i32
    %dma_start3A_259 = arith.constant 0 : i32
    %dma_start3A_260 = tpu.memref_slice %arg2[%add3A_169, %dma_start3A_257, %dma_start3A_258, %dma_start3A_259] : memref<64x1x512x512xf32, #tpu.memory_space<hbm>> -> memref<1x1x64x512xf32, #tpu.memory_space<hbm>>
    %dma_start3A_261 = tpu.memref_squeeze %dma_start3A_260 : memref<1x1x64x512xf32, #tpu.memory_space<hbm>> -> memref<64x512xf32, #tpu.memory_space<hbm>>
    %dma_start3A_262 = arith.constant 0 : i32
    %dma_start3A_263 = arith.constant 0 : i32
    %dma_start3A_264 = tpu.memref_slice %arg2[%add3A_169, %dma_start3A_257, %dma_start3A_262, %dma_start3A_263] : memref<64x1x512x512xf32, #tpu.memory_space<hbm>> -> memref<1x1x64x512xf32, #tpu.memory_space<hbm>>
    %dma_start3A_265 = tpu.memref_squeeze %dma_start3A_264 : memref<1x1x64x512xf32, #tpu.memory_space<hbm>> -> memref<64x512xf32, #tpu.memory_space<hbm>>
    tpu.enqueue_dma source(%dma_start3A_265 : memref<64x512xf32, #tpu.memory_space<hbm>>) target(%arg5 : memref<64x512xf32, #tpu.memory_space<vmem>>) target_semaphore(%arg18 : memref<!tpu.dma_semaphore, #tpu.memory_space<semaphore_mem>>)
    %scan3A_266 = arith.constant 0 : i32
    %scan3A_267 = arith.constant 0 : i32
    %scan3A_268 = arith.constant 4 : i32
    %scan3A_269 = arith.addi %scan3A_267, %scan3A_268 : i32
    %scan3A_270 = arith.constant 1 : i32
    scf.for %scan3A_340 = %scan3A_267 to %scan3A_269 step %scan3A_270  : i32 {
      %mul3A_341 = arith.constant 2 : i32
      %mul3A_342 = arith.muli %mul3A_341, %scan3A_340 : i32
      %add3A_343 = arith.constant 0 : i32
      %add3A_344 = arith.addi %mul3A_342, %add3A_343 : i32
      %mul3A_345 = arith.constant 64 : i32
      %mul3A_346 = arith.muli %add3A_344, %mul3A_345 : i32
      %dma_wait3A_347 = arith.constant 0 : i32
      %dma_wait3A_348 = arith.constant 0 : i32
      %dma_wait3A_349 = tpu.memref_slice %arg2[%add3A_169, %dma_wait3A_347, %mul3A_346, %dma_wait3A_348] : memref<64x1x512x512xf32, #tpu.memory_space<hbm>> -> memref<1x1x64x512xf32, #tpu.memory_space<hbm>>
      %dma_wait3A_350 = tpu.memref_squeeze %dma_wait3A_349 : memref<1x1x64x512xf32, #tpu.memory_space<hbm>> -> memref<64x512xf32, #tpu.memory_space<hbm>>
      %dma_wait3A_351 = arith.constant 0 : i32
      %dma_wait3A_352 = tpu.memref_slice %arg2[%add3A_169, %dma_wait3A_347, %mul3A_346, %dma_wait3A_351] : memref<64x1x512x512xf32, #tpu.memory_space<hbm>> -> memref<1x1x64x512xf32, #tpu.memory_space<hbm>>
      %dma_wait3A_353 = tpu.memref_squeeze %dma_wait3A_352 : memref<1x1x64x512xf32, #tpu.memory_space<hbm>> -> memref<64x512xf32, #tpu.memory_space<hbm>>
      tpu.wait_dma2 semaphore(%arg18 : memref<!tpu.dma_semaphore, #tpu.memory_space<semaphore_mem>>) src(%dma_wait3A_353 : memref<64x512xf32, #tpu.memory_space<hbm>>) dst(%arg5 : memref<64x512xf32, #tpu.memory_space<vmem>>)
      %lt3A = arith.constant 7 : i32
      %lt3A_354 = arith.cmpi slt, %add3A_344, %lt3A : i32
      %convert_element_type3A = arith.extui %lt3A_354 : i1 to i32
      %cond3A = arith.constant 0 : i32
      %cond3A_355 = arith.cmpi ne, %convert_element_type3A, %cond3A : i32
      scf.if %cond3A_355 {
        %add3A_448 = arith.constant 1 : i32
        %add3A_449 = arith.addi %add3A_344, %add3A_448 : i32
        %mul3A_450 = arith.constant 64 : i32
        %mul3A_451 = arith.muli %add3A_449, %mul3A_450 : i32
        %dma_start3A_452 = arith.constant 0 : i32
        %dma_start3A_453 = arith.constant 0 : i32
        %dma_start3A_454 = tpu.memref_slice %arg2[%add3A_169, %dma_start3A_452, %mul3A_451, %dma_start3A_453] : memref<64x1x512x512xf32, #tpu.memory_space<hbm>> -> memref<1x1x64x512xf32, #tpu.memory_space<hbm>>
        %dma_start3A_455 = tpu.memref_squeeze %dma_start3A_454 : memref<1x1x64x512xf32, #tpu.memory_space<hbm>> -> memref<64x512xf32, #tpu.memory_space<hbm>>
        %dma_start3A_456 = arith.constant 0 : i32
        %dma_start3A_457 = tpu.memref_slice %arg2[%add3A_169, %dma_start3A_452, %mul3A_451, %dma_start3A_456] : memref<64x1x512x512xf32, #tpu.memory_space<hbm>> -> memref<1x1x64x512xf32, #tpu.memory_space<hbm>>
        %dma_start3A_458 = tpu.memref_squeeze %dma_start3A_457 : memref<1x1x64x512xf32, #tpu.memory_space<hbm>> -> memref<64x512xf32, #tpu.memory_space<hbm>>
        tpu.enqueue_dma source(%dma_start3A_458 : memref<64x512xf32, #tpu.memory_space<hbm>>) target(%arg6 : memref<64x512xf32, #tpu.memory_space<vmem>>) target_semaphore(%arg19 : memref<!tpu.dma_semaphore, #tpu.memory_space<semaphore_mem>>)
      } else {
      }
      %gt3A = arith.constant 0 : i32
      %gt3A_356 = arith.cmpi sgt, %scan3A_340, %gt3A : i32
      %convert_element_type3A_357 = arith.extui %gt3A_356 : i1 to i32
      %cond3A_358 = arith.constant 0 : i32
      %cond3A_359 = arith.cmpi ne, %convert_element_type3A_357, %cond3A_358 : i32
      scf.if %cond3A_359 {
        %mul3A_448 = arith.constant 16 : i32
        %mul3A_449 = arith.muli %add3A_344, %mul3A_448 : i32
        %add3A_450 = arith.constant 64 : i32
        %add3A_451 = arith.addi %add3A_450, %add3A_169 : i32
        %add3A_452 = arith.constant 128 : i32
        %add3A_453 = arith.addi %add3A_452, %add3A_169 : i32
        %dma_wait3A_454 = tpu.memref_bitcast %arg4 : memref<192x512x512xi8, #tpu.memory_space<hbm>> -> memref<192x128x512xi32, #tpu.memory_space<hbm>>
        %dma_wait3A_455 = arith.constant 0 : i32
        %dma_wait3A_456 = tpu.memref_slice %dma_wait3A_454[%add3A_169, %mul3A_449, %dma_wait3A_455] : memref<192x128x512xi32, #tpu.memory_space<hbm>> -> memref<1x16x512xi32, #tpu.memory_space<hbm>>
        %dma_wait3A_457 = tpu.memref_squeeze %dma_wait3A_456 : memref<1x16x512xi32, #tpu.memory_space<hbm>> -> memref<16x512xi32, #tpu.memory_space<hbm>>
        %dma_wait3A_458 = tpu.memref_bitcast %arg4 : memref<192x512x512xi8, #tpu.memory_space<hbm>> -> memref<192x128x512xi32, #tpu.memory_space<hbm>>
        %dma_wait3A_459 = arith.constant 0 : i32
        %dma_wait3A_460 = tpu.memref_slice %dma_wait3A_458[%add3A_169, %mul3A_449, %dma_wait3A_459] : memref<192x128x512xi32, #tpu.memory_space<hbm>> -> memref<1x16x512xi32, #tpu.memory_space<hbm>>
        %dma_wait3A_461 = tpu.memref_squeeze %dma_wait3A_460 : memref<1x16x512xi32, #tpu.memory_space<hbm>> -> memref<16x512xi32, #tpu.memory_space<hbm>>
        tpu.wait_dma2 semaphore(%arg20 : memref<!tpu.dma_semaphore, #tpu.memory_space<semaphore_mem>>) src(%arg7 : memref<16x512xi32, #tpu.memory_space<vmem>>) dst(%dma_wait3A_461 : memref<16x512xi32, #tpu.memory_space<hbm>>)
        %dma_wait3A_462 = tpu.memref_bitcast %arg4 : memref<192x512x512xi8, #tpu.memory_space<hbm>> -> memref<192x128x512xi32, #tpu.memory_space<hbm>>
        %dma_wait3A_463 = arith.constant 0 : i32
        %dma_wait3A_464 = tpu.memref_slice %dma_wait3A_462[%add3A_451, %mul3A_449, %dma_wait3A_463] : memref<192x128x512xi32, #tpu.memory_space<hbm>> -> memref<1x16x512xi32, #tpu.memory_space<hbm>>
        %dma_wait3A_465 = tpu.memref_squeeze %dma_wait3A_464 : memref<1x16x512xi32, #tpu.memory_space<hbm>> -> memref<16x512xi32, #tpu.memory_space<hbm>>
        %dma_wait3A_466 = tpu.memref_bitcast %arg4 : memref<192x512x512xi8, #tpu.memory_space<hbm>> -> memref<192x128x512xi32, #tpu.memory_space<hbm>>
        %dma_wait3A_467 = arith.constant 0 : i32
        %dma_wait3A_468 = tpu.memref_slice %dma_wait3A_466[%add3A_451, %mul3A_449, %dma_wait3A_467] : memref<192x128x512xi32, #tpu.memory_space<hbm>> -> memref<1x16x512xi32, #tpu.memory_space<hbm>>
        %dma_wait3A_469 = tpu.memref_squeeze %dma_wait3A_468 : memref<1x16x512xi32, #tpu.memory_space<hbm>> -> memref<16x512xi32, #tpu.memory_space<hbm>>
        tpu.wait_dma2 semaphore(%arg20 : memref<!tpu.dma_semaphore, #tpu.memory_space<semaphore_mem>>) src(%arg8 : memref<16x512xi32, #tpu.memory_space<vmem>>) dst(%dma_wait3A_469 : memref<16x512xi32, #tpu.memory_space<hbm>>)
        %dma_wait3A_470 = tpu.memref_bitcast %arg4 : memref<192x512x512xi8, #tpu.memory_space<hbm>> -> memref<192x128x512xi32, #tpu.memory_space<hbm>>
        %dma_wait3A_471 = arith.constant 0 : i32
        %dma_wait3A_472 = tpu.memref_slice %dma_wait3A_470[%add3A_453, %mul3A_449, %dma_wait3A_471] : memref<192x128x512xi32, #tpu.memory_space<hbm>> -> memref<1x16x512xi32, #tpu.memory_space<hbm>>
        %dma_wait3A_473 = tpu.memref_squeeze %dma_wait3A_472 : memref<1x16x512xi32, #tpu.memory_space<hbm>> -> memref<16x512xi32, #tpu.memory_space<hbm>>
        %dma_wait3A_474 = tpu.memref_bitcast %arg4 : memref<192x512x512xi8, #tpu.memory_space<hbm>> -> memref<192x128x512xi32, #tpu.memory_space<hbm>>
        %dma_wait3A_475 = arith.constant 0 : i32
        %dma_wait3A_476 = tpu.memref_slice %dma_wait3A_474[%add3A_453, %mul3A_449, %dma_wait3A_475] : memref<192x128x512xi32, #tpu.memory_space<hbm>> -> memref<1x16x512xi32, #tpu.memory_space<hbm>>
        %dma_wait3A_477 = tpu.memref_squeeze %dma_wait3A_476 : memref<1x16x512xi32, #tpu.memory_space<hbm>> -> memref<16x512xi32, #tpu.memory_space<hbm>>
        tpu.wait_dma2 semaphore(%arg20 : memref<!tpu.dma_semaphore, #tpu.memory_space<semaphore_mem>>) src(%arg9 : memref<16x512xi32, #tpu.memory_space<vmem>>) dst(%dma_wait3A_477 : memref<16x512xi32, #tpu.memory_space<hbm>>)
      } else {
      }
      %parallel_loop3A = arith.constant 0 : i32
      %parallel_loop3A_360 = arith.constant 512 : i32
      %parallel_loop3A_361 = arith.constant 1 : i32
      scf.for %parallel_loop3A_448 = %parallel_loop3A to %parallel_loop3A_360 step %parallel_loop3A_361  : i32 {
        %parallel_loop3A_449 = arith.constant 5 : i32
        %parallel_loop3A_450 = arith.shrsi %parallel_loop3A_448, %parallel_loop3A_449 : i32
        %parallel_loop3A_451 = arith.constant 31 : i32
        %parallel_loop3A_452 = arith.andi %parallel_loop3A_448, %parallel_loop3A_451 : i32
        %parallel_loop3A_453 = arith.constant 4 : i32
        %parallel_loop3A_454 = arith.shli %parallel_loop3A_452, %parallel_loop3A_453 : i32
        %parallel_loop3A_455 = arith.constant 4 : i32
        %parallel_loop3A_456 = arith.muli %parallel_loop3A_450, %parallel_loop3A_455 : i32
        %parallel_loop3A_457 = arith.constant 0 : i32
        %parallel_loop3A_458 = arith.addi %parallel_loop3A_456, %parallel_loop3A_457 : i32
        %parallel_loop3A_459 = arith.index_cast %parallel_loop3A_458 : i32 to index
        %parallel_loop3A_460 = arith.index_cast %parallel_loop3A_454 : i32 to index
        %parallel_loop3A_461 = tpu.vector_load %arg5[%parallel_loop3A_459, %parallel_loop3A_460] {strides = array<i32>} : memref<64x512xf32, #tpu.memory_space<vmem>>, vector<16xf32>,
        %parallel_loop3A_462 = arith.mulf %parallel_loop3A_461, %div3A_252 : vector<16xf32>
        %parallel_loop3A_463 = arith.addf %parallel_loop3A_462, %neg3A_256 : vector<16xf32>
        %parallel_loop3A_464 = arith.fptosi %parallel_loop3A_463 : vector<16xf32> to vector<16xi32>
        %parallel_loop3A_465 = arith.constant 4 : i32
        %parallel_loop3A_466 = arith.muli %parallel_loop3A_450, %parallel_loop3A_465 : i32
        %parallel_loop3A_467 = arith.constant 1 : i32
        %parallel_loop3A_468 = arith.addi %parallel_loop3A_466, %parallel_loop3A_467 : i32
        %parallel_loop3A_469 = arith.index_cast %parallel_loop3A_468 : i32 to index
        %parallel_loop3A_470 = arith.index_cast %parallel_loop3A_454 : i32 to index
        %parallel_loop3A_471 = tpu.vector_load %arg5[%parallel_loop3A_469, %parallel_loop3A_470] {strides = array<i32>} : memref<64x512xf32, #tpu.memory_space<vmem>>, vector<16xf32>,
        %parallel_loop3A_472 = arith.mulf %parallel_loop3A_471, %div3A_252 : vector<16xf32>
        %parallel_loop3A_473 = arith.addf %parallel_loop3A_472, %neg3A_256 : vector<16xf32>
        %parallel_loop3A_474 = arith.fptosi %parallel_loop3A_473 : vector<16xf32> to vector<16xi32>
        %parallel_loop3A_475 = arith.constant 4 : i32
        %parallel_loop3A_476 = arith.muli %parallel_loop3A_450, %parallel_loop3A_475 : i32
        %parallel_loop3A_477 = arith.constant 2 : i32
        %parallel_loop3A_478 = arith.addi %parallel_loop3A_476, %parallel_loop3A_477 : i32
        %parallel_loop3A_479 = arith.index_cast %parallel_loop3A_478 : i32 to index
        %parallel_loop3A_480 = arith.index_cast %parallel_loop3A_454 : i32 to index
        %parallel_loop3A_481 = tpu.vector_load %arg5[%parallel_loop3A_479, %parallel_loop3A_480] {strides = array<i32>} : memref<64x512xf32, #tpu.memory_space<vmem>>, vector<16xf32>,
        %parallel_loop3A_482 = arith.mulf %parallel_loop3A_481, %div3A_252 : vector<16xf32>
        %parallel_loop3A_483 = arith.addf %parallel_loop3A_482, %neg3A_256 : vector<16xf32>
        %parallel_loop3A_484 = arith.fptosi %parallel_loop3A_483 : vector<16xf32> to vector<16xi32>
        %parallel_loop3A_485 = arith.constant 4 : i32
        %parallel_loop3A_486 = arith.muli %parallel_loop3A_450, %parallel_loop3A_485 : i32
        %parallel_loop3A_487 = arith.constant 3 : i32
        %parallel_loop3A_488 = arith.addi %parallel_loop3A_486, %parallel_loop3A_487 : i32
        %parallel_loop3A_489 = arith.index_cast %parallel_loop3A_488 : i32 to index
        %parallel_loop3A_490 = arith.index_cast %parallel_loop3A_454 : i32 to index
        %parallel_loop3A_491 = tpu.vector_load %arg5[%parallel_loop3A_489, %parallel_loop3A_490] {strides = array<i32>} : memref<64x512xf32, #tpu.memory_space<vmem>>, vector<16xf32>,
        %parallel_loop3A_492 = arith.mulf %parallel_loop3A_491, %div3A_252 : vector<16xf32>
        %parallel_loop3A_493 = arith.addf %parallel_loop3A_492, %neg3A_256 : vector<16xf32>
        %parallel_loop3A_494 = arith.fptosi %parallel_loop3A_493 : vector<16xf32> to vector<16xi32>
        %parallel_loop3A_495 = tpu.vector_load_idx %arg13[%parallel_loop3A_464] : memref<256xi32, #tpu.memory_space<vmem>>[vector<16xi32>], vector<16xi32>,
        %parallel_loop3A_496 = tpu.vector_load_idx %arg14[%parallel_loop3A_474] : memref<256xi32, #tpu.memory_space<vmem>>[vector<16xi32>], vector<16xi32>,
        %parallel_loop3A_497 = arith.ori %parallel_loop3A_495, %parallel_loop3A_496 : vector<16xi32>
        %parallel_loop3A_498 = tpu.vector_load_idx %arg13[%parallel_loop3A_484] : memref<256xi32, #tpu.memory_space<vmem>>[vector<16xi32>], vector<16xi32>,
        %parallel_loop3A_499 = tpu.vector_load_idx %arg14[%parallel_loop3A_494] : memref<256xi32, #tpu.memory_space<vmem>>[vector<16xi32>], vector<16xi32>,
        %parallel_loop3A_500 = arith.ori %parallel_loop3A_498, %parallel_loop3A_499 : vector<16xi32>
        %parallel_loop3A_501 = tpu.vector_load_idx %arg15[%parallel_loop3A_464] : memref<256xi32, #tpu.memory_space<vmem>>[vector<16xi32>], vector<16xi32>,
        %parallel_loop3A_502 = tpu.vector_load_idx %arg16[%parallel_loop3A_474] : memref<256xi32, #tpu.memory_space<vmem>>[vector<16xi32>], vector<16xi32>,
        %parallel_loop3A_503 = arith.ori %parallel_loop3A_501, %parallel_loop3A_502 : vector<16xi32>
        %parallel_loop3A_504 = tpu.vector_load_idx %arg15[%parallel_loop3A_484] : memref<256xi32, #tpu.memory_space<vmem>>[vector<16xi32>], vector<16xi32>,
        %parallel_loop3A_505 = tpu.vector_load_idx %arg16[%parallel_loop3A_494] : memref<256xi32, #tpu.memory_space<vmem>>[vector<16xi32>], vector<16xi32>,
        %parallel_loop3A_506 = arith.ori %parallel_loop3A_504, %parallel_loop3A_505 : vector<16xi32>
        %parallel_loop3A_507 = arith.constant 65535 : i32
        %parallel_loop3A_508 = vector.broadcast %parallel_loop3A_507 : i32 to vector<16xi32>
        %parallel_loop3A_509 = arith.andi %parallel_loop3A_497, %parallel_loop3A_508 : vector<16xi32>
        %parallel_loop3A_510 = arith.constant 16 : i32
        %parallel_loop3A_511 = vector.broadcast %parallel_loop3A_510 : i32 to vector<16xi32>
        %parallel_loop3A_512 = arith.shli %parallel_loop3A_500, %parallel_loop3A_511 : vector<16xi32>
        %parallel_loop3A_513 = arith.ori %parallel_loop3A_509, %parallel_loop3A_512 : vector<16xi32>
        %parallel_loop3A_514 = arith.index_cast %parallel_loop3A_450 : i32 to index
        %parallel_loop3A_515 = arith.index_cast %parallel_loop3A_454 : i32 to index
        %parallel_loop3A_516 = tpu.vector_load %arg7[%parallel_loop3A_514, %parallel_loop3A_515] {strides = array<i32>} : memref<16x512xi32, #tpu.memory_space<vmem>>, vector<16xi32>,
        tpu.vector_store %arg7[%parallel_loop3A_514, %parallel_loop3A_515], %parallel_loop3A_513 {strides = array<i32>} : memref<16x512xi32, #tpu.memory_space<vmem>>, vector<16xi32>,
        %parallel_loop3A_517 = arith.constant 16 : i32
        %parallel_loop3A_518 = vector.broadcast %parallel_loop3A_517 : i32 to vector<16xi32>
        %parallel_loop3A_519 = arith.shrui %parallel_loop3A_497, %parallel_loop3A_518 : vector<16xi32>
        %parallel_loop3A_520 = arith.constant -65536 : i32
        %parallel_loop3A_521 = vector.broadcast %parallel_loop3A_520 : i32 to vector<16xi32>
        %parallel_loop3A_522 = arith.andi %parallel_loop3A_500, %parallel_loop3A_521 : vector<16xi32>
        %parallel_loop3A_523 = arith.ori %parallel_loop3A_519, %parallel_loop3A_522 : vector<16xi32>
        %parallel_loop3A_524 = arith.index_cast %parallel_loop3A_450 : i32 to index
        %parallel_loop3A_525 = arith.index_cast %parallel_loop3A_454 : i32 to index
        %parallel_loop3A_526 = tpu.vector_load %arg8[%parallel_loop3A_524, %parallel_loop3A_525] {strides = array<i32>} : memref<16x512xi32, #tpu.memory_space<vmem>>, vector<16xi32>,
        tpu.vector_store %arg8[%parallel_loop3A_524, %parallel_loop3A_525], %parallel_loop3A_523 {strides = array<i32>} : memref<16x512xi32, #tpu.memory_space<vmem>>, vector<16xi32>,
        %parallel_loop3A_527 = arith.constant 16 : i32
        %parallel_loop3A_528 = vector.broadcast %parallel_loop3A_527 : i32 to vector<16xi32>
        %parallel_loop3A_529 = arith.shli %parallel_loop3A_506, %parallel_loop3A_528 : vector<16xi32>
        %parallel_loop3A_530 = arith.ori %parallel_loop3A_503, %parallel_loop3A_529 : vector<16xi32>
        %parallel_loop3A_531 = arith.index_cast %parallel_loop3A_450 : i32 to index
        %parallel_loop3A_532 = arith.index_cast %parallel_loop3A_454 : i32 to index
        %parallel_loop3A_533 = tpu.vector_load %arg9[%parallel_loop3A_531, %parallel_loop3A_532] {strides = array<i32>} : memref<16x512xi32, #tpu.memory_space<vmem>>, vector<16xi32>,
        tpu.vector_store %arg9[%parallel_loop3A_531, %parallel_loop3A_532], %parallel_loop3A_530 {strides = array<i32>} : memref<16x512xi32, #tpu.memory_space<vmem>>, vector<16xi32>,
      } {sc.loop_unroll_factor = 4 : i64, sc.parallel_access}
      %mul3A_362 = arith.constant 16 : i32
      %mul3A_363 = arith.muli %add3A_344, %mul3A_362 : i32
      %add3A_364 = arith.constant 64 : i32
      %add3A_365 = arith.addi %add3A_364, %add3A_169 : i32
      %add3A_366 = arith.constant 128 : i32
      %add3A_367 = arith.addi %add3A_366, %add3A_169 : i32
      %dma_start3A_368 = tpu.memref_bitcast %arg4 : memref<192x512x512xi8, #tpu.memory_space<hbm>> -> memref<192x128x512xi32, #tpu.memory_space<hbm>>
      %dma_start3A_369 = arith.constant 0 : i32
      %dma_start3A_370 = tpu.memref_slice %dma_start3A_368[%add3A_169, %mul3A_363, %dma_start3A_369] : memref<192x128x512xi32, #tpu.memory_space<hbm>> -> memref<1x16x512xi32, #tpu.memory_space<hbm>>
      %dma_start3A_371 = tpu.memref_squeeze %dma_start3A_370 : memref<1x16x512xi32, #tpu.memory_space<hbm>> -> memref<16x512xi32, #tpu.memory_space<hbm>>
      %dma_start3A_372 = tpu.memref_bitcast %arg4 : memref<192x512x512xi8, #tpu.memory_space<hbm>> -> memref<192x128x512xi32, #tpu.memory_space<hbm>>
      %dma_start3A_373 = arith.constant 0 : i32
      %dma_start3A_374 = tpu.memref_slice %dma_start3A_372[%add3A_169, %mul3A_363, %dma_start3A_373] : memref<192x128x512xi32, #tpu.memory_space<hbm>> -> memref<1x16x512xi32, #tpu.memory_space<hbm>>
      %dma_start3A_375 = tpu.memref_squeeze %dma_start3A_374 : memref<1x16x512xi32, #tpu.memory_space<hbm>> -> memref<16x512xi32, #tpu.memory_space<hbm>>
      tpu.enqueue_dma source(%arg7 : memref<16x512xi32, #tpu.memory_space<vmem>>) target(%dma_start3A_375 : memref<16x512xi32, #tpu.memory_space<hbm>>) target_semaphore(%arg20 : memref<!tpu.dma_semaphore, #tpu.memory_space<semaphore_mem>>)
      %dma_start3A_376 = tpu.memref_bitcast %arg4 : memref<192x512x512xi8, #tpu.memory_space<hbm>> -> memref<192x128x512xi32, #tpu.memory_space<hbm>>
      %dma_start3A_377 = arith.constant 0 : i32
      %dma_start3A_378 = tpu.memref_slice %dma_start3A_376[%add3A_365, %mul3A_363, %dma_start3A_377] : memref<192x128x512xi32, #tpu.memory_space<hbm>> -> memref<1x16x512xi32, #tpu.memory_space<hbm>>
      %dma_start3A_379 = tpu.memref_squeeze %dma_start3A_378 : memref<1x16x512xi32, #tpu.memory_space<hbm>> -> memref<16x512xi32, #tpu.memory_space<hbm>>
      %dma_start3A_380 = tpu.memref_bitcast %arg4 : memref<192x512x512xi8, #tpu.memory_space<hbm>> -> memref<192x128x512xi32, #tpu.memory_space<hbm>>
      %dma_start3A_381 = arith.constant 0 : i32
      %dma_start3A_382 = tpu.memref_slice %dma_start3A_380[%add3A_365, %mul3A_363, %dma_start3A_381] : memref<192x128x512xi32, #tpu.memory_space<hbm>> -> memref<1x16x512xi32, #tpu.memory_space<hbm>>
      %dma_start3A_383 = tpu.memref_squeeze %dma_start3A_382 : memref<1x16x512xi32, #tpu.memory_space<hbm>> -> memref<16x512xi32, #tpu.memory_space<hbm>>
      tpu.enqueue_dma source(%arg8 : memref<16x512xi32, #tpu.memory_space<vmem>>) target(%dma_start3A_383 : memref<16x512xi32, #tpu.memory_space<hbm>>) target_semaphore(%arg20 : memref<!tpu.dma_semaphore, #tpu.memory_space<semaphore_mem>>)
      %dma_start3A_384 = tpu.memref_bitcast %arg4 : memref<192x512x512xi8, #tpu.memory_space<hbm>> -> memref<192x128x512xi32, #tpu.memory_space<hbm>>
      %dma_start3A_385 = arith.constant 0 : i32
      %dma_start3A_386 = tpu.memref_slice %dma_start3A_384[%add3A_367, %mul3A_363, %dma_start3A_385] : memref<192x128x512xi32, #tpu.memory_space<hbm>> -> memref<1x16x512xi32, #tpu.memory_space<hbm>>
      %dma_start3A_387 = tpu.memref_squeeze %dma_start3A_386 : memref<1x16x512xi32, #tpu.memory_space<hbm>> -> memref<16x512xi32, #tpu.memory_space<hbm>>
      %dma_start3A_388 = tpu.memref_bitcast %arg4 : memref<192x512x512xi8, #tpu.memory_space<hbm>> -> memref<192x128x512xi32, #tpu.memory_space<hbm>>
      %dma_start3A_389 = arith.constant 0 : i32
      %dma_start3A_390 = tpu.memref_slice %dma_start3A_388[%add3A_367, %mul3A_363, %dma_start3A_389] : memref<192x128x512xi32, #tpu.memory_space<hbm>> -> memref<1x16x512xi32, #tpu.memory_space<hbm>>
      %dma_start3A_391 = tpu.memref_squeeze %dma_start3A_390 : memref<1x16x512xi32, #tpu.memory_space<hbm>> -> memref<16x512xi32, #tpu.memory_space<hbm>>
      tpu.enqueue_dma source(%arg9 : memref<16x512xi32, #tpu.memory_space<vmem>>) target(%dma_start3A_391 : memref<16x512xi32, #tpu.memory_space<hbm>>) target_semaphore(%arg20 : memref<!tpu.dma_semaphore, #tpu.memory_space<semaphore_mem>>)
      %mul3A_392 = arith.constant 2 : i32
      %mul3A_393 = arith.muli %mul3A_392, %scan3A_340 : i32
      %add3A_394 = arith.constant 1 : i32
      %add3A_395 = arith.addi %mul3A_393, %add3A_394 : i32
      %mul3A_396 = arith.constant 64 : i32
      %mul3A_397 = arith.muli %add3A_395, %mul3A_396 : i32
      %dma_wait3A_398 = arith.constant 0 : i32
      %dma_wait3A_399 = arith.constant 0 : i32
      %dma_wait3A_400 = tpu.memref_slice %arg2[%add3A_169, %dma_wait3A_398, %mul3A_397, %dma_wait3A_399] : memref<64x1x512x512xf32, #tpu.memory_space<hbm>> -> memref<1x1x64x512xf32, #tpu.memory_space<hbm>>
      %dma_wait3A_401 = tpu.memref_squeeze %dma_wait3A_400 : memref<1x1x64x512xf32, #tpu.memory_space<hbm>> -> memref<64x512xf32, #tpu.memory_space<hbm>>
      %dma_wait3A_402 = arith.constant 0 : i32
      %dma_wait3A_403 = tpu.memref_slice %arg2[%add3A_169, %dma_wait3A_398, %mul3A_397, %dma_wait3A_402] : memref<64x1x512x512xf32, #tpu.memory_space<hbm>> -> memref<1x1x64x512xf32, #tpu.memory_space<hbm>>
      %dma_wait3A_404 = tpu.memref_squeeze %dma_wait3A_403 : memref<1x1x64x512xf32, #tpu.memory_space<hbm>> -> memref<64x512xf32, #tpu.memory_space<hbm>>
      tpu.wait_dma2 semaphore(%arg19 : memref<!tpu.dma_semaphore, #tpu.memory_space<semaphore_mem>>) src(%dma_wait3A_404 : memref<64x512xf32, #tpu.memory_space<hbm>>) dst(%arg6 : memref<64x512xf32, #tpu.memory_space<vmem>>)
      %lt3A_405 = arith.constant 7 : i32
      %lt3A_406 = arith.cmpi slt, %add3A_395, %lt3A_405 : i32
      %convert_element_type3A_407 = arith.extui %lt3A_406 : i1 to i32
      %cond3A_408 = arith.constant 0 : i32
      %cond3A_409 = arith.cmpi ne, %convert_element_type3A_407, %cond3A_408 : i32
      scf.if %cond3A_409 {
        %add3A_448 = arith.constant 1 : i32
        %add3A_449 = arith.addi %add3A_395, %add3A_448 : i32
        %mul3A_450 = arith.constant 64 : i32
        %mul3A_451 = arith.muli %add3A_449, %mul3A_450 : i32
        %dma_start3A_452 = arith.constant 0 : i32
        %dma_start3A_453 = arith.constant 0 : i32
        %dma_start3A_454 = tpu.memref_slice %arg2[%add3A_169, %dma_start3A_452, %mul3A_451, %dma_start3A_453] : memref<64x1x512x512xf32, #tpu.memory_space<hbm>> -> memref<1x1x64x512xf32, #tpu.memory_space<hbm>>
        %dma_start3A_455 = tpu.memref_squeeze %dma_start3A_454 : memref<1x1x64x512xf32, #tpu.memory_space<hbm>> -> memref<64x512xf32, #tpu.memory_space<hbm>>
        %dma_start3A_456 = arith.constant 0 : i32
        %dma_start3A_457 = tpu.memref_slice %arg2[%add3A_169, %dma_start3A_452, %mul3A_451, %dma_start3A_456] : memref<64x1x512x512xf32, #tpu.memory_space<hbm>> -> memref<1x1x64x512xf32, #tpu.memory_space<hbm>>
        %dma_start3A_458 = tpu.memref_squeeze %dma_start3A_457 : memref<1x1x64x512xf32, #tpu.memory_space<hbm>> -> memref<64x512xf32, #tpu.memory_space<hbm>>
        tpu.enqueue_dma source(%dma_start3A_458 : memref<64x512xf32, #tpu.memory_space<hbm>>) target(%arg5 : memref<64x512xf32, #tpu.memory_space<vmem>>) target_semaphore(%arg18 : memref<!tpu.dma_semaphore, #tpu.memory_space<semaphore_mem>>)
      } else {
      }
      %gt3A_410 = arith.constant 0 : i32
      %gt3A_411 = arith.cmpi sgt, %scan3A_340, %gt3A_410 : i32
      %convert_element_type3A_412 = arith.extui %gt3A_411 : i1 to i32
      %cond3A_413 = arith.constant 0 : i32
      %cond3A_414 = arith.cmpi ne, %convert_element_type3A_412, %cond3A_413 : i32
      scf.if %cond3A_414 {
        %mul3A_448 = arith.constant 16 : i32
        %mul3A_449 = arith.muli %add3A_395, %mul3A_448 : i32
        %add3A_450 = arith.constant 64 : i32
        %add3A_451 = arith.addi %add3A_450, %add3A_169 : i32
        %add3A_452 = arith.constant 128 : i32
        %add3A_453 = arith.addi %add3A_452, %add3A_169 : i32
        %dma_wait3A_454 = tpu.memref_bitcast %arg4 : memref<192x512x512xi8, #tpu.memory_space<hbm>> -> memref<192x128x512xi32, #tpu.memory_space<hbm>>
        %dma_wait3A_455 = arith.constant 0 : i32
        %dma_wait3A_456 = tpu.memref_slice %dma_wait3A_454[%add3A_169, %mul3A_449, %dma_wait3A_455] : memref<192x128x512xi32, #tpu.memory_space<hbm>> -> memref<1x16x512xi32, #tpu.memory_space<hbm>>
        %dma_wait3A_457 = tpu.memref_squeeze %dma_wait3A_456 : memref<1x16x512xi32, #tpu.memory_space<hbm>> -> memref<16x512xi32, #tpu.memory_space<hbm>>
        %dma_wait3A_458 = tpu.memref_bitcast %arg4 : memref<192x512x512xi8, #tpu.memory_space<hbm>> -> memref<192x128x512xi32, #tpu.memory_space<hbm>>
        %dma_wait3A_459 = arith.constant 0 : i32
        %dma_wait3A_460 = tpu.memref_slice %dma_wait3A_458[%add3A_169, %mul3A_449, %dma_wait3A_459] : memref<192x128x512xi32, #tpu.memory_space<hbm>> -> memref<1x16x512xi32, #tpu.memory_space<hbm>>
        %dma_wait3A_461 = tpu.memref_squeeze %dma_wait3A_460 : memref<1x16x512xi32, #tpu.memory_space<hbm>> -> memref<16x512xi32, #tpu.memory_space<hbm>>
        tpu.wait_dma2 semaphore(%arg21 : memref<!tpu.dma_semaphore, #tpu.memory_space<semaphore_mem>>) src(%arg10 : memref<16x512xi32, #tpu.memory_space<vmem>>) dst(%dma_wait3A_461 : memref<16x512xi32, #tpu.memory_space<hbm>>)
        %dma_wait3A_462 = tpu.memref_bitcast %arg4 : memref<192x512x512xi8, #tpu.memory_space<hbm>> -> memref<192x128x512xi32, #tpu.memory_space<hbm>>
        %dma_wait3A_463 = arith.constant 0 : i32
        %dma_wait3A_464 = tpu.memref_slice %dma_wait3A_462[%add3A_451, %mul3A_449, %dma_wait3A_463] : memref<192x128x512xi32, #tpu.memory_space<hbm>> -> memref<1x16x512xi32, #tpu.memory_space<hbm>>
        %dma_wait3A_465 = tpu.memref_squeeze %dma_wait3A_464 : memref<1x16x512xi32, #tpu.memory_space<hbm>> -> memref<16x512xi32, #tpu.memory_space<hbm>>
        %dma_wait3A_466 = tpu.memref_bitcast %arg4 : memref<192x512x512xi8, #tpu.memory_space<hbm>> -> memref<192x128x512xi32, #tpu.memory_space<hbm>>
        %dma_wait3A_467 = arith.constant 0 : i32
        %dma_wait3A_468 = tpu.memref_slice %dma_wait3A_466[%add3A_451, %mul3A_449, %dma_wait3A_467] : memref<192x128x512xi32, #tpu.memory_space<hbm>> -> memref<1x16x512xi32, #tpu.memory_space<hbm>>
        %dma_wait3A_469 = tpu.memref_squeeze %dma_wait3A_468 : memref<1x16x512xi32, #tpu.memory_space<hbm>> -> memref<16x512xi32, #tpu.memory_space<hbm>>
        tpu.wait_dma2 semaphore(%arg21 : memref<!tpu.dma_semaphore, #tpu.memory_space<semaphore_mem>>) src(%arg11 : memref<16x512xi32, #tpu.memory_space<vmem>>) dst(%dma_wait3A_469 : memref<16x512xi32, #tpu.memory_space<hbm>>)
        %dma_wait3A_470 = tpu.memref_bitcast %arg4 : memref<192x512x512xi8, #tpu.memory_space<hbm>> -> memref<192x128x512xi32, #tpu.memory_space<hbm>>
        %dma_wait3A_471 = arith.constant 0 : i32
        %dma_wait3A_472 = tpu.memref_slice %dma_wait3A_470[%add3A_453, %mul3A_449, %dma_wait3A_471] : memref<192x128x512xi32, #tpu.memory_space<hbm>> -> memref<1x16x512xi32, #tpu.memory_space<hbm>>
        %dma_wait3A_473 = tpu.memref_squeeze %dma_wait3A_472 : memref<1x16x512xi32, #tpu.memory_space<hbm>> -> memref<16x512xi32, #tpu.memory_space<hbm>>
        %dma_wait3A_474 = tpu.memref_bitcast %arg4 : memref<192x512x512xi8, #tpu.memory_space<hbm>> -> memref<192x128x512xi32, #tpu.memory_space<hbm>>
        %dma_wait3A_475 = arith.constant 0 : i32
        %dma_wait3A_476 = tpu.memref_slice %dma_wait3A_474[%add3A_453, %mul3A_449, %dma_wait3A_475] : memref<192x128x512xi32, #tpu.memory_space<hbm>> -> memref<1x16x512xi32, #tpu.memory_space<hbm>>
        %dma_wait3A_477 = tpu.memref_squeeze %dma_wait3A_476 : memref<1x16x512xi32, #tpu.memory_space<hbm>> -> memref<16x512xi32, #tpu.memory_space<hbm>>
        tpu.wait_dma2 semaphore(%arg21 : memref<!tpu.dma_semaphore, #tpu.memory_space<semaphore_mem>>) src(%arg12 : memref<16x512xi32, #tpu.memory_space<vmem>>) dst(%dma_wait3A_477 : memref<16x512xi32, #tpu.memory_space<hbm>>)
      } else {
      }
      %parallel_loop3A_415 = arith.constant 0 : i32
      %parallel_loop3A_416 = arith.constant 512 : i32
      %parallel_loop3A_417 = arith.constant 1 : i32
      scf.for %parallel_loop3A_448 = %parallel_loop3A_415 to %parallel_loop3A_416 step %parallel_loop3A_417  : i32 {
        %parallel_loop3A_449 = arith.constant 5 : i32
        %parallel_loop3A_450 = arith.shrsi %parallel_loop3A_448, %parallel_loop3A_449 : i32
        %parallel_loop3A_451 = arith.constant 31 : i32
        %parallel_loop3A_452 = arith.andi %parallel_loop3A_448, %parallel_loop3A_451 : i32
        %parallel_loop3A_453 = arith.constant 4 : i32
        %parallel_loop3A_454 = arith.shli %parallel_loop3A_452, %parallel_loop3A_453 : i32
        %parallel_loop3A_455 = arith.constant 4 : i32
        %parallel_loop3A_456 = arith.muli %parallel_loop3A_450, %parallel_loop3A_455 : i32
        %parallel_loop3A_457 = arith.constant 0 : i32
        %parallel_loop3A_458 = arith.addi %parallel_loop3A_456, %parallel_loop3A_457 : i32
        %parallel_loop3A_459 = arith.index_cast %parallel_loop3A_458 : i32 to index
        %parallel_loop3A_460 = arith.index_cast %parallel_loop3A_454 : i32 to index
        %parallel_loop3A_461 = tpu.vector_load %arg6[%parallel_loop3A_459, %parallel_loop3A_460] {strides = array<i32>} : memref<64x512xf32, #tpu.memory_space<vmem>>, vector<16xf32>,
        %parallel_loop3A_462 = arith.mulf %parallel_loop3A_461, %div3A_252 : vector<16xf32>
        %parallel_loop3A_463 = arith.addf %parallel_loop3A_462, %neg3A_256 : vector<16xf32>
        %parallel_loop3A_464 = arith.fptosi %parallel_loop3A_463 : vector<16xf32> to vector<16xi32>
        %parallel_loop3A_465 = arith.constant 4 : i32
        %parallel_loop3A_466 = arith.muli %parallel_loop3A_450, %parallel_loop3A_465 : i32
        %parallel_loop3A_467 = arith.constant 1 : i32
        %parallel_loop3A_468 = arith.addi %parallel_loop3A_466, %parallel_loop3A_467 : i32
        %parallel_loop3A_469 = arith.index_cast %parallel_loop3A_468 : i32 to index
        %parallel_loop3A_470 = arith.index_cast %parallel_loop3A_454 : i32 to index
        %parallel_loop3A_471 = tpu.vector_load %arg6[%parallel_loop3A_469, %parallel_loop3A_470] {strides = array<i32>} : memref<64x512xf32, #tpu.memory_space<vmem>>, vector<16xf32>,
        %parallel_loop3A_472 = arith.mulf %parallel_loop3A_471, %div3A_252 : vector<16xf32>
        %parallel_loop3A_473 = arith.addf %parallel_loop3A_472, %neg3A_256 : vector<16xf32>
        %parallel_loop3A_474 = arith.fptosi %parallel_loop3A_473 : vector<16xf32> to vector<16xi32>
        %parallel_loop3A_475 = arith.constant 4 : i32
        %parallel_loop3A_476 = arith.muli %parallel_loop3A_450, %parallel_loop3A_475 : i32
        %parallel_loop3A_477 = arith.constant 2 : i32
        %parallel_loop3A_478 = arith.addi %parallel_loop3A_476, %parallel_loop3A_477 : i32
        %parallel_loop3A_479 = arith.index_cast %parallel_loop3A_478 : i32 to index
        %parallel_loop3A_480 = arith.index_cast %parallel_loop3A_454 : i32 to index
        %parallel_loop3A_481 = tpu.vector_load %arg6[%parallel_loop3A_479, %parallel_loop3A_480] {strides = array<i32>} : memref<64x512xf32, #tpu.memory_space<vmem>>, vector<16xf32>,
        %parallel_loop3A_482 = arith.mulf %parallel_loop3A_481, %div3A_252 : vector<16xf32>
        %parallel_loop3A_483 = arith.addf %parallel_loop3A_482, %neg3A_256 : vector<16xf32>
        %parallel_loop3A_484 = arith.fptosi %parallel_loop3A_483 : vector<16xf32> to vector<16xi32>
        %parallel_loop3A_485 = arith.constant 4 : i32
        %parallel_loop3A_486 = arith.muli %parallel_loop3A_450, %parallel_loop3A_485 : i32
        %parallel_loop3A_487 = arith.constant 3 : i32
        %parallel_loop3A_488 = arith.addi %parallel_loop3A_486, %parallel_loop3A_487 : i32
        %parallel_loop3A_489 = arith.index_cast %parallel_loop3A_488 : i32 to index
        %parallel_loop3A_490 = arith.index_cast %parallel_loop3A_454 : i32 to index
        %parallel_loop3A_491 = tpu.vector_load %arg6[%parallel_loop3A_489, %parallel_loop3A_490] {strides = array<i32>} : memref<64x512xf32, #tpu.memory_space<vmem>>, vector<16xf32>,
        %parallel_loop3A_492 = arith.mulf %parallel_loop3A_491, %div3A_252 : vector<16xf32>
        %parallel_loop3A_493 = arith.addf %parallel_loop3A_492, %neg3A_256 : vector<16xf32>
        %parallel_loop3A_494 = arith.fptosi %parallel_loop3A_493 : vector<16xf32> to vector<16xi32>
        %parallel_loop3A_495 = tpu.vector_load_idx %arg13[%parallel_loop3A_464] : memref<256xi32, #tpu.memory_space<vmem>>[vector<16xi32>], vector<16xi32>,
        %parallel_loop3A_496 = tpu.vector_load_idx %arg14[%parallel_loop3A_474] : memref<256xi32, #tpu.memory_space<vmem>>[vector<16xi32>], vector<16xi32>,
        %parallel_loop3A_497 = arith.ori %parallel_loop3A_495, %parallel_loop3A_496 : vector<16xi32>
        %parallel_loop3A_498 = tpu.vector_load_idx %arg13[%parallel_loop3A_484] : memref<256xi32, #tpu.memory_space<vmem>>[vector<16xi32>], vector<16xi32>,
        %parallel_loop3A_499 = tpu.vector_load_idx %arg14[%parallel_loop3A_494] : memref<256xi32, #tpu.memory_space<vmem>>[vector<16xi32>], vector<16xi32>,
        %parallel_loop3A_500 = arith.ori %parallel_loop3A_498, %parallel_loop3A_499 : vector<16xi32>
        %parallel_loop3A_501 = tpu.vector_load_idx %arg15[%parallel_loop3A_464] : memref<256xi32, #tpu.memory_space<vmem>>[vector<16xi32>], vector<16xi32>,
        %parallel_loop3A_502 = tpu.vector_load_idx %arg16[%parallel_loop3A_474] : memref<256xi32, #tpu.memory_space<vmem>>[vector<16xi32>], vector<16xi32>,
        %parallel_loop3A_503 = arith.ori %parallel_loop3A_501, %parallel_loop3A_502 : vector<16xi32>
        %parallel_loop3A_504 = tpu.vector_load_idx %arg15[%parallel_loop3A_484] : memref<256xi32, #tpu.memory_space<vmem>>[vector<16xi32>], vector<16xi32>,
        %parallel_loop3A_505 = tpu.vector_load_idx %arg16[%parallel_loop3A_494] : memref<256xi32, #tpu.memory_space<vmem>>[vector<16xi32>], vector<16xi32>,
        %parallel_loop3A_506 = arith.ori %parallel_loop3A_504, %parallel_loop3A_505 : vector<16xi32>
        %parallel_loop3A_507 = arith.constant 65535 : i32
        %parallel_loop3A_508 = vector.broadcast %parallel_loop3A_507 : i32 to vector<16xi32>
        %parallel_loop3A_509 = arith.andi %parallel_loop3A_497, %parallel_loop3A_508 : vector<16xi32>
        %parallel_loop3A_510 = arith.constant 16 : i32
        %parallel_loop3A_511 = vector.broadcast %parallel_loop3A_510 : i32 to vector<16xi32>
        %parallel_loop3A_512 = arith.shli %parallel_loop3A_500, %parallel_loop3A_511 : vector<16xi32>
        %parallel_loop3A_513 = arith.ori %parallel_loop3A_509, %parallel_loop3A_512 : vector<16xi32>
        %parallel_loop3A_514 = arith.index_cast %parallel_loop3A_450 : i32 to index
        %parallel_loop3A_515 = arith.index_cast %parallel_loop3A_454 : i32 to index
        %parallel_loop3A_516 = tpu.vector_load %arg10[%parallel_loop3A_514, %parallel_loop3A_515] {strides = array<i32>} : memref<16x512xi32, #tpu.memory_space<vmem>>, vector<16xi32>,
        tpu.vector_store %arg10[%parallel_loop3A_514, %parallel_loop3A_515], %parallel_loop3A_513 {strides = array<i32>} : memref<16x512xi32, #tpu.memory_space<vmem>>, vector<16xi32>,
        %parallel_loop3A_517 = arith.constant 16 : i32
        %parallel_loop3A_518 = vector.broadcast %parallel_loop3A_517 : i32 to vector<16xi32>
        %parallel_loop3A_519 = arith.shrui %parallel_loop3A_497, %parallel_loop3A_518 : vector<16xi32>
        %parallel_loop3A_520 = arith.constant -65536 : i32
        %parallel_loop3A_521 = vector.broadcast %parallel_loop3A_520 : i32 to vector<16xi32>
        %parallel_loop3A_522 = arith.andi %parallel_loop3A_500, %parallel_loop3A_521 : vector<16xi32>
        %parallel_loop3A_523 = arith.ori %parallel_loop3A_519, %parallel_loop3A_522 : vector<16xi32>
        %parallel_loop3A_524 = arith.index_cast %parallel_loop3A_450 : i32 to index
        %parallel_loop3A_525 = arith.index_cast %parallel_loop3A_454 : i32 to index
        %parallel_loop3A_526 = tpu.vector_load %arg11[%parallel_loop3A_524, %parallel_loop3A_525] {strides = array<i32>} : memref<16x512xi32, #tpu.memory_space<vmem>>, vector<16xi32>,
        tpu.vector_store %arg11[%parallel_loop3A_524, %parallel_loop3A_525], %parallel_loop3A_523 {strides = array<i32>} : memref<16x512xi32, #tpu.memory_space<vmem>>, vector<16xi32>,
        %parallel_loop3A_527 = arith.constant 16 : i32
        %parallel_loop3A_528 = vector.broadcast %parallel_loop3A_527 : i32 to vector<16xi32>
        %parallel_loop3A_529 = arith.shli %parallel_loop3A_506, %parallel_loop3A_528 : vector<16xi32>
        %parallel_loop3A_530 = arith.ori %parallel_loop3A_503, %parallel_loop3A_529 : vector<16xi32>
        %parallel_loop3A_531 = arith.index_cast %parallel_loop3A_450 : i32 to index
        %parallel_loop3A_532 = arith.index_cast %parallel_loop3A_454 : i32 to index
        %parallel_loop3A_533 = tpu.vector_load %arg12[%parallel_loop3A_531, %parallel_loop3A_532] {strides = array<i32>} : memref<16x512xi32, #tpu.memory_space<vmem>>, vector<16xi32>,
        tpu.vector_store %arg12[%parallel_loop3A_531, %parallel_loop3A_532], %parallel_loop3A_530 {strides = array<i32>} : memref<16x512xi32, #tpu.memory_space<vmem>>, vector<16xi32>,
      } {sc.loop_unroll_factor = 4 : i64, sc.parallel_access}
      %mul3A_418 = arith.constant 16 : i32
      %mul3A_419 = arith.muli %add3A_395, %mul3A_418 : i32
      %add3A_420 = arith.constant 64 : i32
      %add3A_421 = arith.addi %add3A_420, %add3A_169 : i32
      %add3A_422 = arith.constant 128 : i32
      %add3A_423 = arith.addi %add3A_422, %add3A_169 : i32
      %dma_start3A_424 = tpu.memref_bitcast %arg4 : memref<192x512x512xi8, #tpu.memory_space<hbm>> -> memref<192x128x512xi32, #tpu.memory_space<hbm>>
      %dma_start3A_425 = arith.constant 0 : i32
      %dma_start3A_426 = tpu.memref_slice %dma_start3A_424[%add3A_169, %mul3A_419, %dma_start3A_425] : memref<192x128x512xi32, #tpu.memory_space<hbm>> -> memref<1x16x512xi32, #tpu.memory_space<hbm>>
      %dma_start3A_427 = tpu.memref_squeeze %dma_start3A_426 : memref<1x16x512xi32, #tpu.memory_space<hbm>> -> memref<16x512xi32, #tpu.memory_space<hbm>>
      %dma_start3A_428 = tpu.memref_bitcast %arg4 : memref<192x512x512xi8, #tpu.memory_space<hbm>> -> memref<192x128x512xi32, #tpu.memory_space<hbm>>
      %dma_start3A_429 = arith.constant 0 : i32
      %dma_start3A_430 = tpu.memref_slice %dma_start3A_428[%add3A_169, %mul3A_419, %dma_start3A_429] : memref<192x128x512xi32, #tpu.memory_space<hbm>> -> memref<1x16x512xi32, #tpu.memory_space<hbm>>
      %dma_start3A_431 = tpu.memref_squeeze %dma_start3A_430 : memref<1x16x512xi32, #tpu.memory_space<hbm>> -> memref<16x512xi32, #tpu.memory_space<hbm>>
      tpu.enqueue_dma source(%arg10 : memref<16x512xi32, #tpu.memory_space<vmem>>) target(%dma_start3A_431 : memref<16x512xi32, #tpu.memory_space<hbm>>) target_semaphore(%arg21 : memref<!tpu.dma_semaphore, #tpu.memory_space<semaphore_mem>>)
      %dma_start3A_432 = tpu.memref_bitcast %arg4 : memref<192x512x512xi8, #tpu.memory_space<hbm>> -> memref<192x128x512xi32, #tpu.memory_space<hbm>>
      %dma_start3A_433 = arith.constant 0 : i32
      %dma_start3A_434 = tpu.memref_slice %dma_start3A_432[%add3A_421, %mul3A_419, %dma_start3A_433] : memref<192x128x512xi32, #tpu.memory_space<hbm>> -> memref<1x16x512xi32, #tpu.memory_space<hbm>>
      %dma_start3A_435 = tpu.memref_squeeze %dma_start3A_434 : memref<1x16x512xi32, #tpu.memory_space<hbm>> -> memref<16x512xi32, #tpu.memory_space<hbm>>
      %dma_start3A_436 = tpu.memref_bitcast %arg4 : memref<192x512x512xi8, #tpu.memory_space<hbm>> -> memref<192x128x512xi32, #tpu.memory_space<hbm>>
      %dma_start3A_437 = arith.constant 0 : i32
      %dma_start3A_438 = tpu.memref_slice %dma_start3A_436[%add3A_421, %mul3A_419, %dma_start3A_437] : memref<192x128x512xi32, #tpu.memory_space<hbm>> -> memref<1x16x512xi32, #tpu.memory_space<hbm>>
      %dma_start3A_439 = tpu.memref_squeeze %dma_start3A_438 : memref<1x16x512xi32, #tpu.memory_space<hbm>> -> memref<16x512xi32, #tpu.memory_space<hbm>>
      tpu.enqueue_dma source(%arg11 : memref<16x512xi32, #tpu.memory_space<vmem>>) target(%dma_start3A_439 : memref<16x512xi32, #tpu.memory_space<hbm>>) target_semaphore(%arg21 : memref<!tpu.dma_semaphore, #tpu.memory_space<semaphore_mem>>)
      %dma_start3A_440 = tpu.memref_bitcast %arg4 : memref<192x512x512xi8, #tpu.memory_space<hbm>> -> memref<192x128x512xi32, #tpu.memory_space<hbm>>
      %dma_start3A_441 = arith.constant 0 : i32
      %dma_start3A_442 = tpu.memref_slice %dma_start3A_440[%add3A_423, %mul3A_419, %dma_start3A_441] : memref<192x128x512xi32, #tpu.memory_space<hbm>> -> memref<1x16x512xi32, #tpu.memory_space<hbm>>
      %dma_start3A_443 = tpu.memref_squeeze %dma_start3A_442 : memref<1x16x512xi32, #tpu.memory_space<hbm>> -> memref<16x512xi32, #tpu.memory_space<hbm>>
      %dma_start3A_444 = tpu.memref_bitcast %arg4 : memref<192x512x512xi8, #tpu.memory_space<hbm>> -> memref<192x128x512xi32, #tpu.memory_space<hbm>>
      %dma_start3A_445 = arith.constant 0 : i32
      %dma_start3A_446 = tpu.memref_slice %dma_start3A_444[%add3A_423, %mul3A_419, %dma_start3A_445] : memref<192x128x512xi32, #tpu.memory_space<hbm>> -> memref<1x16x512xi32, #tpu.memory_space<hbm>>
      %dma_start3A_447 = tpu.memref_squeeze %dma_start3A_446 : memref<1x16x512xi32, #tpu.memory_space<hbm>> -> memref<16x512xi32, #tpu.memory_space<hbm>>
      tpu.enqueue_dma source(%arg12 : memref<16x512xi32, #tpu.memory_space<vmem>>) target(%dma_start3A_447 : memref<16x512xi32, #tpu.memory_space<hbm>>) target_semaphore(%arg21 : memref<!tpu.dma_semaphore, #tpu.memory_space<semaphore_mem>>)
    }
    %scan3A_271 = arith.constant 4 : i32
    %add3A_272 = arith.constant 64 : i32
    %add3A_273 = arith.addi %add3A_272, %add3A_169 : i32
    %add3A_274 = arith.constant 128 : i32
    %add3A_275 = arith.addi %add3A_274, %add3A_169 : i32
    %dma_wait3A_276 = tpu.memref_bitcast %arg4 : memref<192x512x512xi8, #tpu.memory_space<hbm>> -> memref<192x128x512xi32, #tpu.memory_space<hbm>>
    %dma_wait3A_277 = arith.constant 96 : i32
    %dma_wait3A_278 = arith.constant 0 : i32
    %dma_wait3A_279 = tpu.memref_slice %dma_wait3A_276[%add3A_169, %dma_wait3A_277, %dma_wait3A_278] : memref<192x128x512xi32, #tpu.memory_space<hbm>> -> memref<1x16x512xi32, #tpu.memory_space<hbm>>
    %dma_wait3A_280 = tpu.memref_squeeze %dma_wait3A_279 : memref<1x16x512xi32, #tpu.memory_space<hbm>> -> memref<16x512xi32, #tpu.memory_space<hbm>>
    %dma_wait3A_281 = tpu.memref_bitcast %arg4 : memref<192x512x512xi8, #tpu.memory_space<hbm>> -> memref<192x128x512xi32, #tpu.memory_space<hbm>>
    %dma_wait3A_282 = arith.constant 96 : i32
    %dma_wait3A_283 = arith.constant 0 : i32
    %dma_wait3A_284 = tpu.memref_slice %dma_wait3A_281[%add3A_169, %dma_wait3A_282, %dma_wait3A_283] : memref<192x128x512xi32, #tpu.memory_space<hbm>> -> memref<1x16x512xi32, #tpu.memory_space<hbm>>
    %dma_wait3A_285 = tpu.memref_squeeze %dma_wait3A_284 : memref<1x16x512xi32, #tpu.memory_space<hbm>> -> memref<16x512xi32, #tpu.memory_space<hbm>>
    tpu.wait_dma2 semaphore(%arg20 : memref<!tpu.dma_semaphore, #tpu.memory_space<semaphore_mem>>) src(%arg7 : memref<16x512xi32, #tpu.memory_space<vmem>>) dst(%dma_wait3A_285 : memref<16x512xi32, #tpu.memory_space<hbm>>)
    %dma_wait3A_286 = tpu.memref_bitcast %arg4 : memref<192x512x512xi8, #tpu.memory_space<hbm>> -> memref<192x128x512xi32, #tpu.memory_space<hbm>>
    %dma_wait3A_287 = arith.constant 96 : i32
    %dma_wait3A_288 = arith.constant 0 : i32
    %dma_wait3A_289 = tpu.memref_slice %dma_wait3A_286[%add3A_273, %dma_wait3A_287, %dma_wait3A_288] : memref<192x128x512xi32, #tpu.memory_space<hbm>> -> memref<1x16x512xi32, #tpu.memory_space<hbm>>
    %dma_wait3A_290 = tpu.memref_squeeze %dma_wait3A_289 : memref<1x16x512xi32, #tpu.memory_space<hbm>> -> memref<16x512xi32, #tpu.memory_space<hbm>>
    %dma_wait3A_291 = tpu.memref_bitcast %arg4 : memref<192x512x512xi8, #tpu.memory_space<hbm>> -> memref<192x128x512xi32, #tpu.memory_space<hbm>>
    %dma_wait3A_292 = arith.constant 96 : i32
    %dma_wait3A_293 = arith.constant 0 : i32
    %dma_wait3A_294 = tpu.memref_slice %dma_wait3A_291[%add3A_273, %dma_wait3A_292, %dma_wait3A_293] : memref<192x128x512xi32, #tpu.memory_space<hbm>> -> memref<1x16x512xi32, #tpu.memory_space<hbm>>
    %dma_wait3A_295 = tpu.memref_squeeze %dma_wait3A_294 : memref<1x16x512xi32, #tpu.memory_space<hbm>> -> memref<16x512xi32, #tpu.memory_space<hbm>>
    tpu.wait_dma2 semaphore(%arg20 : memref<!tpu.dma_semaphore, #tpu.memory_space<semaphore_mem>>) src(%arg8 : memref<16x512xi32, #tpu.memory_space<vmem>>) dst(%dma_wait3A_295 : memref<16x512xi32, #tpu.memory_space<hbm>>)
    %dma_wait3A_296 = tpu.memref_bitcast %arg4 : memref<192x512x512xi8, #tpu.memory_space<hbm>> -> memref<192x128x512xi32, #tpu.memory_space<hbm>>
    %dma_wait3A_297 = arith.constant 96 : i32
    %dma_wait3A_298 = arith.constant 0 : i32
    %dma_wait3A_299 = tpu.memref_slice %dma_wait3A_296[%add3A_275, %dma_wait3A_297, %dma_wait3A_298] : memref<192x128x512xi32, #tpu.memory_space<hbm>> -> memref<1x16x512xi32, #tpu.memory_space<hbm>>
    %dma_wait3A_300 = tpu.memref_squeeze %dma_wait3A_299 : memref<1x16x512xi32, #tpu.memory_space<hbm>> -> memref<16x512xi32, #tpu.memory_space<hbm>>
    %dma_wait3A_301 = tpu.memref_bitcast %arg4 : memref<192x512x512xi8, #tpu.memory_space<hbm>> -> memref<192x128x512xi32, #tpu.memory_space<hbm>>
    %dma_wait3A_302 = arith.constant 96 : i32
    %dma_wait3A_303 = arith.constant 0 : i32
    %dma_wait3A_304 = tpu.memref_slice %dma_wait3A_301[%add3A_275, %dma_wait3A_302, %dma_wait3A_303] : memref<192x128x512xi32, #tpu.memory_space<hbm>> -> memref<1x16x512xi32, #tpu.memory_space<hbm>>
    %dma_wait3A_305 = tpu.memref_squeeze %dma_wait3A_304 : memref<1x16x512xi32, #tpu.memory_space<hbm>> -> memref<16x512xi32, #tpu.memory_space<hbm>>
    tpu.wait_dma2 semaphore(%arg20 : memref<!tpu.dma_semaphore, #tpu.memory_space<semaphore_mem>>) src(%arg9 : memref<16x512xi32, #tpu.memory_space<vmem>>) dst(%dma_wait3A_305 : memref<16x512xi32, #tpu.memory_space<hbm>>)
    %add3A_306 = arith.constant 64 : i32
    %add3A_307 = arith.addi %add3A_306, %add3A_169 : i32
    %add3A_308 = arith.constant 128 : i32
    %add3A_309 = arith.addi %add3A_308, %add3A_169 : i32
    %dma_wait3A_310 = tpu.memref_bitcast %arg4 : memref<192x512x512xi8, #tpu.memory_space<hbm>> -> memref<192x128x512xi32, #tpu.memory_space<hbm>>
    %dma_wait3A_311 = arith.constant 112 : i32
    %dma_wait3A_312 = arith.constant 0 : i32
    %dma_wait3A_313 = tpu.memref_slice %dma_wait3A_310[%add3A_169, %dma_wait3A_311, %dma_wait3A_312] : memref<192x128x512xi32, #tpu.memory_space<hbm>> -> memref<1x16x512xi32, #tpu.memory_space<hbm>>
    %dma_wait3A_314 = tpu.memref_squeeze %dma_wait3A_313 : memref<1x16x512xi32, #tpu.memory_space<hbm>> -> memref<16x512xi32, #tpu.memory_space<hbm>>
    %dma_wait3A_315 = tpu.memref_bitcast %arg4 : memref<192x512x512xi8, #tpu.memory_space<hbm>> -> memref<192x128x512xi32, #tpu.memory_space<hbm>>
    %dma_wait3A_316 = arith.constant 112 : i32
    %dma_wait3A_317 = arith.constant 0 : i32
    %dma_wait3A_318 = tpu.memref_slice %dma_wait3A_315[%add3A_169, %dma_wait3A_316, %dma_wait3A_317] : memref<192x128x512xi32, #tpu.memory_space<hbm>> -> memref<1x16x512xi32, #tpu.memory_space<hbm>>
    %dma_wait3A_319 = tpu.memref_squeeze %dma_wait3A_318 : memref<1x16x512xi32, #tpu.memory_space<hbm>> -> memref<16x512xi32, #tpu.memory_space<hbm>>
    tpu.wait_dma2 semaphore(%arg21 : memref<!tpu.dma_semaphore, #tpu.memory_space<semaphore_mem>>) src(%arg10 : memref<16x512xi32, #tpu.memory_space<vmem>>) dst(%dma_wait3A_319 : memref<16x512xi32, #tpu.memory_space<hbm>>)
    %dma_wait3A_320 = tpu.memref_bitcast %arg4 : memref<192x512x512xi8, #tpu.memory_space<hbm>> -> memref<192x128x512xi32, #tpu.memory_space<hbm>>
    %dma_wait3A_321 = arith.constant 112 : i32
    %dma_wait3A_322 = arith.constant 0 : i32
    %dma_wait3A_323 = tpu.memref_slice %dma_wait3A_320[%add3A_307, %dma_wait3A_321, %dma_wait3A_322] : memref<192x128x512xi32, #tpu.memory_space<hbm>> -> memref<1x16x512xi32, #tpu.memory_space<hbm>>
    %dma_wait3A_324 = tpu.memref_squeeze %dma_wait3A_323 : memref<1x16x512xi32, #tpu.memory_space<hbm>> -> memref<16x512xi32, #tpu.memory_space<hbm>>
    %dma_wait3A_325 = tpu.memref_bitcast %arg4 : memref<192x512x512xi8, #tpu.memory_space<hbm>> -> memref<192x128x512xi32, #tpu.memory_space<hbm>>
    %dma_wait3A_326 = arith.constant 112 : i32
    %dma_wait3A_327 = arith.constant 0 : i32
    %dma_wait3A_328 = tpu.memref_slice %dma_wait3A_325[%add3A_307, %dma_wait3A_326, %dma_wait3A_327] : memref<192x128x512xi32, #tpu.memory_space<hbm>> -> memref<1x16x512xi32, #tpu.memory_space<hbm>>
    %dma_wait3A_329 = tpu.memref_squeeze %dma_wait3A_328 : memref<1x16x512xi32, #tpu.memory_space<hbm>> -> memref<16x512xi32, #tpu.memory_space<hbm>>
    tpu.wait_dma2 semaphore(%arg21 : memref<!tpu.dma_semaphore, #tpu.memory_space<semaphore_mem>>) src(%arg11 : memref<16x512xi32, #tpu.memory_space<vmem>>) dst(%dma_wait3A_329 : memref<16x512xi32, #tpu.memory_space<hbm>>)
    %dma_wait3A_330 = tpu.memref_bitcast %arg4 : memref<192x512x512xi8, #tpu.memory_space<hbm>> -> memref<192x128x512xi32, #tpu.memory_space<hbm>>
    %dma_wait3A_331 = arith.constant 112 : i32
    %dma_wait3A_332 = arith.constant 0 : i32
    %dma_wait3A_333 = tpu.memref_slice %dma_wait3A_330[%add3A_309, %dma_wait3A_331, %dma_wait3A_332] : memref<192x128x512xi32, #tpu.memory_space<hbm>> -> memref<1x16x512xi32, #tpu.memory_space<hbm>>
    %dma_wait3A_334 = tpu.memref_squeeze %dma_wait3A_333 : memref<1x16x512xi32, #tpu.memory_space<hbm>> -> memref<16x512xi32, #tpu.memory_space<hbm>>
    %dma_wait3A_335 = tpu.memref_bitcast %arg4 : memref<192x512x512xi8, #tpu.memory_space<hbm>> -> memref<192x128x512xi32, #tpu.memory_space<hbm>>
    %dma_wait3A_336 = arith.constant 112 : i32
    %dma_wait3A_337 = arith.constant 0 : i32
    %dma_wait3A_338 = tpu.memref_slice %dma_wait3A_335[%add3A_309, %dma_wait3A_336, %dma_wait3A_337] : memref<192x128x512xi32, #tpu.memory_space<hbm>> -> memref<1x16x512xi32, #tpu.memory_space<hbm>>
    %dma_wait3A_339 = tpu.memref_squeeze %dma_wait3A_338 : memref<1x16x512xi32, #tpu.memory_space<hbm>> -> memref<16x512xi32, #tpu.memory_space<hbm>>
    tpu.wait_dma2 semaphore(%arg21 : memref<!tpu.dma_semaphore, #tpu.memory_space<semaphore_mem>>) src(%arg12 : memref<16x512xi32, #tpu.memory_space<vmem>>) dst(%dma_wait3A_339 : memref<16x512xi32, #tpu.memory_space<hbm>>)
    return
  }
}

</mosaic_0001>

<sc_bundles>
// kernel: _colormap_sc.3.cloned.1.call-start
scs
__scs_entry_jumppad:
0x0: {  	(pc) =	sbr.rel $0x88, $3  }
0x1: {  	(tag) =	ssettag $0x0;
	lr =	simm.s32 $0x1  }
0x2: {  	[smem:$0x3F9F] =	sst lr;
	_ =	strace $0xD0000000  }
0x3: {  	_ = 	snop  }
0x4: {  	_ = 	snop  }
0x5: {  	_ = 	snop  }
0x6: {  	_ = 	snop  }
0x7: {  	_ = 	snop  }
__scs_overlays_trampoline_lowered:
0x8: {  	[smem:$0x3FAE] =	sst s0  }
0x9: {  	[smem:$0x3FAF] =	sst s1  }
0xa: {  	[smem:$0x3FB0] =	sst s2  }
0xb: {  	[smem:$0x3FB1] =	sst s3  }
0xc: {  	[smem:$0x3FB2] =	sst s4  }
0xd: {  	[smem:$0x3FB3] =	sst s5  }
0xe: {  	[smem:$0x3FB4] =	sst s6  }
0xf: {  	[smem:$0x3FB5] =	sst s7  }
0x10: {  	[smem:$0x3FB6] =	sst s8  }
0x11: {  	[smem:$0x3FB7] =	sst s9;
	s0 =	simm.s32 @!p0 $0x0  }
0x12: {  	s1 =	sld [smem:$0x3F9D];
	s0 =	simm.s32 @p0 $0x1  }
0x13: {  	[smem:$0x3FB8] =	sst s0;
	s0 =	simm.s32 @!p1 $0x0  }
0x14: {  	s2 =	sld [smem:$0x3F9C];
	s0 =	simm.s32 @p1 $0x1  }
0x15: {  	[smem:$0x3FB9] =	sst s0;
	s0 =	simm.s32 @!p2 $0x0  }
0x16: {  	s3 =	sld [smem:$0x3FDB];
	s0 =	simm.s32 @p2 $0x1  }
0x17: {  	s4 =	simm.s32 $0x1BF5;
	[smem:$0x3FBB] =	sst s0  }
0x18: {  	s0 =	sld [smem:$0x3F9E];
	_ =	swait.ge [sflag:s4], $0x0  }
0x19: {  	s7 =	sld [smem:$0x3F9F]  }
0x1a: {  	s8 =	sadd.s32 $0xFFFFE003, lr  }
0x1b: {  	s9 =	sadd.s32 $0xFFFFFEF7, lr;
	s5 =	simm.s32 $0xFFFFFFFF;
	p2 =	slt.u32 s8, $0xFFFFF086  }
0x1c: {  	p1 =	slt.u32 s9, $0xF7A;
	s5 =	simm.s32 @!p2 $0x0  }
0x1d: {  	s5 =	simm.s32 @p1 $0x1;
	p0 =	seq.s32 s7, s2  }
0x1e: {  	s7 =	smul.u32 @!p0 $0xF7A, s2;
	p2 =	seq.s32 @!p0 s5, $0x0  }
0x1f: {  	s9 =	smul.u32 $0xF7A, s1;
	s8 =	simm.s32 @!p0 $0x1BF5;
	p2 =	por !p2, p0  }
0x20: {  	[sflag:s8] =	ssyncset.s32 @!p0 $0xFFFFF086;
	s6 =	sadd.s32 @!p0 s3, s7;
	s7 =	simm.s32 @!p0 $0x108  }
0x21: {  	s3 =	sadd.s32 s3, s9;
	s6 =	sadd.s32 @!p0 $0x88, s6;
	s7 =	simm.s32 @p2 $0x1082  }
0x22: {  	[simem:s7], [sflag:s8] =	dma.local @!p0 [hbm:s6], $0xF7A  }
0x23: {  	s9 =	sor.u32 $0xD0000000, s2;
	s6 =	simm.s32 $0x108;
	_ =	swait.ge @!p0 [sflag:s8], $0x0  }
0x24: {  	s3 =	sadd.s32 $0x88, s3;
	s6 =	simm.s32 @!p1 $0x1082;
	[sflag:s4] =	ssyncset.s32 $0xFFFFF086  }
0x25: {  	[simem:s6], [sflag:s4] =	dma.local [hbm:s3], $0xF7A  }
0x26: {  	[smem:$0x3F9F] =	sst s1;
	(tag) =	ssettag s2;
	_ =	strace s9  }
0x27: {  	s1 =	sld [smem:$0x3FAF]  }
0x28: {  	s2 =	sld [smem:$0x3FB0]  }
0x29: {  	s4 =	sld [smem:$0x3FB2]  }
0x2a: {  	p0 =	seq.s32 s5, $0x0;
	s5 =	sld [smem:$0x3FB3]  }
0x2b: {  	s6 =	sld [smem:$0x3FB4]  }
0x2c: {  	s7 =	sld [smem:$0x3FB5]  }
0x2d: {  	s3 =	simm.s32 $0x108;
	s8 =	sld [smem:$0x3FB6]  }
0x2e: {  	s3 =	simm.s32 @!p0 $0x1082;
	s9 =	sld [smem:$0x3FB7]  }
0x2f: {  	lr =	sadd.s32 s0, s3;
	s0 =	sld [smem:$0x3FAE]  }
0x30: {  	s3 =	sld [smem:$0x3FB1]  }
0x31: {  	[smem:$0x3FBA] =	sst s10  }
0x32: {  	s10 =	sld [smem:$0x3FB8];
	_ =	sdelay $0x3  }
0x33: {  	p0 =	seq.s32 s10, $0x1;
	s10 =	sld [smem:$0x3FBA];
	_ =	sdelay $0x3  }
0x34: {  	[smem:$0x3FBA] =	sst s10  }
0x35: {  	s10 =	sld [smem:$0x3FB9];
	_ =	sdelay $0x3  }
0x36: {  	p1 =	seq.s32 s10, $0x1;
	s10 =	sld [smem:$0x3FBA];
	_ =	sdelay $0x3  }
0x37: {  	[smem:$0x3FBA] =	sst s10  }
0x38: {  	s10 =	sld [smem:$0x3FBB]  }
0x39: {  	_ = 	snop;
	(pc) =	sbr.ind lr, $3  }
0x3a: {  	_ = 	snop  }
0x3b: {  	_ = 	snop  }
0x3c: {  	p2 =	seq.s32 s10, $0x1;
	s10 =	sld [smem:$0x3FBA]  }
0x3d: {  	_ =	shalt  }
0x3e: {  	_ =	shalt  }
0x3f: {  	_ =	shalt  }
0x40: {  	_ =	shalt  }
0x41: {  	_ =	shalt  }
0x42: {  	_ =	shalt  }
0x43: {  	_ =	shalt  }
0x44: {  	_ =	shalt  }
0x45: {  	_ =	shalt  }
0x46: {  	_ =	shalt  }
0x47: {  	_ =	shalt  }
0x48: {  	_ =	shalt  }
0x49: {  	_ =	shalt  }
0x4a: {  	_ =	shalt  }
0x4b: {  	_ =	shalt  }
0x4c: {  	_ =	shalt  }
0x4d: {  	_ =	shalt  }
0x4e: {  	_ =	shalt  }
0x4f: {  	_ =	shalt  }
0x50: {  	_ =	shalt  }
0x51: {  	_ =	shalt  }
0x52: {  	_ =	shalt  }
0x53: {  	_ =	shalt  }
0x54: {  	_ =	shalt  }
0x55: {  	_ =	shalt  }
0x56: {  	_ =	shalt  }
0x57: {  	_ =	shalt  }
0x58: {  	_ =	shalt  }
0x59: {  	_ =	shalt  }
0x5a: {  	_ =	shalt  }
0x5b: {  	_ =	shalt  }
0x5c: {  	_ =	shalt  }
0x5d: {  	_ =	shalt  }
0x5e: {  	_ =	shalt  }
0x5f: {  	_ =	shalt  }
0x60: {  	_ =	shalt  }
0x61: {  	_ =	shalt  }
0x62: {  	_ =	shalt  }
0x63: {  	_ =	shalt  }
0x64: {  	_ =	shalt  }
0x65: {  	_ =	shalt  }
0x66: {  	_ =	shalt  }
0x67: {  	_ =	shalt  }
0x68: {  	_ =	shalt  }
0x69: {  	_ =	shalt  }
0x6a: {  	_ =	shalt  }
0x6b: {  	_ =	shalt  }
0x6c: {  	_ =	shalt  }
0x6d: {  	_ =	shalt  }
0x6e: {  	_ =	shalt  }
0x6f: {  	_ =	shalt  }
0x70: {  	_ =	shalt  }
0x71: {  	_ =	shalt  }
0x72: {  	_ =	shalt  }
0x73: {  	_ =	shalt  }
0x74: {  	_ =	shalt  }
0x75: {  	_ =	shalt  }
0x76: {  	_ =	shalt  }
0x77: {  	_ =	shalt  }
0x78: {  	_ =	shalt  }
0x79: {  	_ =	shalt  }
0x7a: {  	_ =	shalt  }
0x7b: {  	_ =	shalt  }
0x7c: {  	_ =	shalt  }
0x7d: {  	_ =	shalt  }
0x7e: {  	_ =	shalt  }
0x7f: {  	_ =	shalt  }
0x80: {  	_ =	shalt  }
0x81: {  	_ =	shalt  }
0x82: {  	_ =	shalt  }
0x83: {  	_ =	shalt  }
0x84: {  	_ =	shalt  }
0x85: {  	_ =	shalt  }
0x86: {  	_ =	shalt  }
0x87: {  	_ =	shalt  }
.Lfunc_end0:
.L_simem_size_0:
called_computation.1_lowered:
.L_overlay_start_0:
0x88: {  	s2 =	sld [smem:$0x3FD9]  }
0x89: {  	s3 =	sld [smem:$0x3FFE];
	_ =	sdelay $0x1  }
0x8a: {  	s1 =	srdreg.scid  }
0x8b: {  	s0 =	sand.u32 $0x1, s1  }
0x8c: {  	s17 =	sshll.u32 s0, $0xA;
	s2 =	sadd.s32 s3, s2  }
0x8d: {  	s2 =	sadd.s32 s2, s17  }
0x8e: {  	[smem:$0x3FC6] =	sst s2  }
0x8f: {  	_ = 	snop  }
0x90: {  	s2 =	sld [smem:$0x3FC9]  }
0x91: {  	s18 =	sld [smem:$0x3FC8];
	(tm) =	ssettm $0x1  }
0x92: {  	s4 =	sld [smem:$0x3FFB];
	_ =	sdelay $0x3  }
0x93: {  	_ =	strace s4  }
0x94: {  	s4 =	sld [smem:$0x3FFC];
	_ =	sdelay $0x3  }
0x95: {  	_ =	strace s4  }
0x96: {  	s4 =	sld [smem:$0x3FFD];
	_ =	sdelay $0x3  }
0x97: {  	_ =	strace s4  }
0x98: {  	_ =	strace $0x8FFFFFFF  }
0x99: {  	s19 =	sld [smem:$0x3FDB];
	_ =	sdelay $0x1  }
0x9a: {  	s5 =	simm.s32 $_scs_section_size  }
0x9b: {  	s6 =	simm.s32 $_size__tile_overlayer_lowered;
	s7 =	simm.s32 $_tile_overlayer_lowered  }
0x9c: {  	s22 =	simm.s32 $0x1BFF;
	s21 =	sshll.u32 s7, $0x1;
	s4 =	sadd.s32 s5, s19  }
0x9d: {  	s8 =	simm.s32 $0x0;
	s20 =	sshll.u32 s6, $0x1;
	s6 =	sadd.s32 s21, s4  }
0x9e: {  	[timem:s8], [sflag:s22] =	dma.local [hbm:s6], s20  }
0x9f: {  	_ =	swait.ge [sflag:s22], s20  }
0xa0: {  	s5 =	ssub.s32 $0x0, s20;
	[sflag:s22] =	ssyncset.done $0x0  }
0xa1: {  	[sflag:s22] =	ssyncadd.s32 s5;
	_ =	sdelay $0x1  }
0xa2: {  	s23 =	simm.s32 $0x1B8B  }
0xa3: {  	_ =	swait.ge [sflag:s23], $0x1  }
0xa4: {  	[sflag:s23] =	ssyncset.done $0x0  }
0xa5: {  	s25 =	simm.s32 $0x1B8E;
	s24 =	sld [smem:$0x3FFE];
	[sflag:s23] =	ssyncadd.s32 $0xFFFFFFFF  }
0xa6: {  	s26 =	simm.s32 $execute0_lowered;
	[smem:$0x3FD2] =	sst s25  }
0xa7: {  	s6 =	sshll.u32 s26, $0x1;
	_ =	strace $0x80000046;
	[dreg:$0x1] =	wrdreg $0xFFFFFFFF  }
0xa8: {  	s28 =	simm.s32 $_size_execute0_lowered;
	s4 =	sadd.s32 s4, s6;
	[dreg:$0x0] =	wrdreg $0x0  }
0xa9: {  	s6 =	sshll.u32 s28, $0x1;
	[dreg:$0x2] =	wrdreg s4  }
0xaa: {  	[dreg:$0x3] =	wrdreg s6  }
0xab: {  	[dreg:$0x4] =	wrdreg $0xC0  }
0xac: {  	_ =	task [dreg:s8], $0x5FFFF  }
0xad: {  	[dreg:$0x1] =	wrdreg $0xFFFFFFFF  }
0xae: {  	[dreg:$0x0] =	wrdreg $0x60  }
0xaf: {  	[dreg:$0x2] =	wrdreg s2  }
0xb0: {  	[dreg:$0x3] =	wrdreg s18  }
0xb1: {  	[dreg:$0x4] =	wrdreg s24  }
0xb2: {  	[dreg:$0x5] =	wrdreg $0x9  }
0xb3: {  	_ =	task.clear_ibuf [dreg:s8], $0x6FFFF;
	_ =	strace $0x90000046  }
0xb4: {  	s29 =	simm.s32 $0x9;
	_ =	strace $0x80000048  }
0xb5: {  	_ =	swait.ge [sflag:s29], $0x1  }
0xb6: {  	[sflag:s29] =	ssyncadd.s32 $0xFFFFFFFF  }
0xb7: {  	_ =	strace $0x90000048  }
0xb8: {  	_ =	sfence  }
0xb9: {  	s30 =	sld [smem:$0x0];
	_ =	sdelay $0x2  }
0xba: {  	s31 =	sshll.u32 s1, $0xD;
	s1 =	sshrl.u32 s1, $0x2  }
0xbb: {  	s3 =	sand.u32 $0x4000, s31;
	s1 =	sadd.s32 s1, s30  }
0xbc: {  	s0 =	sor.u32 s3, s0;
	s1 =	sshll.u32 s1, $0x11  }
0xbd: {  	s0 =	sor.u32 s1, s0  }
0xbe: {  	s0 =	sadd.s32 $0x8F2B, s0  }
0xbf: {  	[sflag:s0] =	ssyncadd.remote.s32 $0x1  }
0xc0: {  	_ =	sfence.sel $0xFFFF  }
0xc1: {  	[dreg:$0x0] =	wrdreg $0xFFFFFFFF;
	(pc) =	sbr.abs _section_cstart, $3  }
0xc2: {  	[dreg:$0x1] =	wrdreg $0xFFFFFFFF  }
0xc3: {  	_ =	task.clear_ibuf [dreg:s8], $0x2FFFF;
	_ =	strace $0x9FFFFFFF  }
0xc4: {  	(tm) =	ssettm $0x7FFFFFFF  }
0xc5: {  	_ =	shalt  }
tec
execute0_lowered:
.L_overlay_start_1:
0x0: {  	(tag) =	ssettag $0x1  }
0x1: {  	s14 =	rddreg [dreg:$0x0]  }
0x2: {  	s1 =	rddreg [dreg:$0x1]  }
0x3: {  	s0 =	rddreg [dreg:$0x2];
	s3 =	simm.s32 $0x0;
	s2 =	srdreg.scid  }
0x4: {  	s4 =	stileid.u32;
	[smem:$0x7FF] =	sst s3;
	s2 =	sand.u32 $0x1, s2  }
0x5: {  	s0 =	sadd.s32 $0x800, s0;
	s17 =	sshll.u32 s4, $0x2;
	s18 =	sadd.s32 $0x10, s1  }
0x6: {  	s19 =	sadd.s32 $0x20, s1;
	_ =	strace $0x80000047;
	[dreg:$0x4] =	wrdreg s0  }
0x7: {  	s15 =	ssub.s32 $0x2, s2;
	s2 =	sshll.u32 s2, $0x1;
	[dreg:$0x5] =	wrdreg s18  }
0x8: {  	s1 =	sadd.s32 $0x30, s1;
	[dreg:$0x6] =	wrdreg s19;
	s2 =	sor.u32 s2, s17  }
0x9: {  	[dreg:$0x7] =	wrdreg s1;
	s20 =	sshll.u32 s2, $0x12  }
0xa: {  	s28 =	simm.s32 $0x1C200;
	v0 =	vimm.s32 $0xEFCDAB89;
	s21 =	sshll.u32 s2, $0x10;
	[dreg:$0x8] =	wrdreg s20  }
0xb: {  	s29 =	simm.s32 $0x1C300;
	v1 =	vimm.s32 $0x67452301;
	v2 =	vimm.s32 $0xDCFE98BA;
	s1 =	sor.u32 $0x10000, s20;
	[dreg:$0xa] =	wrdreg s21  }
0xc: {  	v3 =	vimm.s32 $0x54761032;
	v4 =	vimm.s32 $0xBA98FEDC;
	s3 =	sshll.u32 s2, $0xF;
	s22 =	sor.u32 $0x400000, s21;
	[dreg:$0xb] =	wrdreg s1  }
0xd: {  	v5 =	vimm.s32 $0x32107654;
	v6 =	vimm.s32 $0xFEDCBA98;
	s2 =	sor.u32 $0x1, s2;
	s24 =	sor.u32 $0x800000, s21;
	[dreg:$0xc] =	wrdreg s22  }
0xe: {  	s6 =	simm.s32 $0x400;
	v7 =	vimm.s32 $0x76543210;
	v0 =	vunpack.c.l.s4.s8 v0;
	v1 =	vunpack.c.l.s4.s8 v1;
	s25 =	sshll.u32 s2, $0x12;
	[dreg:$0xd] =	wrdreg s24  }
0xf: {  	v2 =	vunpack.c.l.s4.s8 v2;
	v3 =	vunpack.c.l.s4.s8 v3;
	v4 =	vunpack.c.l.s4.s8 v4;
	s16 =	sshrl.u32 s15, $0x1;
	s26 =	sshll.u32 s2, $0x10;
	[dreg:$0xe] =	wrdreg s25  }
0x10: {  	v5 =	vunpack.c.l.s4.s8 v5;
	v6 =	vunpack.c.l.s4.s8 v6;
	v7 =	vunpack.c.l.s4.s8 v7;
	s17 =	simm.s32 $0x8000;
	s30 =	sor.u32 $0x410000, s21;
	[dreg:$0x11] =	wrdreg s26  }
0x11: {  	v0 =	vunpack.c.0.s8.s32 v0;
	v1 =	vunpack.c.0.s8.s32 v1;
	v2 =	vunpack.c.0.s8.s32 v2;
	s0 =	ssub.s32 s15, s16;
	s31 =	sor.u32 $0x810000, s21;
	[dreg:$0x12] =	wrdreg s30  }
0x12: {  	v3 =	vunpack.c.0.s8.s32 v3;
	v4 =	vunpack.c.0.s8.s32 v4;
	v5 =	vunpack.c.0.s8.s32 v5;
	s15 =	simm.s32 $0x1;
	s0 =	smax.u32 s0, $0x1;
	[dreg:$0x13] =	wrdreg s31  }
0x13: {  	s5 =	sadd.s32 s14, s3;
	s23 =	sshll.u32 s2, $0xF;
	v0 =	vcombine.low v1, v0;
	v1 =	vunpack.c.0.s8.s32 v6;
	[dreg:$0x14] =	wrdreg s0  }
0x14: {  	s2 =	simm.s32 $0x100;
	v2 =	vcombine.low v3, v2;
	v3 =	vcombine.low v5, v4;
	v4 =	vunpack.c.0.s8.s32 v7;
	s3 =	sadd.s32 s14, s23;
	[dreg:$0x9] =	wrdreg s5  }
0x15: {  	s1 =	sor.u32 $0x10000, s25;
	s24 =	simm.s32 $0x1C000;
	[dreg:$0xf] =	wrdreg s3;
	v0 =	vand.u32 $0xF, v0;
	v5 =	vand.u32 $0xF, v1  }
0x16: {  	s26 =	simm.s32 $0x1C100;
	[dreg:$0x10] =	wrdreg s1;
	v1 =	vand.u32 $0xF, v2;
	v2 =	vand.u32 $0xF, v3;
	s3 =	simm.s32 $0x0;
	v3 =	vcombine.low v5, v4  }
.LBB2_1:
0x17: {  	[dreg:$0x15] =	wrdreg s3  }
0x18: {  	s0 =	rddreg [dreg:$0x1]  }
0x19: {  	s1 =	simm.s32 $0x80;
	s22 =	simm.s32 $0x200;
	s4 =	simm.s32 $0x5  }
0x1a: {  	[tilespmem:s24], [sflag:$0x5] =	stream.strided.gather [hbm4b:s0+s1], $0x100, s22, s1, $0x38;
	[tilespmem:$0x1C480] =	vst v63  }
0x1b: {  	_ =	swait.ge [sflag:s4], $0x100  }
0x1c: {  	[sflag:s4] =	ssyncset.done $0x0  }
0x1d: {  	s23 =	rddreg [dreg:$0x5];
	[sflag:s4] =	ssyncadd.s32 $0xFFFFFF00  }
0x1e: {  	[tilespmem:s26], [sflag:$0x5] =	stream.strided.gather [hbm4b:s23+s1], $0x100, s22, s1, $0x38;
	[tilespmem:$0x1C480] =	vst v63  }
0x1f: {  	_ =	swait.ge [sflag:s4], $0x100  }
0x20: {  	[sflag:s4] =	ssyncset.done $0x0  }
0x21: {  	s25 =	rddreg [dreg:$0x6];
	[sflag:s4] =	ssyncadd.s32 $0xFFFFFF00  }
0x22: {  	[tilespmem:s28], [sflag:$0x5] =	stream.strided.gather [hbm4b:s25+s1], $0x100, s22, s1, $0x38;
	[tilespmem:$0x1C480] =	vst v63  }
0x23: {  	_ =	swait.ge [sflag:s4], $0x100  }
0x24: {  	[sflag:s4] =	ssyncset.done $0x0  }
0x25: {  	s30 =	rddreg [dreg:$0x7];
	[sflag:s4] =	ssyncadd.s32 $0xFFFFFF00  }
0x26: {  	[tilespmem:s29], [sflag:$0x5] =	stream.strided.gather [hbm4b:s30+s1], $0x100, s22, s1, $0x38;
	[tilespmem:$0x1C480] =	vst v63  }
0x27: {  	_ =	swait.ge [sflag:s4], $0x100  }
0x28: {  	[sflag:s4] =	ssyncset.done $0x0  }
0x29: {  	s31 =	simm.s32 $0x0;
	s3 =	simm.s32 $0x0;
	[sflag:s4] =	ssyncadd.s32 $0xFFFFFF00  }
0x2a: {  	v7 =	vimm.f32 $+Inf;
	v5 =	vimm.f32 $-Inf;
	[tilespmem:s31], [sflag:$0x1] =	stream.linear.gather [hbm4b:s5+s31], $0x8000, $0x38;
	[tilespmem:$0x1C480] =	vst v63  }
.LBB2_2:
0x2b: {  	s10 =	sshll.u32 s3, $0x10;
	s0 =	rddreg [dreg:$0x8]  }
0x2c: {  	_ =	swait.ge [sflag:s15], $0x8000;
	s4 =	sor.u32 s10, s0  }
0x2d: {  	s21 =	simm.s32 $0x0;
	[sflag:s15] =	ssyncset.done $0x0;
	s4 =	sshrl.u32 s4, $0x3  }
0x2e: {  	s8 =	sand.u32 $0x7000, s21;
	s7 =	sand.u32 $0x300, s21;
	s4 =	sadd.s32 s4, s14  }
0x2f: {  	[sflag:s15] =	ssyncadd.s32 $0xFFFF8000;
	s7 =	sor.u32 s7, s8;
	s4 =	sadd.s32 $0x1000, s4  }
0x30: {  	[tilespmem:s17], [sflag:$0x2] =	stream.linear.gather [hbm4b:s4+s21], $0x8000, $0x38;
	[tilespmem:$0x1C480] =	vst v63  }
0x31: {  	v8 =	vld [tilespmem:s7+$0x8C0]  }
0x32: {  	v10 =	vld [tilespmem:s7+$0x8D0]  }
0x33: {  	v4 =	vld [tilespmem:s7+$0x8E0]  }
0x34: {  	v9 =	vld [tilespmem:s7+$0x880]  }
0x35: {  	v11 =	vld [tilespmem:s7+$0x890]  }
0x36: {  	v6 =	vld [tilespmem:s7+$0x8A0]  }
0x37: {  	v12 =	vld [tilespmem:s7+$0x4C0]  }
0x38: {  	v19 =	vld [tilespmem:s7+$0x4D0]  }
0x39: {  	v13 =	vld [tilespmem:s7+$0x480]  }
0x3a: {  	v17 =	vld [tilespmem:s7+$0x490]  }
0x3b: {  	v14 =	vld [tilespmem:s7+$0xC0]  }
0x3c: {  	v16 =	vld [tilespmem:s7+$0xD0]  }
0x3d: {  	v15 =	vld [tilespmem:s7+$0x80]  }
0x3e: {  	v20 =	vld [tilespmem:s7+$0x90]  }
0x3f: {  	v21 =	vld [tilespmem:s7+$0x840]  }
0x40: {  	v22 =	vld [tilespmem:s7+$0x850]  }
0x41: {  	v18 =	vld [tilespmem:s7+$0x0]  }
0x42: {  	v23 =	vld [tilespmem:s7+$0x40]  }
0x43: {  	s9 =	sand.u32 $0x3, s21;
	v24 =	vld [tilespmem:s7+$0x400]  }
0x44: {  	s4 =	sshll.u32 s9, $0x8;
	v25 =	vld [tilespmem:s7+$0x440]  }
0x45: {  	s4 =	sadd.s32 $0x0, s4;
	v26 =	vld [tilespmem:s7+$0x800]  }
0x46: {  	v29 =	vld [tilespmem:s7+$0x450];
	s8 =	sor.u32 $0xC00, s4;
	v27 =	vmin.f32 v7, v18;
	v28 =	vmax.f32 v5, v18  }
0x47: {  	s11 =	sor.u32 $0xC40, s4;
	v27 =	vmin.f32 v27, v23;
	v23 =	vmax.f32 v28, v23;
	v28 =	vld [tilespmem:s8+$0x0]  }
0x48: {  	v27 =	vmin.f32 v27, v24;
	v23 =	vmax.f32 v23, v24;
	v24 =	vld [tilespmem:s11+$0x0]  }
0x49: {  	v30 =	vld [tilespmem:s7+$0x60];
	v27 =	vmin.f32 v27, v25;
	v23 =	vmax.f32 v23, v25  }
0x4a: {  	v31 =	vld [tilespmem:s7+$0x460];
	s20 =	sor.u32 $0xC60, s4;
	v27 =	vmin.f32 v27, v26;
	v23 =	vmax.f32 v23, v26  }
0x4b: {  	v32 =	vld [tilespmem:s20+$0x0];
	v27 =	vmin.f32 v27, v21;
	v21 =	vmax.f32 v23, v21  }
0x4c: {  	v18 =	vld [tilespmem:s7+$0x860];
	v27 =	vmin.f32 v27, v28;
	v21 =	vmax.f32 v21, v28  }
0x4d: {  	s16 =	sadd.s32 $0x80, s4;
	v23 =	vld [tilespmem:s7+$0x410];
	v27 =	vmin.f32 v27, v24;
	v21 =	vmax.f32 v21, v24  }
0x4e: {  	s12 =	sor.u32 $0xC00, s16;
	v24 =	vld [tilespmem:s7+$0x10];
	v27 =	vmin.f32 v27, v15;
	v15 =	vmax.f32 v21, v15  }
0x4f: {  	v21 =	vmin.f32 v27, v14;
	v14 =	vmax.f32 v15, v14;
	v15 =	vld [tilespmem:s12+$0x0]  }
0x50: {  	s13 =	sor.u32 $0xC40, s16;
	v27 =	vld [tilespmem:s7+$0x20]  }
0x51: {  	v21 =	vmin.f32 v21, v13;
	v13 =	vmax.f32 v14, v13;
	v14 =	vld [tilespmem:s13+$0x0]  }
0x52: {  	v28 =	vld [tilespmem:s7+$0x50];
	v21 =	vmin.f32 v21, v12;
	v12 =	vmax.f32 v13, v12  }
0x53: {  	v13 =	vmin.f32 v21, v9;
	v9 =	vmax.f32 v12, v9;
	v21 =	vld [tilespmem:s7+$0x420]  }
0x54: {  	v25 =	vld [tilespmem:s7+$0x810];
	v12 =	vmin.f32 v13, v8;
	v8 =	vmax.f32 v9, v8;
	v13 =	vmin.f32 v7, v24  }
0x55: {  	s9 =	sor.u32 $0xC10, s4;
	v26 =	vld [tilespmem:s7+$0x820];
	v9 =	vmin.f32 v12, v15;
	v8 =	vmax.f32 v8, v15;
	v15 =	vmin.f32 v7, v27  }
0x56: {  	s19 =	sor.u32 $0xC20, s4;
	v9 =	vmin.f32 v9, v14;
	v8 =	vmax.f32 v8, v14;
	v14 =	vmax.f32 v5, v24;
	v24 =	vld [tilespmem:s9+$0x0]  }
0x57: {  	s18 =	sor.u32 $0xC50, s4;
	v13 =	vmin.f32 v13, v28;
	v15 =	vmin.f32 v15, v30;
	v14 =	vmax.f32 v14, v28;
	v28 =	vld [tilespmem:s19+$0x0]  }
0x58: {  	v12 =	vld [tilespmem:s18+$0x0];
	v13 =	vmin.f32 v13, v23;
	v14 =	vmax.f32 v14, v23;
	v15 =	vmin.f32 v15, v21  }
0x59: {  	v13 =	vmin.f32 v13, v29;
	v14 =	vmax.f32 v14, v29;
	v15 =	vmin.f32 v15, v31;
	v29 =	vld [tilespmem:s7+$0xA0]  }
0x5a: {  	v13 =	vmin.f32 v13, v25;
	v14 =	vmax.f32 v14, v25;
	v23 =	vmin.f32 v15, v26;
	v15 =	vld [tilespmem:s7+$0xE0]  }
0x5b: {  	v13 =	vmin.f32 v13, v22;
	v22 =	vmax.f32 v14, v22;
	v23 =	vmin.f32 v23, v18;
	v14 =	vld [tilespmem:s7+$0x4A0]  }
0x5c: {  	v25 =	vmin.f32 v13, v24;
	v13 =	vld [tilespmem:s7+$0x4E0];
	v22 =	vmax.f32 v22, v24;
	v23 =	vmin.f32 v23, v28  }
0x5d: {  	s22 =	sor.u32 $0xC50, s16;
	v24 =	vmin.f32 v25, v12;
	v25 =	vld [tilespmem:s7+$0x30];
	v12 =	vmax.f32 v22, v12;
	v22 =	vmin.f32 v23, v32  }
0x5e: {  	s23 =	sor.u32 $0xC10, s16;
	v23 =	vld [tilespmem:s22+$0x0];
	v24 =	vmin.f32 v24, v20;
	v12 =	vmax.f32 v12, v20;
	v20 =	vmin.f32 v22, v29  }
0x5f: {  	s25 =	sor.u32 $0xC20, s16;
	v22 =	vld [tilespmem:s23+$0x0];
	v24 =	vmin.f32 v24, v16;
	v12 =	vmax.f32 v12, v16;
	v20 =	vmin.f32 v20, v15  }
0x60: {  	s30 =	sor.u32 $0xC60, s16;
	v16 =	vld [tilespmem:s25+$0x0];
	v24 =	vmin.f32 v24, v17;
	v12 =	vmax.f32 v12, v17;
	v20 =	vmin.f32 v20, v14  }
0x61: {  	v17 =	vld [tilespmem:s30+$0x0];
	v24 =	vmin.f32 v24, v19;
	v12 =	vmax.f32 v12, v19;
	v19 =	vmin.f32 v20, v13  }
0x62: {  	v20 =	vld [tilespmem:s7+$0x70];
	v24 =	vmin.f32 v24, v11;
	v7 =	vmin.f32 v7, v25;
	v11 =	vmax.f32 v12, v11  }
0x63: {  	v12 =	vmin.f32 v19, v6;
	v19 =	vld [tilespmem:s7+$0x430];
	v24 =	vmin.f32 v24, v10;
	v10 =	vmax.f32 v11, v10  }
0x64: {  	v33 =	vld [tilespmem:s7+$0x470];
	v11 =	vmin.f32 v12, v4;
	v12 =	vmin.f32 v24, v22;
	v10 =	vmax.f32 v10, v22  }
0x65: {  	v11 =	vmin.f32 v11, v16;
	v22 =	vld [tilespmem:s7+$0x830];
	v12 =	vmin.f32 v12, v23;
	v10 =	vmax.f32 v10, v23  }
0x66: {  	s31 =	sor.u32 $0xC30, s4;
	v24 =	vld [tilespmem:s7+$0x870];
	v11 =	vmin.f32 v11, v17;
	v23 =	vmax.f32 v5, v27;
	v5 =	vmax.f32 v5, v25  }
0x67: {  	s4 =	sor.u32 $0xC70, s4;
	v23 =	vmax.f32 v23, v30;
	v7 =	vmin.f32 v7, v20;
	v5 =	vmax.f32 v5, v20;
	v20 =	vld [tilespmem:s31+$0x0]  }
0x68: {  	v21 =	vmax.f32 v23, v21;
	v7 =	vmin.f32 v7, v19;
	v5 =	vmax.f32 v5, v19;
	v19 =	vld [tilespmem:s4+$0x0]  }
0x69: {  	v30 =	vld [tilespmem:s7+$0xB0];
	v21 =	vmax.f32 v21, v31;
	v7 =	vmin.f32 v7, v33;
	v5 =	vmax.f32 v5, v33  }
0x6a: {  	v27 =	vld [tilespmem:s7+$0xF0];
	v21 =	vmax.f32 v21, v26;
	v7 =	vmin.f32 v7, v22;
	v5 =	vmax.f32 v5, v22  }
0x6b: {  	v18 =	vmax.f32 v21, v18;
	v7 =	vmin.f32 v7, v24;
	v5 =	vmax.f32 v5, v24;
	v24 =	vld [tilespmem:s7+$0x4B0]  }
0x6c: {  	v23 =	vld [tilespmem:s7+$0x4F0];
	v18 =	vmax.f32 v18, v28;
	v7 =	vmin.f32 v7, v20;
	v5 =	vmax.f32 v5, v20  }
0x6d: {  	s8 =	simm.s32 $0x400;
	v25 =	vld [tilespmem:s7+$0x8B0];
	v18 =	vmax.f32 v18, v32;
	v7 =	vmin.f32 v7, v19;
	v5 =	vmax.f32 v5, v19  }
0x6e: {  	s9 =	sor.u32 $0xC30, s16;
	s4 =	simm.s32 $0x0;
	v26 =	vld [tilespmem:s7+$0x8F0];
	s7 =	simm.s32 $0x100;
	v22 =	vmax.f32 v18, v29;
	v28 =	vmin.f32 v7, v30;
	v29 =	vmax.f32 v5, v30  }
.LBB2_3:
0x6f: {  	s11 =	sand.u32 $0x7000, s8;
	s12 =	sand.u32 $0x300, s7;
	v5 =	vmax.f32 v22, v15;
	v7 =	vmin.f32 v28, v27;
	v15 =	vmax.f32 v29, v27;
	v18 =	vld [tilespmem:s9+$0x0];
	s13 =	sor.u32 $0xC70, s16  }
0x70: {  	s9 =	sor.u32 s12, s11;
	v5 =	vmax.f32 v5, v14;
	v7 =	vmin.f32 v7, v24;
	v14 =	vmax.f32 v15, v24;
	v15 =	vld [tilespmem:s13+$0x0]  }
0x71: {  	v27 =	vld [tilespmem:s9+$0x8C0];
	v13 =	vmax.f32 v5, v13;
	v7 =	vmin.f32 v7, v23;
	v14 =	vmax.f32 v14, v23  }
0x72: {  	v5 =	vld [tilespmem:s9+$0x8D0];
	v6 =	vmax.f32 v13, v6;
	v7 =	vmin.f32 v7, v25;
	v13 =	vmax.f32 v14, v25  }
0x73: {  	v6 =	vmax.f32 v6, v4;
	v4 =	vld [tilespmem:s9+$0x8E0];
	v7 =	vmin.f32 v7, v26;
	v13 =	vmax.f32 v13, v26  }
0x74: {  	v14 =	vld [tilespmem:s9+$0x880];
	v6 =	vmax.f32 v6, v16;
	v16 =	vmin.f32 v7, v18;
	v13 =	vmax.f32 v13, v18  }
0x75: {  	v21 =	vld [tilespmem:s9+$0x890];
	v7 =	vmax.f32 v6, v17;
	v18 =	vmin.f32 v16, v15;
	v19 =	vmax.f32 v13, v15  }
0x76: {  	v6 =	vld [tilespmem:s9+$0x8A0]  }
0x77: {  	v13 =	vld [tilespmem:s9+$0x4C0]  }
0x78: {  	v22 =	vld [tilespmem:s9+$0x4D0]  }
0x79: {  	v15 =	vld [tilespmem:s9+$0x480]  }
0x7a: {  	v17 =	vld [tilespmem:s9+$0x490]  }
0x7b: {  	v25 =	vld [tilespmem:s9+$0xC0]  }
0x7c: {  	v16 =	vld [tilespmem:s9+$0xD0]  }
0x7d: {  	v26 =	vld [tilespmem:s9+$0x80]  }
0x7e: {  	v24 =	vld [tilespmem:s9+$0x90]  }
0x7f: {  	v28 =	vld [tilespmem:s9+$0x840]  }
0x80: {  	v29 =	vld [tilespmem:s9+$0x850]  }
0x81: {  	v20 =	vld [tilespmem:s9+$0x0]  }
0x82: {  	s21 =	sadd.s32 $0x1, s21;
	v23 =	vld [tilespmem:s9+$0x40]  }
0x83: {  	s11 =	sand.u32 $0x3, s21;
	v30 =	vld [tilespmem:s9+$0x400]  }
0x84: {  	s11 =	sshll.u32 s11, $0x8;
	v31 =	vld [tilespmem:s9+$0x440]  }
0x85: {  	s12 =	sadd.s32 s11, s8;
	v32 =	vld [tilespmem:s9+$0x800]  }
0x86: {  	s11 =	sor.u32 $0xC00, s12;
	v9 =	vmin.f32 v9, v20;
	v8 =	vmax.f32 v8, v20;
	v20 =	vld [tilespmem:s9+$0x860]  }
0x87: {  	v9 =	vmin.f32 v9, v23;
	v8 =	vmax.f32 v8, v23;
	v33 =	vld [tilespmem:s11+$0x0];
	s11 =	sor.u32 $0xC40, s12  }
0x88: {  	v9 =	vmin.f32 v9, v30;
	v8 =	vmax.f32 v8, v30;
	v30 =	vld [tilespmem:s11+$0x0]  }
0x89: {  	v9 =	vmin.f32 v9, v31;
	v8 =	vmax.f32 v8, v31;
	v31 =	vld [tilespmem:s9+$0x810]  }
0x8a: {  	v9 =	vmin.f32 v9, v32;
	v8 =	vmax.f32 v8, v32;
	v23 =	vld [tilespmem:s9+$0x820]  }
0x8b: {  	v32 =	vld [tilespmem:s9+$0x450];
	v9 =	vmin.f32 v9, v28;
	v8 =	vmax.f32 v8, v28  }
0x8c: {  	v28 =	vld [tilespmem:s9+$0x410];
	v9 =	vmin.f32 v9, v33;
	v8 =	vmax.f32 v8, v33  }
0x8d: {  	s16 =	sadd.s32 $0x80, s12;
	v33 =	vld [tilespmem:s9+$0x50];
	v9 =	vmin.f32 v9, v30;
	v8 =	vmax.f32 v8, v30  }
0x8e: {  	s11 =	sor.u32 $0xC00, s16;
	v30 =	vld [tilespmem:s9+$0x10];
	v9 =	vmin.f32 v9, v26;
	v8 =	vmax.f32 v8, v26  }
0x8f: {  	v9 =	vmin.f32 v9, v25;
	v8 =	vmax.f32 v8, v25;
	v25 =	vld [tilespmem:s11+$0x0];
	s11 =	sor.u32 $0xC40, s16  }
0x90: {  	v9 =	vmin.f32 v9, v15;
	v8 =	vmax.f32 v8, v15;
	v15 =	vld [tilespmem:s11+$0x0]  }
0x91: {  	v26 =	vld [tilespmem:s9+$0x20];
	v9 =	vmin.f32 v9, v13;
	v8 =	vmax.f32 v8, v13  }
0x92: {  	v34 =	vld [tilespmem:s9+$0x60];
	v9 =	vmin.f32 v9, v14;
	v8 =	vmax.f32 v8, v14  }
0x93: {  	v35 =	vld [tilespmem:s9+$0x420];
	v9 =	vmin.f32 v9, v27;
	v8 =	vmax.f32 v8, v27  }
0x94: {  	s11 =	sor.u32 $0xC50, s12;
	v27 =	vld [tilespmem:s9+$0x460];
	v9 =	vmin.f32 v9, v25;
	v8 =	vmax.f32 v8, v25  }
0x95: {  	s13 =	sor.u32 $0xC10, s12;
	v25 =	vld [tilespmem:s11+$0x0];
	v9 =	vmin.f32 v9, v15;
	v8 =	vmax.f32 v8, v15  }
0x96: {  	v12 =	vmin.f32 v12, v30;
	v10 =	vmax.f32 v10, v30;
	s11 =	sor.u32 $0xC20, s12;
	v11 =	vmin.f32 v11, v26;
	v13 =	vld [tilespmem:s13+$0x0]  }
0x97: {  	v12 =	vmin.f32 v12, v33;
	v10 =	vmax.f32 v10, v33;
	v11 =	vmin.f32 v11, v34;
	v30 =	vld [tilespmem:s11+$0x0];
	s11 =	sor.u32 $0xC60, s12  }
0x98: {  	v12 =	vmin.f32 v12, v28;
	v10 =	vmax.f32 v10, v28;
	v11 =	vmin.f32 v11, v35;
	v28 =	vld [tilespmem:s11+$0x0]  }
0x99: {  	v12 =	vmin.f32 v12, v32;
	v10 =	vmax.f32 v10, v32;
	v11 =	vmin.f32 v11, v27;
	v32 =	vld [tilespmem:s9+$0xA0]  }
0x9a: {  	v12 =	vmin.f32 v12, v31;
	v10 =	vmax.f32 v10, v31;
	v11 =	vmin.f32 v11, v23;
	v15 =	vld [tilespmem:s9+$0xE0]  }
0x9b: {  	v12 =	vmin.f32 v12, v29;
	v10 =	vmax.f32 v10, v29;
	v11 =	vmin.f32 v11, v20;
	v14 =	vld [tilespmem:s9+$0x4A0]  }
0x9c: {  	s11 =	sor.u32 $0xC50, s16;
	v12 =	vmin.f32 v12, v13;
	v10 =	vmax.f32 v10, v13;
	v11 =	vmin.f32 v11, v30;
	v13 =	vld [tilespmem:s9+$0x4E0]  }
0x9d: {  	s13 =	sor.u32 $0xC10, s16;
	v12 =	vmin.f32 v12, v25;
	v10 =	vmax.f32 v10, v25;
	v11 =	vmin.f32 v11, v28;
	v25 =	vld [tilespmem:s11+$0x0]  }
0x9e: {  	v12 =	vmin.f32 v12, v24;
	v10 =	vmax.f32 v10, v24;
	s11 =	sor.u32 $0xC20, s16;
	v11 =	vmin.f32 v11, v32;
	v24 =	vld [tilespmem:s13+$0x0]  }
0x9f: {  	s4 =	sadd.s32 $0x2, s4;
	v12 =	vmin.f32 v12, v16;
	v10 =	vmax.f32 v10, v16;
	v11 =	vmin.f32 v11, v15;
	v16 =	vld [tilespmem:s11+$0x0];
	s11 =	sor.u32 $0xC60, s16  }
0xa0: {  	p0 =	slt.u32 s4, $0x3E;
	v12 =	vmin.f32 v12, v17;
	v10 =	vmax.f32 v10, v17;
	v11 =	vmin.f32 v11, v14;
	v17 =	vld [tilespmem:s11+$0x0]  }
0xa1: {  	v12 =	vmin.f32 v12, v22;
	v10 =	vmax.f32 v10, v22;
	v29 =	vld [tilespmem:s9+$0x30];
	v11 =	vmin.f32 v11, v13  }
0xa2: {  	v12 =	vmin.f32 v12, v21;
	v10 =	vmax.f32 v10, v21;
	v22 =	vld [tilespmem:s9+$0x70];
	v11 =	vmin.f32 v11, v6  }
0xa3: {  	v12 =	vmin.f32 v12, v5;
	v5 =	vmax.f32 v10, v5;
	v21 =	vld [tilespmem:s9+$0x430];
	v10 =	vmin.f32 v11, v4  }
0xa4: {  	v11 =	vmin.f32 v12, v24;
	v5 =	vmax.f32 v5, v24;
	v31 =	vld [tilespmem:s9+$0x470];
	v24 =	vmin.f32 v10, v16  }
0xa5: {  	v12 =	vmin.f32 v11, v25;
	v10 =	vmax.f32 v5, v25;
	v33 =	vld [tilespmem:s9+$0x830];
	v11 =	vmin.f32 v24, v17  }
0xa6: {  	s11 =	sor.u32 $0xC30, s12;
	v5 =	vmax.f32 v7, v26;
	v7 =	vmin.f32 v18, v29;
	v18 =	vmax.f32 v19, v29;
	v19 =	vld [tilespmem:s9+$0x870]  }
0xa7: {  	v5 =	vmax.f32 v5, v34;
	v7 =	vmin.f32 v7, v22;
	v18 =	vmax.f32 v18, v22;
	v22 =	vld [tilespmem:s11+$0x0];
	s11 =	sor.u32 $0xC70, s12  }
0xa8: {  	v5 =	vmax.f32 v5, v35;
	v7 =	vmin.f32 v7, v21;
	v18 =	vmax.f32 v18, v21;
	v21 =	vld [tilespmem:s11+$0x0]  }
0xa9: {  	v5 =	vmax.f32 v5, v27;
	v7 =	vmin.f32 v7, v31;
	v18 =	vmax.f32 v18, v31;
	v26 =	vld [tilespmem:s9+$0xB0]  }
.Ltmp0:
0xaa: {  	v5 =	vmax.f32 v5, v23;
	v7 =	vmin.f32 v7, v33;
	v18 =	vmax.f32 v18, v33;
	v27 =	vld [tilespmem:s9+$0xF0];
	(pc) =	sbr.rel @p0 .LBB2_3-.Ltmp0, $4  }
0xab: {  	v5 =	vmax.f32 v5, v20;
	v7 =	vmin.f32 v7, v19;
	v18 =	vmax.f32 v18, v19;
	v24 =	vld [tilespmem:s9+$0x4B0]  }
0xac: {  	v5 =	vmax.f32 v5, v30;
	v7 =	vmin.f32 v7, v22;
	v18 =	vmax.f32 v18, v22;
	v23 =	vld [tilespmem:s9+$0x4F0]  }
0xad: {  	v5 =	vmax.f32 v5, v28;
	v7 =	vmin.f32 v7, v21;
	v18 =	vmax.f32 v18, v21;
	v25 =	vld [tilespmem:s9+$0x8B0]  }
0xae: {  	s7 =	sadd.s32 $0x100, s7;
	s8 =	sadd.s32 $0x400, s8;
	v22 =	vmax.f32 v5, v32;
	v28 =	vmin.f32 v7, v26;
	v29 =	vmax.f32 v18, v26;
	v26 =	vld [tilespmem:s9+$0x8F0];
	s9 =	sor.u32 $0xC30, s16  }
0xaf: {  	v30 =	vld [tilespmem:s9+$0x0];
	s4 =	sor.u32 $0xC70, s16;
	s1 =	simm.s32 $0x2  }
0xb0: {  	v31 =	vld [tilespmem:s4+$0x0];
	_ =	swait.ge [sflag:s1], $0x8000  }
0xb1: {  	p0 =	seq.s32 s3, $0x3;
	s0 =	rddreg [dreg:$0xb]  }
0xb2: {  	s4 =	sadd.s32 @!p0 s0, s10  }
0xb3: {  	s7 =	simm.s32 @!p0 $0x0;
	[sflag:s1] =	ssyncset.done $0x0;
	s4 =	sshrl.u32 @!p0 s4, $0x3  }
0xb4: {  	[sflag:s1] =	ssyncadd.s32 $0xFFFF8000;
	s10 =	simm.s32 $0x0;
	s4 =	sadd.s32 @!p0 s14, s4  }
0xb5: {  	[tilespmem:s7], [sflag:$0x1] =	stream.linear.gather @!p0 [hbm4b:s4+s7], $0x8000, $0x38;
	[tilespmem:$0x1C480] =	vst v63  }
0xb6: {  	s8 =	sand.u32 $0x300, s10;
	s7 =	sand.u32 $0x7000, s10  }
0xb7: {  	s7 =	sor.u32 s8, s7  }
0xb8: {  	v32 =	vld [tilespmem:s7+$0x88C0]  }
0xb9: {  	v18 =	vld [tilespmem:s7+$0x88D0]  }
0xba: {  	v5 =	vld [tilespmem:s7+$0x88E0]  }
0xbb: {  	v33 =	vld [tilespmem:s7+$0x8880]  }
0xbc: {  	v19 =	vld [tilespmem:s7+$0x8890]  }
0xbd: {  	v7 =	vld [tilespmem:s7+$0x88A0]  }
0xbe: {  	v34 =	vld [tilespmem:s7+$0x84C0]  }
0xbf: {  	v20 =	vld [tilespmem:s7+$0x84D0]  }
0xc0: {  	v35 =	vld [tilespmem:s7+$0x8480]  }
0xc1: {  	v21 =	vld [tilespmem:s7+$0x8490]  }
0xc2: {  	v36 =	vld [tilespmem:s7+$0x80C0]  }
0xc3: {  	v15 =	vmax.f32 v22, v15;
	v22 =	vld [tilespmem:s7+$0x80D0]  }
0xc4: {  	v28 =	vmin.f32 v28, v27;
	v45 =	vmax.f32 v29, v27;
	v14 =	vmax.f32 v15, v14;
	v46 =	vld [tilespmem:s7+$0x8080]  }
0xc5: {  	v15 =	vmin.f32 v28, v24;
	v47 =	vmax.f32 v45, v24;
	v13 =	vmax.f32 v14, v13;
	v14 =	vld [tilespmem:s7+$0x8090]  }
0xc6: {  	v15 =	vmin.f32 v15, v23;
	v23 =	vmax.f32 v47, v23;
	v6 =	vmax.f32 v13, v6;
	v13 =	vld [tilespmem:s7+$0x8840]  }
0xc7: {  	v15 =	vmin.f32 v15, v25;
	v23 =	vmax.f32 v23, v25;
	v4 =	vmax.f32 v6, v4;
	v48 =	vld [tilespmem:s7+$0x8850]  }
0xc8: {  	v6 =	vmin.f32 v15, v26;
	v15 =	vmax.f32 v23, v26;
	v4 =	vmax.f32 v4, v16;
	v16 =	vld [tilespmem:s7+$0x8000]  }
0xc9: {  	v9 =	vmin.f32 v9, v12;
	v6 =	vmin.f32 v6, v30;
	v15 =	vmax.f32 v15, v30;
	v49 =	vld [tilespmem:s7+$0x8040]  }
0xca: {  	s9 =	sand.u32 $0x3, s10;
	v4 =	vmax.f32 v4, v17;
	v6 =	vmin.f32 v6, v31;
	v15 =	vmax.f32 v15, v31;
	v12 =	vld [tilespmem:s7+$0x8400]  }
0xcb: {  	v8 =	vmax.f32 v8, v10;
	s4 =	sshll.u32 s9, $0x8;
	v6 =	vmin.f32 v11, v6;
	v4 =	vmax.f32 v4, v15;
	v10 =	vld [tilespmem:s7+$0x8440]  }
0xcc: {  	s4 =	sadd.s32 $0x0, s4;
	v17 =	vmin.f32 v9, v6;
	v23 =	vmax.f32 v8, v4;
	v4 =	vld [tilespmem:s7+$0x8800]  }
0xcd: {  	v15 =	vld [tilespmem:s7+$0x8860];
	s8 =	sor.u32 $0xC00, s4;
	v6 =	vmin.f32 v17, v16  }
0xce: {  	s11 =	sor.u32 $0xC40, s4;
	v9 =	vld [tilespmem:s8+$0x8000];
	v8 =	vmax.f32 v23, v16;
	v6 =	vmin.f32 v6, v49  }
0xcf: {  	v11 =	vld [tilespmem:s11+$0x8000];
	v8 =	vmax.f32 v8, v49;
	v6 =	vmin.f32 v6, v12  }
0xd0: {  	v50 =	vld [tilespmem:s7+$0x8820];
	v8 =	vmax.f32 v8, v12;
	v6 =	vmin.f32 v6, v10  }
0xd1: {  	v51 =	vld [tilespmem:s7+$0x8020];
	v8 =	vmax.f32 v8, v10;
	v6 =	vmin.f32 v6, v4  }
0xd2: {  	v52 =	vld [tilespmem:s7+$0x8060];
	v4 =	vmax.f32 v8, v4;
	v6 =	vmin.f32 v6, v13  }
0xd3: {  	v53 =	vld [tilespmem:s7+$0x8420];
	v4 =	vmax.f32 v4, v13;
	v6 =	vmin.f32 v6, v9  }
0xd4: {  	s16 =	sadd.s32 $0x80, s4;
	v54 =	vld [tilespmem:s7+$0x8460];
	s18 =	sor.u32 $0xC50, s4;
	v4 =	vmax.f32 v4, v9;
	v6 =	vmin.f32 v6, v11  }
0xd5: {  	s12 =	sor.u32 $0xC00, s16;
	v55 =	vld [tilespmem:s18+$0x8000];
	v4 =	vmax.f32 v4, v11;
	v6 =	vmin.f32 v6, v46  }
0xd6: {  	v13 =	vld [tilespmem:s12+$0x8000];
	v4 =	vmax.f32 v4, v46;
	v6 =	vmin.f32 v6, v36  }
0xd7: {  	s13 =	sor.u32 $0xC40, s16;
	v11 =	vld [tilespmem:s7+$0x8010];
	v4 =	vmax.f32 v4, v36;
	v6 =	vmin.f32 v6, v35  }
0xd8: {  	v16 =	vld [tilespmem:s13+$0x8000];
	v4 =	vmax.f32 v4, v35;
	v6 =	vmin.f32 v6, v34  }
0xd9: {  	v9 =	vld [tilespmem:s7+$0x8050];
	v4 =	vmax.f32 v4, v34;
	v6 =	vmin.f32 v6, v33  }
0xda: {  	v12 =	vld [tilespmem:s7+$0x8410];
	v4 =	vmax.f32 v4, v33;
	v6 =	vmin.f32 v6, v32  }
0xdb: {  	v8 =	vld [tilespmem:s7+$0x8450];
	v4 =	vmax.f32 v4, v32;
	v6 =	vmin.f32 v6, v13  }
0xdc: {  	s19 =	sor.u32 $0xC10, s4;
	v10 =	vld [tilespmem:s7+$0x8810];
	v4 =	vmax.f32 v4, v13;
	v13 =	vmin.f32 v17, v11;
	v11 =	vmax.f32 v23, v11  }
0xdd: {  	s20 =	sor.u32 $0xC20, s4;
	v56 =	vld [tilespmem:s19+$0x8000];
	v6 =	vmin.f32 v6, v16;
	v4 =	vmax.f32 v4, v16;
	v16 =	vmin.f32 v17, v51  }
0xde: {  	s21 =	sor.u32 $0xC60, s4;
	v57 =	vld [tilespmem:s20+$0x8000];
	v13 =	vmin.f32 v13, v9;
	v9 =	vmax.f32 v11, v9;
	v11 =	vmin.f32 v16, v52  }
0xdf: {  	v58 =	vld [tilespmem:s21+$0x8000];
	v13 =	vmin.f32 v13, v12;
	v9 =	vmax.f32 v9, v12;
	v11 =	vmin.f32 v11, v53  }
0xe0: {  	v59 =	vld [tilespmem:s7+$0x80A0];
	v12 =	vmin.f32 v13, v8;
	v8 =	vmax.f32 v9, v8;
	v9 =	vmin.f32 v11, v54  }
0xe1: {  	v13 =	vld [tilespmem:s7+$0x80E0];
	v11 =	vmin.f32 v12, v10;
	v8 =	vmax.f32 v8, v10;
	v9 =	vmin.f32 v9, v50  }
0xe2: {  	v12 =	vld [tilespmem:s7+$0x84A0];
	v10 =	vmin.f32 v11, v48;
	v8 =	vmax.f32 v8, v48;
	v9 =	vmin.f32 v9, v15  }
0xe3: {  	s22 =	sor.u32 $0xC50, s16;
	v11 =	vld [tilespmem:s7+$0x84E0];
	v10 =	vmin.f32 v10, v56;
	v8 =	vmax.f32 v8, v56;
	v9 =	vmin.f32 v9, v57  }
0xe4: {  	s23 =	sor.u32 $0xC10, s16;
	v60 =	vld [tilespmem:s22+$0x8000];
	v10 =	vmin.f32 v10, v55;
	v8 =	vmax.f32 v8, v55;
	v9 =	vmin.f32 v9, v58  }
0xe5: {  	s25 =	sor.u32 $0xC20, s16;
	v61 =	vld [tilespmem:s23+$0x8000];
	v10 =	vmin.f32 v10, v14;
	v8 =	vmax.f32 v8, v14;
	v9 =	vmin.f32 v9, v59  }
0xe6: {  	v14 =	vld [tilespmem:s25+$0x8000];
	v10 =	vmin.f32 v10, v22;
	v8 =	vmax.f32 v8, v22;
	v9 =	vmin.f32 v9, v13  }
0xe7: {  	s30 =	sor.u32 $0xC60, s16;
	v10 =	vmin.f32 v10, v21;
	v8 =	vmax.f32 v8, v21;
	v21 =	vld [tilespmem:s7+$0x8030];
	v9 =	vmin.f32 v9, v12  }
0xe8: {  	v16 =	vld [tilespmem:s30+$0x8000];
	v10 =	vmin.f32 v10, v20;
	v8 =	vmax.f32 v8, v20;
	v9 =	vmin.f32 v9, v11  }
0xe9: {  	v20 =	vld [tilespmem:s7+$0x8070];
	v10 =	vmin.f32 v10, v19;
	v8 =	vmax.f32 v8, v19;
	v9 =	vmin.f32 v9, v7  }
0xea: {  	v19 =	vld [tilespmem:s7+$0x8430];
	v10 =	vmin.f32 v10, v18;
	v8 =	vmax.f32 v8, v18;
	v9 =	vmin.f32 v9, v5  }
0xeb: {  	v18 =	vld [tilespmem:s7+$0x8470];
	v10 =	vmin.f32 v10, v61;
	v8 =	vmax.f32 v8, v61;
	v22 =	vmin.f32 v9, v14  }
0xec: {  	v62 =	vld [tilespmem:s7+$0x8830];
	v9 =	vmin.f32 v10, v60;
	v8 =	vmax.f32 v8, v60;
	v17 =	vmin.f32 v17, v21  }
0xed: {  	s31 =	sor.u32 $0xC30, s4;
	v21 =	vmax.f32 v23, v21;
	v10 =	vmin.f32 v22, v16;
	v22 =	vmax.f32 v23, v51;
	v23 =	vld [tilespmem:s7+$0x8870]  }
0xee: {  	s4 =	sor.u32 $0xC70, s4;
	v63 =	vld [tilespmem:s31+$0x8000];
	v17 =	vmin.f32 v17, v20;
	v20 =	vmax.f32 v21, v20;
	v22 =	vmax.f32 v22, v52  }
0xef: {  	v17 =	vmin.f32 v17, v19;
	v19 =	vmax.f32 v20, v19;
	v20 =	vld [tilespmem:s4+$0x8000];
	v21 =	vmax.f32 v22, v53  }
0xf0: {  	v17 =	vmin.f32 v17, v18;
	v18 =	vmax.f32 v19, v18;
	v19 =	vld [tilespmem:s7+$0x80B0];
	v21 =	vmax.f32 v21, v54  }
0xf1: {  	v17 =	vmin.f32 v17, v62;
	v18 =	vmax.f32 v18, v62;
	v22 =	vmax.f32 v21, v50;
	v21 =	vld [tilespmem:s7+$0x80F0]  }
0xf2: {  	v15 =	vmax.f32 v22, v15;
	v22 =	vmin.f32 v17, v23;
	v18 =	vmax.f32 v18, v23;
	v17 =	vld [tilespmem:s7+$0x84B0]  }
0xf3: {  	v23 =	vmax.f32 v15, v57;
	v22 =	vmin.f32 v22, v63;
	v18 =	vmax.f32 v18, v63;
	v15 =	vld [tilespmem:s7+$0x84F0]  }
0xf4: {  	s9 =	sor.u32 $0xC30, s16;
	v23 =	vmax.f32 v23, v58;
	v22 =	vmin.f32 v22, v20;
	v24 =	vmax.f32 v18, v20;
	v18 =	vld [tilespmem:s7+$0x88B0]  }
0xf5: {  	s8 =	simm.s32 $0x400;
	s4 =	simm.s32 $0x0;
	v20 =	vmax.f32 v23, v59;
	v22 =	vmin.f32 v22, v19;
	v23 =	vmax.f32 v24, v19;
	v19 =	vld [tilespmem:s7+$0x88F0];
	s7 =	simm.s32 $0x100  }
.LBB2_5:
0xf6: {  	s11 =	sand.u32 $0x7000, s8;
	s12 =	sand.u32 $0x300, s7;
	v13 =	vmax.f32 v20, v13;
	v20 =	vmin.f32 v22, v21;
	v21 =	vmax.f32 v23, v21;
	v22 =	vld [tilespmem:s9+$0x8000];
	s13 =	sor.u32 $0xC70, s16  }
0xf7: {  	s9 =	sor.u32 s12, s11;
	v12 =	vmax.f32 v13, v12;
	v13 =	vmin.f32 v20, v17;
	v17 =	vmax.f32 v21, v17;
	v20 =	vld [tilespmem:s13+$0x8000]  }
0xf8: {  	v25 =	vld [tilespmem:s9+$0x88C0];
	v11 =	vmax.f32 v12, v11;
	v12 =	vmin.f32 v13, v15;
	v13 =	vmax.f32 v17, v15  }
0xf9: {  	v15 =	vld [tilespmem:s9+$0x88D0];
	v7 =	vmax.f32 v11, v7;
	v11 =	vmin.f32 v12, v18;
	v12 =	vmax.f32 v13, v18  }
0xfa: {  	v7 =	vmax.f32 v7, v5;
	v5 =	vld [tilespmem:s9+$0x88E0];
	v11 =	vmin.f32 v11, v19;
	v12 =	vmax.f32 v12, v19  }
0xfb: {  	v13 =	vld [tilespmem:s9+$0x8880];
	v7 =	vmax.f32 v7, v14;
	v11 =	vmin.f32 v11, v22;
	v12 =	vmax.f32 v12, v22  }
0xfc: {  	v21 =	vld [tilespmem:s9+$0x8890];
	v17 =	vmax.f32 v7, v16;
	v18 =	vmin.f32 v11, v20;
	v19 =	vmax.f32 v12, v20  }
0xfd: {  	v7 =	vld [tilespmem:s9+$0x88A0]  }
0xfe: {  	v11 =	vld [tilespmem:s9+$0x84C0]  }
0xff: {  	v22 =	vld [tilespmem:s9+$0x84D0]  }
0x100: {  	v12 =	vld [tilespmem:s9+$0x8480]  }
0x101: {  	v16 =	vld [tilespmem:s9+$0x8490]  }
0x102: {  	v26 =	vld [tilespmem:s9+$0x80C0]  }
0x103: {  	v14 =	vld [tilespmem:s9+$0x80D0]  }
0x104: {  	v27 =	vld [tilespmem:s9+$0x8080]  }
0x105: {  	v24 =	vld [tilespmem:s9+$0x8090]  }
0x106: {  	v28 =	vld [tilespmem:s9+$0x8840]  }
0x107: {  	v29 =	vld [tilespmem:s9+$0x8850]  }
0x108: {  	v20 =	vld [tilespmem:s9+$0x8000]  }
0x109: {  	s10 =	sadd.s32 $0x1, s10;
	v23 =	vld [tilespmem:s9+$0x8040]  }
0x10a: {  	s11 =	sand.u32 $0x3, s10;
	v30 =	vld [tilespmem:s9+$0x8400]  }
0x10b: {  	s11 =	sshll.u32 s11, $0x8;
	v31 =	vld [tilespmem:s9+$0x8440]  }
0x10c: {  	s12 =	sadd.s32 s11, s8;
	v32 =	vld [tilespmem:s9+$0x8800]  }
0x10d: {  	s11 =	sor.u32 $0xC00, s12;
	v6 =	vmin.f32 v6, v20;
	v4 =	vmax.f32 v4, v20;
	v20 =	vld [tilespmem:s9+$0x8860]  }
0x10e: {  	v6 =	vmin.f32 v6, v23;
	v4 =	vmax.f32 v4, v23;
	v33 =	vld [tilespmem:s11+$0x8000];
	s11 =	sor.u32 $0xC40, s12  }
0x10f: {  	v6 =	vmin.f32 v6, v30;
	v4 =	vmax.f32 v4, v30;
	v30 =	vld [tilespmem:s11+$0x8000]  }
0x110: {  	v6 =	vmin.f32 v6, v31;
	v4 =	vmax.f32 v4, v31;
	v31 =	vld [tilespmem:s9+$0x8810]  }
0x111: {  	v6 =	vmin.f32 v6, v32;
	v4 =	vmax.f32 v4, v32;
	v23 =	vld [tilespmem:s9+$0x8820]  }
0x112: {  	v32 =	vld [tilespmem:s9+$0x8450];
	v6 =	vmin.f32 v6, v28;
	v4 =	vmax.f32 v4, v28  }
0x113: {  	v28 =	vld [tilespmem:s9+$0x8410];
	v6 =	vmin.f32 v6, v33;
	v4 =	vmax.f32 v4, v33  }
0x114: {  	s16 =	sadd.s32 $0x80, s12;
	v33 =	vld [tilespmem:s9+$0x8050];
	v6 =	vmin.f32 v6, v30;
	v4 =	vmax.f32 v4, v30  }
0x115: {  	s11 =	sor.u32 $0xC00, s16;
	v30 =	vld [tilespmem:s9+$0x8010];
	v6 =	vmin.f32 v6, v27;
	v4 =	vmax.f32 v4, v27  }
0x116: {  	v6 =	vmin.f32 v6, v26;
	v4 =	vmax.f32 v4, v26;
	v26 =	vld [tilespmem:s11+$0x8000];
	s11 =	sor.u32 $0xC40, s16  }
0x117: {  	v6 =	vmin.f32 v6, v12;
	v4 =	vmax.f32 v4, v12;
	v12 =	vld [tilespmem:s11+$0x8000]  }
0x118: {  	v27 =	vld [tilespmem:s9+$0x8020];
	v6 =	vmin.f32 v6, v11;
	v4 =	vmax.f32 v4, v11  }
0x119: {  	v34 =	vld [tilespmem:s9+$0x8060];
	v6 =	vmin.f32 v6, v13;
	v4 =	vmax.f32 v4, v13  }
0x11a: {  	v35 =	vld [tilespmem:s9+$0x8420];
	v6 =	vmin.f32 v6, v25;
	v4 =	vmax.f32 v4, v25  }
0x11b: {  	s11 =	sor.u32 $0xC50, s12;
	v25 =	vld [tilespmem:s9+$0x8460];
	v6 =	vmin.f32 v6, v26;
	v4 =	vmax.f32 v4, v26  }
0x11c: {  	s13 =	sor.u32 $0xC10, s12;
	v26 =	vld [tilespmem:s11+$0x8000];
	v6 =	vmin.f32 v6, v12;
	v4 =	vmax.f32 v4, v12  }
0x11d: {  	v9 =	vmin.f32 v9, v30;
	v8 =	vmax.f32 v8, v30;
	s11 =	sor.u32 $0xC20, s12;
	v10 =	vmin.f32 v10, v27;
	v11 =	vld [tilespmem:s13+$0x8000]  }
0x11e: {  	v9 =	vmin.f32 v9, v33;
	v8 =	vmax.f32 v8, v33;
	v10 =	vmin.f32 v10, v34;
	v30 =	vld [tilespmem:s11+$0x8000];
	s11 =	sor.u32 $0xC60, s12  }
0x11f: {  	v9 =	vmin.f32 v9, v28;
	v8 =	vmax.f32 v8, v28;
	v10 =	vmin.f32 v10, v35;
	v28 =	vld [tilespmem:s11+$0x8000]  }
0x120: {  	v9 =	vmin.f32 v9, v32;
	v8 =	vmax.f32 v8, v32;
	v10 =	vmin.f32 v10, v25;
	v32 =	vld [tilespmem:s9+$0x80A0]  }
0x121: {  	v9 =	vmin.f32 v9, v31;
	v8 =	vmax.f32 v8, v31;
	v10 =	vmin.f32 v10, v23;
	v13 =	vld [tilespmem:s9+$0x80E0]  }
0x122: {  	v9 =	vmin.f32 v9, v29;
	v8 =	vmax.f32 v8, v29;
	v10 =	vmin.f32 v10, v20;
	v12 =	vld [tilespmem:s9+$0x84A0]  }
0x123: {  	s11 =	sor.u32 $0xC50, s16;
	v9 =	vmin.f32 v9, v11;
	v8 =	vmax.f32 v8, v11;
	v10 =	vmin.f32 v10, v30;
	v11 =	vld [tilespmem:s9+$0x84E0]  }
0x124: {  	s13 =	sor.u32 $0xC10, s16;
	v9 =	vmin.f32 v9, v26;
	v8 =	vmax.f32 v8, v26;
	v10 =	vmin.f32 v10, v28;
	v26 =	vld [tilespmem:s11+$0x8000]  }
0x125: {  	v9 =	vmin.f32 v9, v24;
	v8 =	vmax.f32 v8, v24;
	s11 =	sor.u32 $0xC20, s16;
	v10 =	vmin.f32 v10, v32;
	v24 =	vld [tilespmem:s13+$0x8000]  }
0x126: {  	s4 =	sadd.s32 $0x2, s4;
	v9 =	vmin.f32 v9, v14;
	v8 =	vmax.f32 v8, v14;
	v10 =	vmin.f32 v10, v13;
	v14 =	vld [tilespmem:s11+$0x8000];
	s11 =	sor.u32 $0xC60, s16  }
0x127: {  	p0 =	slt.u32 s4, $0x3E;
	v9 =	vmin.f32 v9, v16;
	v8 =	vmax.f32 v8, v16;
	v10 =	vmin.f32 v10, v12;
	v16 =	vld [tilespmem:s11+$0x8000]  }
0x128: {  	v9 =	vmin.f32 v9, v22;
	v8 =	vmax.f32 v8, v22;
	v29 =	vld [tilespmem:s9+$0x8030];
	v10 =	vmin.f32 v10, v11  }
0x129: {  	v9 =	vmin.f32 v9, v21;
	v8 =	vmax.f32 v8, v21;
	v22 =	vld [tilespmem:s9+$0x8070];
	v10 =	vmin.f32 v10, v7  }
0x12a: {  	v9 =	vmin.f32 v9, v15;
	v8 =	vmax.f32 v8, v15;
	v21 =	vld [tilespmem:s9+$0x8430];
	v10 =	vmin.f32 v10, v5  }
0x12b: {  	v9 =	vmin.f32 v9, v24;
	v8 =	vmax.f32 v8, v24;
	v15 =	vld [tilespmem:s9+$0x8470];
	v10 =	vmin.f32 v10, v14  }
0x12c: {  	v9 =	vmin.f32 v9, v26;
	v8 =	vmax.f32 v8, v26;
	v24 =	vld [tilespmem:s9+$0x8830];
	v10 =	vmin.f32 v10, v16  }
0x12d: {  	v17 =	vmax.f32 v17, v27;
	s11 =	sor.u32 $0xC30, s12;
	v18 =	vmin.f32 v18, v29;
	v19 =	vmax.f32 v19, v29;
	v26 =	vld [tilespmem:s9+$0x8870]  }
0x12e: {  	v17 =	vmax.f32 v17, v34;
	v18 =	vmin.f32 v18, v22;
	v19 =	vmax.f32 v19, v22;
	v22 =	vld [tilespmem:s11+$0x8000];
	s11 =	sor.u32 $0xC70, s12  }
0x12f: {  	v17 =	vmax.f32 v17, v35;
	v18 =	vmin.f32 v18, v21;
	v19 =	vmax.f32 v19, v21;
	v27 =	vld [tilespmem:s11+$0x8000]  }
0x130: {  	v17 =	vmax.f32 v17, v25;
	v18 =	vmin.f32 v18, v15;
	v15 =	vmax.f32 v19, v15;
	v19 =	vld [tilespmem:s9+$0x80B0]  }
.Ltmp1:
0x131: {  	v17 =	vmax.f32 v17, v23;
	v18 =	vmin.f32 v18, v24;
	v15 =	vmax.f32 v15, v24;
	v21 =	vld [tilespmem:s9+$0x80F0];
	(pc) =	sbr.rel @p0 .LBB2_5-.Ltmp1, $4  }
0x132: {  	v20 =	vmax.f32 v17, v20;
	v18 =	vmin.f32 v18, v26;
	v15 =	vmax.f32 v15, v26;
	v17 =	vld [tilespmem:s9+$0x84B0]  }
0x133: {  	v20 =	vmax.f32 v20, v30;
	v18 =	vmin.f32 v18, v22;
	v22 =	vmax.f32 v15, v22;
	v15 =	vld [tilespmem:s9+$0x84F0]  }
0x134: {  	v20 =	vmax.f32 v20, v28;
	v23 =	vmin.f32 v18, v27;
	v24 =	vmax.f32 v22, v27;
	v18 =	vld [tilespmem:s9+$0x88B0]  }
0x135: {  	s7 =	sadd.s32 $0x100, s7;
	s8 =	sadd.s32 $0x400, s8;
	v20 =	vmax.f32 v20, v32;
	v22 =	vmin.f32 v23, v19;
	v23 =	vmax.f32 v24, v19;
	v19 =	vld [tilespmem:s9+$0x88F0];
	s9 =	sor.u32 $0xC30, s16  }
0x136: {  	v13 =	vmax.f32 v20, v13  }
0x137: {  	v53 =	vmin.f32 v22, v21;
	v54 =	vmax.f32 v23, v21;
	v55 =	vld [tilespmem:s9+$0x8000];
	s4 =	sor.u32 $0xC70, s16;
	v6 =	vmin.f32 v6, v9  }
0x138: {  	v12 =	vmax.f32 v13, v12;
	v56 =	vmin.f32 v53, v17;
	v57 =	vmax.f32 v54, v17;
	v58 =	vld [tilespmem:s4+$0x8000]  }
0x139: {  	s3 =	sadd.s32 $0x1, s3;
	v11 =	vmax.f32 v12, v11;
	v59 =	vmin.f32 v56, v15;
	v60 =	vmax.f32 v57, v15  }
0x13a: {  	p0 =	sne.s32 s3, $0x4;
	v7 =	vmax.f32 v11, v7;
	v61 =	vmin.f32 v59, v18;
	v62 =	vmax.f32 v60, v18  }
.Ltmp2:
0x13b: {  	v5 =	vmax.f32 v7, v5;
	v7 =	vmin.f32 v61, v19;
	v63 =	vmax.f32 v62, v19;
	(pc) =	sbr.rel @p0 .LBB2_2-.Ltmp2, $4  }
0x13c: {  	v5 =	vmax.f32 v5, v14;
	v7 =	vmin.f32 v7, v55;
	v11 =	vmax.f32 v63, v55  }
0x13d: {  	v5 =	vmax.f32 v5, v16;
	v7 =	vmin.f32 v7, v58;
	v11 =	vmax.f32 v11, v58  }
0x13e: {  	v4 =	vmax.f32 v4, v8;
	v7 =	vmin.f32 v10, v7;
	v5 =	vmax.f32 v5, v11  }
0x13f: {  	v7 =	vmin.f32 v6, v7;
	v5 =	vmax.f32 v4, v5  }
0x140: {  	_ =	sdelay $0x2  }
0x141: {  	[tilespmem:$0x1C400] =	vst v7;
	s0 =	simm.s32 $0x1C400  }
0x142: {  	v4 =	vld.idx.msk [tilespmem:v0+s0+$0x0], $0xffff;
	_ =	sdelay $0x4  }
0x143: {  	v4 =	vmin.f32 v7, v4  }
0x144: {  	[tilespmem:$0x1C400] =	vst v4  }
0x145: {  	v6 =	vld.idx.msk [tilespmem:v1+s0+$0x0], $0xffff;
	_ =	sdelay $0x4  }
0x146: {  	v4 =	vmin.f32 v4, v6  }
0x147: {  	[tilespmem:$0x1C400] =	vst v4  }
0x148: {  	v6 =	vld.idx.msk [tilespmem:v2+s0+$0x0], $0xffff;
	_ =	sdelay $0x4  }
0x149: {  	v4 =	vmin.f32 v4, v6  }
0x14a: {  	[tilespmem:$0x1C400] =	vst v4  }
0x14b: {  	v6 =	vld.idx.msk [tilespmem:v3+s0+$0x0], $0xffff;
	[tilespmem:$0x1C400] =	vst v5  }
0x14c: {  	v7 =	vld.idx.msk [tilespmem:v0+s0+$0x0], $0xffff;
	_ =	sdelay $0x4  }
0x14d: {  	v5 =	vmax.f32 v5, v7  }
0x14e: {  	[tilespmem:$0x1C400] =	vst v5  }
0x14f: {  	v7 =	vld.idx.msk [tilespmem:v1+s0+$0x0], $0xffff;
	_ =	sdelay $0x4  }
0x150: {  	v5 =	vmax.f32 v5, v7  }
0x151: {  	[tilespmem:$0x1C400] =	vst v5  }
0x152: {  	v7 =	vld.idx.msk [tilespmem:v2+s0+$0x0], $0xffff;
	_ =	sdelay $0x4  }
0x153: {  	v5 =	vmax.f32 v5, v7  }
0x154: {  	[tilespmem:$0x1C400] =	vst v5  }
0x155: {  	v7 =	vld.idx.msk [tilespmem:v3+s0+$0x0], $0xffff;
	_ =	sdelay $0x4  }
0x156: {  	v6 =	vmin.f32 v4, v6;
	v4 =	vmax.f32 v5, v7  }
0x157: {  	v4 =	vsub.f32 v4, v6;
	_ =	sdelay $0x1  }
0x158: {  	v4 =	vmax.f32 v4, $9.999999740e-06  }
0x159: {  	(erf) = vrcp.f32 v4;
	_ =	sdelay $0x8  }
0x15a: {  	v4 =	vpop (erf)  }
0x15b: {  	v4 =	vmul.f32 $2.550000000e+02, v4;
	_ =	sdelay $0x1  }
0x15c: {  	v5 =	vmul.f32 v4, v6  }
0x15d: {  	s31 =	simm.s32 $0x0;
	s3 =	simm.s32 $0x0  }
0x15e: {  	[tilespmem:s31], [sflag:$0x1] =	stream.linear.gather [hbm4b:s5+s31], $0x8000, $0x38;
	v5 =	vsub.f32 $0.0e+00, v5;
	[tilespmem:$0x1C480] =	vst v63  }
.LBB2_8:
0x15f: {  	s1 =	sshll.u32 s3, $0x10;
	s0 =	rddreg [dreg:$0x8]  }
0x160: {  	[dreg:$0x16] =	wrdreg s1;
	s4 =	sor.u32 s1, s0  }
0x161: {  	_ =	swait.ge [sflag:s15], $0x8000;
	s4 =	sshrl.u32 s4, $0x3  }
0x162: {  	s31 =	simm.s32 $0x0;
	[sflag:s15] =	ssyncset.done $0x0;
	s4 =	sadd.s32 s4, s14  }
0x163: {  	p0 =	seq.s32 s3, $0x0;
	[sflag:s15] =	ssyncadd.s32 $0xFFFF8000;
	s4 =	sadd.s32 $0x1000, s4  }
0x164: {  	[tilespmem:s17], [sflag:$0x2] =	stream.linear.gather [hbm4b:s4+s31], $0x8000, $0x38;
	[tilespmem:$0x1C480] =	vst v63  }
0x165: {  	s4 =	simm.s32 @!p0 $0x3  }
0x166: {  	_ =	swait.ge @!p0 [sflag:s4], $0x2000  }
0x167: {  	[sflag:s4] =	ssyncset.done @!p0 $0x0  }
0x168: {  	[sflag:s4] =	ssyncadd.s32 @!p0 $0xFFFFE000  }
0x169: {  	s12 =	simm.s32 $0x0;
	s7 =	simm.s32 $0x0;
	_ =	swait.ge @!p0 [sflag:s4], $0x2000  }
0x16a: {  	s7 =	sand.u32 $0x7000, s7;
	s1 =	simm.s32 $0x0;
	[sflag:s4] =	ssyncset.done @!p0 $0x0  }
0x16b: {  	s8 =	sand.u32 $0x200, s12;
	s16 =	sand.u32 $0x40, s1;
	[sflag:s4] =	ssyncadd.s32 @!p0 $0xFFFFE000  }
0x16c: {  	s9 =	sand.u32 $0xC00, s1;
	s7 =	sor.u32 s8, s7;
	_ =	swait.ge @!p0 [sflag:s4], $0x2000  }
0x16d: {  	s11 =	sor.u32 s9, s7;
	s7 =	sor.u32 $0x30, s16;
	[sflag:s4] =	ssyncset.done @!p0 $0x0  }
0x16e: {  	s5 =	sor.u32 $0x100, s11;
	s17 =	sor.u32 s7, s11;
	[sflag:s4] =	ssyncadd.s32 @!p0 $0xFFFFE000  }
0x16f: {  	s10 =	sor.u32 $0x180, s11;
	s18 =	sor.u32 s7, s5;
	v6 =	vld [tilespmem:s17+$0x0]  }
0x170: {  	s13 =	sor.u32 $0x80, s11;
	s19 =	sor.u32 s7, s10;
	v7 =	vld [tilespmem:s18+$0x0]  }
0x171: {  	s20 =	sor.u32 s7, s13;
	v8 =	vld [tilespmem:s19+$0x0]  }
0x172: {  	s21 =	sor.u32 s16, s13;
	v9 =	vld [tilespmem:s20+$0x0]  }
0x173: {  	s22 =	sor.u32 s16, s5;
	v10 =	vld [tilespmem:s21+$0x0]  }
0x174: {  	s25 =	sor.u32 $0x10, s16;
	s23 =	sor.u32 s16, s10;
	v11 =	vld [tilespmem:s22+$0x0]  }
0x175: {  	s30 =	sor.u32 s25, s13;
	v12 =	vld [tilespmem:s23+$0x0]  }
0x176: {  	s31 =	sor.u32 s25, s5;
	v13 =	vld [tilespmem:s30+$0x0]  }
0x177: {  	s0 =	sor.u32 s25, s10;
	v14 =	vld [tilespmem:s31+$0x0]  }
0x178: {  	s1 =	sor.u32 s16, s11;
	s15 =	simm.s32 $0x40;
	s4 =	sor.u32 $0x20, s16;
	v15 =	vld [tilespmem:s0+$0x0]  }
0x179: {  	s13 =	sor.u32 s4, s13;
	s8 =	sor.u32 s4, s5;
	s10 =	sor.u32 s4, s10;
	v20 =	vld [tilespmem:s1+$0x0]  }
0x17a: {  	s5 =	sor.u32 s25, s11;
	s19 =	simm.s32 $0x100;
	s23 =	simm.s32 $0x200;
	v16 =	vld [tilespmem:s13+$0x0]  }
0x17b: {  	s18 =	sand.u32 $0x200, s15;
	v19 =	vld [tilespmem:s10+$0x0];
	s20 =	sand.u32 $0x7000, s19;
	s10 =	simm.s32 $0x40  }
0x17c: {  	v18 =	vld [tilespmem:s8+$0x0];
	s17 =	sand.u32 $0xC00, s23;
	s8 =	sand.u32 $0x40, s10;
	s13 =	sor.u32 s18, s20;
	v6 =	vmul.f32 v6, v4;
	v7 =	vmul.f32 v7, v4  }
0x17d: {  	s11 =	sor.u32 s4, s11;
	v21 =	vld [tilespmem:s5+$0x0];
	s19 =	sor.u32 s17, s13;
	s14 =	sor.u32 $0x30, s8;
	v8 =	vmul.f32 v8, v4;
	v9 =	vmul.f32 v9, v4  }
0x17e: {  	v22 =	vld [tilespmem:s11+$0x0];
	s20 =	sor.u32 $0x100, s19;
	s13 =	sor.u32 s14, s19;
	v10 =	vmul.f32 v10, v4;
	v11 =	vmul.f32 v11, v4  }
0x17f: {  	s11 =	sor.u32 $0x180, s19;
	v23 =	vld [tilespmem:s13+$0x0];
	s21 =	sor.u32 s14, s20;
	v12 =	vmul.f32 v12, v4;
	v13 =	vmul.f32 v13, v4  }
0x180: {  	s31 =	sor.u32 $0x80, s19;
	s22 =	sor.u32 s14, s11;
	v14 =	vmul.f32 v14, v4;
	v15 =	vmul.f32 v15, v4;
	v24 =	vld [tilespmem:s21+$0x0]  }
0x181: {  	s30 =	sor.u32 s14, s31;
	s13 =	sor.u32 $0x10, s8;
	v20 =	vmul.f32 v20, v4;
	v25 =	vld [tilespmem:s22+$0x0];
	v16 =	vmul.f32 v16, v4  }
0x182: {  	v26 =	vld [tilespmem:s30+$0x0];
	s5 =	sor.u32 s13, s31;
	v18 =	vmul.f32 v18, v4;
	v19 =	vmul.f32 v19, v4  }
0x183: {  	s22 =	sor.u32 s13, s20;
	v21 =	vmul.f32 v21, v4;
	v6 =	vadd.f32 v6, v5;
	v7 =	vadd.f32 v7, v5;
	v17 =	vld [tilespmem:s5+$0x0]  }
0x184: {  	s18 =	sor.u32 $0x20, s8;
	s30 =	sor.u32 s13, s11;
	v22 =	vmul.f32 v22, v4;
	v8 =	vadd.f32 v8, v5;
	v9 =	vadd.f32 v9, v5;
	v30 =	vld [tilespmem:s22+$0x0]  }
0x185: {  	s1 =	sor.u32 s8, s20;
	s20 =	sor.u32 s18, s20;
	v10 =	vadd.f32 v10, v5;
	v11 =	vadd.f32 v11, v5;
	v31 =	vld [tilespmem:s30+$0x0];
	v6 =	vtrunc.f32 v6  }
0x186: {  	s21 =	sor.u32 s8, s11;
	s11 =	sor.u32 s18, s11;
	v12 =	vadd.f32 v12, v5;
	v33 =	vld [tilespmem:s20+$0x0];
	v7 =	vtrunc.f32 v7;
	v8 =	vtrunc.f32 v8  }
0x187: {  	v13 =	vadd.f32 v13, v5;
	v53 =	vld [tilespmem:s11+$0x0];
	s5 =	sor.u32 s13, s19;
	v29 =	vtrunc.f32 v9;
	v10 =	vtrunc.f32 v10  }
0x188: {  	v14 =	vadd.f32 v14, v5;
	v54 =	vld [tilespmem:s5+$0x0];
	v11 =	vtrunc.f32 v11;
	v27 =	vcvt.f32.s32 v6  }
0x189: {  	s0 =	sor.u32 s8, s31;
	v15 =	vadd.f32 v15, v5;
	v9 =	vld [tilespmem:s21+$0x0];
	v12 =	vtrunc.f32 v12;
	v28 =	vcvt.f32.s32 v7  }
0x18a: {  	v16 =	vadd.f32 v16, v5;
	v13 =	vtrunc.f32 v13;
	v6 =	vld [tilespmem:s0+$0x0];
	v8 =	vcvt.f32.s32 v8  }
0x18b: {  	v18 =	vadd.f32 v18, v5;
	v14 =	vtrunc.f32 v14;
	v7 =	vld [tilespmem:s1+$0x0];
	v29 =	vcvt.f32.s32 v29;
	s0 =	sor.u32 s18, s31  }
0x18c: {  	v19 =	vadd.f32 v19, v5;
	v15 =	vtrunc.f32 v15;
	v11 =	vcvt.f32.s32 v11;
	s1 =	sor.u32 s8, s19;
	s19 =	sor.u32 s18, s19;
	v32 =	vld [tilespmem:s0+$0x0]  }
0x18d: {  	v21 =	vadd.f32 v21, v5;
	v38 =	vcvt.f32.s32 v12;
	v16 =	vtrunc.f32 v16;
	v44 =	vld [tilespmem:s19+$0x0]  }
0x18e: {  	v22 =	vadd.f32 v22, v5;
	v18 =	vtrunc.f32 v18;
	v19 =	vtrunc.f32 v19;
	v34 =	vld.idx.msk [tilespmem:v27+s28+$0x0], $0xffff  }
0x18f: {  	v14 =	vcvt.f32.s32 v14;
	v15 =	vcvt.f32.s32 v15;
	v35 =	vld.idx.msk [tilespmem:v28+s28+$0x0], $0xffff  }
0x190: {  	v21 =	vtrunc.f32 v21;
	v22 =	vtrunc.f32 v22;
	v36 =	vld.idx.msk [tilespmem:v8+s29+$0x0], $0xffff  }
0x191: {  	v62 =	vcvt.f32.s32 v10;
	v63 =	vcvt.f32.s32 v13;
	v37 =	vld.idx.msk [tilespmem:v29+s29+$0x0], $0xffff  }
0x192: {  	v12 =	vadd.f32 v20, v5;
	v23 =	vmul.f32 v23, v4;
	v16 =	vcvt.f32.s32 v16;
	v20 =	vld.idx.msk [tilespmem:v27+s24+$0x0], $0xffff  }
0x193: {  	v18 =	vcvt.f32.s32 v18;
	v19 =	vcvt.f32.s32 v19;
	v27 =	vld.idx.msk [tilespmem:v29+s26+$0x0], $0xffff  }
0x194: {  	v10 =	vcvt.f32.s32 v21;
	v24 =	vmul.f32 v24, v4;
	v28 =	vld.idx.msk [tilespmem:v28+s24+$0x0], $0xffff  }
0x195: {  	v12 =	vtrunc.f32 v12;
	v17 =	vmul.f32 v17, v4;
	v29 =	vld.idx.msk [tilespmem:v8+s26+$0x0], $0xffff  }
0x196: {  	v33 =	vmul.f32 v33, v4;
	v12 =	vcvt.f32.s32 v12;
	v61 =	vld.idx.msk [tilespmem:v11+s24+$0x0], $0xffff  }
0x197: {  	v9 =	vmul.f32 v9, v4;
	v17 =	vadd.f32 v17, v5;
	v6 =	vmul.f32 v6, v4;
	v39 =	vld.idx.msk [tilespmem:v38+s26+$0x0], $0xffff  }
0x198: {  	v33 =	vadd.f32 v33, v5;
	v7 =	vmul.f32 v7, v4;
	v40 =	vld.idx.msk [tilespmem:v11+s28+$0x0], $0xffff;
	v11 =	vcvt.f32.s32 v22  }
0x199: {  	v51 =	vld.idx.msk [tilespmem:v38+s29+$0x0], $0xffff;
	v9 =	vadd.f32 v9, v5;
	v32 =	vmul.f32 v32, v4;
	v44 =	vmul.f32 v44, v4  }
0x19a: {  	v52 =	vld.idx.msk [tilespmem:v15+s29+$0x0], $0xffff;
	v17 =	vtrunc.f32 v17;
	v6 =	vadd.f32 v6, v5;
	v7 =	vadd.f32 v7, v5  }
0x19b: {  	v24 =	vadd.f32 v24, v5;
	v41 =	vld.idx.msk [tilespmem:v62+s26+$0x0], $0xffff;
	v33 =	vtrunc.f32 v33;
	v47 =	vtrunc.f32 v9  }
0x19c: {  	v45 =	vld.idx.msk [tilespmem:v63+s26+$0x0], $0xffff;
	v32 =	vadd.f32 v32, v5;
	v6 =	vtrunc.f32 v6;
	v7 =	vtrunc.f32 v7  }
0x19d: {  	v13 =	vor.u32 v20, v27;
	v21 =	vor.u32 v28, v29;
	v27 =	vld.idx.msk [tilespmem:v15+s26+$0x0], $0xffff;
	v15 =	vadd.f32 v23, v5  }
0x19e: {  	v20 =	vld.idx.msk [tilespmem:v14+s24+$0x0], $0xffff;
	v23 =	vmul.f32 v25, v4;
	v25 =	vmul.f32 v26, v4;
	v22 =	vand.u32 $0xFFFF, v13  }
0x19f: {  	v29 =	vld.idx.msk [tilespmem:v14+s28+$0x0], $0xffff;
	v28 =	vshll.u32 v21, $0x10;
	v13 =	vshrl.u32 v13, $0x10;
	v21 =	vand.u32 $0xFFFF0000, v21  }
0x1a0: {  	v14 =	vor.u32 v22, v28;
	v22 =	vld.idx.msk [tilespmem:v18+s24+$0x0], $0xffff;
	v13 =	vor.u32 v13, v21;
	v15 =	vtrunc.f32 v15  }
0x1a1: {  	v21 =	vld.idx.msk [tilespmem:v19+s26+$0x0], $0xffff;
	v23 =	vadd.f32 v23, v5;
	v26 =	vcvt.f32.s32 v15;
	v15 =	vtrunc.f32 v24  }
0x1a2: {  	v8 =	vor.u32 v35, v36;
	v18 =	vld.idx.msk [tilespmem:v18+s28+$0x0], $0xffff;
	v25 =	vadd.f32 v25, v5;
	v28 =	vcvt.f32.s32 v15  }
0x1a3: {  	v34 =	vor.u32 v34, v37;
	v8 =	vshll.u32 v8, $0x10;
	v19 =	vld.idx.msk [tilespmem:v19+s29+$0x0], $0xffff;
	v23 =	vtrunc.f32 v23  }
0x1a4: {  	v46 =	vld.idx.msk [tilespmem:v16+s26+$0x0], $0xffff;
	v8 =	vor.u32 v8, v34;
	v25 =	vtrunc.f32 v25;
	v23 =	vcvt.f32.s32 v23  }
0x1a5: {  	v36 =	vld.idx.msk [tilespmem:v62+s29+$0x0], $0xffff;
	v34 =	vor.u32 v40, v51;
	v20 =	vor.u32 v20, v27;
	v25 =	vcvt.f32.s32 v25  }
0x1a6: {  	v27 =	vld [tilespmem:s1+$0x0];
	v40 =	vshll.u32 v20, $0x10;
	v42 =	vand.u32 $0xFFFF0000, v20;
	v20 =	vor.u32 v29, v52  }
0x1a7: {  	v47 =	vcvt.f32.s32 v47;
	v21 =	vor.u32 v22, v21;
	v22 =	vshll.u32 v20, $0x10;
	v20 =	vld.idx.msk [tilespmem:v26+s28+$0x0], $0xffff  }
0x1a8: {  	v32 =	vtrunc.f32 v32;
	v50 =	vcvt.f32.s32 v7;
	v18 =	vor.u32 v18, v19;
	v19 =	vld.idx.msk [tilespmem:v28+s28+$0x0], $0xffff  }
0x1a9: {  	v35 =	vmul.f32 v53, v4;
	v29 =	vmul.f32 v30, v4;
	v28 =	vld.idx.msk [tilespmem:v28+s24+$0x0], $0xffff  }
0x1aa: {  	v30 =	vmul.f32 v31, v4;
	v38 =	vshll.u32 v21, $0x10;
	v43 =	vand.u32 $0xFFFF0000, v21;
	v21 =	vld.idx.msk [tilespmem:v23+s29+$0x0], $0xffff  }
0x1ab: {  	v7 =	vcvt.f32.s32 v17;
	v35 =	vadd.f32 v35, v5;
	v24 =	vor.u32 v61, v39;
	v31 =	vld.idx.msk [tilespmem:v25+s29+$0x0], $0xffff  }
0x1ac: {  	v29 =	vadd.f32 v29, v5;
	v30 =	vadd.f32 v30, v5;
	v27 =	vmul.f32 v27, v4;
	v55 =	vld.idx.msk [tilespmem:v25+s26+$0x0], $0xffff  }
0x1ad: {  	v34 =	vshll.u32 v34, $0x10;
	v39 =	vmul.f32 v54, v4;
	v15 =	vshll.u32 v24, $0x10;
	v23 =	vld.idx.msk [tilespmem:v23+s26+$0x0], $0xffff  }
0x1ae: {  	v9 =	vadd.f32 v27, v5;
	v27 =	vtrunc.f32 v29;
	v29 =	vtrunc.f32 v30;
	v30 =	vld.idx.msk [tilespmem:v26+s24+$0x0], $0xffff  }
0x1af: {  	s20 =	simm.s32 $0x0;
	v24 =	vand.u32 $0xFFFF0000, v24;
	v25 =	vadd.f32 v44, v5;
	v57 =	vcvt.f32.s32 v27;
	v27 =	vld.idx.msk [tilespmem:v12+s28+$0x0], $0xffff  }
0x1b0: {  	s12 =	sand.u32 $0x1000, s12;
	s11 =	sand.u32 $0x380, s20;
	v35 =	vtrunc.f32 v35;
	v48 =	vshll.u32 v18, $0x10;
	v19 =	vor.u32 v19, v21;
	v21 =	vld.idx.msk [tilespmem:v12+s24+$0x0], $0xffff  }
0x1b1: {  	s11 =	sor.u32 s12, s11;
	v26 =	vadd.f32 v39, v5;
	v49 =	vtrunc.f32 v25;
	v20 =	vor.u32 v20, v31;
	v31 =	vld.idx.msk [tilespmem:v10+s24+$0x0], $0xffff  }
0x1b2: {  	s9 =	sor.u32 s9, s11;
	v58 =	vld.idx.msk [tilespmem:v10+s28+$0x0], $0xffff;
	v25 =	vcvt.f32.s32 v33;
	v56 =	vtrunc.f32 v9;
	v19 =	vshll.u32 v19, $0x10  }
0x1b3: {  	s7 =	sor.u32 s7, s9;
	v18 =	vtrunc.f32 v26;
	v9 =	vcvt.f32.s32 v6;
	v19 =	vor.u32 v19, v20;
	v20 =	vld.idx.msk [tilespmem:v11+s24+$0x0], $0xffff  }
0x1b4: {  	v37 =	vld.idx.msk [tilespmem:v63+s29+$0x0], $0xffff;
	[tilespmem:s7+$0x14000] =	vst v8;
	v26 =	vcvt.f32.s32 v29;
	v6 =	vcvt.f32.s32 v32;
	v23 =	vor.u32 v28, v23  }
0x1b5: {  	[tilespmem:s7+$0x12000] =	vst v13;
	v62 =	vld.idx.msk [tilespmem:v47+s26+$0x0], $0xffff;
	v8 =	vcvt.f32.s32 v18;
	v51 =	vshll.u32 v23, $0x10;
	v13 =	vor.u32 v27, v36  }
0x1b6: {  	v59 =	vld.idx.msk [tilespmem:v50+s24+$0x0], $0xffff;
	v32 =	vor.u32 v34, v13;
	v41 =	vor.u32 v21, v41;
	v17 =	vor.u32 v31, v45  }
0x1b7: {  	s21 =	simm.s32 $0x10;
	v28 =	vld.idx.msk [tilespmem:v47+s29+$0x0], $0xffff;
	v21 =	vcvt.f32.s32 v35;
	v29 =	vand.u32 $0xFFFF, v41;
	v18 =	vshrl.u32 v41, $0x10  }
0x1b8: {  	s22 =	sand.u32 $0x1000, s15;
	s11 =	sand.u32 $0x380, s21;
	[tilespmem:s7+$0x10000] =	vst v14;
	v31 =	vld.idx.msk [tilespmem:v16+s29+$0x0], $0xffff;
	v14 =	vand.u32 $0xFFFF, v17;
	v17 =	vshrl.u32 v17, $0x10;
	v16 =	vor.u32 v20, v46  }
0x1b9: {  	s11 =	sor.u32 s22, s11;
	v11 =	vld.idx.msk [tilespmem:v11+s28+$0x0], $0xffff;
	v20 =	vor.u32 v30, v55;
	v15 =	vor.u32 v29, v15;
	v63 =	vor.u32 v18, v24  }
0x1ba: {  	s30 =	sor.u32 s17, s11;
	v13 =	vld.idx.msk [tilespmem:v7+s26+$0x0], $0xffff;
	v18 =	vor.u32 v58, v37;
	v30 =	vor.u32 v17, v42;
	v39 =	vand.u32 $0xFFFF, v20  }
0x1bb: {  	s14 =	sor.u32 s14, s30;
	v12 =	vld.idx.msk [tilespmem:v9+s26+$0x0], $0xffff;
	v60 =	vand.u32 $0xFFFF, v16;
	v61 =	vshrl.u32 v16, $0x10;
	v52 =	vshrl.u32 v20, $0x10  }
0x1bc: {  	s31 =	sshll.u32 s3, $0x1;
	[tilespmem:s14+$0x14000] =	vst v19;
	v20 =	vld.idx.msk [tilespmem:v50+s28+$0x0], $0xffff;
	v16 =	vor.u32 v14, v40;
	v29 =	vor.u32 v22, v18;
	v14 =	vand.u32 $0xFFFF0000, v23  }
0x1bd: {  	s7 =	sor.u32 s16, s9;
	v17 =	vld.idx.msk [tilespmem:v57+s24+$0x0], $0xffff;
	[dreg:$0x1a] =	wrdreg s31;
	v18 =	vor.u32 v60, v38;
	v27 =	vor.u32 v61, v43;
	v23 =	vor.u32 v39, v51  }
0x1be: {  	s12 =	sor.u32 s25, s9;
	s11 =	sor.u32 s8, s30;
	s13 =	sor.u32 s13, s30;
	v10 =	vcvt.f32.s32 v56;
	[tilespmem:s7+$0x10000] =	vst v15;
	v22 =	vor.u32 v52, v14;
	v24 =	vld.idx.msk [tilespmem:v57+s28+$0x0], $0xffff;
	v11 =	vor.u32 v11, v31  }
0x1bf: {  	s8 =	sor.u32 s18, s30;
	s9 =	sor.u32 s4, s9;
	s4 =	simm.s32 $0x4;
	v15 =	vor.u32 v59, v62;
	[tilespmem:s7+$0x12000] =	vst v63;
	v31 =	vld.idx.msk [tilespmem:v26+s26+$0x0], $0xffff;
	v19 =	vor.u32 v48, v11;
	v11 =	vcvt.f32.s32 v49  }
.LBB2_9:
0x1c0: {  	s4 =	sadd.s32 $0x4, s4;
	v14 =	vshll.u32 v15, $0x10;
	v15 =	vand.u32 $0xFFFF0000, v15;
	v26 =	vld.idx.msk [tilespmem:v26+s29+$0x0], $0xffff;
	[tilespmem:s7+$0x14000] =	vst v32;
	s7 =	smov.u32 s11  }
0x1c1: {  	v28 =	vor.u32 v20, v28;
	s23 =	sadd.s32 $0x200, s23;
	s18 =	sshll.u32 s4, $0x4;
	s11 =	sshll.u32 s4, $0x6;
	v20 =	vld.idx.msk [tilespmem:v6+s26+$0x0], $0xffff;
	[tilespmem:s12+$0x10000] =	vst v16  }
0x1c2: {  	s10 =	sadd.s32 $0x40, s10;
	v16 =	vshll.u32 v28, $0x10;
	s17 =	sand.u32 $0x7000, s11;
	s19 =	sand.u32 $0x200, s18;
	v28 =	vld.idx.msk [tilespmem:v25+s24+$0x0], $0xffff;
	[tilespmem:s12+$0x12000] =	vst v30  }
0x1c3: {  	s15 =	sand.u32 $0x40, s10;
	s11 =	sand.u32 $0xC00, s23;
	s17 =	sor.u32 s19, s17;
	v30 =	vld.idx.msk [tilespmem:v21+s26+$0x0], $0xffff;
	[tilespmem:s12+$0x14000] =	vst v29  }
0x1c4: {  	s25 =	sor.u32 $0x10, s15;
	v17 =	vor.u32 v17, v31;
	s12 =	sor.u32 s11, s17;
	s17 =	sor.u32 $0x30, s15;
	v25 =	vld.idx.msk [tilespmem:v25+s28+$0x0], $0xffff;
	[tilespmem:s9+$0x10000] =	vst v18  }
0x1c5: {  	s19 =	sor.u32 $0x20, s15;
	v18 =	vshll.u32 v17, $0x10;
	v17 =	vand.u32 $0xFFFF0000, v17;
	s20 =	sor.u32 $0x100, s12;
	s21 =	sor.u32 s17, s12;
	v21 =	vld.idx.msk [tilespmem:v21+s29+$0x0], $0xffff;
	[tilespmem:s9+$0x12000] =	vst v27  }
0x1c6: {  	s1 =	sor.u32 $0x180, s12;
	v24 =	vor.u32 v24, v26;
	s31 =	sor.u32 s15, s20;
	v27 =	vld [tilespmem:s21+$0x0];
	s21 =	sor.u32 s17, s20;
	[tilespmem:s9+$0x14000] =	vst v19  }
0x1c7: {  	s9 =	sor.u32 $0x80, s12;
	s30 =	sor.u32 s15, s1;
	v19 =	vshll.u32 v24, $0x10;
	v26 =	vld [tilespmem:s21+$0x0];
	s21 =	sor.u32 s17, s1;
	[tilespmem:s14+$0x10000] =	vst v23  }
0x1c8: {  	s0 =	sor.u32 s15, s9;
	s5 =	sor.u32 s25, s9;
	s22 =	sor.u32 s17, s9;
	v29 =	vld [tilespmem:s21+$0x0];
	[tilespmem:s14+$0x12000] =	vst v22  }
0x1c9: {  	s16 =	sor.u32 s19, s9;
	s14 =	sor.u32 s25, s20;
	s21 =	sor.u32 s25, s1;
	v23 =	vor.u32 v28, v30;
	v31 =	vld [tilespmem:s22+$0x0]  }
0x1ca: {  	s1 =	sor.u32 s19, s1;
	s22 =	sor.u32 s15, s12;
	v22 =	vshll.u32 v23, $0x10;
	v23 =	vand.u32 $0xFFFF0000, v23;
	v28 =	vld [tilespmem:s0+$0x0];
	s0 =	sor.u32 s19, s20  }
0x1cb: {  	p1 =	slt.u32 s4, $0x1FC;
	s20 =	sor.u32 s25, s12;
	v21 =	vor.u32 v25, v21;
	v30 =	vld [tilespmem:s31+$0x0];
	s31 =	sor.u32 s19, s12;
	v27 =	vmul.f32 v27, v4  }
0x1cc: {  	s9 =	smov.u32 s8;
	v24 =	vshll.u32 v21, $0x10;
	s12 =	smov.u32 s13;
	v25 =	vld [tilespmem:s30+$0x0];
	v26 =	vmul.f32 v26, v4  }
0x1cd: {  	v21 =	vld [tilespmem:s5+$0x0];
	v27 =	vadd.f32 v27, v5;
	v29 =	vmul.f32 v29, v4  }
0x1ce: {  	v32 =	vld [tilespmem:s14+$0x0];
	v31 =	vmul.f32 v31, v4;
	v26 =	vadd.f32 v26, v5  }
0x1cf: {  	v28 =	vmul.f32 v28, v4;
	v33 =	vld [tilespmem:s21+$0x0];
	v27 =	vtrunc.f32 v27;
	v29 =	vadd.f32 v29, v5  }
0x1d0: {  	v34 =	vld [tilespmem:s16+$0x0];
	v27 =	vcvt.f32.s32 v27;
	v31 =	vadd.f32 v31, v5;
	v26 =	vtrunc.f32 v26  }
0x1d1: {  	v28 =	vadd.f32 v28, v5;
	v35 =	vld [tilespmem:s0+$0x0];
	v26 =	vcvt.f32.s32 v26;
	v29 =	vtrunc.f32 v29  }
0x1d2: {  	v36 =	vld [tilespmem:s1+$0x0];
	v31 =	vtrunc.f32 v31;
	v29 =	vcvt.f32.s32 v29  }
0x1d3: {  	v30 =	vmul.f32 v30, v4;
	v37 =	vld [tilespmem:s22+$0x0];
	v31 =	vcvt.f32.s32 v31  }
0x1d4: {  	v25 =	vmul.f32 v25, v4;
	v21 =	vmul.f32 v21, v4;
	v38 =	vld [tilespmem:s20+$0x0]  }
0x1d5: {  	v30 =	vadd.f32 v30, v5;
	v32 =	vmul.f32 v32, v4;
	v33 =	vmul.f32 v33, v4;
	v39 =	vld [tilespmem:s31+$0x0]  }
0x1d6: {  	v25 =	vadd.f32 v25, v5;
	v34 =	vmul.f32 v34, v4;
	v35 =	vmul.f32 v35, v4;
	v40 =	vld.idx.msk [tilespmem:v27+s28+$0x0], $0xffff  }
0x1d7: {  	v21 =	vadd.f32 v21, v5;
	v32 =	vadd.f32 v32, v5;
	v36 =	vmul.f32 v36, v4;
	v41 =	vld.idx.msk [tilespmem:v26+s28+$0x0], $0xffff  }
0x1d8: {  	v33 =	vadd.f32 v33, v5;
	v34 =	vadd.f32 v34, v5;
	v37 =	vmul.f32 v37, v4;
	v42 =	vld.idx.msk [tilespmem:v29+s29+$0x0], $0xffff  }
0x1d9: {  	v35 =	vadd.f32 v35, v5;
	v38 =	vmul.f32 v38, v4;
	v36 =	vadd.f32 v36, v5;
	v43 =	vld.idx.msk [tilespmem:v31+s29+$0x0], $0xffff  }
0x1da: {  	v28 =	vtrunc.f32 v28;
	v37 =	vadd.f32 v37, v5;
	v39 =	vmul.f32 v39, v4;
	v44 =	vld.idx.msk [tilespmem:v10+s24+$0x0], $0xffff  }
0x1db: {  	v30 =	vtrunc.f32 v30;
	v25 =	vtrunc.f32 v25;
	v38 =	vadd.f32 v38, v5;
	v45 =	vld.idx.msk [tilespmem:v8+s24+$0x0], $0xffff  }
0x1dc: {  	s0 =	sshll.u32 s4, $0x2;
	v21 =	vtrunc.f32 v21;
	v32 =	vtrunc.f32 v32;
	v39 =	vadd.f32 v39, v5;
	v46 =	vld.idx.msk [tilespmem:v11+s24+$0x0], $0xffff  }
0x1dd: {  	s1 =	sand.u32 $0x1000, s18;
	s0 =	sand.u32 $0x380, s0;
	v33 =	vtrunc.f32 v33;
	v34 =	vtrunc.f32 v34;
	v47 =	vld.idx.msk [tilespmem:v9+s29+$0x0], $0xffff  }
0x1de: {  	s0 =	sor.u32 s1, s0;
	v35 =	vtrunc.f32 v35;
	v36 =	vtrunc.f32 v36;
	v9 =	vor.u32 v41, v42;
	v27 =	vld.idx.msk [tilespmem:v27+s24+$0x0], $0xffff  }
0x1df: {  	s0 =	sor.u32 s11, s0;
	v37 =	vtrunc.f32 v37;
	v40 =	vor.u32 v40, v43;
	v9 =	vshll.u32 v9, $0x10;
	v31 =	vld.idx.msk [tilespmem:v31+s26+$0x0], $0xffff  }
0x1e0: {  	s11 =	sor.u32 s15, s0;
	s13 =	sor.u32 s25, s0;
	s14 =	sor.u32 s17, s0;
	v38 =	vtrunc.f32 v38;
	v39 =	vtrunc.f32 v39;
	v41 =	vld.idx.msk [tilespmem:v26+s24+$0x0], $0xffff;
	v26 =	vor.u32 v9, v40  }
0x1e1: {  	s8 =	sor.u32 s19, s0;
	v12 =	vor.u32 v44, v12;
	v9 =	vcvt.f32.s32 v28;
	v28 =	vcvt.f32.s32 v30;
	v29 =	vld.idx.msk [tilespmem:v29+s26+$0x0], $0xffff;
	[tilespmem:s14+$0x14000] =	vst v26  }
0x1e2: {  	v30 =	vcvt.f32.s32 v25;
	v13 =	vor.u32 v45, v13;
	v40 =	vld.idx.msk [tilespmem:v7+s29+$0x0], $0xffff;
	v7 =	vcvt.f32.s32 v21  }
0x1e3: {  	v42 =	vcvt.f32.s32 v32;
	v26 =	vcvt.f32.s32 v33;
	v20 =	vor.u32 v46, v20;
	v33 =	vld.idx.msk [tilespmem:v6+s29+$0x0], $0xffff  }
0x1e4: {  	v25 =	vcvt.f32.s32 v35;
	v6 =	vcvt.f32.s32 v34;
	v34 =	vand.u32 $0xFFFF, v12;
	v32 =	vld.idx.msk [tilespmem:v10+s28+$0x0], $0xffff  }
0x1e5: {  	v21 =	vcvt.f32.s32 v36;
	v10 =	vcvt.f32.s32 v37;
	v27 =	vor.u32 v27, v31;
	v31 =	vld.idx.msk [tilespmem:v8+s28+$0x0], $0xffff  }
0x1e6: {  	v35 =	vshrl.u32 v12, $0x10;
	v8 =	vcvt.f32.s32 v38;
	v36 =	vld.idx.msk [tilespmem:v11+s28+$0x0], $0xffff;
	v11 =	vcvt.f32.s32 v39  }
0x1e7: {  	v37 =	vand.u32 $0xFFFF, v13;
	v38 =	vshrl.u32 v13, $0x10;
	v29 =	vor.u32 v41, v29;
	v12 =	vld.idx.msk [tilespmem:v9+s26+$0x0], $0xffff  }
0x1e8: {  	v43 =	vand.u32 $0xFFFF, v20;
	v44 =	vshrl.u32 v20, $0x10;
	v41 =	vand.u32 $0xFFFF, v27;
	v39 =	vld.idx.msk [tilespmem:v28+s24+$0x0], $0xffff  }
0x1e9: {  	v48 =	vshrl.u32 v27, $0x10;
	v46 =	vshll.u32 v29, $0x10;
	v49 =	vand.u32 $0xFFFF0000, v29;
	v45 =	vld.idx.msk [tilespmem:v30+s26+$0x0], $0xffff  }
0x1ea: {  	v14 =	vor.u32 v34, v14;
	v34 =	vor.u32 v35, v15;
	v13 =	vor.u32 v32, v47;
	v20 =	vld.idx.msk [tilespmem:v28+s28+$0x0], $0xffff  }
.Ltmp3:
0x1eb: {  	v32 =	vor.u32 v16, v13;
	v15 =	vor.u32 v31, v40;
	v16 =	vor.u32 v37, v18;
	v28 =	vld.idx.msk [tilespmem:v30+s29+$0x0], $0xffff;
	(pc) =	sbr.rel @p1 .LBB2_9-.Ltmp3, $4  }
0x1ec: {  	v30 =	vor.u32 v38, v17;
	v29 =	vor.u32 v19, v15;
	v15 =	vor.u32 v36, v33;
	v13 =	vld.idx.msk [tilespmem:v7+s26+$0x0], $0xffff  }
0x1ed: {  	v27 =	vor.u32 v44, v23;
	v18 =	vor.u32 v43, v22;
	v19 =	vor.u32 v24, v15;
	v17 =	vld.idx.msk [tilespmem:v42+s24+$0x0], $0xffff  }
0x1ee: {  	v23 =	vor.u32 v41, v46;
	v22 =	vor.u32 v48, v49;
	v31 =	vld.idx.msk [tilespmem:v26+s26+$0x0], $0xffff;
	[tilespmem:s7+$0x10000] =	vst v14  }
0x1ef: {  	v15 =	vor.u32 v39, v45;
	v24 =	vld.idx.msk [tilespmem:v42+s28+$0x0], $0xffff;
	[tilespmem:s7+$0x12000] =	vst v34  }
0x1f0: {  	_ =	sdelay $0x3  }
0x1f1: {  	v14 =	vld.idx.msk [tilespmem:v26+s29+$0x0], $0xffff  }
0x1f2: {  	v26 =	vld.idx.msk [tilespmem:v6+s26+$0x0], $0xffff  }
0x1f3: {  	v33 =	vld.idx.msk [tilespmem:v25+s24+$0x0], $0xffff  }
0x1f4: {  	[tilespmem:s12+$0x10000] =	vst v16;
	v16 =	vld.idx.msk [tilespmem:v10+s24+$0x0], $0xffff  }
0x1f5: {  	v42 =	vld.idx.msk [tilespmem:v8+s24+$0x0], $0xffff  }
0x1f6: {  	[tilespmem:s7+$0x14000] =	vst v32;
	v9 =	vld.idx.msk [tilespmem:v9+s29+$0x0], $0xffff  }
0x1f7: {  	[tilespmem:s12+$0x12000] =	vst v30;
	v10 =	vld.idx.msk [tilespmem:v10+s28+$0x0], $0xffff  }
0x1f8: {  	[tilespmem:s12+$0x14000] =	vst v29;
	v7 =	vld.idx.msk [tilespmem:v7+s29+$0x0], $0xffff  }
0x1f9: {  	v43 =	vshll.u32 v15, $0x10;
	[tilespmem:s9+$0x10000] =	vst v18;
	v8 =	vld.idx.msk [tilespmem:v8+s28+$0x0], $0xffff  }
0x1fa: {  	v34 =	vld.idx.msk [tilespmem:v21+s26+$0x0], $0xffff;
	v15 =	vand.u32 $0xFFFF0000, v15;
	v18 =	vor.u32 v20, v28;
	[tilespmem:s9+$0x12000] =	vst v27;
	v17 =	vor.u32 v17, v31  }
0x1fb: {  	v25 =	vld.idx.msk [tilespmem:v25+s28+$0x0], $0xffff;
	[tilespmem:s9+$0x14000] =	vst v19;
	v18 =	vshll.u32 v18, $0x10;
	v27 =	vshll.u32 v17, $0x10;
	v12 =	vor.u32 v16, v12  }
0x1fc: {  	v20 =	vld.idx.msk [tilespmem:v11+s24+$0x0], $0xffff;
	[tilespmem:s14+$0x10000] =	vst v23;
	v16 =	vand.u32 $0xFFFF0000, v17;
	v14 =	vor.u32 v24, v14;
	v9 =	vor.u32 v10, v9  }
0x1fd: {  	v19 =	vld.idx.msk [tilespmem:v21+s29+$0x0], $0xffff;
	[tilespmem:s14+$0x12000] =	vst v22;
	v13 =	vor.u32 v42, v13;
	v17 =	vand.u32 $0xFFFF, v12;
	v9 =	vor.u32 v18, v9  }
0x1fe: {  	v6 =	vld.idx.msk [tilespmem:v6+s29+$0x0], $0xffff;
	v7 =	vor.u32 v8, v7;
	v12 =	vshrl.u32 v12, $0x10;
	v17 =	vor.u32 v17, v43;
	[tilespmem:s11+$0x14000] =	vst v9  }
0x1ff: {  	v11 =	vld.idx.msk [tilespmem:v11+s28+$0x0], $0xffff;
	v14 =	vshll.u32 v14, $0x10;
	v10 =	vor.u32 v12, v15;
	v12 =	vor.u32 v33, v34;
	[tilespmem:s11+$0x10000] =	vst v17  }
0x200: {  	v15 =	vand.u32 $0xFFFF, v13;
	v13 =	vshrl.u32 v13, $0x10;
	v7 =	vor.u32 v14, v7;
	[tilespmem:s11+$0x12000] =	vst v10  }
0x201: {  	v9 =	vor.u32 v20, v26;
	v10 =	vshll.u32 v12, $0x10;
	v15 =	vor.u32 v15, v27;
	[tilespmem:s13+$0x14000] =	vst v7  }
0x202: {  	v8 =	vor.u32 v13, v16;
	v12 =	vand.u32 $0xFFFF0000, v12;
	v13 =	vand.u32 $0xFFFF, v9;
	[tilespmem:s13+$0x10000] =	vst v15  }
0x203: {  	v9 =	vshrl.u32 v9, $0x10;
	[tilespmem:s13+$0x12000] =	vst v8;
	v8 =	vor.u32 v25, v19;
	v10 =	vor.u32 v13, v10  }
0x204: {  	v6 =	vor.u32 v11, v6;
	v7 =	vshll.u32 v8, $0x10;
	v8 =	vor.u32 v9, v12;
	[tilespmem:s8+$0x10000] =	vst v10  }
0x205: {  	s0 =	sshll.u32 s3, $0xE;
	s1 =	rddreg [dreg:$0xa];
	v6 =	vor.u32 v7, v6;
	[tilespmem:s8+$0x12000] =	vst v8  }
0x206: {  	s1 =	sor.u32 s1, s0;
	[tilespmem:s8+$0x14000] =	vst v6  }
0x207: {  	s1 =	sshrl.u32 s1, $0x3;
	s5 =	rddreg [dreg:$0x4]  }
0x208: {  	s4 =	simm.s32 $0x10000;
	s1 =	sadd.s32 s5, s1  }
0x209: {  	[hbm4b:s1+s2] =	stream.strided.scatter [tilespmem:s4], [sflag:$0x3], $0x400, s6, s2, $0x38;
	[tilespmem:$0x1C480] =	vst v63  }
0x20a: {  	s20 =	simm.s32 $0x10400;
	s19 =	sadd.s32 $0x20, s1  }
0x20b: {  	[hbm4b:s19+s2] =	stream.strided.scatter [tilespmem:s20], [sflag:$0x3], $0x400, s6, s2, $0x38;
	[tilespmem:$0x1C480] =	vst v63  }
0x20c: {  	s22 =	simm.s32 $0x10800;
	s21 =	sadd.s32 $0x40, s1  }
0x20d: {  	[hbm4b:s21+s2] =	stream.strided.scatter [tilespmem:s22], [sflag:$0x3], $0x400, s6, s2, $0x38;
	[tilespmem:$0x1C480] =	vst v63  }
0x20e: {  	s25 =	simm.s32 $0x10C00;
	s23 =	sadd.s32 $0x60, s1  }
0x20f: {  	[hbm4b:s23+s2] =	stream.strided.scatter [tilespmem:s25], [sflag:$0x3], $0x400, s6, s2, $0x38;
	[tilespmem:$0x1C480] =	vst v63  }
0x210: {  	s31 =	simm.s32 $0x11000;
	s30 =	sadd.s32 $0x200, s1  }
0x211: {  	[hbm4b:s30+s2] =	stream.strided.scatter [tilespmem:s31], [sflag:$0x3], $0x400, s6, s2, $0x38;
	[tilespmem:$0x1C480] =	vst v63  }
0x212: {  	s8 =	simm.s32 $0x11400;
	s7 =	sadd.s32 $0x220, s1  }
0x213: {  	[hbm4b:s7+s2] =	stream.strided.scatter [tilespmem:s8], [sflag:$0x3], $0x400, s6, s2, $0x38;
	[tilespmem:$0x1C480] =	vst v63  }
0x214: {  	s10 =	simm.s32 $0x11800;
	s9 =	sadd.s32 $0x240, s1  }
0x215: {  	[hbm4b:s9+s2] =	stream.strided.scatter [tilespmem:s10], [sflag:$0x3], $0x400, s6, s2, $0x38;
	[tilespmem:$0x1C480] =	vst v63  }
0x216: {  	s11 =	simm.s32 $0x11C00;
	s12 =	rddreg [dreg:$0xc];
	s1 =	sadd.s32 $0x260, s1  }
0x217: {  	[hbm4b:s1+s2] =	stream.strided.scatter [tilespmem:s11], [sflag:$0x3], $0x400, s6, s2, $0x38;
	[tilespmem:$0x1C480] =	vst v63  }
0x218: {  	s1 =	sor.u32 s12, s0  }
0x219: {  	s1 =	sshrl.u32 s1, $0x3  }
0x21a: {  	s13 =	simm.s32 $0x12000;
	s1 =	sadd.s32 s5, s1  }
0x21b: {  	[hbm4b:s1+s2] =	stream.strided.scatter [tilespmem:s13], [sflag:$0x3], $0x400, s6, s2, $0x38;
	[tilespmem:$0x1C480] =	vst v63  }
0x21c: {  	s15 =	simm.s32 $0x12400;
	s14 =	sadd.s32 $0x20, s1  }
0x21d: {  	[hbm4b:s14+s2] =	stream.strided.scatter [tilespmem:s15], [sflag:$0x3], $0x400, s6, s2, $0x38;
	[tilespmem:$0x1C480] =	vst v63  }
0x21e: {  	s17 =	simm.s32 $0x12800;
	s16 =	sadd.s32 $0x40, s1  }
0x21f: {  	[hbm4b:s16+s2] =	stream.strided.scatter [tilespmem:s17], [sflag:$0x3], $0x400, s6, s2, $0x38;
	[tilespmem:$0x1C480] =	vst v63  }
0x220: {  	s19 =	simm.s32 $0x12C00;
	s18 =	sadd.s32 $0x60, s1  }
0x221: {  	[hbm4b:s18+s2] =	stream.strided.scatter [tilespmem:s19], [sflag:$0x3], $0x400, s6, s2, $0x38;
	[tilespmem:$0x1C480] =	vst v63  }
0x222: {  	s21 =	simm.s32 $0x13000;
	s20 =	sadd.s32 $0x200, s1  }
0x223: {  	[hbm4b:s20+s2] =	stream.strided.scatter [tilespmem:s21], [sflag:$0x3], $0x400, s6, s2, $0x38;
	[tilespmem:$0x1C480] =	vst v63  }
0x224: {  	s4 =	rddreg [dreg:$0xd];
	s23 =	simm.s32 $0x13400;
	s22 =	sadd.s32 $0x220, s1  }
0x225: {  	[hbm4b:s22+s2] =	stream.strided.scatter [tilespmem:s23], [sflag:$0x3], $0x400, s6, s2, $0x38;
	[tilespmem:$0x1C480] =	vst v63  }
0x226: {  	s30 =	simm.s32 $0x13800;
	s0 =	sor.u32 s4, s0;
	s25 =	sadd.s32 $0x240, s1  }
0x227: {  	[hbm4b:s25+s2] =	stream.strided.scatter [tilespmem:s30], [sflag:$0x3], $0x400, s6, s2, $0x38;
	[tilespmem:$0x1C480] =	vst v63  }
0x228: {  	s31 =	simm.s32 $0x13C00;
	s0 =	sshrl.u32 s0, $0x3;
	s1 =	sadd.s32 $0x260, s1  }
0x229: {  	[hbm4b:s1+s2] =	stream.strided.scatter [tilespmem:s31], [sflag:$0x3], $0x400, s6, s2, $0x38;
	[tilespmem:$0x1C480] =	vst v63  }
0x22a: {  	s0 =	sadd.s32 s5, s0;
	s5 =	simm.s32 $0x14000  }
0x22b: {  	[hbm4b:s0+s2] =	stream.strided.scatter [tilespmem:s5], [sflag:$0x3], $0x400, s6, s2, $0x38;
	[tilespmem:$0x1C480] =	vst v63  }
0x22c: {  	s8 =	simm.s32 $0x14400;
	s7 =	sadd.s32 $0x20, s0  }
0x22d: {  	[hbm4b:s7+s2] =	stream.strided.scatter [tilespmem:s8], [sflag:$0x3], $0x400, s6, s2, $0x38;
	[tilespmem:$0x1C480] =	vst v63  }
0x22e: {  	s10 =	simm.s32 $0x14800;
	s9 =	sadd.s32 $0x40, s0  }
0x22f: {  	[hbm4b:s9+s2] =	stream.strided.scatter [tilespmem:s10], [sflag:$0x3], $0x400, s6, s2, $0x38;
	[tilespmem:$0x1C480] =	vst v63  }
0x230: {  	s12 =	simm.s32 $0x14C00;
	s11 =	sadd.s32 $0x60, s0  }
0x231: {  	[hbm4b:s11+s2] =	stream.strided.scatter [tilespmem:s12], [sflag:$0x3], $0x400, s6, s2, $0x38;
	[tilespmem:$0x1C480] =	vst v63  }
0x232: {  	s13 =	sadd.s32 $0x200, s0;
	s14 =	simm.s32 $0x15000  }
0x233: {  	[hbm4b:s13+s2] =	stream.strided.scatter [tilespmem:s14], [sflag:$0x3], $0x400, s6, s2, $0x38;
	[tilespmem:$0x1C480] =	vst v63  }
0x234: {  	s15 =	sadd.s32 $0x220, s0;
	s16 =	simm.s32 $0x15400  }
0x235: {  	[hbm4b:s15+s2] =	stream.strided.scatter [tilespmem:s16], [sflag:$0x3], $0x400, s6, s2, $0x38;
	[tilespmem:$0x1C480] =	vst v63  }
0x236: {  	s17 =	sadd.s32 $0x240, s0;
	s18 =	simm.s32 $0x15800  }
0x237: {  	[hbm4b:s17+s2] =	stream.strided.scatter [tilespmem:s18], [sflag:$0x3], $0x400, s6, s2, $0x38;
	[tilespmem:$0x1C480] =	vst v63  }
0x238: {  	s19 =	simm.s32 $0x15C00;
	s20 =	rddreg [dreg:$0x1a];
	s0 =	sadd.s32 $0x260, s0  }
0x239: {  	[hbm4b:s0+s2] =	stream.strided.scatter [tilespmem:s19], [sflag:$0x3], $0x400, s6, s2, $0x38;
	[tilespmem:$0x1C480] =	vst v63  }
0x23a: {  	s0 =	sor.u32 $0x1, s20  }
0x23b: {  	s21 =	simm.s32 $0x2;
	[dreg:$0x18] =	wrdreg s0  }
0x23c: {  	_ =	swait.ge [sflag:s21], $0x8000  }
0x23d: {  	p1 =	sgt.u32 s0, $0x6;
	s0 =	rddreg [dreg:$0xb]  }
0x23e: {  	s4 =	rddreg [dreg:$0x16];
	[sflag:s21] =	ssyncset.done $0x0  }
0x23f: {  	s0 =	sadd.s32 @!p1 s0, s4;
	[sflag:s21] =	ssyncadd.s32 $0xFFFF8000  }
0x240: {  	s0 =	sshrl.u32 @!p1 s0, $0x3;
	s1 =	rddreg [dreg:$0x0]  }
0x241: {  	s0 =	sadd.s32 @!p1 s1, s0;
	s1 =	simm.s32 @!p1 $0x0  }
0x242: {  	[tilespmem:s1], [sflag:$0x1] =	stream.linear.gather @!p1 [hbm4b:s0+s1], $0x8000, $0x38;
	[tilespmem:$0x1C480] =	vst v63  }
0x243: {  	s0 =	simm.s32 @!p0 $0x4  }
0x244: {  	_ =	swait.ge @!p0 [sflag:s0], $0x2000  }
0x245: {  	[sflag:s0] =	ssyncset.done @!p0 $0x0  }
0x246: {  	s22 =	simm.s32 $0x0;
	[sflag:s0] =	ssyncadd.s32 @!p0 $0xFFFFE000  }
0x247: {  	s23 =	simm.s32 $0x0;
	s16 =	simm.s32 $0x0;
	_ =	swait.ge @!p0 [sflag:s0], $0x2000  }
0x248: {  	s25 =	sand.u32 $0x200, s16;
	s1 =	sand.u32 $0x7000, s22;
	[sflag:s0] =	ssyncset.done @!p0 $0x0  }
0x249: {  	s9 =	sand.u32 $0xC00, s23;
	s1 =	sor.u32 s25, s1;
	[sflag:s0] =	ssyncadd.s32 @!p0 $0xFFFFE000  }
0x24a: {  	s7 =	sand.u32 $0x40, s23;
	s1 =	sor.u32 s9, s1;
	_ =	swait.ge @!p0 [sflag:s0], $0x2000  }
0x24b: {  	s12 =	sor.u32 $0x30, s7;
	s30 =	sor.u32 $0x8000, s1;
	[sflag:s0] =	ssyncset.done @!p0 $0x0  }
0x24c: {  	s31 =	sor.u32 $0x8100, s1;
	s8 =	sor.u32 s12, s30;
	[sflag:s0] =	ssyncadd.s32 @!p0 $0xFFFFE000  }
0x24d: {  	s10 =	sor.u32 $0x8180, s1;
	s11 =	sor.u32 s12, s31;
	v6 =	vld [tilespmem:s8+$0x0]  }
0x24e: {  	s1 =	sor.u32 $0x8080, s1;
	s13 =	sor.u32 s12, s10;
	v7 =	vld [tilespmem:s11+$0x0]  }
0x24f: {  	s14 =	sor.u32 s12, s1;
	v8 =	vld [tilespmem:s13+$0x0]  }
0x250: {  	s18 =	sor.u32 s7, s31;
	v9 =	vld [tilespmem:s14+$0x0]  }
0x251: {  	s15 =	sor.u32 s7, s30;
	v12 =	vld [tilespmem:s18+$0x0]  }
0x252: {  	s17 =	sor.u32 s7, s1;
	v10 =	vld [tilespmem:s15+$0x0];
	v6 =	vmul.f32 v6, v4  }
0x253: {  	s19 =	sor.u32 s7, s10;
	v11 =	vld [tilespmem:s17+$0x0];
	s8 =	sor.u32 $0x10, s7;
	v7 =	vmul.f32 v7, v4  }
0x254: {  	s4 =	sor.u32 $0x20, s7;
	v13 =	vld [tilespmem:s19+$0x0];
	s23 =	sor.u32 s8, s10;
	v8 =	vmul.f32 v8, v4;
	v6 =	vadd.f32 v6, v5  }
0x255: {  	s5 =	sor.u32 s4, s30;
	v18 =	vld [tilespmem:s23+$0x0];
	v9 =	vmul.f32 v9, v4;
	v7 =	vadd.f32 v7, v5  }
0x256: {  	s25 =	sor.u32 s4, s10;
	v19 =	vld [tilespmem:s5+$0x0];
	v12 =	vmul.f32 v12, v4;
	v8 =	vadd.f32 v8, v5;
	v6 =	vtrunc.f32 v6  }
0x257: {  	v21 =	vld [tilespmem:s25+$0x0];
	s20 =	sor.u32 s8, s30;
	v7 =	vtrunc.f32 v7;
	v17 =	vcvt.f32.s32 v6  }
0x258: {  	s21 =	sor.u32 s8, s1;
	v14 =	vld [tilespmem:s20+$0x0];
	v12 =	vadd.f32 v12, v5;
	v8 =	vtrunc.f32 v8;
	v7 =	vcvt.f32.s32 v7  }
0x259: {  	s22 =	sor.u32 s8, s31;
	v15 =	vld [tilespmem:s21+$0x0];
	v13 =	vmul.f32 v13, v4;
	v6 =	vadd.f32 v9, v5;
	v8 =	vcvt.f32.s32 v8  }
0x25a: {  	s1 =	sor.u32 s4, s1;
	v16 =	vld [tilespmem:s22+$0x0];
	v18 =	vmul.f32 v18, v4;
	v12 =	vtrunc.f32 v12  }
0x25b: {  	s0 =	sor.u32 s4, s31;
	v13 =	vadd.f32 v13, v5;
	v9 =	vmul.f32 v10, v4;
	v10 =	vld [tilespmem:s1+$0x0];
	v6 =	vtrunc.f32 v6  }
0x25c: {  	v20 =	vcvt.f32.s32 v6;
	v6 =	vmul.f32 v11, v4;
	v11 =	vld [tilespmem:s0+$0x0]  }
0x25d: {  	v13 =	vtrunc.f32 v13;
	v12 =	vcvt.f32.s32 v12;
	v22 =	vld.idx.msk [tilespmem:v17+s28+$0x0], $0xffff  }
0x25e: {  	v18 =	vadd.f32 v18, v5;
	v13 =	vcvt.f32.s32 v13;
	v23 =	vld.idx.msk [tilespmem:v7+s28+$0x0], $0xffff  }
0x25f: {  	v24 =	vld.idx.msk [tilespmem:v8+s29+$0x0], $0xffff  }
0x260: {  	v16 =	vmul.f32 v16, v4;
	v18 =	vtrunc.f32 v18;
	v17 =	vld.idx.msk [tilespmem:v17+s24+$0x0], $0xffff  }
0x261: {  	v18 =	vcvt.f32.s32 v18;
	v26 =	vld.idx.msk [tilespmem:v7+s24+$0x0], $0xffff  }
0x262: {  	s17 =	simm.s32 $0x40;
	s30 =	simm.s32 $0x100;
	v7 =	vadd.f32 v16, v5;
	v16 =	vld.idx.msk [tilespmem:v8+s26+$0x0], $0xffff  }
0x263: {  	s31 =	sand.u32 $0x200, s17;
	s10 =	simm.s32 $0x200;
	s0 =	sand.u32 $0x7000, s30;
	v44 =	vld.idx.msk [tilespmem:v12+s24+$0x0], $0xffff  }
0x264: {  	s14 =	sand.u32 $0xC00, s10;
	s22 =	simm.s32 $0x40;
	s0 =	sor.u32 s31, s0;
	v45 =	vld.idx.msk [tilespmem:v13+s26+$0x0], $0xffff  }
0x265: {  	s13 =	sand.u32 $0x40, s22;
	s0 =	sor.u32 s14, s0;
	v46 =	vld.idx.msk [tilespmem:v12+s28+$0x0], $0xffff  }
0x266: {  	s15 =	sor.u32 $0x30, s13;
	v14 =	vmul.f32 v14, v4;
	v9 =	vadd.f32 v9, v5;
	v12 =	vmul.f32 v19, v4;
	v19 =	vld.idx.msk [tilespmem:v13+s29+$0x0], $0xffff;
	s19 =	sor.u32 $0x8100, s0  }
0x267: {  	v15 =	vmul.f32 v15, v4;
	s5 =	sor.u32 s15, s19;
	v50 =	vld.idx.msk [tilespmem:v18+s26+$0x0], $0xffff  }
0x268: {  	v14 =	vadd.f32 v14, v5;
	v9 =	vtrunc.f32 v9;
	s31 =	sor.u32 $0x8000, s0;
	v35 =	vld [tilespmem:s5+$0x0]  }
0x269: {  	v15 =	vadd.f32 v15, v5;
	v9 =	vcvt.f32.s32 v9;
	s20 =	sor.u32 $0x8080, s0;
	s21 =	sor.u32 s13, s31;
	v18 =	vld.idx.msk [tilespmem:v18+s29+$0x0], $0xffff  }
0x26a: {  	v21 =	vmul.f32 v21, v4;
	v14 =	vtrunc.f32 v14;
	v6 =	vadd.f32 v6, v5;
	s23 =	sor.u32 s13, s20;
	v36 =	vld [tilespmem:s21+$0x0]  }
0x26b: {  	v15 =	vtrunc.f32 v15;
	v10 =	vmul.f32 v10, v4;
	s30 =	sor.u32 s13, s19;
	v37 =	vld [tilespmem:s23+$0x0]  }
0x26c: {  	v8 =	vcvt.f32.s32 v14;
	v6 =	vtrunc.f32 v6;
	v52 =	vld [tilespmem:s30+$0x0]  }
0x26d: {  	v6 =	vcvt.f32.s32 v6;
	v27 =	vtrunc.f32 v7;
	v12 =	vadd.f32 v12, v5;
	v25 =	vld.idx.msk [tilespmem:v20+s29+$0x0], $0xffff  }
0x26e: {  	s25 =	sor.u32 $0x8180, s0;
	v7 =	vcvt.f32.s32 v15;
	v11 =	vmul.f32 v11, v4;
	v20 =	vld.idx.msk [tilespmem:v20+s26+$0x0], $0xffff  }
0x26f: {  	v13 =	vadd.f32 v10, v5;
	s11 =	sor.u32 s15, s25;
	v27 =	vcvt.f32.s32 v27;
	v12 =	vtrunc.f32 v12;
	v14 =	vld.idx.msk [tilespmem:v9+s24+$0x0], $0xffff  }
0x270: {  	v10 =	vcvt.f32.s32 v12;
	v12 =	vadd.f32 v21, v5;
	v21 =	vor.u32 v23, v24;
	v24 =	vld [tilespmem:s11+$0x0]  }
0x271: {  	v11 =	vadd.f32 v11, v5;
	v23 =	vtrunc.f32 v13;
	v9 =	vld.idx.msk [tilespmem:v9+s28+$0x0], $0xffff  }
0x272: {  	v16 =	vor.u32 v26, v16;
	v28 =	vor.u32 v44, v45;
	v19 =	vor.u32 v46, v19;
	v47 =	vld.idx.msk [tilespmem:v8+s24+$0x0], $0xffff  }
0x273: {  	v21 =	vshll.u32 v21, $0x10;
	v11 =	vtrunc.f32 v11;
	v51 =	vshll.u32 v16, $0x10;
	v15 =	vld.idx.msk [tilespmem:v6+s26+$0x0], $0xffff  }
0x274: {  	s18 =	sor.u32 s15, s31;
	v16 =	vand.u32 $0xFFFF0000, v16;
	v41 =	vshll.u32 v28, $0x10;
	v28 =	vand.u32 $0xFFFF0000, v28;
	v48 =	vld.idx.msk [tilespmem:v7+s26+$0x0], $0xffff  }
0x275: {  	v11 =	vcvt.f32.s32 v11;
	v26 =	vmul.f32 v35, v4;
	v13 =	vor.u32 v22, v25;
	v22 =	vld [tilespmem:s18+$0x0]  }
0x276: {  	v19 =	vshll.u32 v19, $0x10;
	v60 =	vmul.f32 v36, v4;
	v37 =	vmul.f32 v37, v4;
	v49 =	vld.idx.msk [tilespmem:v27+s24+$0x0], $0xffff  }
0x277: {  	s0 =	sor.u32 s15, s20;
	v25 =	vtrunc.f32 v12;
	v12 =	vcvt.f32.s32 v23;
	v17 =	vor.u32 v17, v20;
	v27 =	vld.idx.msk [tilespmem:v27+s28+$0x0], $0xffff  }
0x278: {  	s1 =	sor.u32 s13, s25;
	s18 =	sor.u32 $0x10, s13;
	v13 =	vor.u32 v21, v13;
	v21 =	vld [tilespmem:s0+$0x0];
	v23 =	vand.u32 $0xFFFF, v17;
	v17 =	vshrl.u32 v17, $0x10  }
0x279: {  	v35 =	vmul.f32 v52, v4;
	v26 =	vadd.f32 v26, v5;
	s5 =	sor.u32 s18, s31;
	v16 =	vor.u32 v17, v16;
	v17 =	vld [tilespmem:s1+$0x0]  }
0x27a: {  	v20 =	vcvt.f32.s32 v25;
	s21 =	sor.u32 s18, s19;
	v30 =	vadd.f32 v60, v5;
	v37 =	vadd.f32 v37, v5;
	v38 =	vld [tilespmem:s5+$0x0]  }
0x27b: {  	s23 =	sor.u32 s18, s25;
	v35 =	vadd.f32 v35, v5;
	v24 =	vmul.f32 v24, v4;
	v40 =	vld [tilespmem:s21+$0x0];
	v26 =	vtrunc.f32 v26  }
0x27c: {  	v23 =	vor.u32 v23, v51;
	v53 =	vld [tilespmem:s23+$0x0];
	v30 =	vtrunc.f32 v30;
	v37 =	vtrunc.f32 v37  }
0x27d: {  	v25 =	vld.idx.msk [tilespmem:v10+s24+$0x0], $0xffff;
	v35 =	vtrunc.f32 v35;
	v24 =	vadd.f32 v24, v5;
	v26 =	vcvt.f32.s32 v26  }
0x27e: {  	s11 =	sor.u32 s18, s20;
	v60 =	vld.idx.msk [tilespmem:v10+s28+$0x0], $0xffff;
	v22 =	vmul.f32 v22, v4;
	v14 =	vor.u32 v14, v15;
	v55 =	vor.u32 v47, v48  }
0x27f: {  	v15 =	vld [tilespmem:s11+$0x0];
	v21 =	vmul.f32 v21, v4;
	v24 =	vtrunc.f32 v24;
	v39 =	vand.u32 $0xFFFF, v14  }
0x280: {  	v48 =	vld.idx.msk [tilespmem:v11+s24+$0x0], $0xffff;
	v14 =	vshrl.u32 v14, $0x10;
	v31 =	vand.u32 $0xFFFF, v55;
	v56 =	vor.u32 v49, v50  }
0x281: {  	s11 =	sor.u32 $0x20, s13;
	v45 =	vld.idx.msk [tilespmem:v11+s28+$0x0], $0xffff;
	v18 =	vor.u32 v27, v18;
	v22 =	vadd.f32 v22, v5;
	v24 =	vcvt.f32.s32 v24  }
0x282: {  	v54 =	vld.idx.msk [tilespmem:v12+s26+$0x0], $0xffff;
	s30 =	sor.u32 s11, s31;
	v39 =	vor.u32 v39, v41;
	v14 =	vor.u32 v14, v28;
	v28 =	vshrl.u32 v55, $0x10  }
0x283: {  	s31 =	sor.u32 s11, s20;
	v42 =	vld [tilespmem:s30+$0x0];
	v34 =	vshll.u32 v56, $0x10;
	v17 =	vmul.f32 v17, v4;
	v38 =	vmul.f32 v38, v4  }
0x284: {  	v32 =	vand.u32 $0xFFFF0000, v56;
	v62 =	vld [tilespmem:s31+$0x0];
	v40 =	vmul.f32 v40, v4;
	v29 =	vmul.f32 v53, v4  }
0x285: {  	s1 =	sor.u32 s11, s19;
	v18 =	vshll.u32 v18, $0x10;
	v53 =	vld.idx.msk [tilespmem:v6+s29+$0x0], $0xffff;
	v6 =	vcvt.f32.s32 v37;
	v56 =	vcvt.f32.s32 v35  }
0x286: {  	s5 =	sor.u32 s11, s25;
	v43 =	vld [tilespmem:s1+$0x0];
	v21 =	vadd.f32 v21, v5;
	v27 =	vor.u32 v31, v34;
	v22 =	vtrunc.f32 v22  }
0x287: {  	v44 =	vld [tilespmem:s5+$0x0];
	v17 =	vadd.f32 v17, v5;
	v38 =	vadd.f32 v38, v5;
	v22 =	vcvt.f32.s32 v22  }
0x288: {  	v49 =	vld.idx.msk [tilespmem:v20+s26+$0x0], $0xffff;
	v40 =	vadd.f32 v40, v5;
	v21 =	vtrunc.f32 v21;
	v15 =	vmul.f32 v15, v4  }
0x289: {  	s19 =	simm.s32 $0x0;
	v20 =	vld.idx.msk [tilespmem:v20+s29+$0x0], $0xffff;
	v29 =	vadd.f32 v29, v5;
	v21 =	vcvt.f32.s32 v21;
	v17 =	vtrunc.f32 v17  }
0x28a: {  	s20 =	sand.u32 $0x1000, s16;
	s0 =	sand.u32 $0x380, s19;
	v55 =	vld.idx.msk [tilespmem:v8+s28+$0x0], $0xffff;
	v28 =	vor.u32 v28, v32;
	v38 =	vtrunc.f32 v38;
	v52 =	vtrunc.f32 v40  }
0x28b: {  	s0 =	sor.u32 s20, s0;
	v57 =	vld.idx.msk [tilespmem:v26+s28+$0x0], $0xffff;
	v29 =	vtrunc.f32 v29;
	v42 =	vmul.f32 v42, v4;
	v11 =	vadd.f32 v15, v5  }
0x28c: {  	s21 =	sor.u32 s9, s0;
	v25 =	vor.u32 v25, v54;
	v15 =	vmul.f32 v43, v4;
	v50 =	vmul.f32 v44, v4;
	v58 =	vld.idx.msk [tilespmem:v24+s29+$0x0], $0xffff  }
0x28d: {  	s0 =	sor.u32 s12, s21;
	v34 =	vmul.f32 v62, v4;
	v42 =	vadd.f32 v42, v5;
	v51 =	vtrunc.f32 v11;
	v59 =	vld.idx.msk [tilespmem:v22+s28+$0x0], $0xffff  }
0x28e: {  	[tilespmem:s0+$0x1A000] =	vst v13;
	v15 =	vadd.f32 v15, v5;
	v11 =	vcvt.f32.s32 v30;
	v13 =	vadd.f32 v50, v5;
	v22 =	vld.idx.msk [tilespmem:v22+s24+$0x0], $0xffff  }
0x28f: {  	v10 =	vor.u32 v9, v53;
	v9 =	vcvt.f32.s32 v51;
	v42 =	vtrunc.f32 v42;
	v61 =	vld.idx.msk [tilespmem:v21+s29+$0x0], $0xffff  }
0x290: {  	[tilespmem:s0+$0x16000] =	vst v23;
	v63 =	vand.u32 $0xFFFF, v25;
	v23 =	vtrunc.f32 v15;
	v13 =	vtrunc.f32 v13;
	v46 =	vld.idx.msk [tilespmem:v21+s26+$0x0], $0xffff  }
0x291: {  	s23 =	sor.u32 s7, s21;
	[tilespmem:s0+$0x18000] =	vst v16;
	v15 =	vcvt.f32.s32 v52;
	v21 =	vadd.f32 v34, v5;
	v33 =	vor.u32 v57, v58;
	v57 =	vld.idx.msk [tilespmem:v7+s29+$0x0], $0xffff  }
0x292: {  	s25 =	simm.s32 $0x10;
	v26 =	vld.idx.msk [tilespmem:v26+s24+$0x0], $0xffff;
	[tilespmem:s23+$0x16000] =	vst v39;
	v25 =	vshrl.u32 v25, $0x10;
	v13 =	vcvt.f32.s32 v13;
	v58 =	vcvt.f32.s32 v17  }
0x293: {  	s31 =	sand.u32 $0x1000, s17;
	s30 =	sor.u32 s8, s21;
	[tilespmem:s23+$0x18000] =	vst v14;
	s0 =	sand.u32 $0x380, s25;
	v24 =	vld.idx.msk [tilespmem:v24+s26+$0x0], $0xffff;
	v10 =	vor.u32 v19, v10;
	v7 =	vcvt.f32.s32 v38;
	v54 =	vtrunc.f32 v21  }
0x294: {  	s0 =	sor.u32 s31, s0;
	[tilespmem:s30+$0x16000] =	vst v27;
	v27 =	vld.idx.msk [tilespmem:v6+s26+$0x0], $0xffff;
	v8 =	vshll.u32 v33, $0x10;
	v21 =	vcvt.f32.s32 v29;
	v31 =	vor.u32 v59, v61  }
0x295: {  	s0 =	sor.u32 s14, s0;
	v17 =	vld.idx.msk [tilespmem:v56+s24+$0x0], $0xffff;
	v59 =	vor.u32 v45, v20;
	v16 =	vor.u32 v8, v31;
	v8 =	vor.u32 v48, v49  }
0x296: {  	[tilespmem:s23+$0x1A000] =	vst v10;
	s9 =	sor.u32 s15, s0;
	v61 =	vld.idx.msk [tilespmem:v12+s29+$0x0], $0xffff;
	v22 =	vor.u32 v22, v46;
	v12 =	vor.u32 v55, v57;
	v14 =	vshll.u32 v8, $0x10  }
0x297: {  	v62 =	vld.idx.msk [tilespmem:v11+s24+$0x0], $0xffff;
	v19 =	vand.u32 $0xFFFF0000, v8;
	v8 =	vcvt.f32.s32 v42;
	v12 =	vor.u32 v18, v12;
	[tilespmem:s9+$0x1A000] =	vst v16  }
0x298: {  	v18 =	vor.u32 v26, v24;
	v20 =	vld.idx.msk [tilespmem:v58+s26+$0x0], $0xffff;
	v16 =	vshrl.u32 v22, $0x10;
	[tilespmem:s30+$0x1A000] =	vst v12;
	v12 =	vcvt.f32.s32 v23  }
0x299: {  	[tilespmem:s30+$0x18000] =	vst v28;
	v23 =	vand.u32 $0xFFFF, v22;
	v22 =	vshll.u32 v18, $0x10;
	v24 =	vand.u32 $0xFFFF0000, v18;
	v18 =	vld.idx.msk [tilespmem:v56+s28+$0x0], $0xffff  }
0x29a: {  	s4 =	sor.u32 s4, s21;
	v26 =	vor.u32 v63, v14;
	v63 =	vor.u32 v25, v19;
	v19 =	vor.u32 v23, v22;
	v23 =	vld.idx.msk [tilespmem:v58+s29+$0x0], $0xffff  }
0x29b: {  	s7 =	simm.s32 $0x4;
	v22 =	vshll.u32 v59, $0x10;
	v14 =	vor.u32 v16, v24;
	v16 =	vld.idx.msk [tilespmem:v7+s24+$0x0], $0xffff;
	[tilespmem:s4+$0x16000] =	vst v26;
	v24 =	vor.u32 v60, v61  }
0x29c: {  	s25 =	sor.u32 s13, s0;
	s16 =	sor.u32 s18, s0;
	s8 =	sor.u32 s11, s0;
	v10 =	vcvt.f32.s32 v54;
	v25 =	vor.u32 v62, v27;
	[tilespmem:s4+$0x18000] =	vst v63;
	v24 =	vor.u32 v22, v24;
	v22 =	vld.idx.msk [tilespmem:v9+s26+$0x0], $0xffff  }
.LBB2_11:
0x29d: {  	s7 =	sadd.s32 $0x4, s7;
	v26 =	vand.u32 $0xFFFF, v25;
	v25 =	vshrl.u32 v25, $0x10;
	v27 =	vld.idx.msk [tilespmem:v15+s24+$0x0], $0xffff;
	[tilespmem:s4+$0x1A000] =	vst v24;
	s4 =	smov.u32 s8  }
0x29e: {  	v17 =	vor.u32 v17, v20;
	s8 =	sshll.u32 s7, $0x4;
	s0 =	sshll.u32 s7, $0x6;
	v20 =	vld.idx.msk [tilespmem:v21+s26+$0x0], $0xffff;
	[tilespmem:s9+$0x16000] =	vst v19  }
0x29f: {  	s10 =	sadd.s32 $0x200, s10;
	v19 =	vshll.u32 v17, $0x10;
	v24 =	vand.u32 $0xFFFF0000, v17;
	s0 =	sand.u32 $0x7000, s0;
	s1 =	sand.u32 $0x200, s8;
	v28 =	vld.idx.msk [tilespmem:v15+s28+$0x0], $0xffff;
	[tilespmem:s9+$0x18000] =	vst v14  }
0x2a0: {  	s22 =	sadd.s32 $0x40, s22;
	s9 =	sand.u32 $0xC00, s10;
	v14 =	vor.u32 v18, v23;
	v17 =	vor.u32 v26, v19;
	v15 =	vor.u32 v25, v24;
	s0 =	sor.u32 s1, s0;
	v18 =	vld.idx.msk [tilespmem:v21+s29+$0x0], $0xffff  }
0x2a1: {  	s12 =	sand.u32 $0x40, s22;
	p0 =	slt.u32 s7, $0x1FC;
	v14 =	vshll.u32 v14, $0x10;
	s0 =	sor.u32 s9, s0;
	v19 =	vld.idx.msk [tilespmem:v8+s24+$0x0], $0xffff  }
0x2a2: {  	s14 =	sor.u32 $0x10, s12;
	s13 =	sor.u32 $0x30, s12;
	v16 =	vor.u32 v16, v22;
	s1 =	sor.u32 $0x8000, s0;
	v23 =	vld.idx.msk [tilespmem:v10+s26+$0x0], $0xffff  }
0x2a3: {  	s11 =	sor.u32 $0x20, s12;
	s5 =	sor.u32 $0x8100, s0;
	v22 =	vand.u32 $0xFFFF, v16;
	v16 =	vshrl.u32 v16, $0x10;
	s15 =	sor.u32 s13, s1;
	v21 =	vld.idx.msk [tilespmem:v12+s24+$0x0], $0xffff  }
0x2a4: {  	s18 =	sor.u32 $0x8180, s0;
	s17 =	sor.u32 s12, s1;
	v20 =	vor.u32 v27, v20;
	v24 =	vld [tilespmem:s15+$0x0];
	s15 =	sor.u32 s13, s5  }
0x2a5: {  	s0 =	sor.u32 $0x8080, s0;
	s19 =	sor.u32 s12, s5;
	v26 =	vshll.u32 v20, $0x10;
	v20 =	vand.u32 $0xFFFF0000, v20;
	v25 =	vld [tilespmem:s15+$0x0];
	s15 =	sor.u32 s13, s18  }
0x2a6: {  	s20 =	sor.u32 s12, s0;
	s21 =	sor.u32 s12, s18;
	s30 =	sor.u32 s13, s0;
	v18 =	vor.u32 v28, v18;
	v22 =	vor.u32 v22, v26;
	v20 =	vor.u32 v16, v20;
	v27 =	vld [tilespmem:s15+$0x0]  }
0x2a7: {  	s31 =	sor.u32 s14, s0;
	s23 =	sor.u32 s14, s5;
	s15 =	sor.u32 s14, s1;
	v16 =	vshll.u32 v18, $0x10;
	v26 =	vld [tilespmem:s30+$0x0]  }
0x2a8: {  	s0 =	sor.u32 s11, s0;
	s1 =	sor.u32 s11, s1;
	v19 =	vor.u32 v19, v23;
	v28 =	vld [tilespmem:s17+$0x0];
	s17 =	sor.u32 s14, s18  }
0x2a9: {  	s5 =	sor.u32 s11, s5;
	s18 =	sor.u32 s11, s18;
	v18 =	vand.u32 $0xFFFF, v19;
	v19 =	vshrl.u32 v19, $0x10;
	v23 =	vld [tilespmem:s20+$0x0];
	v24 =	vmul.f32 v24, v4  }
0x2aa: {  	v29 =	vld [tilespmem:s19+$0x0];
	v25 =	vmul.f32 v25, v4  }
0x2ab: {  	v30 =	vld [tilespmem:s21+$0x0];
	v24 =	vadd.f32 v24, v5;
	v27 =	vmul.f32 v27, v4  }
0x2ac: {  	v31 =	vld [tilespmem:s15+$0x0];
	v26 =	vmul.f32 v26, v4;
	v25 =	vadd.f32 v25, v5  }
0x2ad: {  	v28 =	vmul.f32 v28, v4;
	v32 =	vld [tilespmem:s31+$0x0];
	v24 =	vtrunc.f32 v24;
	v27 =	vadd.f32 v27, v5  }
0x2ae: {  	v33 =	vld [tilespmem:s23+$0x0];
	v24 =	vcvt.f32.s32 v24;
	v26 =	vadd.f32 v26, v5;
	v25 =	vtrunc.f32 v25  }
0x2af: {  	v28 =	vadd.f32 v28, v5;
	v34 =	vld [tilespmem:s17+$0x0];
	v25 =	vcvt.f32.s32 v25;
	v27 =	vtrunc.f32 v27  }
0x2b0: {  	v35 =	vld [tilespmem:s1+$0x0];
	v26 =	vtrunc.f32 v26;
	v27 =	vcvt.f32.s32 v27  }
0x2b1: {  	v23 =	vmul.f32 v23, v4;
	v36 =	vld [tilespmem:s0+$0x0];
	v26 =	vcvt.f32.s32 v26  }
0x2b2: {  	v29 =	vmul.f32 v29, v4;
	v30 =	vmul.f32 v30, v4;
	v37 =	vld [tilespmem:s5+$0x0]  }
0x2b3: {  	v23 =	vadd.f32 v23, v5;
	v31 =	vmul.f32 v31, v4;
	v32 =	vmul.f32 v32, v4;
	v38 =	vld [tilespmem:s18+$0x0]  }
0x2b4: {  	v29 =	vadd.f32 v29, v5;
	v33 =	vmul.f32 v33, v4;
	v34 =	vmul.f32 v34, v4;
	v39 =	vld.idx.msk [tilespmem:v24+s28+$0x0], $0xffff  }
0x2b5: {  	v30 =	vadd.f32 v30, v5;
	v31 =	vadd.f32 v31, v5;
	v35 =	vmul.f32 v35, v4;
	v40 =	vld.idx.msk [tilespmem:v25+s28+$0x0], $0xffff  }
0x2b6: {  	v32 =	vadd.f32 v32, v5;
	v33 =	vadd.f32 v33, v5;
	v36 =	vmul.f32 v36, v4;
	v41 =	vld.idx.msk [tilespmem:v27+s29+$0x0], $0xffff  }
0x2b7: {  	v34 =	vadd.f32 v34, v5;
	v35 =	vadd.f32 v35, v5;
	v37 =	vmul.f32 v37, v4;
	v42 =	vld.idx.msk [tilespmem:v26+s29+$0x0], $0xffff  }
0x2b8: {  	v28 =	vtrunc.f32 v28;
	v36 =	vadd.f32 v36, v5;
	v38 =	vmul.f32 v38, v4;
	v43 =	vld.idx.msk [tilespmem:v13+s26+$0x0], $0xffff  }
0x2b9: {  	v23 =	vtrunc.f32 v23;
	v29 =	vtrunc.f32 v29;
	v37 =	vadd.f32 v37, v5;
	v12 =	vld.idx.msk [tilespmem:v12+s28+$0x0], $0xffff  }
0x2ba: {  	s0 =	sshll.u32 s7, $0x2;
	v30 =	vtrunc.f32 v30;
	v31 =	vtrunc.f32 v31;
	v38 =	vadd.f32 v38, v5;
	v13 =	vld.idx.msk [tilespmem:v13+s29+$0x0], $0xffff  }
0x2bb: {  	s1 =	sand.u32 $0x1000, s8;
	s0 =	sand.u32 $0x380, s0;
	v32 =	vtrunc.f32 v32;
	v33 =	vtrunc.f32 v33;
	v44 =	vld.idx.msk [tilespmem:v11+s28+$0x0], $0xffff  }
0x2bc: {  	s0 =	sor.u32 s1, s0;
	v34 =	vtrunc.f32 v34;
	v35 =	vtrunc.f32 v35;
	v11 =	vor.u32 v40, v41;
	v24 =	vld.idx.msk [tilespmem:v24+s24+$0x0], $0xffff  }
0x2bd: {  	s0 =	sor.u32 s9, s0;
	v36 =	vtrunc.f32 v36;
	v39 =	vor.u32 v39, v42;
	v11 =	vshll.u32 v11, $0x10;
	v26 =	vld.idx.msk [tilespmem:v26+s26+$0x0], $0xffff  }
0x2be: {  	s15 =	sor.u32 s12, s0;
	s12 =	sor.u32 s14, s0;
	s9 =	sor.u32 s13, s0;
	v37 =	vtrunc.f32 v37;
	v38 =	vtrunc.f32 v38;
	v39 =	vor.u32 v11, v39;
	v25 =	vld.idx.msk [tilespmem:v25+s24+$0x0], $0xffff  }
0x2bf: {  	v23 =	vcvt.f32.s32 v23;
	s8 =	sor.u32 s11, s0;
	v11 =	vcvt.f32.s32 v28;
	v28 =	vor.u32 v21, v43;
	v27 =	vld.idx.msk [tilespmem:v27+s26+$0x0], $0xffff;
	[tilespmem:s9+$0x1A000] =	vst v39  }
0x2c0: {  	v29 =	vcvt.f32.s32 v29;
	v30 =	vcvt.f32.s32 v30;
	v39 =	vld.idx.msk [tilespmem:v6+s29+$0x0], $0xffff;
	[tilespmem:s25+$0x16000] =	vst v17;
	v17 =	vor.u32 v12, v13  }
0x2c1: {  	v12 =	vcvt.f32.s32 v32;
	v6 =	vmovc v23;
	[tilespmem:s25+$0x18000] =	vst v15;
	v32 =	vld.idx.msk [tilespmem:v7+s28+$0x0], $0xffff;
	v7 =	vcvt.f32.s32 v31;
	v31 =	vshll.u32 v28, $0x10  }
0x2c2: {  	v21 =	vcvt.f32.s32 v34;
	v15 =	vcvt.f32.s32 v33;
	v23 =	vld.idx.msk [tilespmem:v9+s29+$0x0], $0xffff;
	[tilespmem:s16+$0x16000] =	vst v22;
	v22 =	vand.u32 $0xFFFF0000, v28  }
0x2c3: {  	v28 =	vcvt.f32.s32 v36;
	v24 =	vor.u32 v24, v26;
	v9 =	vmovc v12;
	[tilespmem:s16+$0x18000] =	vst v20;
	v26 =	vld.idx.msk [tilespmem:v8+s28+$0x0], $0xffff;
	v8 =	vcvt.f32.s32 v35  }
0x2c4: {  	v13 =	vcvt.f32.s32 v38;
	v34 =	vshll.u32 v17, $0x10;
	v12 =	vcvt.f32.s32 v37;
	v33 =	vld.idx.msk [tilespmem:v10+s29+$0x0], $0xffff  }
0x2c5: {  	v17 =	vor.u32 v25, v27;
	v25 =	vand.u32 $0xFFFF, v24;
	v24 =	vshrl.u32 v24, $0x10;
	v10 =	vmovc v28;
	v35 =	vld.idx.msk [tilespmem:v11+s24+$0x0], $0xffff  }
0x2c6: {  	v28 =	vshll.u32 v17, $0x10;
	v36 =	vand.u32 $0xFFFF0000, v17;
	v20 =	vor.u32 v44, v39;
	v27 =	vld.idx.msk [tilespmem:v6+s26+$0x0], $0xffff  }
0x2c7: {  	v31 =	vor.u32 v18, v31;
	v38 =	vor.u32 v19, v22;
	v37 =	vor.u32 v14, v20;
	v17 =	vld.idx.msk [tilespmem:v29+s24+$0x0], $0xffff  }
.Ltmp4:
0x2c8: {  	v19 =	vor.u32 v25, v28;
	v14 =	vor.u32 v24, v36;
	v22 =	vor.u32 v32, v23;
	v20 =	vld.idx.msk [tilespmem:v30+s26+$0x0], $0xffff;
	(pc) =	sbr.rel @p0 .LBB2_11-.Ltmp4, $4  }
0x2c9: {  	v16 =	vor.u32 v16, v22;
	v18 =	vld.idx.msk [tilespmem:v29+s28+$0x0], $0xffff;
	[tilespmem:s25+$0x1A000] =	vst v37;
	s25 =	smov.u32 s15  }
0x2ca: {  	v22 =	vor.u32 v26, v33;
	v23 =	vld.idx.msk [tilespmem:v30+s29+$0x0], $0xffff;
	[tilespmem:s16+$0x1A000] =	vst v16;
	s16 =	smov.u32 s12  }
0x2cb: {  	v24 =	vor.u32 v34, v22;
	v16 =	vld.idx.msk [tilespmem:v7+s24+$0x0], $0xffff;
	[tilespmem:s4+$0x16000] =	vst v31  }
0x2cc: {  	v25 =	vor.u32 v35, v27;
	v22 =	vld.idx.msk [tilespmem:v9+s26+$0x0], $0xffff;
	[tilespmem:s4+$0x18000] =	vst v38  }
0x2cd: {  	_ =	sdelay $0x3  }
0x2ce: {  	v26 =	vld.idx.msk [tilespmem:v15+s24+$0x0], $0xffff  }
0x2cf: {  	v27 =	vld.idx.msk [tilespmem:v21+s26+$0x0], $0xffff  }
0x2d0: {  	v43 =	vld.idx.msk [tilespmem:v15+s28+$0x0], $0xffff  }
0x2d1: {  	v44 =	vld.idx.msk [tilespmem:v21+s29+$0x0], $0xffff  }
0x2d2: {  	v28 =	vld.idx.msk [tilespmem:v8+s24+$0x0], $0xffff  }
0x2d3: {  	v29 =	vld.idx.msk [tilespmem:v10+s26+$0x0], $0xffff  }
0x2d4: {  	v30 =	vld.idx.msk [tilespmem:v12+s24+$0x0], $0xffff  }
0x2d5: {  	v31 =	vld.idx.msk [tilespmem:v13+s26+$0x0], $0xffff  }
0x2d6: {  	v11 =	vld.idx.msk [tilespmem:v11+s28+$0x0], $0xffff  }
0x2d7: {  	v6 =	vld.idx.msk [tilespmem:v6+s29+$0x0], $0xffff  }
0x2d8: {  	v17 =	vor.u32 v17, v20;
	v47 =	vld.idx.msk [tilespmem:v12+s28+$0x0], $0xffff  }
0x2d9: {  	v45 =	vand.u32 $0xFFFF, v25;
	v48 =	vshrl.u32 v25, $0x10;
	v7 =	vld.idx.msk [tilespmem:v7+s28+$0x0], $0xffff;
	v46 =	vshll.u32 v17, $0x10  }
0x2da: {  	[tilespmem:s4+$0x1A000] =	vst v24;
	v9 =	vld.idx.msk [tilespmem:v9+s29+$0x0], $0xffff;
	v17 =	vand.u32 $0xFFFF0000, v17;
	v18 =	vor.u32 v18, v23;
	v20 =	vor.u32 v45, v46  }
0x2db: {  	[tilespmem:s9+$0x16000] =	vst v19;
	v51 =	vld.idx.msk [tilespmem:v13+s29+$0x0], $0xffff;
	v17 =	vor.u32 v48, v17;
	v18 =	vshll.u32 v18, $0x10;
	v16 =	vor.u32 v16, v22  }
0x2dc: {  	[tilespmem:s9+$0x18000] =	vst v14;
	v53 =	vld.idx.msk [tilespmem:v8+s28+$0x0], $0xffff;
	v49 =	vand.u32 $0xFFFF, v16;
	v16 =	vshrl.u32 v16, $0x10;
	v50 =	vor.u32 v26, v27  }
0x2dd: {  	[tilespmem:s25+$0x16000] =	vst v20;
	v15 =	vor.u32 v43, v44;
	v6 =	vor.u32 v11, v6;
	v57 =	vor.u32 v28, v29  }
0x2de: {  	v55 =	vld.idx.msk [tilespmem:v10+s29+$0x0], $0xffff;
	[tilespmem:s25+$0x18000] =	vst v17;
	v59 =	vor.u32 v30, v31;
	v52 =	vshll.u32 v50, $0x10;
	v6 =	vor.u32 v18, v6  }
0x2df: {  	v7 =	vor.u32 v7, v9;
	v54 =	vand.u32 $0xFFFF0000, v50;
	v14 =	vor.u32 v49, v52;
	[tilespmem:s25+$0x1A000] =	vst v6  }
0x2e0: {  	v56 =	vshll.u32 v15, $0x10;
	v58 =	vand.u32 $0xFFFF, v57;
	v6 =	vor.u32 v16, v54;
	[tilespmem:s16+$0x16000] =	vst v14  }
0x2e1: {  	v60 =	vshrl.u32 v57, $0x10;
	v61 =	vshll.u32 v59, $0x10;
	[tilespmem:s16+$0x18000] =	vst v6;
	v6 =	vor.u32 v56, v7  }
0x2e2: {  	v62 =	vand.u32 $0xFFFF0000, v59;
	v63 =	vor.u32 v58, v61;
	v7 =	vor.u32 v47, v51;
	[tilespmem:s16+$0x1A000] =	vst v6  }
0x2e3: {  	v8 =	vor.u32 v53, v55;
	v6 =	vshll.u32 v7, $0x10;
	v7 =	vor.u32 v60, v62;
	s0 =	rddreg [dreg:$0x18];
	[tilespmem:s8+$0x16000] =	vst v63  }
0x2e4: {  	v6 =	vor.u32 v6, v8;
	s0 =	sshll.u32 s0, $0xD;
	s1 =	rddreg [dreg:$0xa];
	[tilespmem:s8+$0x18000] =	vst v7  }
0x2e5: {  	[tilespmem:s8+$0x1A000] =	vst v6;
	s1 =	sor.u32 s1, s0  }
0x2e6: {  	s5 =	rddreg [dreg:$0x4];
	s1 =	sshrl.u32 s1, $0x3  }
0x2e7: {  	s23 =	simm.s32 $0x16000;
	s1 =	sadd.s32 s5, s1  }
0x2e8: {  	[hbm4b:s1+s2] =	stream.strided.scatter [tilespmem:s23], [sflag:$0x4], $0x400, s6, s2, $0x38;
	[tilespmem:$0x1C480] =	vst v63  }
0x2e9: {  	s7 =	simm.s32 $0x16400;
	s25 =	sadd.s32 $0x20, s1  }
0x2ea: {  	[hbm4b:s25+s2] =	stream.strided.scatter [tilespmem:s7], [sflag:$0x4], $0x400, s6, s2, $0x38;
	[tilespmem:$0x1C480] =	vst v63  }
0x2eb: {  	s31 =	simm.s32 $0x16800;
	s30 =	sadd.s32 $0x40, s1  }
0x2ec: {  	[hbm4b:s30+s2] =	stream.strided.scatter [tilespmem:s31], [sflag:$0x4], $0x400, s6, s2, $0x38;
	[tilespmem:$0x1C480] =	vst v63  }
0x2ed: {  	s9 =	simm.s32 $0x16C00;
	s8 =	sadd.s32 $0x60, s1  }
0x2ee: {  	[hbm4b:s8+s2] =	stream.strided.scatter [tilespmem:s9], [sflag:$0x4], $0x400, s6, s2, $0x38;
	[tilespmem:$0x1C480] =	vst v63  }
0x2ef: {  	s11 =	simm.s32 $0x17000;
	s10 =	sadd.s32 $0x200, s1  }
0x2f0: {  	[hbm4b:s10+s2] =	stream.strided.scatter [tilespmem:s11], [sflag:$0x4], $0x400, s6, s2, $0x38;
	[tilespmem:$0x1C480] =	vst v63  }
0x2f1: {  	s13 =	simm.s32 $0x17400;
	s12 =	sadd.s32 $0x220, s1  }
0x2f2: {  	[hbm4b:s12+s2] =	stream.strided.scatter [tilespmem:s13], [sflag:$0x4], $0x400, s6, s2, $0x38;
	[tilespmem:$0x1C480] =	vst v63  }
0x2f3: {  	s15 =	simm.s32 $0x17800;
	s14 =	sadd.s32 $0x240, s1  }
0x2f4: {  	[hbm4b:s14+s2] =	stream.strided.scatter [tilespmem:s15], [sflag:$0x4], $0x400, s6, s2, $0x38;
	[tilespmem:$0x1C480] =	vst v63  }
0x2f5: {  	s16 =	simm.s32 $0x17C00;
	s17 =	rddreg [dreg:$0xc];
	s1 =	sadd.s32 $0x260, s1  }
0x2f6: {  	[hbm4b:s1+s2] =	stream.strided.scatter [tilespmem:s16], [sflag:$0x4], $0x400, s6, s2, $0x38;
	[tilespmem:$0x1C480] =	vst v63  }
0x2f7: {  	s1 =	sor.u32 s17, s0  }
0x2f8: {  	s1 =	sshrl.u32 s1, $0x3  }
0x2f9: {  	s18 =	simm.s32 $0x18000;
	s1 =	sadd.s32 s5, s1  }
0x2fa: {  	[hbm4b:s1+s2] =	stream.strided.scatter [tilespmem:s18], [sflag:$0x4], $0x400, s6, s2, $0x38;
	[tilespmem:$0x1C480] =	vst v63  }
0x2fb: {  	s20 =	simm.s32 $0x18400;
	s19 =	sadd.s32 $0x20, s1  }
0x2fc: {  	[hbm4b:s19+s2] =	stream.strided.scatter [tilespmem:s20], [sflag:$0x4], $0x400, s6, s2, $0x38;
	[tilespmem:$0x1C480] =	vst v63  }
0x2fd: {  	s22 =	simm.s32 $0x18800;
	s21 =	sadd.s32 $0x40, s1  }
0x2fe: {  	[hbm4b:s21+s2] =	stream.strided.scatter [tilespmem:s22], [sflag:$0x4], $0x400, s6, s2, $0x38;
	[tilespmem:$0x1C480] =	vst v63  }
0x2ff: {  	s25 =	simm.s32 $0x18C00;
	s23 =	sadd.s32 $0x60, s1  }
0x300: {  	[hbm4b:s23+s2] =	stream.strided.scatter [tilespmem:s25], [sflag:$0x4], $0x400, s6, s2, $0x38;
	[tilespmem:$0x1C480] =	vst v63  }
0x301: {  	s31 =	simm.s32 $0x19000;
	s30 =	sadd.s32 $0x200, s1  }
0x302: {  	[hbm4b:s30+s2] =	stream.strided.scatter [tilespmem:s31], [sflag:$0x4], $0x400, s6, s2, $0x38;
	[tilespmem:$0x1C480] =	vst v63  }
0x303: {  	s8 =	simm.s32 $0x19400;
	s12 =	rddreg [dreg:$0xd];
	s7 =	sadd.s32 $0x220, s1  }
0x304: {  	[hbm4b:s7+s2] =	stream.strided.scatter [tilespmem:s8], [sflag:$0x4], $0x400, s6, s2, $0x38;
	[tilespmem:$0x1C480] =	vst v63  }
0x305: {  	s10 =	simm.s32 $0x19800;
	s0 =	sor.u32 s12, s0;
	s9 =	sadd.s32 $0x240, s1  }
0x306: {  	[hbm4b:s9+s2] =	stream.strided.scatter [tilespmem:s10], [sflag:$0x4], $0x400, s6, s2, $0x38;
	[tilespmem:$0x1C480] =	vst v63  }
0x307: {  	s11 =	simm.s32 $0x19C00;
	s0 =	sshrl.u32 s0, $0x3;
	s1 =	sadd.s32 $0x260, s1  }
0x308: {  	[hbm4b:s1+s2] =	stream.strided.scatter [tilespmem:s11], [sflag:$0x4], $0x400, s6, s2, $0x38;
	[tilespmem:$0x1C480] =	vst v63  }
0x309: {  	s13 =	simm.s32 $0x1A000;
	s0 =	sadd.s32 s5, s0  }
0x30a: {  	[hbm4b:s0+s2] =	stream.strided.scatter [tilespmem:s13], [sflag:$0x4], $0x400, s6, s2, $0x38;
	[tilespmem:$0x1C480] =	vst v63  }
0x30b: {  	s15 =	simm.s32 $0x1A400;
	s14 =	sadd.s32 $0x20, s0  }
0x30c: {  	[hbm4b:s14+s2] =	stream.strided.scatter [tilespmem:s15], [sflag:$0x4], $0x400, s6, s2, $0x38;
	[tilespmem:$0x1C480] =	vst v63  }
0x30d: {  	s17 =	simm.s32 $0x1A800;
	s16 =	sadd.s32 $0x40, s0  }
0x30e: {  	[hbm4b:s16+s2] =	stream.strided.scatter [tilespmem:s17], [sflag:$0x4], $0x400, s6, s2, $0x38;
	[tilespmem:$0x1C480] =	vst v63  }
0x30f: {  	s18 =	sadd.s32 $0x60, s0;
	s19 =	simm.s32 $0x1AC00  }
0x310: {  	[hbm4b:s18+s2] =	stream.strided.scatter [tilespmem:s19], [sflag:$0x4], $0x400, s6, s2, $0x38;
	[tilespmem:$0x1C480] =	vst v63  }
0x311: {  	s3 =	sadd.s32 $0x1, s3;
	s20 =	sadd.s32 $0x200, s0;
	s21 =	simm.s32 $0x1B000  }
0x312: {  	[hbm4b:s20+s2] =	stream.strided.scatter [tilespmem:s21], [sflag:$0x4], $0x400, s6, s2, $0x38;
	[tilespmem:$0x1C480] =	vst v63  }
0x313: {  	p0 =	sne.s32 s3, $0x4;
	s22 =	sadd.s32 $0x220, s0;
	s23 =	simm.s32 $0x1B400  }
0x314: {  	[hbm4b:s22+s2] =	stream.strided.scatter [tilespmem:s23], [sflag:$0x4], $0x400, s6, s2, $0x38;
	[tilespmem:$0x1C480] =	vst v63  }
.Ltmp5:
0x315: {  	s25 =	sadd.s32 $0x240, s0;
	(pc) =	sbr.rel @p0 .LBB2_8-.Ltmp5, $4  }
0x316: {  	s30 =	simm.s32 $0x1B800;
	s31 =	simm.s32 $0x1BC00;
	s0 =	sadd.s32 $0x260, s0  }
0x317: {  	[hbm4b:s25+s2] =	stream.strided.scatter [tilespmem:s30], [sflag:$0x4], $0x400, s6, s2, $0x38;
	[tilespmem:$0x1C480] =	vst v63  }
0x318: {  	s14 =	rddreg [dreg:$0x0];
	s15 =	simm.s32 $0x1;
	s17 =	simm.s32 $0x8000  }
0x319: {  	[hbm4b:s0+s2] =	stream.strided.scatter [tilespmem:s31], [sflag:$0x4], $0x400, s6, s2, $0x38;
	[tilespmem:$0x1C480] =	vst v63  }
0x31a: {  	s0 =	simm.s32 $0x3  }
0x31b: {  	_ =	swait.ge [sflag:s0], $0x2000  }
0x31c: {  	[sflag:s0] =	ssyncset.done $0x0  }
0x31d: {  	[sflag:s0] =	ssyncadd.s32 $0xFFFFE000  }
0x31e: {  	_ =	swait.ge [sflag:s0], $0x2000  }
0x31f: {  	[sflag:s0] =	ssyncset.done $0x0  }
0x320: {  	[sflag:s0] =	ssyncadd.s32 $0xFFFFE000  }
0x321: {  	_ =	swait.ge [sflag:s0], $0x2000  }
0x322: {  	[sflag:s0] =	ssyncset.done $0x0  }
0x323: {  	s30 =	simm.s32 $0x4;
	[sflag:s0] =	ssyncadd.s32 $0xFFFFE000  }
0x324: {  	_ =	swait.ge [sflag:s30], $0x2000  }
0x325: {  	[sflag:s30] =	ssyncset.done $0x0  }
0x326: {  	[sflag:s30] =	ssyncadd.s32 $0xFFFFE000  }
0x327: {  	_ =	swait.ge [sflag:s30], $0x2000  }
0x328: {  	[sflag:s30] =	ssyncset.done $0x0  }
0x329: {  	[sflag:s30] =	ssyncadd.s32 $0xFFFFE000  }
0x32a: {  	_ =	swait.ge [sflag:s30], $0x2000  }
0x32b: {  	s3 =	simm.s32 $0x0;
	[sflag:s30] =	ssyncset.done $0x0  }
0x32c: {  	s21 =	simm.s32 $0x0;
	s31 =	rddreg [dreg:$0xf];
	[sflag:s30] =	ssyncadd.s32 $0xFFFFE000  }
0x32d: {  	v7 =	vimm.f32 $+Inf;
	v5 =	vimm.f32 $-Inf;
	[tilespmem:s3], [sflag:$0x1] =	stream.linear.gather [hbm4b:s31+s3], $0x8000, $0x38;
	[tilespmem:$0x1C480] =	vst v63  }
.LBB2_14:
0x32e: {  	s10 =	sshll.u32 s21, $0x10;
	s0 =	rddreg [dreg:$0xe]  }
0x32f: {  	s0 =	sor.u32 s10, s0  }
0x330: {  	_ =	swait.ge [sflag:s15], $0x8000;
	s4 =	sand.u32 $0x7000, s3;
	s0 =	sshrl.u32 s0, $0x3  }
0x331: {  	s1 =	sand.u32 $0x300, s3;
	[sflag:s15] =	ssyncset.done $0x0;
	s0 =	sadd.s32 s0, s14  }
0x332: {  	s7 =	sor.u32 s1, s4;
	[sflag:s15] =	ssyncadd.s32 $0xFFFF8000;
	s0 =	sadd.s32 $0x1000, s0  }
0x333: {  	[tilespmem:s17], [sflag:$0x2] =	stream.linear.gather [hbm4b:s0+s3], $0x8000, $0x38;
	[tilespmem:$0x1C480] =	vst v63  }
0x334: {  	v8 =	vld [tilespmem:s7+$0x8C0]  }
0x335: {  	v10 =	vld [tilespmem:s7+$0x8D0]  }
0x336: {  	v4 =	vld [tilespmem:s7+$0x8E0]  }
0x337: {  	v9 =	vld [tilespmem:s7+$0x880]  }
0x338: {  	v11 =	vld [tilespmem:s7+$0x890]  }
0x339: {  	v6 =	vld [tilespmem:s7+$0x8A0]  }
0x33a: {  	v12 =	vld [tilespmem:s7+$0x4C0]  }
0x33b: {  	v19 =	vld [tilespmem:s7+$0x4D0]  }
0x33c: {  	v13 =	vld [tilespmem:s7+$0x480]  }
0x33d: {  	v17 =	vld [tilespmem:s7+$0x490]  }
0x33e: {  	v14 =	vld [tilespmem:s7+$0xC0]  }
0x33f: {  	v16 =	vld [tilespmem:s7+$0xD0]  }
0x340: {  	v15 =	vld [tilespmem:s7+$0x80]  }
0x341: {  	v20 =	vld [tilespmem:s7+$0x90]  }
0x342: {  	v21 =	vld [tilespmem:s7+$0x840]  }
0x343: {  	v22 =	vld [tilespmem:s7+$0x850]  }
0x344: {  	v18 =	vld [tilespmem:s7+$0x0]  }
0x345: {  	v23 =	vld [tilespmem:s7+$0x40]  }
0x346: {  	s5 =	sand.u32 $0x3, s3;
	v24 =	vld [tilespmem:s7+$0x400]  }
0x347: {  	s0 =	sshll.u32 s5, $0x8;
	v25 =	vld [tilespmem:s7+$0x440]  }
0x348: {  	s4 =	sadd.s32 $0x0, s0;
	v26 =	vld [tilespmem:s7+$0x800]  }
0x349: {  	v29 =	vld [tilespmem:s7+$0x450];
	s0 =	sor.u32 $0xC00, s4;
	v27 =	vmin.f32 v7, v18;
	v28 =	vmax.f32 v5, v18  }
0x34a: {  	s8 =	sor.u32 $0xC40, s4;
	v27 =	vmin.f32 v27, v23;
	v23 =	vmax.f32 v28, v23;
	v28 =	vld [tilespmem:s0+$0x0]  }
0x34b: {  	v27 =	vmin.f32 v27, v24;
	v23 =	vmax.f32 v23, v24;
	v24 =	vld [tilespmem:s8+$0x0]  }
0x34c: {  	v30 =	vld [tilespmem:s7+$0x60];
	v27 =	vmin.f32 v27, v25;
	v23 =	vmax.f32 v23, v25  }
0x34d: {  	v31 =	vld [tilespmem:s7+$0x460];
	s19 =	sor.u32 $0xC60, s4;
	v27 =	vmin.f32 v27, v26;
	v23 =	vmax.f32 v23, v26  }
0x34e: {  	v32 =	vld [tilespmem:s19+$0x0];
	v27 =	vmin.f32 v27, v21;
	v21 =	vmax.f32 v23, v21  }
0x34f: {  	v18 =	vld [tilespmem:s7+$0x860];
	v27 =	vmin.f32 v27, v28;
	v21 =	vmax.f32 v21, v28  }
0x350: {  	s16 =	sadd.s32 $0x80, s4;
	v23 =	vld [tilespmem:s7+$0x410];
	v27 =	vmin.f32 v27, v24;
	v21 =	vmax.f32 v21, v24  }
0x351: {  	s9 =	sor.u32 $0xC00, s16;
	v24 =	vld [tilespmem:s7+$0x10];
	v27 =	vmin.f32 v27, v15;
	v15 =	vmax.f32 v21, v15  }
0x352: {  	v21 =	vmin.f32 v27, v14;
	v14 =	vmax.f32 v15, v14;
	v15 =	vld [tilespmem:s9+$0x0]  }
0x353: {  	s11 =	sor.u32 $0xC40, s16;
	v27 =	vld [tilespmem:s7+$0x20]  }
0x354: {  	v21 =	vmin.f32 v21, v13;
	v13 =	vmax.f32 v14, v13;
	v14 =	vld [tilespmem:s11+$0x0]  }
0x355: {  	v28 =	vld [tilespmem:s7+$0x50];
	v21 =	vmin.f32 v21, v12;
	v12 =	vmax.f32 v13, v12  }
0x356: {  	v13 =	vmin.f32 v21, v9;
	v9 =	vmax.f32 v12, v9;
	v21 =	vld [tilespmem:s7+$0x420]  }
0x357: {  	v25 =	vld [tilespmem:s7+$0x810];
	v12 =	vmin.f32 v13, v8;
	v8 =	vmax.f32 v9, v8;
	v13 =	vmin.f32 v7, v24  }
0x358: {  	s13 =	sor.u32 $0xC10, s4;
	v26 =	vld [tilespmem:s7+$0x820];
	v9 =	vmin.f32 v12, v15;
	v8 =	vmax.f32 v8, v15;
	v15 =	vmin.f32 v7, v27  }
0x359: {  	s18 =	sor.u32 $0xC20, s4;
	v9 =	vmin.f32 v9, v14;
	v8 =	vmax.f32 v8, v14;
	v14 =	vmax.f32 v5, v24;
	v24 =	vld [tilespmem:s13+$0x0]  }
0x35a: {  	s12 =	sor.u32 $0xC50, s4;
	v13 =	vmin.f32 v13, v28;
	v15 =	vmin.f32 v15, v30;
	v14 =	vmax.f32 v14, v28;
	v28 =	vld [tilespmem:s18+$0x0]  }
0x35b: {  	v12 =	vld [tilespmem:s12+$0x0];
	v13 =	vmin.f32 v13, v23;
	v14 =	vmax.f32 v14, v23;
	v15 =	vmin.f32 v15, v21  }
0x35c: {  	v13 =	vmin.f32 v13, v29;
	v14 =	vmax.f32 v14, v29;
	v15 =	vmin.f32 v15, v31;
	v29 =	vld [tilespmem:s7+$0xA0]  }
0x35d: {  	v13 =	vmin.f32 v13, v25;
	v14 =	vmax.f32 v14, v25;
	v23 =	vmin.f32 v15, v26;
	v15 =	vld [tilespmem:s7+$0xE0]  }
0x35e: {  	v13 =	vmin.f32 v13, v22;
	v22 =	vmax.f32 v14, v22;
	v23 =	vmin.f32 v23, v18;
	v14 =	vld [tilespmem:s7+$0x4A0]  }
0x35f: {  	v25 =	vmin.f32 v13, v24;
	v13 =	vld [tilespmem:s7+$0x4E0];
	v22 =	vmax.f32 v22, v24;
	v23 =	vmin.f32 v23, v28  }
0x360: {  	s20 =	sor.u32 $0xC50, s16;
	v24 =	vmin.f32 v25, v12;
	v25 =	vld [tilespmem:s7+$0x30];
	v12 =	vmax.f32 v22, v12;
	v22 =	vmin.f32 v23, v32  }
0x361: {  	s22 =	sor.u32 $0xC10, s16;
	v23 =	vld [tilespmem:s20+$0x0];
	v24 =	vmin.f32 v24, v20;
	v12 =	vmax.f32 v12, v20;
	v20 =	vmin.f32 v22, v29  }
0x362: {  	s23 =	sor.u32 $0xC20, s16;
	v22 =	vld [tilespmem:s22+$0x0];
	v24 =	vmin.f32 v24, v16;
	v12 =	vmax.f32 v12, v16;
	v20 =	vmin.f32 v20, v15  }
0x363: {  	s25 =	sor.u32 $0xC60, s16;
	v16 =	vld [tilespmem:s23+$0x0];
	v24 =	vmin.f32 v24, v17;
	v12 =	vmax.f32 v12, v17;
	v20 =	vmin.f32 v20, v14  }
0x364: {  	v17 =	vld [tilespmem:s25+$0x0];
	v24 =	vmin.f32 v24, v19;
	v12 =	vmax.f32 v12, v19;
	v19 =	vmin.f32 v20, v13  }
0x365: {  	v20 =	vld [tilespmem:s7+$0x70];
	v24 =	vmin.f32 v24, v11;
	v7 =	vmin.f32 v7, v25;
	v11 =	vmax.f32 v12, v11  }
0x366: {  	v12 =	vmin.f32 v19, v6;
	v19 =	vld [tilespmem:s7+$0x430];
	v24 =	vmin.f32 v24, v10;
	v10 =	vmax.f32 v11, v10  }
0x367: {  	v33 =	vld [tilespmem:s7+$0x470];
	v11 =	vmin.f32 v12, v4;
	v12 =	vmin.f32 v24, v22;
	v10 =	vmax.f32 v10, v22  }
0x368: {  	v11 =	vmin.f32 v11, v16;
	v22 =	vld [tilespmem:s7+$0x830];
	v12 =	vmin.f32 v12, v23;
	v10 =	vmax.f32 v10, v23  }
0x369: {  	s30 =	sor.u32 $0xC30, s4;
	v24 =	vld [tilespmem:s7+$0x870];
	v11 =	vmin.f32 v11, v17;
	v23 =	vmax.f32 v5, v27;
	v5 =	vmax.f32 v5, v25  }
0x36a: {  	s31 =	sor.u32 $0xC70, s4;
	v23 =	vmax.f32 v23, v30;
	v7 =	vmin.f32 v7, v20;
	v5 =	vmax.f32 v5, v20;
	v20 =	vld [tilespmem:s30+$0x0]  }
0x36b: {  	v21 =	vmax.f32 v23, v21;
	v7 =	vmin.f32 v7, v19;
	v5 =	vmax.f32 v5, v19;
	v19 =	vld [tilespmem:s31+$0x0]  }
0x36c: {  	v30 =	vld [tilespmem:s7+$0xB0];
	v21 =	vmax.f32 v21, v31;
	v7 =	vmin.f32 v7, v33;
	v5 =	vmax.f32 v5, v33  }
0x36d: {  	v27 =	vld [tilespmem:s7+$0xF0];
	v21 =	vmax.f32 v21, v26;
	v7 =	vmin.f32 v7, v22;
	v5 =	vmax.f32 v5, v22  }
0x36e: {  	v18 =	vmax.f32 v21, v18;
	v7 =	vmin.f32 v7, v24;
	v5 =	vmax.f32 v5, v24;
	v24 =	vld [tilespmem:s7+$0x4B0]  }
0x36f: {  	v23 =	vld [tilespmem:s7+$0x4F0];
	v18 =	vmax.f32 v18, v28;
	v7 =	vmin.f32 v7, v20;
	v5 =	vmax.f32 v5, v20  }
0x370: {  	s4 =	simm.s32 $0x0;
	s8 =	simm.s32 $0x400;
	v25 =	vld [tilespmem:s7+$0x8B0];
	v18 =	vmax.f32 v18, v32;
	v7 =	vmin.f32 v7, v19;
	v5 =	vmax.f32 v5, v19  }
0x371: {  	s9 =	simm.s32 $0x0;
	s11 =	sor.u32 $0xC30, s16;
	v26 =	vld [tilespmem:s7+$0x8F0];
	s7 =	simm.s32 $0x100;
	v22 =	vmax.f32 v18, v29;
	v28 =	vmin.f32 v7, v30;
	v29 =	vmax.f32 v5, v30  }
.LBB2_15:
0x372: {  	s0 =	sand.u32 $0x7000, s8;
	s1 =	sand.u32 $0x300, s7;
	v5 =	vmax.f32 v22, v15;
	v7 =	vmin.f32 v28, v27;
	v15 =	vmax.f32 v29, v27;
	v18 =	vld [tilespmem:s11+$0x0];
	s5 =	sor.u32 $0xC70, s16  }
0x373: {  	s12 =	sor.u32 s1, s0;
	v5 =	vmax.f32 v5, v14;
	v7 =	vmin.f32 v7, v24;
	v14 =	vmax.f32 v15, v24;
	v15 =	vld [tilespmem:s5+$0x0]  }
0x374: {  	v27 =	vld [tilespmem:s12+$0x8C0];
	v13 =	vmax.f32 v5, v13;
	v7 =	vmin.f32 v7, v23;
	v14 =	vmax.f32 v14, v23  }
0x375: {  	v5 =	vld [tilespmem:s12+$0x8D0];
	v6 =	vmax.f32 v13, v6;
	v7 =	vmin.f32 v7, v25;
	v13 =	vmax.f32 v14, v25  }
0x376: {  	v6 =	vmax.f32 v6, v4;
	v4 =	vld [tilespmem:s12+$0x8E0];
	v7 =	vmin.f32 v7, v26;
	v13 =	vmax.f32 v13, v26  }
0x377: {  	v14 =	vld [tilespmem:s12+$0x880];
	v6 =	vmax.f32 v6, v16;
	v16 =	vmin.f32 v7, v18;
	v13 =	vmax.f32 v13, v18  }
0x378: {  	v21 =	vld [tilespmem:s12+$0x890];
	v7 =	vmax.f32 v6, v17;
	v18 =	vmin.f32 v16, v15;
	v19 =	vmax.f32 v13, v15  }
0x379: {  	v6 =	vld [tilespmem:s12+$0x8A0]  }
0x37a: {  	v13 =	vld [tilespmem:s12+$0x4C0]  }
0x37b: {  	v22 =	vld [tilespmem:s12+$0x4D0]  }
0x37c: {  	v15 =	vld [tilespmem:s12+$0x480]  }
0x37d: {  	v17 =	vld [tilespmem:s12+$0x490]  }
0x37e: {  	v25 =	vld [tilespmem:s12+$0xC0]  }
0x37f: {  	v16 =	vld [tilespmem:s12+$0xD0]  }
0x380: {  	v26 =	vld [tilespmem:s12+$0x80]  }
0x381: {  	v24 =	vld [tilespmem:s12+$0x90]  }
0x382: {  	v28 =	vld [tilespmem:s12+$0x840]  }
0x383: {  	v29 =	vld [tilespmem:s12+$0x850]  }
0x384: {  	v20 =	vld [tilespmem:s12+$0x0]  }
0x385: {  	s9 =	sadd.s32 $0x1, s9;
	v23 =	vld [tilespmem:s12+$0x40]  }
0x386: {  	s0 =	sand.u32 $0x3, s9;
	v30 =	vld [tilespmem:s12+$0x400]  }
0x387: {  	s0 =	sshll.u32 s0, $0x8;
	v31 =	vld [tilespmem:s12+$0x440]  }
0x388: {  	s13 =	sadd.s32 s0, s8;
	v32 =	vld [tilespmem:s12+$0x800]  }
0x389: {  	s0 =	sor.u32 $0xC00, s13;
	v9 =	vmin.f32 v9, v20;
	v8 =	vmax.f32 v8, v20;
	v20 =	vld [tilespmem:s12+$0x860]  }
0x38a: {  	v9 =	vmin.f32 v9, v23;
	v8 =	vmax.f32 v8, v23;
	v33 =	vld [tilespmem:s0+$0x0];
	s0 =	sor.u32 $0xC40, s13  }
0x38b: {  	v9 =	vmin.f32 v9, v30;
	v8 =	vmax.f32 v8, v30;
	v30 =	vld [tilespmem:s0+$0x0]  }
0x38c: {  	v9 =	vmin.f32 v9, v31;
	v8 =	vmax.f32 v8, v31;
	v31 =	vld [tilespmem:s12+$0x810]  }
0x38d: {  	v9 =	vmin.f32 v9, v32;
	v8 =	vmax.f32 v8, v32;
	v23 =	vld [tilespmem:s12+$0x820]  }
0x38e: {  	v32 =	vld [tilespmem:s12+$0x450];
	v9 =	vmin.f32 v9, v28;
	v8 =	vmax.f32 v8, v28  }
0x38f: {  	v28 =	vld [tilespmem:s12+$0x410];
	v9 =	vmin.f32 v9, v33;
	v8 =	vmax.f32 v8, v33  }
0x390: {  	s16 =	sadd.s32 $0x80, s13;
	v33 =	vld [tilespmem:s12+$0x50];
	v9 =	vmin.f32 v9, v30;
	v8 =	vmax.f32 v8, v30  }
0x391: {  	s0 =	sor.u32 $0xC00, s16;
	v30 =	vld [tilespmem:s12+$0x10];
	v9 =	vmin.f32 v9, v26;
	v8 =	vmax.f32 v8, v26  }
0x392: {  	v9 =	vmin.f32 v9, v25;
	v8 =	vmax.f32 v8, v25;
	v25 =	vld [tilespmem:s0+$0x0];
	s0 =	sor.u32 $0xC40, s16  }
0x393: {  	v9 =	vmin.f32 v9, v15;
	v8 =	vmax.f32 v8, v15;
	v15 =	vld [tilespmem:s0+$0x0]  }
0x394: {  	v26 =	vld [tilespmem:s12+$0x20];
	v9 =	vmin.f32 v9, v13;
	v8 =	vmax.f32 v8, v13  }
0x395: {  	v34 =	vld [tilespmem:s12+$0x60];
	v9 =	vmin.f32 v9, v14;
	v8 =	vmax.f32 v8, v14  }
0x396: {  	v35 =	vld [tilespmem:s12+$0x420];
	v9 =	vmin.f32 v9, v27;
	v8 =	vmax.f32 v8, v27  }
0x397: {  	s0 =	sor.u32 $0xC50, s13;
	v27 =	vld [tilespmem:s12+$0x460];
	v9 =	vmin.f32 v9, v25;
	v8 =	vmax.f32 v8, v25  }
0x398: {  	s1 =	sor.u32 $0xC10, s13;
	v25 =	vld [tilespmem:s0+$0x0];
	v9 =	vmin.f32 v9, v15;
	v8 =	vmax.f32 v8, v15  }
0x399: {  	v12 =	vmin.f32 v12, v30;
	v10 =	vmax.f32 v10, v30;
	s0 =	sor.u32 $0xC20, s13;
	v11 =	vmin.f32 v11, v26;
	v13 =	vld [tilespmem:s1+$0x0]  }
0x39a: {  	v12 =	vmin.f32 v12, v33;
	v10 =	vmax.f32 v10, v33;
	v11 =	vmin.f32 v11, v34;
	v30 =	vld [tilespmem:s0+$0x0];
	s0 =	sor.u32 $0xC60, s13  }
0x39b: {  	v12 =	vmin.f32 v12, v28;
	v10 =	vmax.f32 v10, v28;
	v11 =	vmin.f32 v11, v35;
	v28 =	vld [tilespmem:s0+$0x0]  }
0x39c: {  	v12 =	vmin.f32 v12, v32;
	v10 =	vmax.f32 v10, v32;
	v11 =	vmin.f32 v11, v27;
	v32 =	vld [tilespmem:s12+$0xA0]  }
0x39d: {  	v12 =	vmin.f32 v12, v31;
	v10 =	vmax.f32 v10, v31;
	v11 =	vmin.f32 v11, v23;
	v15 =	vld [tilespmem:s12+$0xE0]  }
0x39e: {  	v12 =	vmin.f32 v12, v29;
	v10 =	vmax.f32 v10, v29;
	v11 =	vmin.f32 v11, v20;
	v14 =	vld [tilespmem:s12+$0x4A0]  }
0x39f: {  	s0 =	sor.u32 $0xC50, s16;
	v12 =	vmin.f32 v12, v13;
	v10 =	vmax.f32 v10, v13;
	v11 =	vmin.f32 v11, v30;
	v13 =	vld [tilespmem:s12+$0x4E0]  }
0x3a0: {  	s1 =	sor.u32 $0xC10, s16;
	v12 =	vmin.f32 v12, v25;
	v10 =	vmax.f32 v10, v25;
	v11 =	vmin.f32 v11, v28;
	v25 =	vld [tilespmem:s0+$0x0]  }
0x3a1: {  	v12 =	vmin.f32 v12, v24;
	v10 =	vmax.f32 v10, v24;
	s0 =	sor.u32 $0xC20, s16;
	v11 =	vmin.f32 v11, v32;
	v24 =	vld [tilespmem:s1+$0x0]  }
0x3a2: {  	s4 =	sadd.s32 $0x2, s4;
	v12 =	vmin.f32 v12, v16;
	v10 =	vmax.f32 v10, v16;
	v11 =	vmin.f32 v11, v15;
	v16 =	vld [tilespmem:s0+$0x0];
	s0 =	sor.u32 $0xC60, s16  }
0x3a3: {  	p0 =	slt.u32 s4, $0x3E;
	v12 =	vmin.f32 v12, v17;
	v10 =	vmax.f32 v10, v17;
	v11 =	vmin.f32 v11, v14;
	v17 =	vld [tilespmem:s0+$0x0]  }
0x3a4: {  	v12 =	vmin.f32 v12, v22;
	v10 =	vmax.f32 v10, v22;
	v29 =	vld [tilespmem:s12+$0x30];
	v11 =	vmin.f32 v11, v13  }
0x3a5: {  	v12 =	vmin.f32 v12, v21;
	v10 =	vmax.f32 v10, v21;
	v22 =	vld [tilespmem:s12+$0x70];
	v11 =	vmin.f32 v11, v6  }
0x3a6: {  	v12 =	vmin.f32 v12, v5;
	v5 =	vmax.f32 v10, v5;
	v21 =	vld [tilespmem:s12+$0x430];
	v10 =	vmin.f32 v11, v4  }
0x3a7: {  	v11 =	vmin.f32 v12, v24;
	v5 =	vmax.f32 v5, v24;
	v31 =	vld [tilespmem:s12+$0x470];
	v24 =	vmin.f32 v10, v16  }
0x3a8: {  	v12 =	vmin.f32 v11, v25;
	v10 =	vmax.f32 v5, v25;
	v33 =	vld [tilespmem:s12+$0x830];
	v11 =	vmin.f32 v24, v17  }
0x3a9: {  	s0 =	sor.u32 $0xC30, s13;
	v5 =	vmax.f32 v7, v26;
	v7 =	vmin.f32 v18, v29;
	v18 =	vmax.f32 v19, v29;
	v19 =	vld [tilespmem:s12+$0x870]  }
0x3aa: {  	v5 =	vmax.f32 v5, v34;
	v7 =	vmin.f32 v7, v22;
	v18 =	vmax.f32 v18, v22;
	v22 =	vld [tilespmem:s0+$0x0];
	s0 =	sor.u32 $0xC70, s13  }
0x3ab: {  	v5 =	vmax.f32 v5, v35;
	v7 =	vmin.f32 v7, v21;
	v18 =	vmax.f32 v18, v21;
	v21 =	vld [tilespmem:s0+$0x0]  }
0x3ac: {  	v5 =	vmax.f32 v5, v27;
	v7 =	vmin.f32 v7, v31;
	v18 =	vmax.f32 v18, v31;
	v26 =	vld [tilespmem:s12+$0xB0]  }
.Ltmp6:
0x3ad: {  	v5 =	vmax.f32 v5, v23;
	v7 =	vmin.f32 v7, v33;
	v18 =	vmax.f32 v18, v33;
	v27 =	vld [tilespmem:s12+$0xF0];
	(pc) =	sbr.rel @p0 .LBB2_15-.Ltmp6, $4  }
0x3ae: {  	v5 =	vmax.f32 v5, v20;
	v7 =	vmin.f32 v7, v19;
	v18 =	vmax.f32 v18, v19;
	v24 =	vld [tilespmem:s12+$0x4B0]  }
0x3af: {  	v5 =	vmax.f32 v5, v30;
	v7 =	vmin.f32 v7, v22;
	v18 =	vmax.f32 v18, v22;
	v23 =	vld [tilespmem:s12+$0x4F0]  }
0x3b0: {  	v5 =	vmax.f32 v5, v28;
	v7 =	vmin.f32 v7, v21;
	v18 =	vmax.f32 v18, v21;
	v25 =	vld [tilespmem:s12+$0x8B0]  }
0x3b1: {  	s7 =	sadd.s32 $0x100, s7;
	s8 =	sadd.s32 $0x400, s8;
	s11 =	sor.u32 $0xC30, s16;
	v22 =	vmax.f32 v5, v32;
	v28 =	vmin.f32 v7, v26;
	v29 =	vmax.f32 v18, v26;
	v26 =	vld [tilespmem:s12+$0x8F0]  }
0x3b2: {  	v30 =	vld [tilespmem:s11+$0x0];
	s0 =	sor.u32 $0xC70, s16;
	s1 =	simm.s32 $0x2  }
0x3b3: {  	v31 =	vld [tilespmem:s0+$0x0];
	_ =	swait.ge [sflag:s1], $0x8000  }
0x3b4: {  	p0 =	seq.s32 s21, $0x3;
	s0 =	rddreg [dreg:$0x10]  }
0x3b5: {  	[sflag:s1] =	ssyncset.done $0x0;
	s0 =	sadd.s32 @!p0 s10, s0  }
0x3b6: {  	[sflag:s1] =	ssyncadd.s32 $0xFFFF8000;
	s0 =	sshrl.u32 @!p0 s0, $0x3  }
0x3b7: {  	s1 =	simm.s32 @!p0 $0x0;
	s10 =	simm.s32 $0x0;
	s0 =	sadd.s32 @!p0 s14, s0  }
0x3b8: {  	[tilespmem:s1], [sflag:$0x1] =	stream.linear.gather @!p0 [hbm4b:s0+s1], $0x8000, $0x38;
	[tilespmem:$0x1C480] =	vst v63  }
0x3b9: {  	s4 =	sand.u32 $0x300, s10;
	s1 =	sand.u32 $0x7000, s10  }
0x3ba: {  	s7 =	sor.u32 s4, s1  }
0x3bb: {  	v32 =	vld [tilespmem:s7+$0x88C0]  }
0x3bc: {  	v18 =	vld [tilespmem:s7+$0x88D0]  }
0x3bd: {  	v5 =	vld [tilespmem:s7+$0x88E0]  }
0x3be: {  	v33 =	vld [tilespmem:s7+$0x8880]  }
0x3bf: {  	v19 =	vld [tilespmem:s7+$0x8890]  }
0x3c0: {  	v7 =	vld [tilespmem:s7+$0x88A0]  }
0x3c1: {  	v34 =	vld [tilespmem:s7+$0x84C0]  }
0x3c2: {  	v20 =	vld [tilespmem:s7+$0x84D0]  }
0x3c3: {  	v35 =	vld [tilespmem:s7+$0x8480]  }
0x3c4: {  	v21 =	vld [tilespmem:s7+$0x8490]  }
0x3c5: {  	v36 =	vld [tilespmem:s7+$0x80C0]  }
0x3c6: {  	v15 =	vmax.f32 v22, v15;
	v22 =	vld [tilespmem:s7+$0x80D0]  }
0x3c7: {  	v28 =	vmin.f32 v28, v27;
	v45 =	vmax.f32 v29, v27;
	v14 =	vmax.f32 v15, v14;
	v46 =	vld [tilespmem:s7+$0x8080]  }
0x3c8: {  	v15 =	vmin.f32 v28, v24;
	v47 =	vmax.f32 v45, v24;
	v13 =	vmax.f32 v14, v13;
	v14 =	vld [tilespmem:s7+$0x8090]  }
0x3c9: {  	v15 =	vmin.f32 v15, v23;
	v23 =	vmax.f32 v47, v23;
	v6 =	vmax.f32 v13, v6;
	v13 =	vld [tilespmem:s7+$0x8840]  }
0x3ca: {  	v15 =	vmin.f32 v15, v25;
	v23 =	vmax.f32 v23, v25;
	v4 =	vmax.f32 v6, v4;
	v48 =	vld [tilespmem:s7+$0x8850]  }
0x3cb: {  	v6 =	vmin.f32 v15, v26;
	v15 =	vmax.f32 v23, v26;
	v4 =	vmax.f32 v4, v16;
	v16 =	vld [tilespmem:s7+$0x8000]  }
0x3cc: {  	v9 =	vmin.f32 v9, v12;
	v6 =	vmin.f32 v6, v30;
	v15 =	vmax.f32 v15, v30;
	v49 =	vld [tilespmem:s7+$0x8040]  }
0x3cd: {  	s5 =	sand.u32 $0x3, s10;
	v4 =	vmax.f32 v4, v17;
	v6 =	vmin.f32 v6, v31;
	v15 =	vmax.f32 v15, v31;
	v12 =	vld [tilespmem:s7+$0x8400]  }
0x3ce: {  	v8 =	vmax.f32 v8, v10;
	s0 =	sshll.u32 s5, $0x8;
	v6 =	vmin.f32 v11, v6;
	v4 =	vmax.f32 v4, v15;
	v10 =	vld [tilespmem:s7+$0x8440]  }
0x3cf: {  	s4 =	sadd.s32 $0x0, s0;
	v17 =	vmin.f32 v9, v6;
	v23 =	vmax.f32 v8, v4;
	v4 =	vld [tilespmem:s7+$0x8800]  }
0x3d0: {  	v15 =	vld [tilespmem:s7+$0x8860];
	s0 =	sor.u32 $0xC00, s4;
	v6 =	vmin.f32 v17, v16  }
0x3d1: {  	s8 =	sor.u32 $0xC40, s4;
	v9 =	vld [tilespmem:s0+$0x8000];
	v8 =	vmax.f32 v23, v16;
	v6 =	vmin.f32 v6, v49  }
0x3d2: {  	v11 =	vld [tilespmem:s8+$0x8000];
	v8 =	vmax.f32 v8, v49;
	v6 =	vmin.f32 v6, v12  }
0x3d3: {  	v50 =	vld [tilespmem:s7+$0x8820];
	v8 =	vmax.f32 v8, v12;
	v6 =	vmin.f32 v6, v10  }
0x3d4: {  	v51 =	vld [tilespmem:s7+$0x8020];
	v8 =	vmax.f32 v8, v10;
	v6 =	vmin.f32 v6, v4  }
0x3d5: {  	v52 =	vld [tilespmem:s7+$0x8060];
	v4 =	vmax.f32 v8, v4;
	v6 =	vmin.f32 v6, v13  }
0x3d6: {  	v53 =	vld [tilespmem:s7+$0x8420];
	v4 =	vmax.f32 v4, v13;
	v6 =	vmin.f32 v6, v9  }
0x3d7: {  	s16 =	sadd.s32 $0x80, s4;
	v54 =	vld [tilespmem:s7+$0x8460];
	s12 =	sor.u32 $0xC50, s4;
	v4 =	vmax.f32 v4, v9;
	v6 =	vmin.f32 v6, v11  }
0x3d8: {  	s9 =	sor.u32 $0xC00, s16;
	v55 =	vld [tilespmem:s12+$0x8000];
	v4 =	vmax.f32 v4, v11;
	v6 =	vmin.f32 v6, v46  }
0x3d9: {  	v13 =	vld [tilespmem:s9+$0x8000];
	v4 =	vmax.f32 v4, v46;
	v6 =	vmin.f32 v6, v36  }
0x3da: {  	s11 =	sor.u32 $0xC40, s16;
	v11 =	vld [tilespmem:s7+$0x8010];
	v4 =	vmax.f32 v4, v36;
	v6 =	vmin.f32 v6, v35  }
0x3db: {  	v16 =	vld [tilespmem:s11+$0x8000];
	v4 =	vmax.f32 v4, v35;
	v6 =	vmin.f32 v6, v34  }
0x3dc: {  	v9 =	vld [tilespmem:s7+$0x8050];
	v4 =	vmax.f32 v4, v34;
	v6 =	vmin.f32 v6, v33  }
0x3dd: {  	v12 =	vld [tilespmem:s7+$0x8410];
	v4 =	vmax.f32 v4, v33;
	v6 =	vmin.f32 v6, v32  }
0x3de: {  	v8 =	vld [tilespmem:s7+$0x8450];
	v4 =	vmax.f32 v4, v32;
	v6 =	vmin.f32 v6, v13  }
0x3df: {  	s13 =	sor.u32 $0xC10, s4;
	v10 =	vld [tilespmem:s7+$0x8810];
	v4 =	vmax.f32 v4, v13;
	v13 =	vmin.f32 v17, v11;
	v11 =	vmax.f32 v23, v11  }
0x3e0: {  	s18 =	sor.u32 $0xC20, s4;
	v56 =	vld [tilespmem:s13+$0x8000];
	v6 =	vmin.f32 v6, v16;
	v4 =	vmax.f32 v4, v16;
	v16 =	vmin.f32 v17, v51  }
0x3e1: {  	s19 =	sor.u32 $0xC60, s4;
	v57 =	vld [tilespmem:s18+$0x8000];
	v13 =	vmin.f32 v13, v9;
	v9 =	vmax.f32 v11, v9;
	v11 =	vmin.f32 v16, v52  }
0x3e2: {  	v58 =	vld [tilespmem:s19+$0x8000];
	v13 =	vmin.f32 v13, v12;
	v9 =	vmax.f32 v9, v12;
	v11 =	vmin.f32 v11, v53  }
0x3e3: {  	v59 =	vld [tilespmem:s7+$0x80A0];
	v12 =	vmin.f32 v13, v8;
	v8 =	vmax.f32 v9, v8;
	v9 =	vmin.f32 v11, v54  }
0x3e4: {  	v13 =	vld [tilespmem:s7+$0x80E0];
	v11 =	vmin.f32 v12, v10;
	v8 =	vmax.f32 v8, v10;
	v9 =	vmin.f32 v9, v50  }
0x3e5: {  	v12 =	vld [tilespmem:s7+$0x84A0];
	v10 =	vmin.f32 v11, v48;
	v8 =	vmax.f32 v8, v48;
	v9 =	vmin.f32 v9, v15  }
0x3e6: {  	s20 =	sor.u32 $0xC50, s16;
	v11 =	vld [tilespmem:s7+$0x84E0];
	v10 =	vmin.f32 v10, v56;
	v8 =	vmax.f32 v8, v56;
	v9 =	vmin.f32 v9, v57  }
0x3e7: {  	s22 =	sor.u32 $0xC10, s16;
	v60 =	vld [tilespmem:s20+$0x8000];
	v10 =	vmin.f32 v10, v55;
	v8 =	vmax.f32 v8, v55;
	v9 =	vmin.f32 v9, v58  }
0x3e8: {  	s23 =	sor.u32 $0xC20, s16;
	v61 =	vld [tilespmem:s22+$0x8000];
	v10 =	vmin.f32 v10, v14;
	v8 =	vmax.f32 v8, v14;
	v9 =	vmin.f32 v9, v59  }
0x3e9: {  	v14 =	vld [tilespmem:s23+$0x8000];
	v10 =	vmin.f32 v10, v22;
	v8 =	vmax.f32 v8, v22;
	v9 =	vmin.f32 v9, v13  }
0x3ea: {  	s25 =	sor.u32 $0xC60, s16;
	v10 =	vmin.f32 v10, v21;
	v8 =	vmax.f32 v8, v21;
	v21 =	vld [tilespmem:s7+$0x8030];
	v9 =	vmin.f32 v9, v12  }
0x3eb: {  	v16 =	vld [tilespmem:s25+$0x8000];
	v10 =	vmin.f32 v10, v20;
	v8 =	vmax.f32 v8, v20;
	v9 =	vmin.f32 v9, v11  }
0x3ec: {  	v20 =	vld [tilespmem:s7+$0x8070];
	v10 =	vmin.f32 v10, v19;
	v8 =	vmax.f32 v8, v19;
	v9 =	vmin.f32 v9, v7  }
0x3ed: {  	v19 =	vld [tilespmem:s7+$0x8430];
	v10 =	vmin.f32 v10, v18;
	v8 =	vmax.f32 v8, v18;
	v9 =	vmin.f32 v9, v5  }
0x3ee: {  	v18 =	vld [tilespmem:s7+$0x8470];
	v10 =	vmin.f32 v10, v61;
	v8 =	vmax.f32 v8, v61;
	v22 =	vmin.f32 v9, v14  }
0x3ef: {  	v62 =	vld [tilespmem:s7+$0x8830];
	v9 =	vmin.f32 v10, v60;
	v8 =	vmax.f32 v8, v60;
	v17 =	vmin.f32 v17, v21  }
0x3f0: {  	s30 =	sor.u32 $0xC30, s4;
	v21 =	vmax.f32 v23, v21;
	v10 =	vmin.f32 v22, v16;
	v22 =	vmax.f32 v23, v51;
	v23 =	vld [tilespmem:s7+$0x8870]  }
0x3f1: {  	s31 =	sor.u32 $0xC70, s4;
	v63 =	vld [tilespmem:s30+$0x8000];
	v17 =	vmin.f32 v17, v20;
	v20 =	vmax.f32 v21, v20;
	v22 =	vmax.f32 v22, v52  }
0x3f2: {  	v17 =	vmin.f32 v17, v19;
	v19 =	vmax.f32 v20, v19;
	v20 =	vld [tilespmem:s31+$0x8000];
	v21 =	vmax.f32 v22, v53  }
0x3f3: {  	v17 =	vmin.f32 v17, v18;
	v18 =	vmax.f32 v19, v18;
	v19 =	vld [tilespmem:s7+$0x80B0];
	v21 =	vmax.f32 v21, v54  }
0x3f4: {  	v17 =	vmin.f32 v17, v62;
	v18 =	vmax.f32 v18, v62;
	v22 =	vmax.f32 v21, v50;
	v21 =	vld [tilespmem:s7+$0x80F0]  }
0x3f5: {  	v15 =	vmax.f32 v22, v15;
	v22 =	vmin.f32 v17, v23;
	v18 =	vmax.f32 v18, v23;
	v17 =	vld [tilespmem:s7+$0x84B0]  }
0x3f6: {  	v23 =	vmax.f32 v15, v57;
	v22 =	vmin.f32 v22, v63;
	v18 =	vmax.f32 v18, v63;
	v15 =	vld [tilespmem:s7+$0x84F0]  }
0x3f7: {  	s4 =	simm.s32 $0x0;
	v23 =	vmax.f32 v23, v58;
	v22 =	vmin.f32 v22, v20;
	v24 =	vmax.f32 v18, v20;
	v18 =	vld [tilespmem:s7+$0x88B0]  }
0x3f8: {  	s8 =	simm.s32 $0x400;
	s9 =	sor.u32 $0xC30, s16;
	v20 =	vmax.f32 v23, v59;
	v22 =	vmin.f32 v22, v19;
	v23 =	vmax.f32 v24, v19;
	v19 =	vld [tilespmem:s7+$0x88F0];
	s7 =	simm.s32 $0x100  }
.LBB2_17:
0x3f9: {  	s0 =	sand.u32 $0x7000, s8;
	s1 =	sand.u32 $0x300, s7;
	v13 =	vmax.f32 v20, v13;
	v20 =	vmin.f32 v22, v21;
	v21 =	vmax.f32 v23, v21;
	v22 =	vld [tilespmem:s9+$0x8000];
	s5 =	sor.u32 $0xC70, s16  }
0x3fa: {  	s9 =	sor.u32 s1, s0;
	v12 =	vmax.f32 v13, v12;
	v13 =	vmin.f32 v20, v17;
	v17 =	vmax.f32 v21, v17;
	v20 =	vld [tilespmem:s5+$0x8000]  }
0x3fb: {  	v25 =	vld [tilespmem:s9+$0x88C0];
	v11 =	vmax.f32 v12, v11;
	v12 =	vmin.f32 v13, v15;
	v13 =	vmax.f32 v17, v15  }
0x3fc: {  	v15 =	vld [tilespmem:s9+$0x88D0];
	v7 =	vmax.f32 v11, v7;
	v11 =	vmin.f32 v12, v18;
	v12 =	vmax.f32 v13, v18  }
0x3fd: {  	v7 =	vmax.f32 v7, v5;
	v5 =	vld [tilespmem:s9+$0x88E0];
	v11 =	vmin.f32 v11, v19;
	v12 =	vmax.f32 v12, v19  }
0x3fe: {  	v13 =	vld [tilespmem:s9+$0x8880];
	v7 =	vmax.f32 v7, v14;
	v11 =	vmin.f32 v11, v22;
	v12 =	vmax.f32 v12, v22  }
0x3ff: {  	v21 =	vld [tilespmem:s9+$0x8890];
	v17 =	vmax.f32 v7, v16;
	v18 =	vmin.f32 v11, v20;
	v19 =	vmax.f32 v12, v20  }
0x400: {  	v7 =	vld [tilespmem:s9+$0x88A0]  }
0x401: {  	v11 =	vld [tilespmem:s9+$0x84C0]  }
0x402: {  	v22 =	vld [tilespmem:s9+$0x84D0]  }
0x403: {  	v12 =	vld [tilespmem:s9+$0x8480]  }
0x404: {  	v16 =	vld [tilespmem:s9+$0x8490]  }
0x405: {  	v26 =	vld [tilespmem:s9+$0x80C0]  }
0x406: {  	v14 =	vld [tilespmem:s9+$0x80D0]  }
0x407: {  	v27 =	vld [tilespmem:s9+$0x8080]  }
0x408: {  	v24 =	vld [tilespmem:s9+$0x8090]  }
0x409: {  	v28 =	vld [tilespmem:s9+$0x8840]  }
0x40a: {  	v29 =	vld [tilespmem:s9+$0x8850]  }
0x40b: {  	v20 =	vld [tilespmem:s9+$0x8000]  }
0x40c: {  	s10 =	sadd.s32 $0x1, s10;
	v23 =	vld [tilespmem:s9+$0x8040]  }
0x40d: {  	s0 =	sand.u32 $0x3, s10;
	v30 =	vld [tilespmem:s9+$0x8400]  }
0x40e: {  	s0 =	sshll.u32 s0, $0x8;
	v31 =	vld [tilespmem:s9+$0x8440]  }
0x40f: {  	s12 =	sadd.s32 s0, s8;
	v32 =	vld [tilespmem:s9+$0x8800]  }
0x410: {  	s0 =	sor.u32 $0xC00, s12;
	v6 =	vmin.f32 v6, v20;
	v4 =	vmax.f32 v4, v20;
	v20 =	vld [tilespmem:s9+$0x8860]  }
0x411: {  	v6 =	vmin.f32 v6, v23;
	v4 =	vmax.f32 v4, v23;
	v33 =	vld [tilespmem:s0+$0x8000];
	s0 =	sor.u32 $0xC40, s12  }
0x412: {  	v6 =	vmin.f32 v6, v30;
	v4 =	vmax.f32 v4, v30;
	v30 =	vld [tilespmem:s0+$0x8000]  }
0x413: {  	v6 =	vmin.f32 v6, v31;
	v4 =	vmax.f32 v4, v31;
	v31 =	vld [tilespmem:s9+$0x8810]  }
0x414: {  	v6 =	vmin.f32 v6, v32;
	v4 =	vmax.f32 v4, v32;
	v23 =	vld [tilespmem:s9+$0x8820]  }
0x415: {  	v32 =	vld [tilespmem:s9+$0x8450];
	v6 =	vmin.f32 v6, v28;
	v4 =	vmax.f32 v4, v28  }
0x416: {  	v28 =	vld [tilespmem:s9+$0x8410];
	v6 =	vmin.f32 v6, v33;
	v4 =	vmax.f32 v4, v33  }
0x417: {  	s16 =	sadd.s32 $0x80, s12;
	v33 =	vld [tilespmem:s9+$0x8050];
	v6 =	vmin.f32 v6, v30;
	v4 =	vmax.f32 v4, v30  }
0x418: {  	s0 =	sor.u32 $0xC00, s16;
	v30 =	vld [tilespmem:s9+$0x8010];
	v6 =	vmin.f32 v6, v27;
	v4 =	vmax.f32 v4, v27  }
0x419: {  	v6 =	vmin.f32 v6, v26;
	v4 =	vmax.f32 v4, v26;
	v26 =	vld [tilespmem:s0+$0x8000];
	s0 =	sor.u32 $0xC40, s16  }
0x41a: {  	v6 =	vmin.f32 v6, v12;
	v4 =	vmax.f32 v4, v12;
	v12 =	vld [tilespmem:s0+$0x8000]  }
0x41b: {  	v27 =	vld [tilespmem:s9+$0x8020];
	v6 =	vmin.f32 v6, v11;
	v4 =	vmax.f32 v4, v11  }
0x41c: {  	v34 =	vld [tilespmem:s9+$0x8060];
	v6 =	vmin.f32 v6, v13;
	v4 =	vmax.f32 v4, v13  }
0x41d: {  	v35 =	vld [tilespmem:s9+$0x8420];
	v6 =	vmin.f32 v6, v25;
	v4 =	vmax.f32 v4, v25  }
0x41e: {  	s0 =	sor.u32 $0xC50, s12;
	v25 =	vld [tilespmem:s9+$0x8460];
	v6 =	vmin.f32 v6, v26;
	v4 =	vmax.f32 v4, v26  }
0x41f: {  	s1 =	sor.u32 $0xC10, s12;
	v26 =	vld [tilespmem:s0+$0x8000];
	v6 =	vmin.f32 v6, v12;
	v4 =	vmax.f32 v4, v12  }
0x420: {  	v9 =	vmin.f32 v9, v30;
	v8 =	vmax.f32 v8, v30;
	s0 =	sor.u32 $0xC20, s12;
	v10 =	vmin.f32 v10, v27;
	v11 =	vld [tilespmem:s1+$0x8000]  }
0x421: {  	v9 =	vmin.f32 v9, v33;
	v8 =	vmax.f32 v8, v33;
	v10 =	vmin.f32 v10, v34;
	v30 =	vld [tilespmem:s0+$0x8000];
	s0 =	sor.u32 $0xC60, s12  }
0x422: {  	v9 =	vmin.f32 v9, v28;
	v8 =	vmax.f32 v8, v28;
	v10 =	vmin.f32 v10, v35;
	v28 =	vld [tilespmem:s0+$0x8000]  }
0x423: {  	v9 =	vmin.f32 v9, v32;
	v8 =	vmax.f32 v8, v32;
	v10 =	vmin.f32 v10, v25;
	v32 =	vld [tilespmem:s9+$0x80A0]  }
0x424: {  	v9 =	vmin.f32 v9, v31;
	v8 =	vmax.f32 v8, v31;
	v10 =	vmin.f32 v10, v23;
	v13 =	vld [tilespmem:s9+$0x80E0]  }
0x425: {  	v9 =	vmin.f32 v9, v29;
	v8 =	vmax.f32 v8, v29;
	v10 =	vmin.f32 v10, v20;
	v12 =	vld [tilespmem:s9+$0x84A0]  }
0x426: {  	s0 =	sor.u32 $0xC50, s16;
	v9 =	vmin.f32 v9, v11;
	v8 =	vmax.f32 v8, v11;
	v10 =	vmin.f32 v10, v30;
	v11 =	vld [tilespmem:s9+$0x84E0]  }
0x427: {  	s1 =	sor.u32 $0xC10, s16;
	v9 =	vmin.f32 v9, v26;
	v8 =	vmax.f32 v8, v26;
	v10 =	vmin.f32 v10, v28;
	v26 =	vld [tilespmem:s0+$0x8000]  }
0x428: {  	v9 =	vmin.f32 v9, v24;
	v8 =	vmax.f32 v8, v24;
	s0 =	sor.u32 $0xC20, s16;
	v10 =	vmin.f32 v10, v32;
	v24 =	vld [tilespmem:s1+$0x8000]  }
0x429: {  	s4 =	sadd.s32 $0x2, s4;
	v9 =	vmin.f32 v9, v14;
	v8 =	vmax.f32 v8, v14;
	v10 =	vmin.f32 v10, v13;
	v14 =	vld [tilespmem:s0+$0x8000];
	s0 =	sor.u32 $0xC60, s16  }
0x42a: {  	p0 =	slt.u32 s4, $0x3E;
	v9 =	vmin.f32 v9, v16;
	v8 =	vmax.f32 v8, v16;
	v10 =	vmin.f32 v10, v12;
	v16 =	vld [tilespmem:s0+$0x8000]  }
0x42b: {  	v9 =	vmin.f32 v9, v22;
	v8 =	vmax.f32 v8, v22;
	v29 =	vld [tilespmem:s9+$0x8030];
	v10 =	vmin.f32 v10, v11  }
0x42c: {  	v9 =	vmin.f32 v9, v21;
	v8 =	vmax.f32 v8, v21;
	v22 =	vld [tilespmem:s9+$0x8070];
	v10 =	vmin.f32 v10, v7  }
0x42d: {  	v9 =	vmin.f32 v9, v15;
	v8 =	vmax.f32 v8, v15;
	v21 =	vld [tilespmem:s9+$0x8430];
	v10 =	vmin.f32 v10, v5  }
0x42e: {  	v9 =	vmin.f32 v9, v24;
	v8 =	vmax.f32 v8, v24;
	v15 =	vld [tilespmem:s9+$0x8470];
	v10 =	vmin.f32 v10, v14  }
0x42f: {  	v9 =	vmin.f32 v9, v26;
	v8 =	vmax.f32 v8, v26;
	v24 =	vld [tilespmem:s9+$0x8830];
	v10 =	vmin.f32 v10, v16  }
0x430: {  	v17 =	vmax.f32 v17, v27;
	s0 =	sor.u32 $0xC30, s12;
	v18 =	vmin.f32 v18, v29;
	v19 =	vmax.f32 v19, v29;
	v26 =	vld [tilespmem:s9+$0x8870]  }
0x431: {  	v17 =	vmax.f32 v17, v34;
	v18 =	vmin.f32 v18, v22;
	v19 =	vmax.f32 v19, v22;
	v22 =	vld [tilespmem:s0+$0x8000];
	s0 =	sor.u32 $0xC70, s12  }
0x432: {  	v17 =	vmax.f32 v17, v35;
	v18 =	vmin.f32 v18, v21;
	v19 =	vmax.f32 v19, v21;
	v27 =	vld [tilespmem:s0+$0x8000]  }
0x433: {  	v17 =	vmax.f32 v17, v25;
	v18 =	vmin.f32 v18, v15;
	v15 =	vmax.f32 v19, v15;
	v19 =	vld [tilespmem:s9+$0x80B0]  }
.Ltmp7:
0x434: {  	v17 =	vmax.f32 v17, v23;
	v18 =	vmin.f32 v18, v24;
	v15 =	vmax.f32 v15, v24;
	v21 =	vld [tilespmem:s9+$0x80F0];
	(pc) =	sbr.rel @p0 .LBB2_17-.Ltmp7, $4  }
0x435: {  	v20 =	vmax.f32 v17, v20;
	v18 =	vmin.f32 v18, v26;
	v15 =	vmax.f32 v15, v26;
	v17 =	vld [tilespmem:s9+$0x84B0]  }
0x436: {  	v20 =	vmax.f32 v20, v30;
	v18 =	vmin.f32 v18, v22;
	v22 =	vmax.f32 v15, v22;
	v15 =	vld [tilespmem:s9+$0x84F0]  }
0x437: {  	v20 =	vmax.f32 v20, v28;
	v23 =	vmin.f32 v18, v27;
	v24 =	vmax.f32 v22, v27;
	v18 =	vld [tilespmem:s9+$0x88B0]  }
0x438: {  	s7 =	sadd.s32 $0x100, s7;
	s8 =	sadd.s32 $0x400, s8;
	v20 =	vmax.f32 v20, v32;
	v22 =	vmin.f32 v23, v19;
	v23 =	vmax.f32 v24, v19;
	v19 =	vld [tilespmem:s9+$0x88F0];
	s9 =	sor.u32 $0xC30, s16  }
0x439: {  	v13 =	vmax.f32 v20, v13  }
0x43a: {  	v53 =	vmin.f32 v22, v21;
	v54 =	vmax.f32 v23, v21;
	v55 =	vld [tilespmem:s9+$0x8000];
	s0 =	sor.u32 $0xC70, s16;
	v6 =	vmin.f32 v6, v9  }
0x43b: {  	v12 =	vmax.f32 v13, v12;
	v56 =	vmin.f32 v53, v17;
	v57 =	vmax.f32 v54, v17;
	v58 =	vld [tilespmem:s0+$0x8000]  }
0x43c: {  	s21 =	sadd.s32 $0x1, s21;
	v11 =	vmax.f32 v12, v11;
	v59 =	vmin.f32 v56, v15;
	v60 =	vmax.f32 v57, v15  }
0x43d: {  	p0 =	sne.s32 s21, $0x4;
	v7 =	vmax.f32 v11, v7;
	v61 =	vmin.f32 v59, v18;
	v62 =	vmax.f32 v60, v18  }
.Ltmp8:
0x43e: {  	v5 =	vmax.f32 v7, v5;
	v7 =	vmin.f32 v61, v19;
	v63 =	vmax.f32 v62, v19;
	(pc) =	sbr.rel @p0 .LBB2_14-.Ltmp8, $4  }
0x43f: {  	v5 =	vmax.f32 v5, v14;
	v7 =	vmin.f32 v7, v55;
	v11 =	vmax.f32 v63, v55  }
0x440: {  	v5 =	vmax.f32 v5, v16;
	v7 =	vmin.f32 v7, v58;
	v11 =	vmax.f32 v11, v58  }
0x441: {  	v4 =	vmax.f32 v4, v8;
	v7 =	vmin.f32 v10, v7;
	v5 =	vmax.f32 v5, v11  }
0x442: {  	v7 =	vmin.f32 v6, v7;
	v5 =	vmax.f32 v4, v5  }
0x443: {  	_ =	sdelay $0x2  }
0x444: {  	[tilespmem:$0x1C400] =	vst v7;
	s0 =	simm.s32 $0x1C400  }
0x445: {  	v4 =	vld.idx.msk [tilespmem:v0+s0+$0x0], $0xffff;
	_ =	sdelay $0x4  }
0x446: {  	v4 =	vmin.f32 v7, v4  }
0x447: {  	[tilespmem:$0x1C400] =	vst v4  }
0x448: {  	v6 =	vld.idx.msk [tilespmem:v1+s0+$0x0], $0xffff;
	_ =	sdelay $0x4  }
0x449: {  	v4 =	vmin.f32 v4, v6  }
0x44a: {  	[tilespmem:$0x1C400] =	vst v4  }
0x44b: {  	v6 =	vld.idx.msk [tilespmem:v2+s0+$0x0], $0xffff;
	_ =	sdelay $0x4  }
0x44c: {  	v4 =	vmin.f32 v4, v6  }
0x44d: {  	[tilespmem:$0x1C400] =	vst v4  }
0x44e: {  	v6 =	vld.idx.msk [tilespmem:v3+s0+$0x0], $0xffff;
	[tilespmem:$0x1C400] =	vst v5  }
0x44f: {  	v7 =	vld.idx.msk [tilespmem:v0+s0+$0x0], $0xffff;
	_ =	sdelay $0x4  }
0x450: {  	v5 =	vmax.f32 v5, v7  }
0x451: {  	[tilespmem:$0x1C400] =	vst v5  }
0x452: {  	v7 =	vld.idx.msk [tilespmem:v1+s0+$0x0], $0xffff;
	_ =	sdelay $0x4  }
0x453: {  	v5 =	vmax.f32 v5, v7  }
0x454: {  	[tilespmem:$0x1C400] =	vst v5  }
0x455: {  	v7 =	vld.idx.msk [tilespmem:v2+s0+$0x0], $0xffff;
	_ =	sdelay $0x4  }
0x456: {  	v5 =	vmax.f32 v5, v7  }
0x457: {  	[tilespmem:$0x1C400] =	vst v5  }
0x458: {  	v7 =	vld.idx.msk [tilespmem:v3+s0+$0x0], $0xffff;
	_ =	sdelay $0x4  }
0x459: {  	v6 =	vmin.f32 v4, v6;
	v4 =	vmax.f32 v5, v7  }
0x45a: {  	v4 =	vsub.f32 v4, v6;
	_ =	sdelay $0x1  }
0x45b: {  	v4 =	vmax.f32 v4, $9.999999740e-06  }
0x45c: {  	(erf) = vrcp.f32 v4;
	_ =	sdelay $0x8  }
0x45d: {  	v4 =	vpop (erf)  }
0x45e: {  	v4 =	vmul.f32 $2.550000000e+02, v4;
	_ =	sdelay $0x1  }
0x45f: {  	v5 =	vmul.f32 v4, v6  }
0x460: {  	s1 =	simm.s32 $0x0;
	s31 =	rddreg [dreg:$0xf];
	s3 =	simm.s32 $0x0  }
0x461: {  	[tilespmem:s1], [sflag:$0x1] =	stream.linear.gather [hbm4b:s31+s1], $0x8000, $0x38;
	v5 =	vsub.f32 $0.0e+00, v5;
	[tilespmem:$0x1C480] =	vst v63  }
.LBB2_20:
0x462: {  	s1 =	sshll.u32 s3, $0x10;
	s0 =	rddreg [dreg:$0xe]  }
0x463: {  	[dreg:$0x17] =	wrdreg s1;
	s0 =	sor.u32 s1, s0  }
0x464: {  	_ =	swait.ge [sflag:s15], $0x8000;
	s0 =	sshrl.u32 s0, $0x3  }
0x465: {  	s12 =	simm.s32 $0x0;
	[sflag:s15] =	ssyncset.done $0x0;
	s0 =	sadd.s32 s0, s14  }
0x466: {  	p0 =	seq.s32 s3, $0x0;
	[sflag:s15] =	ssyncadd.s32 $0xFFFF8000;
	s0 =	sadd.s32 $0x1000, s0  }
0x467: {  	[tilespmem:s17], [sflag:$0x2] =	stream.linear.gather [hbm4b:s0+s12], $0x8000, $0x38;
	[tilespmem:$0x1C480] =	vst v63  }
0x468: {  	s0 =	simm.s32 @!p0 $0x3  }
0x469: {  	_ =	swait.ge @!p0 [sflag:s0], $0x2000  }
0x46a: {  	[sflag:s0] =	ssyncset.done @!p0 $0x0  }
0x46b: {  	[sflag:s0] =	ssyncadd.s32 @!p0 $0xFFFFE000  }
0x46c: {  	s13 =	simm.s32 $0x0;
	s5 =	simm.s32 $0x0;
	_ =	swait.ge @!p0 [sflag:s0], $0x2000  }
0x46d: {  	s1 =	sand.u32 $0x7000, s13;
	s12 =	simm.s32 $0x0;
	[sflag:s0] =	ssyncset.done @!p0 $0x0  }
0x46e: {  	s16 =	sand.u32 $0x40, s5;
	s4 =	sand.u32 $0x200, s12;
	[sflag:s0] =	ssyncadd.s32 @!p0 $0xFFFFE000  }
0x46f: {  	s9 =	sand.u32 $0xC00, s5;
	s1 =	sor.u32 s4, s1;
	_ =	swait.ge @!p0 [sflag:s0], $0x2000  }
0x470: {  	s7 =	sor.u32 $0x30, s16;
	s1 =	sor.u32 s9, s1;
	[sflag:s0] =	ssyncset.done @!p0 $0x0  }
0x471: {  	s14 =	sor.u32 $0x100, s1;
	s15 =	sor.u32 s7, s1;
	[sflag:s0] =	ssyncadd.s32 @!p0 $0xFFFFE000  }
0x472: {  	s17 =	sor.u32 $0x180, s1;
	s18 =	sor.u32 s7, s14;
	v6 =	vld [tilespmem:s15+$0x0]  }
0x473: {  	s8 =	sor.u32 $0x80, s1;
	s19 =	sor.u32 s7, s17;
	v7 =	vld [tilespmem:s18+$0x0]  }
0x474: {  	s10 =	sor.u32 s7, s8;
	v8 =	vld [tilespmem:s19+$0x0]  }
0x475: {  	s20 =	sor.u32 s16, s8;
	v9 =	vld [tilespmem:s10+$0x0]  }
0x476: {  	s21 =	sor.u32 s16, s14;
	v10 =	vld [tilespmem:s20+$0x0]  }
0x477: {  	s25 =	sor.u32 $0x10, s16;
	s22 =	sor.u32 s16, s17;
	v11 =	vld [tilespmem:s21+$0x0]  }
0x478: {  	s23 =	sor.u32 s25, s8;
	v12 =	vld [tilespmem:s22+$0x0]  }
0x479: {  	s11 =	sor.u32 s25, s14;
	v13 =	vld [tilespmem:s23+$0x0]  }
0x47a: {  	s4 =	sor.u32 $0x20, s16;
	s30 =	sor.u32 s25, s17;
	v14 =	vld [tilespmem:s11+$0x0]  }
0x47b: {  	s31 =	sor.u32 s16, s1;
	s8 =	sor.u32 s4, s8;
	v15 =	vld [tilespmem:s30+$0x0]  }
0x47c: {  	s13 =	sor.u32 s25, s1;
	s5 =	sor.u32 s4, s17;
	s0 =	sor.u32 s4, s14;
	v16 =	vld [tilespmem:s8+$0x0]  }
0x47d: {  	v18 =	vld [tilespmem:s0+$0x0];
	s15 =	simm.s32 $0x40;
	s10 =	simm.s32 $0x100;
	s23 =	simm.s32 $0x200  }
0x47e: {  	v19 =	vld [tilespmem:s5+$0x0];
	s0 =	sand.u32 $0x7000, s10;
	s14 =	sand.u32 $0x200, s15;
	s10 =	simm.s32 $0x40  }
0x47f: {  	v20 =	vld [tilespmem:s31+$0x0];
	s17 =	sand.u32 $0xC00, s23;
	s8 =	sand.u32 $0x40, s10;
	s0 =	sor.u32 s14, s0;
	v6 =	vmul.f32 v6, v4  }
0x480: {  	s1 =	sor.u32 s4, s1;
	v21 =	vld [tilespmem:s13+$0x0];
	s19 =	sor.u32 s17, s0;
	s14 =	sor.u32 $0x30, s8;
	v7 =	vmul.f32 v7, v4;
	v8 =	vmul.f32 v8, v4  }
0x481: {  	v22 =	vld [tilespmem:s1+$0x0];
	s0 =	sor.u32 $0x100, s19;
	s18 =	sor.u32 s14, s19;
	v9 =	vmul.f32 v9, v4;
	v10 =	vmul.f32 v10, v4  }
0x482: {  	s11 =	sor.u32 $0x180, s19;
	v23 =	vld [tilespmem:s18+$0x0];
	s20 =	sor.u32 s14, s0;
	v11 =	vmul.f32 v11, v4;
	v12 =	vmul.f32 v12, v4  }
0x483: {  	s5 =	sor.u32 $0x80, s19;
	s21 =	sor.u32 s14, s11;
	v13 =	vmul.f32 v13, v4;
	v14 =	vmul.f32 v14, v4;
	v24 =	vld [tilespmem:s20+$0x0]  }
0x484: {  	s13 =	sor.u32 $0x10, s8;
	s22 =	sor.u32 s14, s5;
	v15 =	vmul.f32 v15, v4;
	v16 =	vmul.f32 v16, v4;
	v25 =	vld [tilespmem:s21+$0x0]  }
0x485: {  	v18 =	vmul.f32 v18, v4;
	v19 =	vmul.f32 v19, v4;
	v26 =	vld [tilespmem:s22+$0x0];
	s20 =	sor.u32 s13, s5;
	v6 =	vadd.f32 v6, v5  }
0x486: {  	v20 =	vmul.f32 v20, v4;
	s21 =	sor.u32 s13, s0;
	v7 =	vadd.f32 v7, v5;
	v8 =	vadd.f32 v8, v5;
	v17 =	vld [tilespmem:s20+$0x0]  }
0x487: {  	v21 =	vmul.f32 v21, v4;
	s22 =	sor.u32 s13, s11;
	v9 =	vadd.f32 v9, v5;
	v10 =	vadd.f32 v10, v5;
	v30 =	vld [tilespmem:s21+$0x0]  }
0x488: {  	s31 =	sor.u32 s8, s11;
	v22 =	vmul.f32 v22, v4;
	v11 =	vadd.f32 v11, v5;
	v31 =	vld [tilespmem:s22+$0x0];
	v12 =	vadd.f32 v12, v5  }
0x489: {  	s18 =	sor.u32 s8, s0;
	v13 =	vadd.f32 v13, v5;
	v7 =	vtrunc.f32 v7;
	v29 =	vtrunc.f32 v9;
	v9 =	vld [tilespmem:s31+$0x0]  }
0x48a: {  	s30 =	sor.u32 s8, s5;
	v14 =	vadd.f32 v14, v5;
	v6 =	vtrunc.f32 v6;
	v28 =	vcvt.f32.s32 v7;
	v7 =	vld [tilespmem:s18+$0x0];
	s18 =	sor.u32 $0x20, s8  }
0x48b: {  	v15 =	vadd.f32 v15, v5;
	v8 =	vtrunc.f32 v8;
	v27 =	vcvt.f32.s32 v6;
	v6 =	vld [tilespmem:s30+$0x0];
	s30 =	sor.u32 s18, s5  }
0x48c: {  	v16 =	vadd.f32 v16, v5;
	v10 =	vtrunc.f32 v10;
	v11 =	vtrunc.f32 v11;
	s0 =	sor.u32 s18, s0;
	v32 =	vld [tilespmem:s30+$0x0]  }
0x48d: {  	v18 =	vadd.f32 v18, v5;
	v12 =	vtrunc.f32 v12;
	v8 =	vcvt.f32.s32 v8;
	s31 =	sor.u32 s18, s11;
	v33 =	vld [tilespmem:s0+$0x0]  }
0x48e: {  	v19 =	vadd.f32 v19, v5;
	v13 =	vtrunc.f32 v13;
	v29 =	vcvt.f32.s32 v29;
	s5 =	sor.u32 s13, s19;
	v53 =	vld [tilespmem:s31+$0x0]  }
0x48f: {  	v21 =	vadd.f32 v21, v5;
	v14 =	vtrunc.f32 v14;
	v15 =	vtrunc.f32 v15;
	s11 =	sor.u32 s18, s19;
	v54 =	vld [tilespmem:s5+$0x0]  }
0x490: {  	v22 =	vadd.f32 v22, v5;
	v16 =	vtrunc.f32 v16;
	v18 =	vtrunc.f32 v18;
	v44 =	vld [tilespmem:s11+$0x0]  }
0x491: {  	v19 =	vtrunc.f32 v19;
	v21 =	vtrunc.f32 v21;
	v34 =	vld.idx.msk [tilespmem:v27+s28+$0x0], $0xffff  }
0x492: {  	v22 =	vtrunc.f32 v22;
	v11 =	vcvt.f32.s32 v11;
	v35 =	vld.idx.msk [tilespmem:v28+s28+$0x0], $0xffff  }
0x493: {  	v38 =	vcvt.f32.s32 v12;
	v14 =	vcvt.f32.s32 v14;
	v36 =	vld.idx.msk [tilespmem:v8+s29+$0x0], $0xffff  }
0x494: {  	v15 =	vcvt.f32.s32 v15;
	v62 =	vcvt.f32.s32 v10;
	v37 =	vld.idx.msk [tilespmem:v29+s29+$0x0], $0xffff  }
0x495: {  	v12 =	vadd.f32 v20, v5;
	v63 =	vcvt.f32.s32 v13;
	v16 =	vcvt.f32.s32 v16;
	v20 =	vld.idx.msk [tilespmem:v27+s24+$0x0], $0xffff  }
0x496: {  	v18 =	vcvt.f32.s32 v18;
	v19 =	vcvt.f32.s32 v19;
	v27 =	vld.idx.msk [tilespmem:v29+s26+$0x0], $0xffff  }
0x497: {  	v10 =	vcvt.f32.s32 v21;
	v23 =	vmul.f32 v23, v4;
	v28 =	vld.idx.msk [tilespmem:v28+s24+$0x0], $0xffff  }
0x498: {  	v24 =	vmul.f32 v24, v4;
	v17 =	vmul.f32 v17, v4;
	v29 =	vld.idx.msk [tilespmem:v8+s26+$0x0], $0xffff  }
0x499: {  	v12 =	vtrunc.f32 v12;
	v9 =	vmul.f32 v9, v4;
	v61 =	vld.idx.msk [tilespmem:v11+s24+$0x0], $0xffff  }
0x49a: {  	v12 =	vcvt.f32.s32 v12;
	v17 =	vadd.f32 v17, v5;
	v6 =	vmul.f32 v6, v4;
	v39 =	vld.idx.msk [tilespmem:v38+s26+$0x0], $0xffff  }
0x49b: {  	v7 =	vmul.f32 v7, v4;
	v40 =	vld.idx.msk [tilespmem:v11+s28+$0x0], $0xffff;
	v11 =	vcvt.f32.s32 v22;
	v9 =	vadd.f32 v9, v5  }
0x49c: {  	v51 =	vld.idx.msk [tilespmem:v38+s29+$0x0], $0xffff;
	v17 =	vtrunc.f32 v17;
	v6 =	vadd.f32 v6, v5;
	v32 =	vmul.f32 v32, v4  }
0x49d: {  	v52 =	vld.idx.msk [tilespmem:v15+s29+$0x0], $0xffff;
	v7 =	vadd.f32 v7, v5;
	v33 =	vmul.f32 v33, v4;
	v44 =	vmul.f32 v44, v4  }
0x49e: {  	v24 =	vadd.f32 v24, v5;
	v41 =	vld.idx.msk [tilespmem:v62+s26+$0x0], $0xffff;
	v47 =	vtrunc.f32 v9;
	v6 =	vtrunc.f32 v6  }
0x49f: {  	v45 =	vld.idx.msk [tilespmem:v63+s26+$0x0], $0xffff;
	v32 =	vadd.f32 v32, v5;
	v7 =	vtrunc.f32 v7;
	v47 =	vcvt.f32.s32 v47  }
0x4a0: {  	v13 =	vor.u32 v20, v27;
	v21 =	vor.u32 v28, v29;
	v27 =	vld.idx.msk [tilespmem:v15+s26+$0x0], $0xffff;
	v15 =	vadd.f32 v23, v5  }
0x4a1: {  	v20 =	vld.idx.msk [tilespmem:v14+s24+$0x0], $0xffff;
	v23 =	vmul.f32 v25, v4;
	v25 =	vmul.f32 v26, v4;
	v22 =	vand.u32 $0xFFFF, v13  }
0x4a2: {  	v29 =	vld.idx.msk [tilespmem:v14+s28+$0x0], $0xffff;
	v28 =	vshll.u32 v21, $0x10;
	v13 =	vshrl.u32 v13, $0x10;
	v21 =	vand.u32 $0xFFFF0000, v21  }
0x4a3: {  	v14 =	vor.u32 v22, v28;
	v22 =	vld.idx.msk [tilespmem:v18+s24+$0x0], $0xffff;
	v13 =	vor.u32 v13, v21;
	v15 =	vtrunc.f32 v15  }
0x4a4: {  	v21 =	vld.idx.msk [tilespmem:v19+s26+$0x0], $0xffff;
	v23 =	vadd.f32 v23, v5;
	v26 =	vcvt.f32.s32 v15;
	v15 =	vtrunc.f32 v24  }
0x4a5: {  	v8 =	vor.u32 v35, v36;
	v18 =	vld.idx.msk [tilespmem:v18+s28+$0x0], $0xffff;
	v25 =	vadd.f32 v25, v5;
	v28 =	vcvt.f32.s32 v15  }
0x4a6: {  	v34 =	vor.u32 v34, v37;
	v8 =	vshll.u32 v8, $0x10;
	v19 =	vld.idx.msk [tilespmem:v19+s29+$0x0], $0xffff;
	v23 =	vtrunc.f32 v23  }
0x4a7: {  	v46 =	vld.idx.msk [tilespmem:v16+s26+$0x0], $0xffff;
	v8 =	vor.u32 v8, v34;
	v25 =	vtrunc.f32 v25;
	v23 =	vcvt.f32.s32 v23  }
0x4a8: {  	s1 =	sor.u32 s8, s19;
	v36 =	vld.idx.msk [tilespmem:v62+s29+$0x0], $0xffff;
	v34 =	vor.u32 v40, v51;
	v20 =	vor.u32 v20, v27;
	v25 =	vcvt.f32.s32 v25  }
0x4a9: {  	v27 =	vld [tilespmem:s1+$0x0];
	v40 =	vshll.u32 v20, $0x10;
	v42 =	vand.u32 $0xFFFF0000, v20;
	v20 =	vor.u32 v29, v52  }
0x4aa: {  	v50 =	vcvt.f32.s32 v7;
	v21 =	vor.u32 v22, v21;
	v22 =	vshll.u32 v20, $0x10;
	v20 =	vld.idx.msk [tilespmem:v26+s28+$0x0], $0xffff  }
0x4ab: {  	v7 =	vcvt.f32.s32 v17;
	v35 =	vmul.f32 v53, v4;
	v18 =	vor.u32 v18, v19;
	v19 =	vld.idx.msk [tilespmem:v28+s28+$0x0], $0xffff  }
0x4ac: {  	v33 =	vadd.f32 v33, v5;
	v32 =	vtrunc.f32 v32;
	v29 =	vmul.f32 v30, v4;
	v28 =	vld.idx.msk [tilespmem:v28+s24+$0x0], $0xffff  }
0x4ad: {  	v30 =	vmul.f32 v31, v4;
	v38 =	vshll.u32 v21, $0x10;
	v43 =	vand.u32 $0xFFFF0000, v21;
	v21 =	vld.idx.msk [tilespmem:v23+s29+$0x0], $0xffff  }
0x4ae: {  	v33 =	vtrunc.f32 v33;
	v35 =	vadd.f32 v35, v5;
	v24 =	vor.u32 v61, v39;
	v31 =	vld.idx.msk [tilespmem:v25+s29+$0x0], $0xffff  }
0x4af: {  	v29 =	vadd.f32 v29, v5;
	v30 =	vadd.f32 v30, v5;
	v27 =	vmul.f32 v27, v4;
	v55 =	vld.idx.msk [tilespmem:v25+s26+$0x0], $0xffff  }
0x4b0: {  	v34 =	vshll.u32 v34, $0x10;
	v39 =	vmul.f32 v54, v4;
	v15 =	vshll.u32 v24, $0x10;
	v23 =	vld.idx.msk [tilespmem:v23+s26+$0x0], $0xffff  }
0x4b1: {  	v9 =	vadd.f32 v27, v5;
	v27 =	vtrunc.f32 v29;
	v29 =	vtrunc.f32 v30;
	v30 =	vld.idx.msk [tilespmem:v26+s24+$0x0], $0xffff  }
0x4b2: {  	s19 =	simm.s32 $0x0;
	v24 =	vand.u32 $0xFFFF0000, v24;
	v25 =	vadd.f32 v44, v5;
	v57 =	vcvt.f32.s32 v27;
	v27 =	vld.idx.msk [tilespmem:v12+s28+$0x0], $0xffff  }
0x4b3: {  	s20 =	sand.u32 $0x1000, s12;
	s0 =	sand.u32 $0x380, s19;
	v35 =	vtrunc.f32 v35;
	v48 =	vshll.u32 v18, $0x10;
	v19 =	vor.u32 v19, v21;
	v21 =	vld.idx.msk [tilespmem:v12+s24+$0x0], $0xffff  }
0x4b4: {  	s0 =	sor.u32 s20, s0;
	v26 =	vadd.f32 v39, v5;
	v49 =	vtrunc.f32 v25;
	v20 =	vor.u32 v20, v31;
	v31 =	vld.idx.msk [tilespmem:v10+s24+$0x0], $0xffff  }
0x4b5: {  	s0 =	sor.u32 s9, s0;
	v58 =	vld.idx.msk [tilespmem:v10+s28+$0x0], $0xffff;
	v25 =	vcvt.f32.s32 v33;
	v56 =	vtrunc.f32 v9;
	v19 =	vshll.u32 v19, $0x10  }
0x4b6: {  	s22 =	sor.u32 s7, s0;
	v18 =	vtrunc.f32 v26;
	v9 =	vcvt.f32.s32 v6;
	v19 =	vor.u32 v19, v20;
	v20 =	vld.idx.msk [tilespmem:v11+s24+$0x0], $0xffff  }
0x4b7: {  	v37 =	vld.idx.msk [tilespmem:v63+s29+$0x0], $0xffff;
	[tilespmem:s22+$0x14000] =	vst v8;
	v26 =	vcvt.f32.s32 v29;
	v6 =	vcvt.f32.s32 v32;
	v23 =	vor.u32 v28, v23  }
0x4b8: {  	[tilespmem:s22+$0x12000] =	vst v13;
	v62 =	vld.idx.msk [tilespmem:v47+s26+$0x0], $0xffff;
	v8 =	vcvt.f32.s32 v18;
	v51 =	vshll.u32 v23, $0x10;
	v13 =	vor.u32 v27, v36  }
0x4b9: {  	v59 =	vld.idx.msk [tilespmem:v50+s24+$0x0], $0xffff;
	v32 =	vor.u32 v34, v13;
	v41 =	vor.u32 v21, v41;
	v17 =	vor.u32 v31, v45  }
0x4ba: {  	s21 =	simm.s32 $0x10;
	v28 =	vld.idx.msk [tilespmem:v47+s29+$0x0], $0xffff;
	v21 =	vcvt.f32.s32 v35;
	v29 =	vand.u32 $0xFFFF, v41;
	v18 =	vshrl.u32 v41, $0x10  }
0x4bb: {  	s30 =	sand.u32 $0x1000, s15;
	[tilespmem:s22+$0x10000] =	vst v14;
	s1 =	sand.u32 $0x380, s21;
	v31 =	vld.idx.msk [tilespmem:v16+s29+$0x0], $0xffff;
	v14 =	vand.u32 $0xFFFF, v17;
	v17 =	vshrl.u32 v17, $0x10;
	v16 =	vor.u32 v20, v46  }
0x4bc: {  	s1 =	sor.u32 s30, s1;
	v11 =	vld.idx.msk [tilespmem:v11+s28+$0x0], $0xffff;
	v20 =	vor.u32 v30, v55;
	v15 =	vor.u32 v29, v15;
	v63 =	vor.u32 v18, v24  }
0x4bd: {  	s1 =	sor.u32 s17, s1;
	v13 =	vld.idx.msk [tilespmem:v7+s26+$0x0], $0xffff;
	v18 =	vor.u32 v58, v37;
	v30 =	vor.u32 v17, v42;
	v39 =	vand.u32 $0xFFFF, v20  }
0x4be: {  	s14 =	sor.u32 s14, s1;
	v12 =	vld.idx.msk [tilespmem:v9+s26+$0x0], $0xffff;
	v60 =	vand.u32 $0xFFFF, v16;
	v61 =	vshrl.u32 v16, $0x10;
	v52 =	vshrl.u32 v20, $0x10  }
0x4bf: {  	s31 =	sshll.u32 s3, $0x1;
	[tilespmem:s14+$0x14000] =	vst v19;
	v20 =	vld.idx.msk [tilespmem:v50+s28+$0x0], $0xffff;
	v16 =	vor.u32 v14, v40;
	v29 =	vor.u32 v22, v18;
	v14 =	vand.u32 $0xFFFF0000, v23  }
0x4c0: {  	s7 =	sor.u32 s16, s0;
	v17 =	vld.idx.msk [tilespmem:v57+s24+$0x0], $0xffff;
	[dreg:$0x1b] =	wrdreg s31;
	v18 =	vor.u32 v60, v38;
	v27 =	vor.u32 v61, v43;
	v23 =	vor.u32 v39, v51  }
0x4c1: {  	s12 =	sor.u32 s25, s0;
	s9 =	sor.u32 s4, s0;
	s4 =	simm.s32 $0x4;
	v10 =	vcvt.f32.s32 v56;
	[tilespmem:s7+$0x10000] =	vst v15;
	v22 =	vor.u32 v52, v14;
	v24 =	vld.idx.msk [tilespmem:v57+s28+$0x0], $0xffff;
	v11 =	vor.u32 v11, v31  }
0x4c2: {  	s11 =	sor.u32 s8, s1;
	s13 =	sor.u32 s13, s1;
	s8 =	sor.u32 s18, s1;
	v15 =	vor.u32 v59, v62;
	[tilespmem:s7+$0x12000] =	vst v63;
	v31 =	vld.idx.msk [tilespmem:v26+s26+$0x0], $0xffff;
	v19 =	vor.u32 v48, v11;
	v11 =	vcvt.f32.s32 v49  }
.LBB2_21:
0x4c3: {  	s4 =	sadd.s32 $0x4, s4;
	v14 =	vshll.u32 v15, $0x10;
	v15 =	vand.u32 $0xFFFF0000, v15;
	v26 =	vld.idx.msk [tilespmem:v26+s29+$0x0], $0xffff;
	[tilespmem:s7+$0x14000] =	vst v32;
	s7 =	smov.u32 s11  }
0x4c4: {  	v28 =	vor.u32 v20, v28;
	s23 =	sadd.s32 $0x200, s23;
	s18 =	sshll.u32 s4, $0x4;
	s0 =	sshll.u32 s4, $0x6;
	v20 =	vld.idx.msk [tilespmem:v6+s26+$0x0], $0xffff;
	[tilespmem:s12+$0x10000] =	vst v16  }
0x4c5: {  	s10 =	sadd.s32 $0x40, s10;
	v16 =	vshll.u32 v28, $0x10;
	s0 =	sand.u32 $0x7000, s0;
	s1 =	sand.u32 $0x200, s18;
	v28 =	vld.idx.msk [tilespmem:v25+s24+$0x0], $0xffff;
	[tilespmem:s12+$0x12000] =	vst v30  }
0x4c6: {  	s15 =	sand.u32 $0x40, s10;
	s11 =	sand.u32 $0xC00, s23;
	s0 =	sor.u32 s1, s0;
	v30 =	vld.idx.msk [tilespmem:v21+s26+$0x0], $0xffff;
	[tilespmem:s12+$0x14000] =	vst v29  }
0x4c7: {  	s25 =	sor.u32 $0x10, s15;
	s17 =	sor.u32 $0x30, s15;
	v17 =	vor.u32 v17, v31;
	s0 =	sor.u32 s11, s0;
	v25 =	vld.idx.msk [tilespmem:v25+s28+$0x0], $0xffff;
	[tilespmem:s9+$0x10000] =	vst v18  }
0x4c8: {  	s19 =	sor.u32 $0x20, s15;
	v18 =	vshll.u32 v17, $0x10;
	v17 =	vand.u32 $0xFFFF0000, v17;
	s1 =	sor.u32 $0x100, s0;
	s5 =	sor.u32 s17, s0;
	v21 =	vld.idx.msk [tilespmem:v21+s29+$0x0], $0xffff;
	[tilespmem:s9+$0x12000] =	vst v27  }
0x4c9: {  	s20 =	sor.u32 $0x180, s0;
	v24 =	vor.u32 v24, v26;
	s12 =	sor.u32 s15, s1;
	v27 =	vld [tilespmem:s5+$0x0];
	s5 =	sor.u32 s17, s1;
	[tilespmem:s9+$0x14000] =	vst v19  }
0x4ca: {  	s9 =	sor.u32 $0x80, s0;
	s30 =	sor.u32 s15, s20;
	v19 =	vshll.u32 v24, $0x10;
	v26 =	vld [tilespmem:s5+$0x0];
	s5 =	sor.u32 s17, s20;
	[tilespmem:s14+$0x10000] =	vst v23  }
0x4cb: {  	s31 =	sor.u32 s15, s9;
	s21 =	sor.u32 s25, s9;
	s22 =	sor.u32 s17, s9;
	v29 =	vld [tilespmem:s5+$0x0];
	[tilespmem:s14+$0x12000] =	vst v22  }
0x4cc: {  	s16 =	sor.u32 s19, s9;
	s5 =	sor.u32 s25, s1;
	s14 =	sor.u32 s25, s20;
	v23 =	vor.u32 v28, v30;
	v31 =	vld [tilespmem:s22+$0x0]  }
0x4cd: {  	s1 =	sor.u32 s19, s1;
	s20 =	sor.u32 s19, s20;
	s22 =	sor.u32 s15, s0;
	v22 =	vshll.u32 v23, $0x10;
	v23 =	vand.u32 $0xFFFF0000, v23;
	v28 =	vld [tilespmem:s31+$0x0]  }
0x4ce: {  	p1 =	slt.u32 s4, $0x1FC;
	s31 =	sor.u32 s25, s0;
	s0 =	sor.u32 s19, s0;
	v21 =	vor.u32 v25, v21;
	v30 =	vld [tilespmem:s12+$0x0];
	v27 =	vmul.f32 v27, v4  }
0x4cf: {  	s9 =	smov.u32 s8;
	v24 =	vshll.u32 v21, $0x10;
	s12 =	smov.u32 s13;
	v25 =	vld [tilespmem:s30+$0x0];
	v26 =	vmul.f32 v26, v4  }
0x4d0: {  	v21 =	vld [tilespmem:s21+$0x0];
	v27 =	vadd.f32 v27, v5;
	v29 =	vmul.f32 v29, v4  }
0x4d1: {  	v32 =	vld [tilespmem:s5+$0x0];
	v31 =	vmul.f32 v31, v4;
	v26 =	vadd.f32 v26, v5  }
0x4d2: {  	v28 =	vmul.f32 v28, v4;
	v33 =	vld [tilespmem:s14+$0x0];
	v27 =	vtrunc.f32 v27;
	v29 =	vadd.f32 v29, v5  }
0x4d3: {  	v34 =	vld [tilespmem:s16+$0x0];
	v27 =	vcvt.f32.s32 v27;
	v31 =	vadd.f32 v31, v5;
	v26 =	vtrunc.f32 v26  }
0x4d4: {  	v28 =	vadd.f32 v28, v5;
	v35 =	vld [tilespmem:s1+$0x0];
	v26 =	vcvt.f32.s32 v26;
	v29 =	vtrunc.f32 v29  }
0x4d5: {  	v36 =	vld [tilespmem:s20+$0x0];
	v31 =	vtrunc.f32 v31;
	v29 =	vcvt.f32.s32 v29  }
0x4d6: {  	v30 =	vmul.f32 v30, v4;
	v37 =	vld [tilespmem:s22+$0x0];
	v31 =	vcvt.f32.s32 v31  }
0x4d7: {  	v25 =	vmul.f32 v25, v4;
	v21 =	vmul.f32 v21, v4;
	v38 =	vld [tilespmem:s31+$0x0]  }
0x4d8: {  	v30 =	vadd.f32 v30, v5;
	v32 =	vmul.f32 v32, v4;
	v33 =	vmul.f32 v33, v4;
	v39 =	vld [tilespmem:s0+$0x0]  }
0x4d9: {  	v25 =	vadd.f32 v25, v5;
	v34 =	vmul.f32 v34, v4;
	v35 =	vmul.f32 v35, v4;
	v40 =	vld.idx.msk [tilespmem:v27+s28+$0x0], $0xffff  }
0x4da: {  	v21 =	vadd.f32 v21, v5;
	v32 =	vadd.f32 v32, v5;
	v36 =	vmul.f32 v36, v4;
	v41 =	vld.idx.msk [tilespmem:v26+s28+$0x0], $0xffff  }
0x4db: {  	v33 =	vadd.f32 v33, v5;
	v34 =	vadd.f32 v34, v5;
	v37 =	vmul.f32 v37, v4;
	v42 =	vld.idx.msk [tilespmem:v29+s29+$0x0], $0xffff  }
0x4dc: {  	v35 =	vadd.f32 v35, v5;
	v38 =	vmul.f32 v38, v4;
	v36 =	vadd.f32 v36, v5;
	v43 =	vld.idx.msk [tilespmem:v31+s29+$0x0], $0xffff  }
0x4dd: {  	v28 =	vtrunc.f32 v28;
	v37 =	vadd.f32 v37, v5;
	v39 =	vmul.f32 v39, v4;
	v44 =	vld.idx.msk [tilespmem:v10+s24+$0x0], $0xffff  }
0x4de: {  	v30 =	vtrunc.f32 v30;
	v25 =	vtrunc.f32 v25;
	v38 =	vadd.f32 v38, v5;
	v45 =	vld.idx.msk [tilespmem:v8+s24+$0x0], $0xffff  }
0x4df: {  	s0 =	sshll.u32 s4, $0x2;
	v21 =	vtrunc.f32 v21;
	v32 =	vtrunc.f32 v32;
	v39 =	vadd.f32 v39, v5;
	v46 =	vld.idx.msk [tilespmem:v11+s24+$0x0], $0xffff  }
0x4e0: {  	s1 =	sand.u32 $0x1000, s18;
	s0 =	sand.u32 $0x380, s0;
	v33 =	vtrunc.f32 v33;
	v34 =	vtrunc.f32 v34;
	v47 =	vld.idx.msk [tilespmem:v9+s29+$0x0], $0xffff  }
0x4e1: {  	s0 =	sor.u32 s1, s0;
	v35 =	vtrunc.f32 v35;
	v36 =	vtrunc.f32 v36;
	v9 =	vor.u32 v41, v42;
	v27 =	vld.idx.msk [tilespmem:v27+s24+$0x0], $0xffff  }
0x4e2: {  	s0 =	sor.u32 s11, s0;
	v37 =	vtrunc.f32 v37;
	v40 =	vor.u32 v40, v43;
	v9 =	vshll.u32 v9, $0x10;
	v31 =	vld.idx.msk [tilespmem:v31+s26+$0x0], $0xffff  }
0x4e3: {  	s11 =	sor.u32 s15, s0;
	s13 =	sor.u32 s25, s0;
	s14 =	sor.u32 s17, s0;
	v38 =	vtrunc.f32 v38;
	v39 =	vtrunc.f32 v39;
	v41 =	vld.idx.msk [tilespmem:v26+s24+$0x0], $0xffff;
	v26 =	vor.u32 v9, v40  }
0x4e4: {  	s8 =	sor.u32 s19, s0;
	v12 =	vor.u32 v44, v12;
	v9 =	vcvt.f32.s32 v28;
	v28 =	vcvt.f32.s32 v30;
	v29 =	vld.idx.msk [tilespmem:v29+s26+$0x0], $0xffff;
	[tilespmem:s14+$0x14000] =	vst v26  }
0x4e5: {  	v30 =	vcvt.f32.s32 v25;
	v13 =	vor.u32 v45, v13;
	v40 =	vld.idx.msk [tilespmem:v7+s29+$0x0], $0xffff;
	v7 =	vcvt.f32.s32 v21  }
0x4e6: {  	v42 =	vcvt.f32.s32 v32;
	v26 =	vcvt.f32.s32 v33;
	v20 =	vor.u32 v46, v20;
	v33 =	vld.idx.msk [tilespmem:v6+s29+$0x0], $0xffff  }
0x4e7: {  	v25 =	vcvt.f32.s32 v35;
	v6 =	vcvt.f32.s32 v34;
	v34 =	vand.u32 $0xFFFF, v12;
	v32 =	vld.idx.msk [tilespmem:v10+s28+$0x0], $0xffff  }
0x4e8: {  	v21 =	vcvt.f32.s32 v36;
	v10 =	vcvt.f32.s32 v37;
	v27 =	vor.u32 v27, v31;
	v31 =	vld.idx.msk [tilespmem:v8+s28+$0x0], $0xffff  }
0x4e9: {  	v35 =	vshrl.u32 v12, $0x10;
	v8 =	vcvt.f32.s32 v38;
	v36 =	vld.idx.msk [tilespmem:v11+s28+$0x0], $0xffff;
	v11 =	vcvt.f32.s32 v39  }
0x4ea: {  	v37 =	vand.u32 $0xFFFF, v13;
	v38 =	vshrl.u32 v13, $0x10;
	v29 =	vor.u32 v41, v29;
	v12 =	vld.idx.msk [tilespmem:v9+s26+$0x0], $0xffff  }
0x4eb: {  	v43 =	vand.u32 $0xFFFF, v20;
	v44 =	vshrl.u32 v20, $0x10;
	v41 =	vand.u32 $0xFFFF, v27;
	v39 =	vld.idx.msk [tilespmem:v28+s24+$0x0], $0xffff  }
0x4ec: {  	v48 =	vshrl.u32 v27, $0x10;
	v46 =	vshll.u32 v29, $0x10;
	v49 =	vand.u32 $0xFFFF0000, v29;
	v45 =	vld.idx.msk [tilespmem:v30+s26+$0x0], $0xffff  }
0x4ed: {  	v14 =	vor.u32 v34, v14;
	v34 =	vor.u32 v35, v15;
	v13 =	vor.u32 v32, v47;
	v20 =	vld.idx.msk [tilespmem:v28+s28+$0x0], $0xffff  }
.Ltmp9:
0x4ee: {  	v32 =	vor.u32 v16, v13;
	v15 =	vor.u32 v31, v40;
	v16 =	vor.u32 v37, v18;
	v28 =	vld.idx.msk [tilespmem:v30+s29+$0x0], $0xffff;
	(pc) =	sbr.rel @p1 .LBB2_21-.Ltmp9, $4  }
0x4ef: {  	v30 =	vor.u32 v38, v17;
	v29 =	vor.u32 v19, v15;
	v15 =	vor.u32 v36, v33;
	v13 =	vld.idx.msk [tilespmem:v7+s26+$0x0], $0xffff  }
0x4f0: {  	v27 =	vor.u32 v44, v23;
	v18 =	vor.u32 v43, v22;
	v19 =	vor.u32 v24, v15;
	v17 =	vld.idx.msk [tilespmem:v42+s24+$0x0], $0xffff  }
0x4f1: {  	v23 =	vor.u32 v41, v46;
	v22 =	vor.u32 v48, v49;
	v31 =	vld.idx.msk [tilespmem:v26+s26+$0x0], $0xffff;
	[tilespmem:s7+$0x10000] =	vst v14  }
0x4f2: {  	v15 =	vor.u32 v39, v45;
	v24 =	vld.idx.msk [tilespmem:v42+s28+$0x0], $0xffff;
	[tilespmem:s7+$0x12000] =	vst v34  }
0x4f3: {  	_ =	sdelay $0x3  }
0x4f4: {  	v14 =	vld.idx.msk [tilespmem:v26+s29+$0x0], $0xffff  }
0x4f5: {  	v26 =	vld.idx.msk [tilespmem:v6+s26+$0x0], $0xffff  }
0x4f6: {  	v33 =	vld.idx.msk [tilespmem:v25+s24+$0x0], $0xffff  }
0x4f7: {  	[tilespmem:s12+$0x10000] =	vst v16;
	v16 =	vld.idx.msk [tilespmem:v10+s24+$0x0], $0xffff  }
0x4f8: {  	v42 =	vld.idx.msk [tilespmem:v8+s24+$0x0], $0xffff  }
0x4f9: {  	[tilespmem:s7+$0x14000] =	vst v32;
	v9 =	vld.idx.msk [tilespmem:v9+s29+$0x0], $0xffff  }
0x4fa: {  	[tilespmem:s12+$0x12000] =	vst v30;
	v10 =	vld.idx.msk [tilespmem:v10+s28+$0x0], $0xffff  }
0x4fb: {  	[tilespmem:s12+$0x14000] =	vst v29;
	v7 =	vld.idx.msk [tilespmem:v7+s29+$0x0], $0xffff  }
0x4fc: {  	v43 =	vshll.u32 v15, $0x10;
	[tilespmem:s9+$0x10000] =	vst v18;
	v8 =	vld.idx.msk [tilespmem:v8+s28+$0x0], $0xffff  }
0x4fd: {  	v34 =	vld.idx.msk [tilespmem:v21+s26+$0x0], $0xffff;
	v15 =	vand.u32 $0xFFFF0000, v15;
	v18 =	vor.u32 v20, v28;
	[tilespmem:s9+$0x12000] =	vst v27;
	v17 =	vor.u32 v17, v31  }
0x4fe: {  	v25 =	vld.idx.msk [tilespmem:v25+s28+$0x0], $0xffff;
	[tilespmem:s9+$0x14000] =	vst v19;
	v18 =	vshll.u32 v18, $0x10;
	v27 =	vshll.u32 v17, $0x10;
	v12 =	vor.u32 v16, v12  }
0x4ff: {  	v20 =	vld.idx.msk [tilespmem:v11+s24+$0x0], $0xffff;
	[tilespmem:s14+$0x10000] =	vst v23;
	v16 =	vand.u32 $0xFFFF0000, v17;
	v14 =	vor.u32 v24, v14;
	v9 =	vor.u32 v10, v9  }
0x500: {  	v19 =	vld.idx.msk [tilespmem:v21+s29+$0x0], $0xffff;
	[tilespmem:s14+$0x12000] =	vst v22;
	v13 =	vor.u32 v42, v13;
	v17 =	vand.u32 $0xFFFF, v12;
	v9 =	vor.u32 v18, v9  }
0x501: {  	v6 =	vld.idx.msk [tilespmem:v6+s29+$0x0], $0xffff;
	v7 =	vor.u32 v8, v7;
	v12 =	vshrl.u32 v12, $0x10;
	v17 =	vor.u32 v17, v43;
	[tilespmem:s11+$0x14000] =	vst v9  }
0x502: {  	v11 =	vld.idx.msk [tilespmem:v11+s28+$0x0], $0xffff;
	v14 =	vshll.u32 v14, $0x10;
	v10 =	vor.u32 v12, v15;
	v12 =	vor.u32 v33, v34;
	[tilespmem:s11+$0x10000] =	vst v17  }
0x503: {  	v15 =	vand.u32 $0xFFFF, v13;
	v13 =	vshrl.u32 v13, $0x10;
	v7 =	vor.u32 v14, v7;
	[tilespmem:s11+$0x12000] =	vst v10  }
0x504: {  	v9 =	vor.u32 v20, v26;
	v10 =	vshll.u32 v12, $0x10;
	v15 =	vor.u32 v15, v27;
	[tilespmem:s13+$0x14000] =	vst v7  }
0x505: {  	v8 =	vor.u32 v13, v16;
	v12 =	vand.u32 $0xFFFF0000, v12;
	v13 =	vand.u32 $0xFFFF, v9;
	[tilespmem:s13+$0x10000] =	vst v15  }
0x506: {  	v9 =	vshrl.u32 v9, $0x10;
	[tilespmem:s13+$0x12000] =	vst v8;
	v8 =	vor.u32 v25, v19;
	v10 =	vor.u32 v13, v10  }
0x507: {  	v6 =	vor.u32 v11, v6;
	v7 =	vshll.u32 v8, $0x10;
	v8 =	vor.u32 v9, v12;
	[tilespmem:s8+$0x10000] =	vst v10  }
0x508: {  	s0 =	sshll.u32 s3, $0xE;
	s1 =	rddreg [dreg:$0x11];
	v6 =	vor.u32 v7, v6;
	[tilespmem:s8+$0x12000] =	vst v8  }
0x509: {  	s1 =	sor.u32 s1, s0;
	[tilespmem:s8+$0x14000] =	vst v6  }
0x50a: {  	s1 =	sshrl.u32 s1, $0x3;
	s5 =	rddreg [dreg:$0x4]  }
0x50b: {  	s4 =	simm.s32 $0x10000;
	s1 =	sadd.s32 s5, s1  }
0x50c: {  	[hbm4b:s1+s2] =	stream.strided.scatter [tilespmem:s4], [sflag:$0x3], $0x400, s6, s2, $0x38;
	[tilespmem:$0x1C480] =	vst v63  }
0x50d: {  	s20 =	simm.s32 $0x10400;
	s19 =	sadd.s32 $0x20, s1  }
0x50e: {  	[hbm4b:s19+s2] =	stream.strided.scatter [tilespmem:s20], [sflag:$0x3], $0x400, s6, s2, $0x38;
	[tilespmem:$0x1C480] =	vst v63  }
0x50f: {  	s22 =	simm.s32 $0x10800;
	s21 =	sadd.s32 $0x40, s1  }
0x510: {  	[hbm4b:s21+s2] =	stream.strided.scatter [tilespmem:s22], [sflag:$0x3], $0x400, s6, s2, $0x38;
	[tilespmem:$0x1C480] =	vst v63  }
0x511: {  	s25 =	simm.s32 $0x10C00;
	s23 =	sadd.s32 $0x60, s1  }
0x512: {  	[hbm4b:s23+s2] =	stream.strided.scatter [tilespmem:s25], [sflag:$0x3], $0x400, s6, s2, $0x38;
	[tilespmem:$0x1C480] =	vst v63  }
0x513: {  	s31 =	simm.s32 $0x11000;
	s30 =	sadd.s32 $0x200, s1  }
0x514: {  	[hbm4b:s30+s2] =	stream.strided.scatter [tilespmem:s31], [sflag:$0x3], $0x400, s6, s2, $0x38;
	[tilespmem:$0x1C480] =	vst v63  }
0x515: {  	s8 =	simm.s32 $0x11400;
	s7 =	sadd.s32 $0x220, s1  }
0x516: {  	[hbm4b:s7+s2] =	stream.strided.scatter [tilespmem:s8], [sflag:$0x3], $0x400, s6, s2, $0x38;
	[tilespmem:$0x1C480] =	vst v63  }
0x517: {  	s10 =	simm.s32 $0x11800;
	s9 =	sadd.s32 $0x240, s1  }
0x518: {  	[hbm4b:s9+s2] =	stream.strided.scatter [tilespmem:s10], [sflag:$0x3], $0x400, s6, s2, $0x38;
	[tilespmem:$0x1C480] =	vst v63  }
0x519: {  	s11 =	simm.s32 $0x11C00;
	s12 =	rddreg [dreg:$0x12];
	s1 =	sadd.s32 $0x260, s1  }
0x51a: {  	[hbm4b:s1+s2] =	stream.strided.scatter [tilespmem:s11], [sflag:$0x3], $0x400, s6, s2, $0x38;
	[tilespmem:$0x1C480] =	vst v63  }
0x51b: {  	s1 =	sor.u32 s12, s0  }
0x51c: {  	s1 =	sshrl.u32 s1, $0x3  }
0x51d: {  	s13 =	simm.s32 $0x12000;
	s1 =	sadd.s32 s5, s1  }
0x51e: {  	[hbm4b:s1+s2] =	stream.strided.scatter [tilespmem:s13], [sflag:$0x3], $0x400, s6, s2, $0x38;
	[tilespmem:$0x1C480] =	vst v63  }
0x51f: {  	s15 =	simm.s32 $0x12400;
	s14 =	sadd.s32 $0x20, s1  }
0x520: {  	[hbm4b:s14+s2] =	stream.strided.scatter [tilespmem:s15], [sflag:$0x3], $0x400, s6, s2, $0x38;
	[tilespmem:$0x1C480] =	vst v63  }
0x521: {  	s17 =	simm.s32 $0x12800;
	s16 =	sadd.s32 $0x40, s1  }
0x522: {  	[hbm4b:s16+s2] =	stream.strided.scatter [tilespmem:s17], [sflag:$0x3], $0x400, s6, s2, $0x38;
	[tilespmem:$0x1C480] =	vst v63  }
0x523: {  	s19 =	simm.s32 $0x12C00;
	s18 =	sadd.s32 $0x60, s1  }
0x524: {  	[hbm4b:s18+s2] =	stream.strided.scatter [tilespmem:s19], [sflag:$0x3], $0x400, s6, s2, $0x38;
	[tilespmem:$0x1C480] =	vst v63  }
0x525: {  	s21 =	simm.s32 $0x13000;
	s20 =	sadd.s32 $0x200, s1  }
0x526: {  	[hbm4b:s20+s2] =	stream.strided.scatter [tilespmem:s21], [sflag:$0x3], $0x400, s6, s2, $0x38;
	[tilespmem:$0x1C480] =	vst v63  }
0x527: {  	s4 =	rddreg [dreg:$0x13];
	s23 =	simm.s32 $0x13400;
	s22 =	sadd.s32 $0x220, s1  }
0x528: {  	[hbm4b:s22+s2] =	stream.strided.scatter [tilespmem:s23], [sflag:$0x3], $0x400, s6, s2, $0x38;
	[tilespmem:$0x1C480] =	vst v63  }
0x529: {  	s30 =	simm.s32 $0x13800;
	s0 =	sor.u32 s4, s0;
	s25 =	sadd.s32 $0x240, s1  }
0x52a: {  	[hbm4b:s25+s2] =	stream.strided.scatter [tilespmem:s30], [sflag:$0x3], $0x400, s6, s2, $0x38;
	[tilespmem:$0x1C480] =	vst v63  }
0x52b: {  	s31 =	simm.s32 $0x13C00;
	s0 =	sshrl.u32 s0, $0x3;
	s1 =	sadd.s32 $0x260, s1  }
0x52c: {  	[hbm4b:s1+s2] =	stream.strided.scatter [tilespmem:s31], [sflag:$0x3], $0x400, s6, s2, $0x38;
	[tilespmem:$0x1C480] =	vst v63  }
0x52d: {  	s0 =	sadd.s32 s5, s0;
	s5 =	simm.s32 $0x14000  }
0x52e: {  	[hbm4b:s0+s2] =	stream.strided.scatter [tilespmem:s5], [sflag:$0x3], $0x400, s6, s2, $0x38;
	[tilespmem:$0x1C480] =	vst v63  }
0x52f: {  	s8 =	simm.s32 $0x14400;
	s7 =	sadd.s32 $0x20, s0  }
0x530: {  	[hbm4b:s7+s2] =	stream.strided.scatter [tilespmem:s8], [sflag:$0x3], $0x400, s6, s2, $0x38;
	[tilespmem:$0x1C480] =	vst v63  }
0x531: {  	s10 =	simm.s32 $0x14800;
	s9 =	sadd.s32 $0x40, s0  }
0x532: {  	[hbm4b:s9+s2] =	stream.strided.scatter [tilespmem:s10], [sflag:$0x3], $0x400, s6, s2, $0x38;
	[tilespmem:$0x1C480] =	vst v63  }
0x533: {  	s12 =	simm.s32 $0x14C00;
	s11 =	sadd.s32 $0x60, s0  }
0x534: {  	[hbm4b:s11+s2] =	stream.strided.scatter [tilespmem:s12], [sflag:$0x3], $0x400, s6, s2, $0x38;
	[tilespmem:$0x1C480] =	vst v63  }
0x535: {  	s13 =	sadd.s32 $0x200, s0;
	s14 =	simm.s32 $0x15000  }
0x536: {  	[hbm4b:s13+s2] =	stream.strided.scatter [tilespmem:s14], [sflag:$0x3], $0x400, s6, s2, $0x38;
	[tilespmem:$0x1C480] =	vst v63  }
0x537: {  	s15 =	sadd.s32 $0x220, s0;
	s16 =	simm.s32 $0x15400  }
0x538: {  	[hbm4b:s15+s2] =	stream.strided.scatter [tilespmem:s16], [sflag:$0x3], $0x400, s6, s2, $0x38;
	[tilespmem:$0x1C480] =	vst v63  }
0x539: {  	s17 =	sadd.s32 $0x240, s0;
	s18 =	simm.s32 $0x15800  }
0x53a: {  	[hbm4b:s17+s2] =	stream.strided.scatter [tilespmem:s18], [sflag:$0x3], $0x400, s6, s2, $0x38;
	[tilespmem:$0x1C480] =	vst v63  }
0x53b: {  	s19 =	simm.s32 $0x15C00;
	s20 =	rddreg [dreg:$0x1b];
	s0 =	sadd.s32 $0x260, s0  }
0x53c: {  	[hbm4b:s0+s2] =	stream.strided.scatter [tilespmem:s19], [sflag:$0x3], $0x400, s6, s2, $0x38;
	[tilespmem:$0x1C480] =	vst v63  }
0x53d: {  	s0 =	sor.u32 $0x1, s20  }
0x53e: {  	s21 =	simm.s32 $0x2;
	[dreg:$0x19] =	wrdreg s0  }
0x53f: {  	_ =	swait.ge [sflag:s21], $0x8000  }
0x540: {  	p1 =	sgt.u32 s0, $0x6;
	s0 =	rddreg [dreg:$0x10]  }
0x541: {  	s4 =	rddreg [dreg:$0x17];
	[sflag:s21] =	ssyncset.done $0x0  }
0x542: {  	s0 =	sadd.s32 @!p1 s4, s0;
	[sflag:s21] =	ssyncadd.s32 $0xFFFF8000  }
0x543: {  	s0 =	sshrl.u32 @!p1 s0, $0x3;
	s1 =	rddreg [dreg:$0x0]  }
0x544: {  	s0 =	sadd.s32 @!p1 s1, s0;
	s1 =	simm.s32 @!p1 $0x0  }
0x545: {  	[tilespmem:s1], [sflag:$0x1] =	stream.linear.gather @!p1 [hbm4b:s0+s1], $0x8000, $0x38;
	[tilespmem:$0x1C480] =	vst v63  }
0x546: {  	s0 =	simm.s32 @!p0 $0x4  }
0x547: {  	_ =	swait.ge @!p0 [sflag:s0], $0x2000  }
0x548: {  	[sflag:s0] =	ssyncset.done @!p0 $0x0  }
0x549: {  	s22 =	simm.s32 $0x0;
	[sflag:s0] =	ssyncadd.s32 @!p0 $0xFFFFE000  }
0x54a: {  	s23 =	simm.s32 $0x0;
	s16 =	simm.s32 $0x0;
	_ =	swait.ge @!p0 [sflag:s0], $0x2000  }
0x54b: {  	s25 =	sand.u32 $0x200, s16;
	s1 =	sand.u32 $0x7000, s22;
	[sflag:s0] =	ssyncset.done @!p0 $0x0  }
0x54c: {  	s9 =	sand.u32 $0xC00, s23;
	s1 =	sor.u32 s25, s1;
	[sflag:s0] =	ssyncadd.s32 @!p0 $0xFFFFE000  }
0x54d: {  	s7 =	sand.u32 $0x40, s23;
	s1 =	sor.u32 s9, s1;
	_ =	swait.ge @!p0 [sflag:s0], $0x2000  }
0x54e: {  	s12 =	sor.u32 $0x30, s7;
	s30 =	sor.u32 $0x8000, s1;
	[sflag:s0] =	ssyncset.done @!p0 $0x0  }
0x54f: {  	s31 =	sor.u32 $0x8100, s1;
	s8 =	sor.u32 s12, s30;
	[sflag:s0] =	ssyncadd.s32 @!p0 $0xFFFFE000  }
0x550: {  	s10 =	sor.u32 $0x8180, s1;
	s11 =	sor.u32 s12, s31;
	v6 =	vld [tilespmem:s8+$0x0]  }
0x551: {  	s1 =	sor.u32 $0x8080, s1;
	s13 =	sor.u32 s12, s10;
	v7 =	vld [tilespmem:s11+$0x0]  }
0x552: {  	s14 =	sor.u32 s12, s1;
	v8 =	vld [tilespmem:s13+$0x0]  }
0x553: {  	s18 =	sor.u32 s7, s31;
	v9 =	vld [tilespmem:s14+$0x0]  }
0x554: {  	s15 =	sor.u32 s7, s30;
	v12 =	vld [tilespmem:s18+$0x0]  }
0x555: {  	s17 =	sor.u32 s7, s1;
	v10 =	vld [tilespmem:s15+$0x0];
	v6 =	vmul.f32 v6, v4  }
0x556: {  	s19 =	sor.u32 s7, s10;
	v11 =	vld [tilespmem:s17+$0x0];
	s8 =	sor.u32 $0x10, s7;
	v7 =	vmul.f32 v7, v4  }
0x557: {  	s4 =	sor.u32 $0x20, s7;
	v13 =	vld [tilespmem:s19+$0x0];
	s23 =	sor.u32 s8, s10;
	v8 =	vmul.f32 v8, v4;
	v6 =	vadd.f32 v6, v5  }
0x558: {  	s5 =	sor.u32 s4, s30;
	v18 =	vld [tilespmem:s23+$0x0];
	v9 =	vmul.f32 v9, v4;
	v7 =	vadd.f32 v7, v5  }
0x559: {  	s25 =	sor.u32 s4, s10;
	v19 =	vld [tilespmem:s5+$0x0];
	v12 =	vmul.f32 v12, v4;
	v8 =	vadd.f32 v8, v5;
	v6 =	vtrunc.f32 v6  }
0x55a: {  	v21 =	vld [tilespmem:s25+$0x0];
	s20 =	sor.u32 s8, s30;
	v7 =	vtrunc.f32 v7;
	v17 =	vcvt.f32.s32 v6  }
0x55b: {  	s21 =	sor.u32 s8, s1;
	v14 =	vld [tilespmem:s20+$0x0];
	v12 =	vadd.f32 v12, v5;
	v8 =	vtrunc.f32 v8;
	v7 =	vcvt.f32.s32 v7  }
0x55c: {  	s22 =	sor.u32 s8, s31;
	v15 =	vld [tilespmem:s21+$0x0];
	v13 =	vmul.f32 v13, v4;
	v6 =	vadd.f32 v9, v5;
	v8 =	vcvt.f32.s32 v8  }
0x55d: {  	s1 =	sor.u32 s4, s1;
	v16 =	vld [tilespmem:s22+$0x0];
	v18 =	vmul.f32 v18, v4;
	v12 =	vtrunc.f32 v12  }
0x55e: {  	s0 =	sor.u32 s4, s31;
	v13 =	vadd.f32 v13, v5;
	v9 =	vmul.f32 v10, v4;
	v10 =	vld [tilespmem:s1+$0x0];
	v6 =	vtrunc.f32 v6  }
0x55f: {  	v20 =	vcvt.f32.s32 v6;
	v6 =	vmul.f32 v11, v4;
	v11 =	vld [tilespmem:s0+$0x0]  }
0x560: {  	v13 =	vtrunc.f32 v13;
	v12 =	vcvt.f32.s32 v12;
	v22 =	vld.idx.msk [tilespmem:v17+s28+$0x0], $0xffff  }
0x561: {  	v18 =	vadd.f32 v18, v5;
	v13 =	vcvt.f32.s32 v13;
	v23 =	vld.idx.msk [tilespmem:v7+s28+$0x0], $0xffff  }
0x562: {  	v24 =	vld.idx.msk [tilespmem:v8+s29+$0x0], $0xffff  }
0x563: {  	v16 =	vmul.f32 v16, v4;
	v18 =	vtrunc.f32 v18;
	v17 =	vld.idx.msk [tilespmem:v17+s24+$0x0], $0xffff  }
0x564: {  	v18 =	vcvt.f32.s32 v18;
	v26 =	vld.idx.msk [tilespmem:v7+s24+$0x0], $0xffff  }
0x565: {  	s17 =	simm.s32 $0x40;
	s30 =	simm.s32 $0x100;
	v7 =	vadd.f32 v16, v5;
	v16 =	vld.idx.msk [tilespmem:v8+s26+$0x0], $0xffff  }
0x566: {  	s31 =	sand.u32 $0x200, s17;
	s10 =	simm.s32 $0x200;
	s0 =	sand.u32 $0x7000, s30;
	v44 =	vld.idx.msk [tilespmem:v12+s24+$0x0], $0xffff  }
0x567: {  	s14 =	sand.u32 $0xC00, s10;
	s22 =	simm.s32 $0x40;
	s0 =	sor.u32 s31, s0;
	v45 =	vld.idx.msk [tilespmem:v13+s26+$0x0], $0xffff  }
0x568: {  	s13 =	sand.u32 $0x40, s22;
	s0 =	sor.u32 s14, s0;
	v46 =	vld.idx.msk [tilespmem:v12+s28+$0x0], $0xffff  }
0x569: {  	s15 =	sor.u32 $0x30, s13;
	v14 =	vmul.f32 v14, v4;
	v9 =	vadd.f32 v9, v5;
	v12 =	vmul.f32 v19, v4;
	v19 =	vld.idx.msk [tilespmem:v13+s29+$0x0], $0xffff;
	s19 =	sor.u32 $0x8100, s0  }
0x56a: {  	v15 =	vmul.f32 v15, v4;
	s5 =	sor.u32 s15, s19;
	v50 =	vld.idx.msk [tilespmem:v18+s26+$0x0], $0xffff  }
0x56b: {  	v14 =	vadd.f32 v14, v5;
	v9 =	vtrunc.f32 v9;
	s31 =	sor.u32 $0x8000, s0;
	v35 =	vld [tilespmem:s5+$0x0]  }
0x56c: {  	v15 =	vadd.f32 v15, v5;
	v9 =	vcvt.f32.s32 v9;
	s20 =	sor.u32 $0x8080, s0;
	s21 =	sor.u32 s13, s31;
	v18 =	vld.idx.msk [tilespmem:v18+s29+$0x0], $0xffff  }
0x56d: {  	v21 =	vmul.f32 v21, v4;
	v14 =	vtrunc.f32 v14;
	v6 =	vadd.f32 v6, v5;
	s23 =	sor.u32 s13, s20;
	v36 =	vld [tilespmem:s21+$0x0]  }
0x56e: {  	v15 =	vtrunc.f32 v15;
	v10 =	vmul.f32 v10, v4;
	s30 =	sor.u32 s13, s19;
	v37 =	vld [tilespmem:s23+$0x0]  }
0x56f: {  	v8 =	vcvt.f32.s32 v14;
	v6 =	vtrunc.f32 v6;
	v52 =	vld [tilespmem:s30+$0x0]  }
0x570: {  	v6 =	vcvt.f32.s32 v6;
	v27 =	vtrunc.f32 v7;
	v12 =	vadd.f32 v12, v5;
	v25 =	vld.idx.msk [tilespmem:v20+s29+$0x0], $0xffff  }
0x571: {  	s25 =	sor.u32 $0x8180, s0;
	v7 =	vcvt.f32.s32 v15;
	v11 =	vmul.f32 v11, v4;
	v20 =	vld.idx.msk [tilespmem:v20+s26+$0x0], $0xffff  }
0x572: {  	v13 =	vadd.f32 v10, v5;
	s11 =	sor.u32 s15, s25;
	v27 =	vcvt.f32.s32 v27;
	v12 =	vtrunc.f32 v12;
	v14 =	vld.idx.msk [tilespmem:v9+s24+$0x0], $0xffff  }
0x573: {  	v10 =	vcvt.f32.s32 v12;
	v12 =	vadd.f32 v21, v5;
	v21 =	vor.u32 v23, v24;
	v24 =	vld [tilespmem:s11+$0x0]  }
0x574: {  	v11 =	vadd.f32 v11, v5;
	v23 =	vtrunc.f32 v13;
	v9 =	vld.idx.msk [tilespmem:v9+s28+$0x0], $0xffff  }
0x575: {  	v16 =	vor.u32 v26, v16;
	v28 =	vor.u32 v44, v45;
	v19 =	vor.u32 v46, v19;
	v47 =	vld.idx.msk [tilespmem:v8+s24+$0x0], $0xffff  }
0x576: {  	v21 =	vshll.u32 v21, $0x10;
	v11 =	vtrunc.f32 v11;
	v51 =	vshll.u32 v16, $0x10;
	v15 =	vld.idx.msk [tilespmem:v6+s26+$0x0], $0xffff  }
0x577: {  	s18 =	sor.u32 s15, s31;
	v16 =	vand.u32 $0xFFFF0000, v16;
	v41 =	vshll.u32 v28, $0x10;
	v28 =	vand.u32 $0xFFFF0000, v28;
	v48 =	vld.idx.msk [tilespmem:v7+s26+$0x0], $0xffff  }
0x578: {  	v11 =	vcvt.f32.s32 v11;
	v26 =	vmul.f32 v35, v4;
	v13 =	vor.u32 v22, v25;
	v22 =	vld [tilespmem:s18+$0x0]  }
0x579: {  	v19 =	vshll.u32 v19, $0x10;
	v60 =	vmul.f32 v36, v4;
	v37 =	vmul.f32 v37, v4;
	v49 =	vld.idx.msk [tilespmem:v27+s24+$0x0], $0xffff  }
0x57a: {  	s0 =	sor.u32 s15, s20;
	v25 =	vtrunc.f32 v12;
	v12 =	vcvt.f32.s32 v23;
	v17 =	vor.u32 v17, v20;
	v27 =	vld.idx.msk [tilespmem:v27+s28+$0x0], $0xffff  }
0x57b: {  	s1 =	sor.u32 s13, s25;
	s18 =	sor.u32 $0x10, s13;
	v13 =	vor.u32 v21, v13;
	v21 =	vld [tilespmem:s0+$0x0];
	v23 =	vand.u32 $0xFFFF, v17;
	v17 =	vshrl.u32 v17, $0x10  }
0x57c: {  	v35 =	vmul.f32 v52, v4;
	v26 =	vadd.f32 v26, v5;
	s5 =	sor.u32 s18, s31;
	v16 =	vor.u32 v17, v16;
	v17 =	vld [tilespmem:s1+$0x0]  }
0x57d: {  	v20 =	vcvt.f32.s32 v25;
	s21 =	sor.u32 s18, s19;
	v30 =	vadd.f32 v60, v5;
	v37 =	vadd.f32 v37, v5;
	v38 =	vld [tilespmem:s5+$0x0]  }
0x57e: {  	s23 =	sor.u32 s18, s25;
	v35 =	vadd.f32 v35, v5;
	v24 =	vmul.f32 v24, v4;
	v40 =	vld [tilespmem:s21+$0x0];
	v26 =	vtrunc.f32 v26  }
0x57f: {  	v23 =	vor.u32 v23, v51;
	v53 =	vld [tilespmem:s23+$0x0];
	v30 =	vtrunc.f32 v30;
	v37 =	vtrunc.f32 v37  }
0x580: {  	v25 =	vld.idx.msk [tilespmem:v10+s24+$0x0], $0xffff;
	v35 =	vtrunc.f32 v35;
	v24 =	vadd.f32 v24, v5;
	v26 =	vcvt.f32.s32 v26  }
0x581: {  	s11 =	sor.u32 s18, s20;
	v60 =	vld.idx.msk [tilespmem:v10+s28+$0x0], $0xffff;
	v22 =	vmul.f32 v22, v4;
	v14 =	vor.u32 v14, v15;
	v55 =	vor.u32 v47, v48  }
0x582: {  	v15 =	vld [tilespmem:s11+$0x0];
	v21 =	vmul.f32 v21, v4;
	v24 =	vtrunc.f32 v24;
	v39 =	vand.u32 $0xFFFF, v14  }
0x583: {  	v48 =	vld.idx.msk [tilespmem:v11+s24+$0x0], $0xffff;
	v14 =	vshrl.u32 v14, $0x10;
	v31 =	vand.u32 $0xFFFF, v55;
	v56 =	vor.u32 v49, v50  }
0x584: {  	s11 =	sor.u32 $0x20, s13;
	v45 =	vld.idx.msk [tilespmem:v11+s28+$0x0], $0xffff;
	v18 =	vor.u32 v27, v18;
	v22 =	vadd.f32 v22, v5;
	v24 =	vcvt.f32.s32 v24  }
0x585: {  	v54 =	vld.idx.msk [tilespmem:v12+s26+$0x0], $0xffff;
	s30 =	sor.u32 s11, s31;
	v39 =	vor.u32 v39, v41;
	v14 =	vor.u32 v14, v28;
	v28 =	vshrl.u32 v55, $0x10  }
0x586: {  	s31 =	sor.u32 s11, s20;
	v42 =	vld [tilespmem:s30+$0x0];
	v34 =	vshll.u32 v56, $0x10;
	v17 =	vmul.f32 v17, v4;
	v38 =	vmul.f32 v38, v4  }
0x587: {  	v32 =	vand.u32 $0xFFFF0000, v56;
	v62 =	vld [tilespmem:s31+$0x0];
	v40 =	vmul.f32 v40, v4;
	v29 =	vmul.f32 v53, v4  }
0x588: {  	s1 =	sor.u32 s11, s19;
	v18 =	vshll.u32 v18, $0x10;
	v53 =	vld.idx.msk [tilespmem:v6+s29+$0x0], $0xffff;
	v6 =	vcvt.f32.s32 v37;
	v56 =	vcvt.f32.s32 v35  }
0x589: {  	s5 =	sor.u32 s11, s25;
	v43 =	vld [tilespmem:s1+$0x0];
	v21 =	vadd.f32 v21, v5;
	v27 =	vor.u32 v31, v34;
	v22 =	vtrunc.f32 v22  }
0x58a: {  	v44 =	vld [tilespmem:s5+$0x0];
	v17 =	vadd.f32 v17, v5;
	v38 =	vadd.f32 v38, v5;
	v22 =	vcvt.f32.s32 v22  }
0x58b: {  	v49 =	vld.idx.msk [tilespmem:v20+s26+$0x0], $0xffff;
	v40 =	vadd.f32 v40, v5;
	v21 =	vtrunc.f32 v21;
	v15 =	vmul.f32 v15, v4  }
0x58c: {  	s19 =	simm.s32 $0x0;
	v20 =	vld.idx.msk [tilespmem:v20+s29+$0x0], $0xffff;
	v29 =	vadd.f32 v29, v5;
	v21 =	vcvt.f32.s32 v21;
	v17 =	vtrunc.f32 v17  }
0x58d: {  	s20 =	sand.u32 $0x1000, s16;
	s0 =	sand.u32 $0x380, s19;
	v55 =	vld.idx.msk [tilespmem:v8+s28+$0x0], $0xffff;
	v28 =	vor.u32 v28, v32;
	v38 =	vtrunc.f32 v38;
	v52 =	vtrunc.f32 v40  }
0x58e: {  	s0 =	sor.u32 s20, s0;
	v57 =	vld.idx.msk [tilespmem:v26+s28+$0x0], $0xffff;
	v29 =	vtrunc.f32 v29;
	v42 =	vmul.f32 v42, v4;
	v11 =	vadd.f32 v15, v5  }
0x58f: {  	s21 =	sor.u32 s9, s0;
	v25 =	vor.u32 v25, v54;
	v15 =	vmul.f32 v43, v4;
	v50 =	vmul.f32 v44, v4;
	v58 =	vld.idx.msk [tilespmem:v24+s29+$0x0], $0xffff  }
0x590: {  	s0 =	sor.u32 s12, s21;
	v34 =	vmul.f32 v62, v4;
	v42 =	vadd.f32 v42, v5;
	v51 =	vtrunc.f32 v11;
	v59 =	vld.idx.msk [tilespmem:v22+s28+$0x0], $0xffff  }
0x591: {  	[tilespmem:s0+$0x1A000] =	vst v13;
	v15 =	vadd.f32 v15, v5;
	v11 =	vcvt.f32.s32 v30;
	v13 =	vadd.f32 v50, v5;
	v22 =	vld.idx.msk [tilespmem:v22+s24+$0x0], $0xffff  }
0x592: {  	v10 =	vor.u32 v9, v53;
	v9 =	vcvt.f32.s32 v51;
	v42 =	vtrunc.f32 v42;
	v61 =	vld.idx.msk [tilespmem:v21+s29+$0x0], $0xffff  }
0x593: {  	[tilespmem:s0+$0x16000] =	vst v23;
	v63 =	vand.u32 $0xFFFF, v25;
	v23 =	vtrunc.f32 v15;
	v13 =	vtrunc.f32 v13;
	v46 =	vld.idx.msk [tilespmem:v21+s26+$0x0], $0xffff  }
0x594: {  	s23 =	sor.u32 s7, s21;
	[tilespmem:s0+$0x18000] =	vst v16;
	v15 =	vcvt.f32.s32 v52;
	v21 =	vadd.f32 v34, v5;
	v33 =	vor.u32 v57, v58;
	v57 =	vld.idx.msk [tilespmem:v7+s29+$0x0], $0xffff  }
0x595: {  	s25 =	simm.s32 $0x10;
	v26 =	vld.idx.msk [tilespmem:v26+s24+$0x0], $0xffff;
	[tilespmem:s23+$0x16000] =	vst v39;
	v25 =	vshrl.u32 v25, $0x10;
	v13 =	vcvt.f32.s32 v13;
	v58 =	vcvt.f32.s32 v17  }
0x596: {  	s31 =	sand.u32 $0x1000, s17;
	s30 =	sor.u32 s8, s21;
	[tilespmem:s23+$0x18000] =	vst v14;
	s0 =	sand.u32 $0x380, s25;
	v24 =	vld.idx.msk [tilespmem:v24+s26+$0x0], $0xffff;
	v10 =	vor.u32 v19, v10;
	v7 =	vcvt.f32.s32 v38;
	v54 =	vtrunc.f32 v21  }
0x597: {  	s0 =	sor.u32 s31, s0;
	[tilespmem:s30+$0x16000] =	vst v27;
	v27 =	vld.idx.msk [tilespmem:v6+s26+$0x0], $0xffff;
	v8 =	vshll.u32 v33, $0x10;
	v21 =	vcvt.f32.s32 v29;
	v31 =	vor.u32 v59, v61  }
0x598: {  	s0 =	sor.u32 s14, s0;
	v17 =	vld.idx.msk [tilespmem:v56+s24+$0x0], $0xffff;
	v59 =	vor.u32 v45, v20;
	v16 =	vor.u32 v8, v31;
	v8 =	vor.u32 v48, v49  }
0x599: {  	[tilespmem:s23+$0x1A000] =	vst v10;
	s9 =	sor.u32 s15, s0;
	v61 =	vld.idx.msk [tilespmem:v12+s29+$0x0], $0xffff;
	v22 =	vor.u32 v22, v46;
	v12 =	vor.u32 v55, v57;
	v14 =	vshll.u32 v8, $0x10  }
0x59a: {  	v62 =	vld.idx.msk [tilespmem:v11+s24+$0x0], $0xffff;
	v19 =	vand.u32 $0xFFFF0000, v8;
	v8 =	vcvt.f32.s32 v42;
	v12 =	vor.u32 v18, v12;
	[tilespmem:s9+$0x1A000] =	vst v16  }
0x59b: {  	v18 =	vor.u32 v26, v24;
	v20 =	vld.idx.msk [tilespmem:v58+s26+$0x0], $0xffff;
	v16 =	vshrl.u32 v22, $0x10;
	[tilespmem:s30+$0x1A000] =	vst v12;
	v12 =	vcvt.f32.s32 v23  }
0x59c: {  	[tilespmem:s30+$0x18000] =	vst v28;
	v23 =	vand.u32 $0xFFFF, v22;
	v22 =	vshll.u32 v18, $0x10;
	v24 =	vand.u32 $0xFFFF0000, v18;
	v18 =	vld.idx.msk [tilespmem:v56+s28+$0x0], $0xffff  }
0x59d: {  	s4 =	sor.u32 s4, s21;
	v26 =	vor.u32 v63, v14;
	v63 =	vor.u32 v25, v19;
	v19 =	vor.u32 v23, v22;
	v23 =	vld.idx.msk [tilespmem:v58+s29+$0x0], $0xffff  }
0x59e: {  	s7 =	simm.s32 $0x4;
	v22 =	vshll.u32 v59, $0x10;
	v14 =	vor.u32 v16, v24;
	v16 =	vld.idx.msk [tilespmem:v7+s24+$0x0], $0xffff;
	[tilespmem:s4+$0x16000] =	vst v26;
	v24 =	vor.u32 v60, v61  }
0x59f: {  	s25 =	sor.u32 s13, s0;
	s16 =	sor.u32 s18, s0;
	s8 =	sor.u32 s11, s0;
	v10 =	vcvt.f32.s32 v54;
	v25 =	vor.u32 v62, v27;
	[tilespmem:s4+$0x18000] =	vst v63;
	v24 =	vor.u32 v22, v24;
	v22 =	vld.idx.msk [tilespmem:v9+s26+$0x0], $0xffff  }
.LBB2_23:
0x5a0: {  	s7 =	sadd.s32 $0x4, s7;
	v26 =	vand.u32 $0xFFFF, v25;
	v25 =	vshrl.u32 v25, $0x10;
	v27 =	vld.idx.msk [tilespmem:v15+s24+$0x0], $0xffff;
	[tilespmem:s4+$0x1A000] =	vst v24;
	s4 =	smov.u32 s8  }
0x5a1: {  	v17 =	vor.u32 v17, v20;
	s8 =	sshll.u32 s7, $0x4;
	s0 =	sshll.u32 s7, $0x6;
	v20 =	vld.idx.msk [tilespmem:v21+s26+$0x0], $0xffff;
	[tilespmem:s9+$0x16000] =	vst v19  }
0x5a2: {  	s10 =	sadd.s32 $0x200, s10;
	v19 =	vshll.u32 v17, $0x10;
	v24 =	vand.u32 $0xFFFF0000, v17;
	s0 =	sand.u32 $0x7000, s0;
	s1 =	sand.u32 $0x200, s8;
	v28 =	vld.idx.msk [tilespmem:v15+s28+$0x0], $0xffff;
	[tilespmem:s9+$0x18000] =	vst v14  }
0x5a3: {  	s22 =	sadd.s32 $0x40, s22;
	s9 =	sand.u32 $0xC00, s10;
	v14 =	vor.u32 v18, v23;
	v17 =	vor.u32 v26, v19;
	v15 =	vor.u32 v25, v24;
	s0 =	sor.u32 s1, s0;
	v18 =	vld.idx.msk [tilespmem:v21+s29+$0x0], $0xffff  }
0x5a4: {  	s12 =	sand.u32 $0x40, s22;
	p0 =	slt.u32 s7, $0x1FC;
	v14 =	vshll.u32 v14, $0x10;
	s0 =	sor.u32 s9, s0;
	v19 =	vld.idx.msk [tilespmem:v8+s24+$0x0], $0xffff  }
0x5a5: {  	s14 =	sor.u32 $0x10, s12;
	s13 =	sor.u32 $0x30, s12;
	v16 =	vor.u32 v16, v22;
	s1 =	sor.u32 $0x8000, s0;
	v23 =	vld.idx.msk [tilespmem:v10+s26+$0x0], $0xffff  }
0x5a6: {  	s11 =	sor.u32 $0x20, s12;
	s5 =	sor.u32 $0x8100, s0;
	v22 =	vand.u32 $0xFFFF, v16;
	v16 =	vshrl.u32 v16, $0x10;
	s15 =	sor.u32 s13, s1;
	v21 =	vld.idx.msk [tilespmem:v12+s24+$0x0], $0xffff  }
0x5a7: {  	s18 =	sor.u32 $0x8180, s0;
	s17 =	sor.u32 s12, s1;
	v20 =	vor.u32 v27, v20;
	v24 =	vld [tilespmem:s15+$0x0];
	s15 =	sor.u32 s13, s5  }
0x5a8: {  	s0 =	sor.u32 $0x8080, s0;
	s19 =	sor.u32 s12, s5;
	v26 =	vshll.u32 v20, $0x10;
	v20 =	vand.u32 $0xFFFF0000, v20;
	v25 =	vld [tilespmem:s15+$0x0];
	s15 =	sor.u32 s13, s18  }
0x5a9: {  	s20 =	sor.u32 s12, s0;
	s21 =	sor.u32 s12, s18;
	s30 =	sor.u32 s13, s0;
	v18 =	vor.u32 v28, v18;
	v22 =	vor.u32 v22, v26;
	v20 =	vor.u32 v16, v20;
	v27 =	vld [tilespmem:s15+$0x0]  }
0x5aa: {  	s31 =	sor.u32 s14, s0;
	s23 =	sor.u32 s14, s5;
	s15 =	sor.u32 s14, s1;
	v16 =	vshll.u32 v18, $0x10;
	v26 =	vld [tilespmem:s30+$0x0]  }
0x5ab: {  	s0 =	sor.u32 s11, s0;
	s1 =	sor.u32 s11, s1;
	v19 =	vor.u32 v19, v23;
	v28 =	vld [tilespmem:s17+$0x0];
	s17 =	sor.u32 s14, s18  }
0x5ac: {  	s5 =	sor.u32 s11, s5;
	s18 =	sor.u32 s11, s18;
	v18 =	vand.u32 $0xFFFF, v19;
	v19 =	vshrl.u32 v19, $0x10;
	v23 =	vld [tilespmem:s20+$0x0];
	v24 =	vmul.f32 v24, v4  }
0x5ad: {  	v29 =	vld [tilespmem:s19+$0x0];
	v25 =	vmul.f32 v25, v4  }
0x5ae: {  	v30 =	vld [tilespmem:s21+$0x0];
	v24 =	vadd.f32 v24, v5;
	v27 =	vmul.f32 v27, v4  }
0x5af: {  	v31 =	vld [tilespmem:s15+$0x0];
	v26 =	vmul.f32 v26, v4;
	v25 =	vadd.f32 v25, v5  }
0x5b0: {  	v28 =	vmul.f32 v28, v4;
	v32 =	vld [tilespmem:s31+$0x0];
	v24 =	vtrunc.f32 v24;
	v27 =	vadd.f32 v27, v5  }
0x5b1: {  	v33 =	vld [tilespmem:s23+$0x0];
	v24 =	vcvt.f32.s32 v24;
	v26 =	vadd.f32 v26, v5;
	v25 =	vtrunc.f32 v25  }
0x5b2: {  	v28 =	vadd.f32 v28, v5;
	v34 =	vld [tilespmem:s17+$0x0];
	v25 =	vcvt.f32.s32 v25;
	v27 =	vtrunc.f32 v27  }
0x5b3: {  	v35 =	vld [tilespmem:s1+$0x0];
	v26 =	vtrunc.f32 v26;
	v27 =	vcvt.f32.s32 v27  }
0x5b4: {  	v23 =	vmul.f32 v23, v4;
	v36 =	vld [tilespmem:s0+$0x0];
	v26 =	vcvt.f32.s32 v26  }
0x5b5: {  	v29 =	vmul.f32 v29, v4;
	v30 =	vmul.f32 v30, v4;
	v37 =	vld [tilespmem:s5+$0x0]  }
0x5b6: {  	v23 =	vadd.f32 v23, v5;
	v31 =	vmul.f32 v31, v4;
	v32 =	vmul.f32 v32, v4;
	v38 =	vld [tilespmem:s18+$0x0]  }
0x5b7: {  	v29 =	vadd.f32 v29, v5;
	v33 =	vmul.f32 v33, v4;
	v34 =	vmul.f32 v34, v4;
	v39 =	vld.idx.msk [tilespmem:v24+s28+$0x0], $0xffff  }
0x5b8: {  	v30 =	vadd.f32 v30, v5;
	v31 =	vadd.f32 v31, v5;
	v35 =	vmul.f32 v35, v4;
	v40 =	vld.idx.msk [tilespmem:v25+s28+$0x0], $0xffff  }
0x5b9: {  	v32 =	vadd.f32 v32, v5;
	v33 =	vadd.f32 v33, v5;
	v36 =	vmul.f32 v36, v4;
	v41 =	vld.idx.msk [tilespmem:v27+s29+$0x0], $0xffff  }
0x5ba: {  	v34 =	vadd.f32 v34, v5;
	v35 =	vadd.f32 v35, v5;
	v37 =	vmul.f32 v37, v4;
	v42 =	vld.idx.msk [tilespmem:v26+s29+$0x0], $0xffff  }
0x5bb: {  	v28 =	vtrunc.f32 v28;
	v36 =	vadd.f32 v36, v5;
	v38 =	vmul.f32 v38, v4;
	v43 =	vld.idx.msk [tilespmem:v13+s26+$0x0], $0xffff  }
0x5bc: {  	v23 =	vtrunc.f32 v23;
	v29 =	vtrunc.f32 v29;
	v37 =	vadd.f32 v37, v5;
	v12 =	vld.idx.msk [tilespmem:v12+s28+$0x0], $0xffff  }
0x5bd: {  	s0 =	sshll.u32 s7, $0x2;
	v30 =	vtrunc.f32 v30;
	v31 =	vtrunc.f32 v31;
	v38 =	vadd.f32 v38, v5;
	v13 =	vld.idx.msk [tilespmem:v13+s29+$0x0], $0xffff  }
0x5be: {  	s1 =	sand.u32 $0x1000, s8;
	s0 =	sand.u32 $0x380, s0;
	v32 =	vtrunc.f32 v32;
	v33 =	vtrunc.f32 v33;
	v44 =	vld.idx.msk [tilespmem:v11+s28+$0x0], $0xffff  }
0x5bf: {  	s0 =	sor.u32 s1, s0;
	v34 =	vtrunc.f32 v34;
	v35 =	vtrunc.f32 v35;
	v11 =	vor.u32 v40, v41;
	v24 =	vld.idx.msk [tilespmem:v24+s24+$0x0], $0xffff  }
0x5c0: {  	s0 =	sor.u32 s9, s0;
	v36 =	vtrunc.f32 v36;
	v39 =	vor.u32 v39, v42;
	v11 =	vshll.u32 v11, $0x10;
	v26 =	vld.idx.msk [tilespmem:v26+s26+$0x0], $0xffff  }
0x5c1: {  	s15 =	sor.u32 s12, s0;
	s12 =	sor.u32 s14, s0;
	s9 =	sor.u32 s13, s0;
	v37 =	vtrunc.f32 v37;
	v38 =	vtrunc.f32 v38;
	v39 =	vor.u32 v11, v39;
	v25 =	vld.idx.msk [tilespmem:v25+s24+$0x0], $0xffff  }
0x5c2: {  	v23 =	vcvt.f32.s32 v23;
	s8 =	sor.u32 s11, s0;
	v11 =	vcvt.f32.s32 v28;
	v28 =	vor.u32 v21, v43;
	v27 =	vld.idx.msk [tilespmem:v27+s26+$0x0], $0xffff;
	[tilespmem:s9+$0x1A000] =	vst v39  }
0x5c3: {  	v29 =	vcvt.f32.s32 v29;
	v30 =	vcvt.f32.s32 v30;
	v39 =	vld.idx.msk [tilespmem:v6+s29+$0x0], $0xffff;
	[tilespmem:s25+$0x16000] =	vst v17;
	v17 =	vor.u32 v12, v13  }
0x5c4: {  	v12 =	vcvt.f32.s32 v32;
	v6 =	vmovc v23;
	[tilespmem:s25+$0x18000] =	vst v15;
	v32 =	vld.idx.msk [tilespmem:v7+s28+$0x0], $0xffff;
	v7 =	vcvt.f32.s32 v31;
	v31 =	vshll.u32 v28, $0x10  }
0x5c5: {  	v21 =	vcvt.f32.s32 v34;
	v15 =	vcvt.f32.s32 v33;
	v23 =	vld.idx.msk [tilespmem:v9+s29+$0x0], $0xffff;
	[tilespmem:s16+$0x16000] =	vst v22;
	v22 =	vand.u32 $0xFFFF0000, v28  }
0x5c6: {  	v28 =	vcvt.f32.s32 v36;
	v24 =	vor.u32 v24, v26;
	v9 =	vmovc v12;
	[tilespmem:s16+$0x18000] =	vst v20;
	v26 =	vld.idx.msk [tilespmem:v8+s28+$0x0], $0xffff;
	v8 =	vcvt.f32.s32 v35  }
0x5c7: {  	v13 =	vcvt.f32.s32 v38;
	v34 =	vshll.u32 v17, $0x10;
	v12 =	vcvt.f32.s32 v37;
	v33 =	vld.idx.msk [tilespmem:v10+s29+$0x0], $0xffff  }
0x5c8: {  	v17 =	vor.u32 v25, v27;
	v25 =	vand.u32 $0xFFFF, v24;
	v24 =	vshrl.u32 v24, $0x10;
	v10 =	vmovc v28;
	v35 =	vld.idx.msk [tilespmem:v11+s24+$0x0], $0xffff  }
0x5c9: {  	v28 =	vshll.u32 v17, $0x10;
	v36 =	vand.u32 $0xFFFF0000, v17;
	v20 =	vor.u32 v44, v39;
	v27 =	vld.idx.msk [tilespmem:v6+s26+$0x0], $0xffff  }
0x5ca: {  	v31 =	vor.u32 v18, v31;
	v38 =	vor.u32 v19, v22;
	v37 =	vor.u32 v14, v20;
	v17 =	vld.idx.msk [tilespmem:v29+s24+$0x0], $0xffff  }
.Ltmp10:
0x5cb: {  	v19 =	vor.u32 v25, v28;
	v14 =	vor.u32 v24, v36;
	v22 =	vor.u32 v32, v23;
	v20 =	vld.idx.msk [tilespmem:v30+s26+$0x0], $0xffff;
	(pc) =	sbr.rel @p0 .LBB2_23-.Ltmp10, $4  }
0x5cc: {  	v16 =	vor.u32 v16, v22;
	v18 =	vld.idx.msk [tilespmem:v29+s28+$0x0], $0xffff;
	[tilespmem:s25+$0x1A000] =	vst v37;
	s25 =	smov.u32 s15  }
0x5cd: {  	v22 =	vor.u32 v26, v33;
	v23 =	vld.idx.msk [tilespmem:v30+s29+$0x0], $0xffff;
	[tilespmem:s16+$0x1A000] =	vst v16;
	s16 =	smov.u32 s12  }
0x5ce: {  	v24 =	vor.u32 v34, v22;
	v16 =	vld.idx.msk [tilespmem:v7+s24+$0x0], $0xffff;
	[tilespmem:s4+$0x16000] =	vst v31  }
0x5cf: {  	v25 =	vor.u32 v35, v27;
	v22 =	vld.idx.msk [tilespmem:v9+s26+$0x0], $0xffff;
	[tilespmem:s4+$0x18000] =	vst v38  }
0x5d0: {  	_ =	sdelay $0x3  }
0x5d1: {  	v26 =	vld.idx.msk [tilespmem:v15+s24+$0x0], $0xffff  }
0x5d2: {  	v27 =	vld.idx.msk [tilespmem:v21+s26+$0x0], $0xffff  }
0x5d3: {  	v43 =	vld.idx.msk [tilespmem:v15+s28+$0x0], $0xffff  }
0x5d4: {  	v44 =	vld.idx.msk [tilespmem:v21+s29+$0x0], $0xffff  }
0x5d5: {  	v28 =	vld.idx.msk [tilespmem:v8+s24+$0x0], $0xffff  }
0x5d6: {  	v29 =	vld.idx.msk [tilespmem:v10+s26+$0x0], $0xffff  }
0x5d7: {  	v30 =	vld.idx.msk [tilespmem:v12+s24+$0x0], $0xffff  }
0x5d8: {  	v31 =	vld.idx.msk [tilespmem:v13+s26+$0x0], $0xffff  }
0x5d9: {  	v11 =	vld.idx.msk [tilespmem:v11+s28+$0x0], $0xffff  }
0x5da: {  	v6 =	vld.idx.msk [tilespmem:v6+s29+$0x0], $0xffff  }
0x5db: {  	v17 =	vor.u32 v17, v20;
	v47 =	vld.idx.msk [tilespmem:v12+s28+$0x0], $0xffff  }
0x5dc: {  	v45 =	vand.u32 $0xFFFF, v25;
	v48 =	vshrl.u32 v25, $0x10;
	v7 =	vld.idx.msk [tilespmem:v7+s28+$0x0], $0xffff;
	v46 =	vshll.u32 v17, $0x10  }
0x5dd: {  	[tilespmem:s4+$0x1A000] =	vst v24;
	v9 =	vld.idx.msk [tilespmem:v9+s29+$0x0], $0xffff;
	v17 =	vand.u32 $0xFFFF0000, v17;
	v18 =	vor.u32 v18, v23;
	v20 =	vor.u32 v45, v46  }
0x5de: {  	[tilespmem:s9+$0x16000] =	vst v19;
	v51 =	vld.idx.msk [tilespmem:v13+s29+$0x0], $0xffff;
	v17 =	vor.u32 v48, v17;
	v18 =	vshll.u32 v18, $0x10;
	v16 =	vor.u32 v16, v22  }
0x5df: {  	[tilespmem:s9+$0x18000] =	vst v14;
	v53 =	vld.idx.msk [tilespmem:v8+s28+$0x0], $0xffff;
	v49 =	vand.u32 $0xFFFF, v16;
	v16 =	vshrl.u32 v16, $0x10;
	v50 =	vor.u32 v26, v27  }
0x5e0: {  	[tilespmem:s25+$0x16000] =	vst v20;
	v15 =	vor.u32 v43, v44;
	v6 =	vor.u32 v11, v6;
	v57 =	vor.u32 v28, v29  }
0x5e1: {  	v55 =	vld.idx.msk [tilespmem:v10+s29+$0x0], $0xffff;
	[tilespmem:s25+$0x18000] =	vst v17;
	v59 =	vor.u32 v30, v31;
	v52 =	vshll.u32 v50, $0x10;
	v6 =	vor.u32 v18, v6  }
0x5e2: {  	v7 =	vor.u32 v7, v9;
	v54 =	vand.u32 $0xFFFF0000, v50;
	v14 =	vor.u32 v49, v52;
	[tilespmem:s25+$0x1A000] =	vst v6  }
0x5e3: {  	v56 =	vshll.u32 v15, $0x10;
	v58 =	vand.u32 $0xFFFF, v57;
	v6 =	vor.u32 v16, v54;
	[tilespmem:s16+$0x16000] =	vst v14  }
0x5e4: {  	v60 =	vshrl.u32 v57, $0x10;
	v61 =	vshll.u32 v59, $0x10;
	[tilespmem:s16+$0x18000] =	vst v6;
	v6 =	vor.u32 v56, v7  }
0x5e5: {  	v62 =	vand.u32 $0xFFFF0000, v59;
	v63 =	vor.u32 v58, v61;
	v7 =	vor.u32 v47, v51;
	[tilespmem:s16+$0x1A000] =	vst v6  }
0x5e6: {  	v8 =	vor.u32 v53, v55;
	v6 =	vshll.u32 v7, $0x10;
	v7 =	vor.u32 v60, v62;
	s0 =	rddreg [dreg:$0x19];
	[tilespmem:s8+$0x16000] =	vst v63  }
0x5e7: {  	v6 =	vor.u32 v6, v8;
	s0 =	sshll.u32 s0, $0xD;
	s1 =	rddreg [dreg:$0x11];
	[tilespmem:s8+$0x18000] =	vst v7  }
0x5e8: {  	[tilespmem:s8+$0x1A000] =	vst v6;
	s1 =	sor.u32 s1, s0  }
0x5e9: {  	s5 =	rddreg [dreg:$0x4];
	s1 =	sshrl.u32 s1, $0x3  }
0x5ea: {  	s23 =	simm.s32 $0x16000;
	s1 =	sadd.s32 s5, s1  }
0x5eb: {  	[hbm4b:s1+s2] =	stream.strided.scatter [tilespmem:s23], [sflag:$0x4], $0x400, s6, s2, $0x38;
	[tilespmem:$0x1C480] =	vst v63  }
0x5ec: {  	s7 =	simm.s32 $0x16400;
	s25 =	sadd.s32 $0x20, s1  }
0x5ed: {  	[hbm4b:s25+s2] =	stream.strided.scatter [tilespmem:s7], [sflag:$0x4], $0x400, s6, s2, $0x38;
	[tilespmem:$0x1C480] =	vst v63  }
0x5ee: {  	s31 =	simm.s32 $0x16800;
	s30 =	sadd.s32 $0x40, s1  }
0x5ef: {  	[hbm4b:s30+s2] =	stream.strided.scatter [tilespmem:s31], [sflag:$0x4], $0x400, s6, s2, $0x38;
	[tilespmem:$0x1C480] =	vst v63  }
0x5f0: {  	s9 =	simm.s32 $0x16C00;
	s8 =	sadd.s32 $0x60, s1  }
0x5f1: {  	[hbm4b:s8+s2] =	stream.strided.scatter [tilespmem:s9], [sflag:$0x4], $0x400, s6, s2, $0x38;
	[tilespmem:$0x1C480] =	vst v63  }
0x5f2: {  	s11 =	simm.s32 $0x17000;
	s10 =	sadd.s32 $0x200, s1  }
0x5f3: {  	[hbm4b:s10+s2] =	stream.strided.scatter [tilespmem:s11], [sflag:$0x4], $0x400, s6, s2, $0x38;
	[tilespmem:$0x1C480] =	vst v63  }
0x5f4: {  	s13 =	simm.s32 $0x17400;
	s12 =	sadd.s32 $0x220, s1  }
0x5f5: {  	[hbm4b:s12+s2] =	stream.strided.scatter [tilespmem:s13], [sflag:$0x4], $0x400, s6, s2, $0x38;
	[tilespmem:$0x1C480] =	vst v63  }
0x5f6: {  	s15 =	simm.s32 $0x17800;
	s14 =	sadd.s32 $0x240, s1  }
0x5f7: {  	[hbm4b:s14+s2] =	stream.strided.scatter [tilespmem:s15], [sflag:$0x4], $0x400, s6, s2, $0x38;
	[tilespmem:$0x1C480] =	vst v63  }
0x5f8: {  	s16 =	simm.s32 $0x17C00;
	s17 =	rddreg [dreg:$0x12];
	s1 =	sadd.s32 $0x260, s1  }
0x5f9: {  	[hbm4b:s1+s2] =	stream.strided.scatter [tilespmem:s16], [sflag:$0x4], $0x400, s6, s2, $0x38;
	[tilespmem:$0x1C480] =	vst v63  }
0x5fa: {  	s1 =	sor.u32 s17, s0  }
0x5fb: {  	s1 =	sshrl.u32 s1, $0x3  }
0x5fc: {  	s18 =	simm.s32 $0x18000;
	s1 =	sadd.s32 s5, s1  }
0x5fd: {  	[hbm4b:s1+s2] =	stream.strided.scatter [tilespmem:s18], [sflag:$0x4], $0x400, s6, s2, $0x38;
	[tilespmem:$0x1C480] =	vst v63  }
0x5fe: {  	s20 =	simm.s32 $0x18400;
	s19 =	sadd.s32 $0x20, s1  }
0x5ff: {  	[hbm4b:s19+s2] =	stream.strided.scatter [tilespmem:s20], [sflag:$0x4], $0x400, s6, s2, $0x38;
	[tilespmem:$0x1C480] =	vst v63  }
0x600: {  	s22 =	simm.s32 $0x18800;
	s21 =	sadd.s32 $0x40, s1  }
0x601: {  	[hbm4b:s21+s2] =	stream.strided.scatter [tilespmem:s22], [sflag:$0x4], $0x400, s6, s2, $0x38;
	[tilespmem:$0x1C480] =	vst v63  }
0x602: {  	s25 =	simm.s32 $0x18C00;
	s23 =	sadd.s32 $0x60, s1  }
0x603: {  	[hbm4b:s23+s2] =	stream.strided.scatter [tilespmem:s25], [sflag:$0x4], $0x400, s6, s2, $0x38;
	[tilespmem:$0x1C480] =	vst v63  }
0x604: {  	s31 =	simm.s32 $0x19000;
	s30 =	sadd.s32 $0x200, s1  }
0x605: {  	[hbm4b:s30+s2] =	stream.strided.scatter [tilespmem:s31], [sflag:$0x4], $0x400, s6, s2, $0x38;
	[tilespmem:$0x1C480] =	vst v63  }
0x606: {  	s8 =	simm.s32 $0x19400;
	s12 =	rddreg [dreg:$0x13];
	s7 =	sadd.s32 $0x220, s1  }
0x607: {  	[hbm4b:s7+s2] =	stream.strided.scatter [tilespmem:s8], [sflag:$0x4], $0x400, s6, s2, $0x38;
	[tilespmem:$0x1C480] =	vst v63  }
0x608: {  	s10 =	simm.s32 $0x19800;
	s0 =	sor.u32 s12, s0;
	s9 =	sadd.s32 $0x240, s1  }
0x609: {  	[hbm4b:s9+s2] =	stream.strided.scatter [tilespmem:s10], [sflag:$0x4], $0x400, s6, s2, $0x38;
	[tilespmem:$0x1C480] =	vst v63  }
0x60a: {  	s11 =	simm.s32 $0x19C00;
	s0 =	sshrl.u32 s0, $0x3;
	s1 =	sadd.s32 $0x260, s1  }
0x60b: {  	[hbm4b:s1+s2] =	stream.strided.scatter [tilespmem:s11], [sflag:$0x4], $0x400, s6, s2, $0x38;
	[tilespmem:$0x1C480] =	vst v63  }
0x60c: {  	s13 =	simm.s32 $0x1A000;
	s0 =	sadd.s32 s5, s0  }
0x60d: {  	[hbm4b:s0+s2] =	stream.strided.scatter [tilespmem:s13], [sflag:$0x4], $0x400, s6, s2, $0x38;
	[tilespmem:$0x1C480] =	vst v63  }
0x60e: {  	s15 =	simm.s32 $0x1A400;
	s14 =	sadd.s32 $0x20, s0  }
0x60f: {  	[hbm4b:s14+s2] =	stream.strided.scatter [tilespmem:s15], [sflag:$0x4], $0x400, s6, s2, $0x38;
	[tilespmem:$0x1C480] =	vst v63  }
0x610: {  	s17 =	simm.s32 $0x1A800;
	s16 =	sadd.s32 $0x40, s0  }
0x611: {  	[hbm4b:s16+s2] =	stream.strided.scatter [tilespmem:s17], [sflag:$0x4], $0x400, s6, s2, $0x38;
	[tilespmem:$0x1C480] =	vst v63  }
0x612: {  	s18 =	sadd.s32 $0x60, s0;
	s19 =	simm.s32 $0x1AC00  }
0x613: {  	[hbm4b:s18+s2] =	stream.strided.scatter [tilespmem:s19], [sflag:$0x4], $0x400, s6, s2, $0x38;
	[tilespmem:$0x1C480] =	vst v63  }
0x614: {  	s3 =	sadd.s32 $0x1, s3;
	s20 =	sadd.s32 $0x200, s0;
	s21 =	simm.s32 $0x1B000  }
0x615: {  	[hbm4b:s20+s2] =	stream.strided.scatter [tilespmem:s21], [sflag:$0x4], $0x400, s6, s2, $0x38;
	[tilespmem:$0x1C480] =	vst v63  }
0x616: {  	p0 =	sne.s32 s3, $0x4;
	s22 =	sadd.s32 $0x220, s0;
	s23 =	simm.s32 $0x1B400  }
0x617: {  	[hbm4b:s22+s2] =	stream.strided.scatter [tilespmem:s23], [sflag:$0x4], $0x400, s6, s2, $0x38;
	[tilespmem:$0x1C480] =	vst v63  }
.Ltmp11:
0x618: {  	s25 =	sadd.s32 $0x240, s0;
	(pc) =	sbr.rel @p0 .LBB2_20-.Ltmp11, $4  }
0x619: {  	s30 =	simm.s32 $0x1B800;
	s31 =	simm.s32 $0x1BC00;
	s0 =	sadd.s32 $0x260, s0  }
0x61a: {  	[hbm4b:s25+s2] =	stream.strided.scatter [tilespmem:s30], [sflag:$0x4], $0x400, s6, s2, $0x38;
	[tilespmem:$0x1C480] =	vst v63  }
0x61b: {  	s14 =	rddreg [dreg:$0x0];
	s15 =	simm.s32 $0x1;
	s17 =	simm.s32 $0x8000  }
0x61c: {  	[hbm4b:s0+s2] =	stream.strided.scatter [tilespmem:s31], [sflag:$0x4], $0x400, s6, s2, $0x38;
	[tilespmem:$0x1C480] =	vst v63  }
0x61d: {  	s0 =	simm.s32 $0x3  }
0x61e: {  	_ =	swait.ge [sflag:s0], $0x2000  }
0x61f: {  	[sflag:s0] =	ssyncset.done $0x0  }
0x620: {  	[sflag:s0] =	ssyncadd.s32 $0xFFFFE000  }
0x621: {  	_ =	swait.ge [sflag:s0], $0x2000  }
0x622: {  	[sflag:s0] =	ssyncset.done $0x0  }
0x623: {  	[sflag:s0] =	ssyncadd.s32 $0xFFFFE000  }
0x624: {  	_ =	swait.ge [sflag:s0], $0x2000  }
0x625: {  	[sflag:s0] =	ssyncset.done $0x0  }
0x626: {  	s1 =	simm.s32 $0x4;
	[sflag:s0] =	ssyncadd.s32 $0xFFFFE000  }
0x627: {  	_ =	swait.ge [sflag:s1], $0x2000  }
0x628: {  	[sflag:s1] =	ssyncset.done $0x0  }
0x629: {  	[sflag:s1] =	ssyncadd.s32 $0xFFFFE000  }
0x62a: {  	_ =	swait.ge [sflag:s1], $0x2000  }
0x62b: {  	[sflag:s1] =	ssyncset.done $0x0  }
0x62c: {  	[sflag:s1] =	ssyncadd.s32 $0xFFFFE000  }
0x62d: {  	_ =	swait.ge [sflag:s1], $0x2000  }
0x62e: {  	s3 =	rddreg [dreg:$0x15]  }
0x62f: {  	s31 =	rddreg [dreg:$0x14];
	s3 =	sadd.s32 $0x1, s3  }
0x630: {  	p0 =	sne.s32 s3, s31  }
.Ltmp12:
0x631: {  	_ = 	snop;
	(pc) =	sbr.rel @p0 .LBB2_1-.Ltmp12, $3  }
0x632: {  	_ =	sdelay $0x1  }
0x633: {  	[sflag:s1] =	ssyncset.done $0x0  }
0x634: {  	s5 =	rddreg [dreg:$0x9];
	[sflag:s1] =	ssyncadd.s32 $0xFFFFE000  }
0x635: {  	_ =	sfence.sel $0x180000  }
0x636: {  	[bflag:$0x0] =	sbarrier.arrive $0xFFFF  }
0x637: {  	_ =	strace $0x90000047  }
0x638: {  	s0 =	stileid.u32;
	[bflag:$0x2] =	sbarrier.arrive $0xFFFF  }
0x639: {  	p0 =	sne.s32 s0, $0x0;
	s0 =	rddreg [dreg:$0x3]  }
0x63a: {  	s0 =	sadd.s32 @!p0 $0x100000, s0  }
0x63b: {  	[sflag:s0] =	ssyncadd.tile.s32 @!p0 $0x1;
	_ =	shalt  }
.Lfunc_end2:
_tile_overlayer_lowered:
.L_overlay_start_2:
0x63c: {  	(tag) =	ssettag $0x2  }
0x63d: {  	s0 =	rddreg [dreg:$0x0];
	s2 =	stileid.u32  }
0x63e: {  	s1 =	rddreg [dreg:$0x1];
	p0 =	sne.s32 s2, $0x0  }
0x63f: {  	s3 =	rddreg [dreg:$0x2];
	[bflag:$0x3] =	sbarrier.arrive $0xFFFF;
	s2 =	simm.s32 @!p0 $0x1C05  }
0x640: {  	[timem:s3], [sflag:s2] =	dma.local @!p0 [hbm:s0], s1  }
0x641: {  	s0 =	simm.s32 @!p0 $0x5  }
0x642: {  	_ =	swait.ge @!p0 [sflag:s0], s1  }
0x643: {  	s1 =	ssub.s32 @!p0 $0x0, s1;
	[sflag:s0] =	ssyncset.done @!p0 $0x0  }
0x644: {  	[sflag:s0] =	ssyncadd.s32 @!p0 s1  }
0x645: {  	[bflag:$0x3] =	sbarrier.arrive $0xFFFF  }
0x646: {  	_ =	shalt  }

// kernel: sparse-core-data-format-call.cloned.1.call-start
scs
called_computation_lowered:
.L_overlay_start_0:
0x0: {  	s2 =	sld [smem:$0x3FD9]  }
0x1: {  	s3 =	sld [smem:$0x3FFE];
	_ =	sdelay $0x1  }
0x2: {  	s1 =	srdreg.scid  }
0x3: {  	s0 =	sand.u32 $0x1, s1  }
0x4: {  	s18 =	sshll.u32 s0, $0xA;
	s2 =	sadd.s32 s3, s2  }
0x5: {  	s2 =	sadd.s32 s2, s18  }
0x6: {  	[smem:$0x3FC6] =	sst s2  }
0x7: {  	_ = 	snop  }
0x8: {  	s2 =	sld [smem:$0x3FD0];
	(tm) =	ssettm $0x1  }
0x9: {  	s19 =	sld [smem:$0x3FFB];
	_ =	sdelay $0x3  }
0xa: {  	_ =	strace s19  }
0xb: {  	s3 =	sld [smem:$0x3FFC];
	_ =	sdelay $0x3  }
0xc: {  	_ =	strace s3  }
0xd: {  	s3 =	sld [smem:$0x3FFD];
	_ =	sdelay $0x3  }
0xe: {  	_ =	strace s3  }
0xf: {  	_ =	strace $0x8FFFFFFF  }
0x10: {  	s20 =	sld [smem:$0x3FDB];
	_ =	sdelay $0x1  }
0x11: {  	s4 =	simm.s32 $_scs_section_size  }
0x12: {  	s5 =	simm.s32 $_size__tile_overlayer_lowered;
	s6 =	simm.s32 $_tile_overlayer_lowered  }
0x13: {  	s23 =	simm.s32 $0x1BFF;
	s22 =	sshll.u32 s6, $0x1;
	s3 =	sadd.s32 s4, s20  }
0x14: {  	s7 =	simm.s32 $0x0;
	s21 =	sshll.u32 s5, $0x1;
	s5 =	sadd.s32 s22, s3  }
0x15: {  	[timem:s7], [sflag:s23] =	dma.local [hbm:s5], s21  }
0x16: {  	_ =	swait.ge [sflag:s23], s21  }
0x17: {  	s4 =	ssub.s32 $0x0, s21;
	[sflag:s23] =	ssyncset.done $0x0  }
0x18: {  	[sflag:s23] =	ssyncadd.s32 s4;
	_ =	sdelay $0x1  }
0x19: {  	s24 =	simm.s32 $0x1B8B  }
0x1a: {  	_ =	swait.ge [sflag:s24], $0x1  }
0x1b: {  	[sflag:s24] =	ssyncset.done $0x0  }
0x1c: {  	s26 =	simm.s32 $0x1B8E;
	s25 =	sld [smem:$0x3FFE];
	[sflag:s24] =	ssyncadd.s32 $0xFFFFFFFF  }
0x1d: {  	s27 =	simm.s32 $execute0_lowered;
	[smem:$0x3FD2] =	sst s26  }
0x1e: {  	s5 =	sshll.u32 s27, $0x1;
	_ =	strace $0x80000049;
	[dreg:$0x1] =	wrdreg $0xFFFFFFFF  }
0x1f: {  	s28 =	simm.s32 $_size_execute0_lowered;
	s3 =	sadd.s32 s3, s5;
	[dreg:$0x0] =	wrdreg $0x0  }
0x20: {  	s5 =	sshll.u32 s28, $0x1;
	[dreg:$0x2] =	wrdreg s3  }
0x21: {  	[dreg:$0x3] =	wrdreg s5  }
0x22: {  	[dreg:$0x4] =	wrdreg $0xC0  }
0x23: {  	_ =	task [dreg:s7], $0x5FFFF  }
0x24: {  	[dreg:$0x1] =	wrdreg $0xFFFFFFFF  }
0x25: {  	[dreg:$0x0] =	wrdreg $0x60  }
0x26: {  	[dreg:$0x2] =	wrdreg s25  }
0x27: {  	[dreg:$0x3] =	wrdreg s2  }
0x28: {  	[dreg:$0x4] =	wrdreg $0x9  }
0x29: {  	_ =	task.clear_ibuf [dreg:s7], $0x5FFFF;
	_ =	strace $0x90000049  }
0x2a: {  	s29 =	simm.s32 $0x9;
	_ =	strace $0x8000004B  }
0x2b: {  	_ =	swait.ge [sflag:s29], $0x1  }
0x2c: {  	[sflag:s29] =	ssyncadd.s32 $0xFFFFFFFF  }
0x2d: {  	_ =	strace $0x9000004B  }
0x2e: {  	_ =	sfence  }
0x2f: {  	s30 =	sld [smem:$0x0];
	_ =	sdelay $0x2  }
0x30: {  	s31 =	sshll.u32 s1, $0xD;
	s1 =	sshrl.u32 s1, $0x2  }
0x31: {  	s3 =	sand.u32 $0x4000, s31;
	s1 =	sadd.s32 s1, s30  }
0x32: {  	s0 =	sor.u32 s3, s0;
	s1 =	sshll.u32 s1, $0x11  }
0x33: {  	s0 =	sor.u32 s1, s0  }
0x34: {  	s0 =	sadd.s32 $0x8F2B, s0  }
0x35: {  	[sflag:s0] =	ssyncadd.remote.s32 $0x1  }
0x36: {  	_ =	sfence.sel $0xFFFF  }
0x37: {  	[dreg:$0x0] =	wrdreg $0xFFFFFFFF;
	(pc) =	sbr.abs _section_cstart, $3  }
0x38: {  	[dreg:$0x1] =	wrdreg $0xFFFFFFFF  }
0x39: {  	_ =	task.clear_ibuf [dreg:s7], $0x2FFFF;
	_ =	strace $0x9FFFFFFF  }
0x3a: {  	(tm) =	ssettm $0x7FFFFFFF  }
0x3b: {  	_ =	shalt  }
tec
execute0_lowered:
.L_overlay_start_1:
0x0: {  	(tag) =	ssettag $0x1  }
0x1: {  	s1 =	rddreg [dreg:$0x0]  }
0x2: {  	s2 =	rddreg [dreg:$0x1]  }
0x3: {  	s0 =	rddreg [dreg:$0x2];
	_ =	strace $0x8000004A;
	s4 =	srdreg.scid  }
0x4: {  	s6 =	simm.s32 $0x2;
	s12 =	simm.s32 $0x0;
	s11 =	simm.s32 $0x0  }
.Ltmp0:
0x5: {  	s13 =	simm.s32 $0x0;
	s8 =	simm.s32 $0x0;
	(pc) =	sbr.rel .LBB1_1-.Ltmp0, $4  }
0x6: {  	s9 =	simm.s32 $0x0;
	s3 =	sadd.s32 $0x800, s1;
	s5 =	sshll.u32 s4, $0x4  }
0x7: {  	s1 =	stileid.u32;
	s4 =	simm.s32 $0x1;
	s5 =	sand.u32 $0x10, s5  }
0x8: {  	s7 =	simm.s32 $0x0;
	[sflag:s4] =	ssyncpa.u1 $0x0;
	s5 =	sor.u32 s1, s5  }
0x9: {  	[sflag:s6] =	ssyncpa.u1 $0x0;
	s6 =	simm.s32 $0x0;
	s10 =	smov.u32 s5  }
.LBB1_5:
0xa: {  	s14 =	sadd.s32 $0x80, s8  }
0xb: {  	s11 =	simm.s32 $0x1;
	p1 =	sgt.s32 s14, $0x1FF  }
0xc: {  	s11 =	simm.s32 @!p1 $0x0  }
0xd: {  	s15 =	sadd.s32 s11, s9  }
0xe: {  	s17 =	smov.u32 s10;
	s11 =	sadd.s32 $0x20, s10;
	p2 =	sgt.s32 s15, $0x2  }
0xf: {  	p0 =	slt.u32 s7, $0x2;
	s17 =	smov.u32 @p2 s11  }
0x10: {  	s7 =	sadd.s32 $0x1, s7;
	s14 =	simm.s32 @p1 $0x0;
	p1 =	sgt.s32 s17, $0x3F  }
0x11: {  	s17 =	smov.u32 @p1 s5;
	p1 =	sne.s32 s7, $0x1A  }
.Ltmp1:
0x12: {  	s16 =	simm.s32 @!p0 $0x2;
	(pc) =	sbr.rel @!p1 .LBB1_6-.Ltmp1, $4  }
0x13: {  	_ =	swait.ge @!p0 [sflag:s16], $0x4000  }
0x14: {  	s12 =	smov.u32 s8;
	s13 =	smov.u32 s10;
	[sflag:s16] =	ssyncset.done @!p0 $0x0  }
0x15: {  	s8 =	smov.u32 s14;
	[sflag:s16] =	ssyncadd.s32 @!p0 $0xFFFFC000;
	s15 =	simm.s32 @p2 $0x0  }
0x16: {  	s11 =	smov.u32 s9;
	s9 =	smov.u32 s15;
	s10 =	smov.u32 s17  }
.LBB1_1:
0x17: {  	p0 =	sgt.u32 s7, $0x17  }
0x18: {  	s14 =	sshll.u32 @!p0 s8, $0x9;
	s15 =	sshll.u32 @!p0 s8, $0x7;
	s16 =	smul.u32 @!p0 $0x6000, s10  }
0x19: {  	s17 =	sxor.u32 @!p0 $0xFFFFFFFF, s7;
	s14 =	sand.u32 @!p0 $0x3F000, s14;
	s15 =	sand.u32 @!p0 $0x200, s15  }
0x1a: {  	s14 =	sor.u32 @!p0 s15, s14;
	s15 =	sshll.u32 @!p0 s9, $0xD;
	s16 =	sadd.s32 @!p0 s3, s16  }
0x1b: {  	s14 =	sshrl.u32 @!p0 s14, $0x5;
	s15 =	sadd.s32 @!p0 s15, s16;
	s16 =	sshll.u32 @!p0 s17, $0xE  }
0x1c: {  	s14 =	sadd.s32 @!p0 s14, s15;
	s15 =	sand.u32 @!p0 $0x4000, s16;
	s16 =	simm.s32 @!p0 $0x0  }
0x1d: {  	[tilespmem:s15], [sflag:$0x1] =	stream.linear.gather @!p0 [hbm4b:s14+s16], $0x4000, $0x38;
	[tilespmem:$0x10000] =	vst v63  }
0x1e: {  	p0 =	seq.s32 s7, $0x0  }
0x1f: {  	p1 =	seq.s32 @!p0 s7, $0x19  }
0x20: {  	p0 =	por p0, p1  }
.Ltmp2:
0x21: {  	_ = 	snop;
	(pc) =	sbr.rel @p0 .LBB1_5-.Ltmp2, $1  }
0x22: {  	_ =	sdelay $0x3  }
0x23: {  	s14 =	sshll.u32 s7, $0xE  }
0x24: {  	p0 =	por $0x0, $0x0;
	s16 =	sand.u32 $0x4000, s14;
	s14 =	simm.s32 $0x1  }
0x25: {  	v0 =	vmov s16;
	s14 =	simm.s32 @!p0 $0x0  }
0x26: {  	s14 =	sshll.u32 s14, $0x9  }
0x27: {  	_ =	swait.ge [sflag:s4], $0x4000;
	s14 =	sadd.s32 $0x0, s14  }
0x28: {  	[sflag:s4] =	ssyncset.done $0x0;
	s14 =	sshrl.u32 s14, $0x2  }
0x29: {  	[sflag:s4] =	ssyncadd.s32 $0xFFFFC000;
	s19 =	sand.u32 $0x3C80, s14  }
0x2a: {  	s17 =	simm.s32 $0x0;
	v1 =	vld.idx.msk [tilespmem:v0+s19+$0x370 ss:$0x1], $0xffff  }
0x2b: {  	s15 =	sand.u32 $0xC000, s17;
	v2 =	vld.idx.msk [tilespmem:v0+s19+$0x200 ss:$0x1], $0xffff  }
0x2c: {  	s18 =	sand.u32 $0xE00, s17;
	s15 =	sshrl.u32 s15, $0x2;
	s14 =	sor.u32 $0x8000, s16;
	v3 =	vld.idx.msk [tilespmem:v0+s19+$0x210 ss:$0x1], $0xffff  }
0x2d: {  	s31 =	sand.u32 $0xF000, s17;
	s18 =	sshrl.u32 s18, $0x2;
	v4 =	vld.idx.msk [tilespmem:v0+s19+$0x220 ss:$0x1], $0xffff;
	s15 =	sadd.s32 s15, s14  }
0x2e: {  	s20 =	sand.u32 $0x200, s17;
	v5 =	vld.idx.msk [tilespmem:v0+s19+$0x230 ss:$0x1], $0xffff;
	s15 =	sadd.s32 s18, s15;
	s18 =	sshrl.u32 s31, $0x2  }
0x2f: {  	s20 =	sshrl.u32 s20, $0x2;
	v6 =	vld.idx.msk [tilespmem:v0+s19+$0x240 ss:$0x1], $0xffff;
	s18 =	sadd.s32 s18, s16  }
0x30: {  	v7 =	vld.idx.msk [tilespmem:v0+s19+$0x250 ss:$0x1], $0xffff;
	s18 =	sadd.s32 s20, s18;
	[tilespmem:s15+$0xC70] =	vst v1  }
0x31: {  	v8 =	vld [tilespmem:s18+$0x20];
	[tilespmem:s15+$0x800] =	vst v2  }
0x32: {  	v9 =	vld [tilespmem:s18+$0x30];
	[tilespmem:s15+$0x810] =	vst v3  }
0x33: {  	v10 =	vld [tilespmem:s18+$0x40];
	[tilespmem:s15+$0x820] =	vst v4  }
0x34: {  	v1 =	vld.idx.msk [tilespmem:v0+s19+$0x260 ss:$0x1], $0xffff;
	[tilespmem:s15+$0x830] =	vst v5  }
0x35: {  	v2 =	vld.idx.msk [tilespmem:v0+s19+$0x270 ss:$0x1], $0xffff;
	[tilespmem:s15+$0x840] =	vst v6  }
0x36: {  	v3 =	vld.idx.msk [tilespmem:v0+s19+$0x300 ss:$0x1], $0xffff;
	[tilespmem:s15+$0x850] =	vst v7  }
0x37: {  	v4 =	vld.idx.msk [tilespmem:v0+s19+$0x310 ss:$0x1], $0xffff;
	[tilespmem:s15+$0x20] =	vst v8  }
0x38: {  	v5 =	vld.idx.msk [tilespmem:v0+s19+$0x320 ss:$0x1], $0xffff;
	[tilespmem:s15+$0x30] =	vst v9  }
0x39: {  	v6 =	vld.idx.msk [tilespmem:v0+s19+$0x330 ss:$0x1], $0xffff;
	[tilespmem:s15+$0x40] =	vst v10  }
0x3a: {  	v7 =	vld [tilespmem:s18+$0x0];
	[tilespmem:s15+$0x860] =	vst v1  }
0x3b: {  	v1 =	vld.idx.msk [tilespmem:v0+s19+$0x340 ss:$0x1], $0xffff;
	[tilespmem:s15+$0x870] =	vst v2  }
0x3c: {  	[tilespmem:s15+$0xC10] =	vst v4;
	v4 =	vld [tilespmem:s18+$0x10]  }
0x3d: {  	[tilespmem:s15+$0xC00] =	vst v3;
	v3 =	vld.idx.msk [tilespmem:v0+s19+$0x360 ss:$0x1], $0xffff  }
0x3e: {  	v2 =	vld.idx.msk [tilespmem:v0+s19+$0x350 ss:$0x1], $0xffff;
	[tilespmem:s15+$0xC20] =	vst v5  }
0x3f: {  	[tilespmem:s15+$0xC30] =	vst v6;
	v5 =	vld [tilespmem:s18+$0x50]  }
0x40: {  	[tilespmem:s15+$0x0] =	vst v7;
	v6 =	vld [tilespmem:s18+$0x60]  }
0x41: {  	[tilespmem:s15+$0x10] =	vst v4;
	v4 =	vld [tilespmem:s18+$0x70]  }
0x42: {  	[tilespmem:s15+$0xC60] =	vst v3;
	v3 =	vld [tilespmem:s18+$0x100]  }
0x43: {  	[tilespmem:s15+$0xC40] =	vst v1;
	v1 =	vld [tilespmem:s18+$0x110]  }
0x44: {  	p0 =	por !p0, !p0;
	s20 =	simm.s32 $0x0;
	s19 =	simm.s32 $0x0;
	[tilespmem:s15+$0xC50] =	vst v2;
	v2 =	vld [tilespmem:s18+$0x120]  }
.LBB1_3:
0x45: {  	s21 =	simm.s32 $0x1  }
0x46: {  	s19 =	sadd.s32 $0x4, s19;
	[tilespmem:s15+$0x50] =	vst v5;
	v5 =	vld [tilespmem:s18+$0x130];
	s21 =	simm.s32 @!p0 $0x0  }
0x47: {  	s17 =	sadd.s32 $0x800, s17;
	p1 =	slt.u32 s19, $0x7C;
	s21 =	sshll.u32 s21, $0x9;
	[tilespmem:s15+$0x60] =	vst v6;
	v6 =	vld [tilespmem:s18+$0x140]  }
0x48: {  	s22 =	sand.u32 $0xF000, s17;
	s21 =	sadd.s32 s21, s17;
	[tilespmem:s15+$0x70] =	vst v4;
	v4 =	vld [tilespmem:s18+$0x150]  }
0x49: {  	s22 =	sshrl.u32 s22, $0x2;
	s21 =	sshrl.u32 s21, $0x2;
	[tilespmem:s15+$0x400] =	vst v3;
	v3 =	vld [tilespmem:s18+$0x160]  }
0x4a: {  	s22 =	sadd.s32 s22, s16;
	s21 =	sand.u32 $0x3C80, s21;
	[tilespmem:s15+$0x410] =	vst v1;
	v1 =	vld [tilespmem:s18+$0x170]  }
0x4b: {  	v7 =	vld.idx.msk [tilespmem:v0+s21+$0x370 ss:$0x1], $0xffff;
	[tilespmem:s15+$0x420] =	vst v2  }
0x4c: {  	v2 =	vld.idx.msk [tilespmem:v0+s21+$0x200 ss:$0x1], $0xffff;
	[tilespmem:s15+$0x430] =	vst v5  }
0x4d: {  	s20 =	sadd.s32 $0x200, s20;
	s18 =	sand.u32 $0xC000, s17;
	v5 =	vld.idx.msk [tilespmem:v0+s21+$0x210 ss:$0x1], $0xffff;
	[tilespmem:s15+$0x440] =	vst v6  }
0x4e: {  	s23 =	sand.u32 $0x200, s20;
	s24 =	sand.u32 $0xE00, s20;
	s18 =	sshrl.u32 s18, $0x2;
	v6 =	vld.idx.msk [tilespmem:v0+s21+$0x220 ss:$0x1], $0xffff;
	[tilespmem:s15+$0x450] =	vst v4  }
0x4f: {  	s23 =	sshrl.u32 s23, $0x2;
	s24 =	sshrl.u32 s24, $0x2;
	s25 =	sadd.s32 s18, s14;
	v4 =	vld.idx.msk [tilespmem:v0+s21+$0x230 ss:$0x1], $0xffff;
	[tilespmem:s15+$0x460] =	vst v3  }
0x50: {  	s18 =	sadd.s32 s23, s22;
	v3 =	vld.idx.msk [tilespmem:v0+s21+$0x240 ss:$0x1], $0xffff;
	[tilespmem:s15+$0x470] =	vst v1;
	s15 =	sadd.s32 s24, s25  }
0x51: {  	v1 =	vld.idx.msk [tilespmem:v0+s21+$0x250 ss:$0x1], $0xffff;
	[tilespmem:s15+$0xC70] =	vst v7  }
0x52: {  	[tilespmem:s15+$0x800] =	vst v2;
	v2 =	vld.idx.msk [tilespmem:v0+s21+$0x260 ss:$0x1], $0xffff  }
0x53: {  	[tilespmem:s15+$0x810] =	vst v5;
	v5 =	vld.idx.msk [tilespmem:v0+s21+$0x270 ss:$0x1], $0xffff  }
0x54: {  	[tilespmem:s15+$0x820] =	vst v6;
	v6 =	vld.idx.msk [tilespmem:v0+s21+$0x300 ss:$0x1], $0xffff  }
0x55: {  	[tilespmem:s15+$0x830] =	vst v4;
	v4 =	vld.idx.msk [tilespmem:v0+s21+$0x310 ss:$0x1], $0xffff  }
0x56: {  	[tilespmem:s15+$0x840] =	vst v3;
	v3 =	vld.idx.msk [tilespmem:v0+s21+$0x320 ss:$0x1], $0xffff  }
0x57: {  	[tilespmem:s15+$0x850] =	vst v1;
	v1 =	vld.idx.msk [tilespmem:v0+s21+$0x330 ss:$0x1], $0xffff  }
0x58: {  	[tilespmem:s15+$0x860] =	vst v2;
	v2 =	vld.idx.msk [tilespmem:v0+s21+$0x340 ss:$0x1], $0xffff  }
0x59: {  	[tilespmem:s15+$0x870] =	vst v5;
	v5 =	vld.idx.msk [tilespmem:v0+s21+$0x350 ss:$0x1], $0xffff  }
0x5a: {  	[tilespmem:s15+$0xC00] =	vst v6;
	v6 =	vld.idx.msk [tilespmem:v0+s21+$0x360 ss:$0x1], $0xffff  }
0x5b: {  	v7 =	vld [tilespmem:s18+$0x0];
	[tilespmem:s15+$0xC10] =	vst v4  }
0x5c: {  	v4 =	vld [tilespmem:s18+$0x10];
	[tilespmem:s15+$0xC20] =	vst v3  }
0x5d: {  	v3 =	vld [tilespmem:s18+$0x20];
	[tilespmem:s15+$0xC30] =	vst v1  }
0x5e: {  	v1 =	vld [tilespmem:s18+$0x30];
	[tilespmem:s15+$0xC40] =	vst v2  }
0x5f: {  	v2 =	vld [tilespmem:s18+$0x40];
	[tilespmem:s15+$0xC50] =	vst v5  }
0x60: {  	v5 =	vld [tilespmem:s18+$0x50];
	[tilespmem:s15+$0xC60] =	vst v6  }
.Ltmp3:
0x61: {  	[tilespmem:s15+$0x0] =	vst v7;
	v6 =	vld [tilespmem:s18+$0x60];
	(pc) =	sbr.rel @p1 .LBB1_3-.Ltmp3, $4  }
0x62: {  	[tilespmem:s15+$0x10] =	vst v4;
	v4 =	vld [tilespmem:s18+$0x70]  }
0x63: {  	[tilespmem:s15+$0x20] =	vst v3;
	v3 =	vld [tilespmem:s18+$0x100]  }
0x64: {  	[tilespmem:s15+$0x30] =	vst v1;
	v1 =	vld [tilespmem:s18+$0x110]  }
0x65: {  	p0 =	por !p0, !p0;
	[tilespmem:s15+$0x40] =	vst v2;
	v2 =	vld [tilespmem:s18+$0x120]  }
0x66: {  	[tilespmem:s15+$0x50] =	vst v5  }
0x67: {  	v0 =	vld [tilespmem:s18+$0x130];
	[tilespmem:s15+$0x60] =	vst v6  }
0x68: {  	v60 =	vld [tilespmem:s18+$0x140];
	[tilespmem:s15+$0x70] =	vst v4  }
0x69: {  	v61 =	vld [tilespmem:s18+$0x150];
	[tilespmem:s15+$0x400] =	vst v3  }
0x6a: {  	v62 =	vld [tilespmem:s18+$0x160];
	[tilespmem:s15+$0x410] =	vst v1  }
0x6b: {  	v63 =	vld [tilespmem:s18+$0x170];
	[tilespmem:s15+$0x420] =	vst v2  }
0x6c: {  	s16 =	sshll.u32 s12, $0x9;
	s31 =	sshll.u32 s12, $0x7;
	s13 =	smul.u32 $0x6000, s13;
	[tilespmem:s15+$0x430] =	vst v0  }
.Ltmp4:
0x6d: {  	s16 =	sand.u32 $0x3C000, s16;
	s12 =	sand.u32 $0xE00, s31;
	[tilespmem:s15+$0x440] =	vst v60;
	(pc) =	sbr.rel .LBB1_5-.Ltmp4, $4  }
0x6e: {  	s11 =	sshll.u32 s11, $0xD;
	s12 =	sor.u32 s12, s16;
	s13 =	sadd.s32 s2, s13;
	[tilespmem:s15+$0x450] =	vst v61  }
0x6f: {  	s12 =	sshrl.u32 s12, $0x5;
	s11 =	sadd.s32 s11, s13;
	[tilespmem:s15+$0x460] =	vst v62  }
0x70: {  	s11 =	sadd.s32 s12, s11;
	[tilespmem:s15+$0x470] =	vst v63  }
0x71: {  	[hbm4b:s11+s6] =	stream.linear.scatter [tilespmem:s14], [sflag:$0x2], $0x4000, $0x38;
	[tilespmem:$0x10000] =	vst v63  }
.LBB1_6:
0x72: {  	_ =	sfence.sel $0x180000  }
0x73: {  	s2 =	simm.s32 $0x1;
	[bflag:$0x0] =	sbarrier.arrive $0xFFFF  }
0x74: {  	s31 =	simm.s32 $0x2;
	[sflag:s2] =	ssyncpa.u1 $0x1  }
0x75: {  	[sflag:s31] =	ssyncpa.u1 $0x1  }
0x76: {  	p0 =	sne.s32 s1, $0x0;
	_ =	strace $0x9000004A  }
0x77: {  	s0 =	sadd.s32 @!p0 $0x100000, s0;
	[bflag:$0x2] =	sbarrier.arrive $0xFFFF  }
0x78: {  	[sflag:s0] =	ssyncadd.tile.s32 @!p0 $0x1;
	_ =	shalt  }
.Lfunc_end1:
_tile_overlayer_lowered:
.L_overlay_start_2:
0x79: {  	(tag) =	ssettag $0x2  }
0x7a: {  	s0 =	rddreg [dreg:$0x0];
	s2 =	stileid.u32  }
0x7b: {  	s1 =	rddreg [dreg:$0x1];
	p0 =	sne.s32 s2, $0x0  }
0x7c: {  	s3 =	rddreg [dreg:$0x2];
	[bflag:$0x3] =	sbarrier.arrive $0xFFFF;
	s2 =	simm.s32 @!p0 $0x1C01  }
0x7d: {  	[timem:s3], [sflag:s2] =	dma.local @!p0 [hbm:s0], s1  }
0x7e: {  	s0 =	simm.s32 @!p0 $0x1  }
0x7f: {  	_ =	swait.ge @!p0 [sflag:s0], s1  }
0x80: {  	s1 =	ssub.s32 @!p0 $0x0, s1;
	[sflag:s0] =	ssyncset.done @!p0 $0x0  }
0x81: {  	[sflag:s0] =	ssyncadd.s32 @!p0 s1  }
0x82: {  	[bflag:$0x3] =	sbarrier.arrive $0xFFFF  }
0x83: {  	_ =	shalt  }

</sc_bundles>
